<compile_context>
chip_gen: v7x
topology: tpu7x:2x2x1
jax: 0.10.2.dev20260603
libtpu: 0.0.44.dev20260713+nightly
codegen_flags: <defaults>
</compile_context>

<pallas_src>
import jax
import jax.numpy as jnp
from jax import lax
from jax.experimental import pallas as pl
from jax.experimental.pallas import tpu as pltpu
from jax.experimental.pallas import tpu_sc as plsc

N = 10000
E = 320000
D = 128
H = 8
DH = D // H
NCLS = 3

NCORES = 2
NSUB = 16
HH = H // NCORES
HC = HH * DH
EPW = E // NSUB
B = 80
NCHUNK = EPW // B
G = B // 16
AROWS = 10240
ACOLS = 72
RPT = AROWS // NSUB


def _prologue_body(x_ref, wqkv_ref, qc_ref, kvc_ref):
    qkv = jnp.dot(x_ref[...], wqkv_ref[...], preferred_element_type=jnp.float32)
    qs = qkv[:, :D] * (DH ** -0.5)
    k = qkv[:, D:2 * D]
    v = qkv[:, 2 * D:]
    qc_ref[...] = jnp.concatenate([qs[:, :HC], qs[:, HC:]], axis=0)
    kvc_ref[...] = jnp.concatenate(
        [jnp.concatenate([k[:, :HC], v[:, :HC]], axis=1),
         jnp.concatenate([k[:, HC:], v[:, HC:]], axis=1)], axis=0)


_prologue = pl.pallas_call(
    _prologue_body,
    out_shape=(
        jax.ShapeDtypeStruct((2 * N, HC), jnp.float32),
        jax.ShapeDtypeStruct((2 * N, 2 * HC), jnp.float32),
    ),
)


def _edge_body(qc_hbm, kvc_hbm, ea_hbm, we_hbm, src_hbm, dst_hbm, zeros_hbm,
               out_hbm, dsti, srci, eari, dstadj, srcadj, qr, kvr, outr, wer,
               acc, semi, semq, semkv, sems):
    c = lax.axis_index("c")
    s = lax.axis_index("s")
    cN = c * N

    pltpu.sync_copy(zeros_hbm, acc.at[pl.ds(s * RPT, RPT)])

    iota = lax.iota(jnp.int32, 16)
    iota2 = iota * 2

    pltpu.sync_copy(we_hbm, wer)
    we0 = [plsc.load_gather(wer, [jnp.full((16,), 8 + hl, jnp.int32) + c * HH])
           for hl in range(HH)]
    we1 = [plsc.load_gather(wer, [jnp.full((16,), 16 + hl, jnp.int32) + c * HH])
           for hl in range(HH)]

    zero16 = jnp.zeros((16,), jnp.float32)
    for g in range(2 * G):
        rows0 = iota + g * 16
        for cc in range(HC + HH, ACOLS):
            plsc.store_scatter(outr, [rows0, jnp.full((16,), cc, jnp.int32)],
                               zero16)

    plsc.subcore_barrier()

    def fetch_idx(ci, islot):
        row = s * NCHUNK + ci
        pltpu.async_copy(dst_hbm.at[row], dsti.at[islot], semi)
        pltpu.async_copy(src_hbm.at[row], srci.at[islot], semi)
        pltpu.async_copy(ea_hbm.at[row], eari.at[islot], semi)

    def scatter_wait(islot):
        pltpu.make_async_copy(outr.at[pl.ds(0, B)], acc.at[dsti.at[islot]],
                              sems).wait()

    def wait_idx(ci, islot):
        row = s * NCHUNK + ci
        pltpu.make_async_copy(dst_hbm.at[row], dsti.at[islot], semi).wait()
        pltpu.make_async_copy(src_hbm.at[row], srci.at[islot], semi).wait()
        pltpu.make_async_copy(ea_hbm.at[row], eari.at[islot], semi).wait()

    def adjust(islot, aslot):
        for j in range(G):
            sl = pl.ds(j * 16, 16)
            dstadj[aslot, sl] = dsti[islot, sl] + cN
            srcadj[aslot, sl] = srci[islot, sl] + cN

    def issue_gather(gslot):
        pltpu.async_copy(qc_hbm.at[dstadj.at[gslot]],
                         qr.at[pl.ds(gslot * B, B)], semq)
        pltpu.async_copy(kvc_hbm.at[srcadj.at[gslot]],
                         kvr.at[pl.ds(gslot * B, B)], semkv)

    def wait_gather(gslot):
        pltpu.make_async_copy(qc_hbm.at[dstadj.at[gslot]],
                              qr.at[pl.ds(gslot * B, B)], semq).wait()
        pltpu.make_async_copy(kvc_hbm.at[srcadj.at[gslot]],
                              kvr.at[pl.ds(gslot * B, B)], semkv).wait()

    fetch_idx(0, 0)
    wait_idx(0, 0)
    adjust(0, 0)
    issue_gather(0)
    fetch_idx(1, 1)

    def chunk(ci, carry):
        islot = lax.rem(ci, 4)
        gslot = lax.rem(ci, 2)

        @pl.when(ci >= 2)
        def _():
            scatter_wait(islot)

        @pl.when(ci + 2 < NCHUNK)
        def _():
            fetch_idx(ci + 2, lax.rem(ci + 2, 4))

        @pl.when(ci + 1 < NCHUNK)
        def _():
            nislot = lax.rem(ci + 1, 4)
            wait_idx(ci + 1, nislot)
            adjust(nislot, 1 - gslot)
            issue_gather(1 - gslot)

        wait_gather(gslot)
        roff = gslot * B

        rot = [jnp.bitwise_and(iota + d, DH - 1) for d in range(DH)]

        def group(g, carry2):
            rows = iota + (roff + g * 16)
            orows = iota + (roff + g * 16)
            ecols = iota2 + g * 32
            erow = jnp.full((16,), 1, jnp.int32) * islot
            a0 = plsc.load_gather(eari, [erow, ecols])
            a1 = plsc.load_gather(eari, [erow, ecols + 1])
            for hl in range(HH):
                prods = []
                for d in range(DH):
                    col = rot[d] + (hl * DH)
                    qv = plsc.load_gather(qr, [rows, col])
                    kv = plsc.load_gather(kvr, [rows, col])
                    prods.append(qv * kv)
                prods.append(a0 * we0[hl] + a1 * we1[hl])
                while len(prods) > 1:
                    prods = [prods[i] + prods[i + 1]
                             for i in range(0, len(prods) - 1, 2)] + (
                                 [prods[-1]] if len(prods) % 2 else [])
                w = jnp.exp(prods[0])
                plsc.store_scatter(outr, [orows, jnp.full((16,), HC + hl,
                                                          jnp.int32)], w)
                for d in range(DH):
                    col = rot[d] + (hl * DH)
                    vv = plsc.load_gather(kvr, [rows, col + HC])
                    plsc.store_scatter(outr, [orows, col], w * vv)
            return carry2

        lax.fori_loop(0, G, group, 0)
        pltpu.async_copy(outr.at[pl.ds(roff, B)], acc.at[dsti.at[islot]],
                         sems, add=True)
        return carry

    lax.fori_loop(0, NCHUNK, chunk, 0)
    scatter_wait(0)
    scatter_wait(0)

    plsc.subcore_barrier()
    pltpu.sync_copy(acc.at[pl.ds(s * RPT, RPT)],
                    out_hbm.at[c].at[pl.ds(s * RPT, RPT)])


_edge_pass = pl.kernel(
    _edge_body,
    out_type=jax.ShapeDtypeStruct((NCORES, AROWS, ACOLS), jnp.float32),
    mesh=plsc.VectorSubcoreMesh(core_axis_name="c", subcore_axis_name="s",
                                num_cores=NCORES, num_subcores=NSUB),
    compiler_params=pltpu.CompilerParams(use_tc_tiling_on_sc=False,
                                         needs_layout_passes=False),
    scratch_types=[
        pltpu.VMEM((4, B), jnp.int32),
        pltpu.VMEM((4, B), jnp.int32),
        pltpu.VMEM((4, 2 * B), jnp.float32),
        pltpu.VMEM((2, B), jnp.int32),
        pltpu.VMEM((2, B), jnp.int32),
        pltpu.VMEM((2 * B, HC), jnp.float32),
        pltpu.VMEM((2 * B, 2 * HC), jnp.float32),
        pltpu.VMEM((2 * B, ACOLS), jnp.float32),
        pltpu.VMEM((24,), jnp.float32),
        pltpu.VMEM_SHARED((AROWS, ACOLS), jnp.float32),
        pltpu.SemaphoreType.DMA,
        pltpu.SemaphoreType.DMA,
        pltpu.SemaphoreType.DMA,
        pltpu.SemaphoreType.DMA,
    ],
)


def _epilogue_body(parts_ref, x_ref, wo_ref, bo_ref, gamma_ref, beta_ref,
                   w1_ref, b1_ref, w2_ref, b2_ref, out_ref):
    p0 = parts_ref[0]
    p1 = parts_ref[1]
    num = jnp.concatenate([p0[:N, :HC], p1[:N, :HC]], axis=1)
    den = jnp.concatenate([p0[:N, HC:HC + HH], p1[:N, HC:HC + HH]], axis=1)
    rowi = lax.broadcasted_iota(jnp.int32, (H, D), 0)
    coli = lax.broadcasted_iota(jnp.int32, (H, D), 1)
    expand = (coli // DH == rowi).astype(jnp.float32)
    r = 1.0 / (den + 1e-16)
    agg = num * jnp.dot(r, expand, preferred_element_type=jnp.float32)
    attn = jnp.dot(agg, wo_ref[...], preferred_element_type=jnp.float32)
    h = x_ref[...] + attn + bo_ref[...]
    mu = jnp.mean(h, axis=1, keepdims=True)
    dev = h - mu
    var = jnp.mean(dev * dev, axis=1, keepdims=True)
    hn = dev * lax.rsqrt(var + 1e-5) * gamma_ref[...] + beta_ref[...]
    h1 = jnp.maximum(
        jnp.dot(hn, w1_ref[...], preferred_element_type=jnp.float32)
        + b1_ref[...], 0.0)
    out_ref[...] = jnp.dot(h1, w2_ref[...],
                           preferred_element_type=jnp.float32) + b2_ref[...]


_epilogue = pl.pallas_call(
    _epilogue_body,
    out_shape=jax.ShapeDtypeStruct((N, 8), jnp.float32),
)


def kernel(x, edge_index, edge_attr, Wqkv, We, Wo, bo, gamma, beta,
           W1, b1, W2, b2):
    src = edge_index[0].reshape(E // B, B)
    dst = edge_index[1].reshape(E // B, B)
    ea = edge_attr.reshape(E // B, 2 * B)
    qc, kvc = _prologue(x, Wqkv)
    zeros = jnp.zeros((RPT, ACOLS), jnp.float32)
    wepad = jnp.concatenate([We[0], We[0], We[1]])
    parts = _edge_pass(qc, kvc, ea, wepad, src, dst, zeros)
    w2p = jnp.pad(W2, ((0, 0), (0, 8 - NCLS)))
    b2p = jnp.pad(b2, (0, 8 - NCLS))
    out = _epilogue(parts, x, Wo, bo, gamma, beta, W1, b1, w2p, b2p)
    return out[:, :NCLS]

# --- scband reference (transcript-rebuilt; emitter-appended) ---
"""Pipeline reference for scband-interaction-fusion-module-47880295416411 (READ-ONLY COPY).

The authoritative reference and input builder live on the scoring server;
editing this copy changes nothing except your own understanding.
"""

import jax, jax.numpy as jnp
import numpy as np

N = 10000
E = 320000
D = 128
H = 8
DH = D // H
ED = 2
NC = 3


def setup_inputs(seed: int = 0) -> dict:
    key = jax.random.key(seed)
    ks = jax.random.split(key, 16)
    x = jax.random.normal(ks[0], (N, D), dtype=jnp.float32)
    edge_index = jax.random.randint(ks[1], (2, E), 0, N, dtype=jnp.int32)
    edge_attr = jax.random.normal(ks[2], (E, ED), dtype=jnp.float32)
    Wqkv = jax.random.normal(ks[3], (D, 3 * D), dtype=jnp.float32) * (D ** -0.5)
    We = jax.random.normal(ks[4], (ED, H), dtype=jnp.float32) * (ED ** -0.5)
    Wo = jax.random.normal(ks[5], (D, D), dtype=jnp.float32) * (D ** -0.5)
    bo = jnp.zeros((D,), dtype=jnp.float32)
    gamma = jnp.ones((D,), dtype=jnp.float32)
    beta = jnp.zeros((D,), dtype=jnp.float32)
    W1 = jax.random.normal(ks[6], (D, D // 2), dtype=jnp.float32) * (D ** -0.5)
    b1 = jnp.zeros((D // 2,), dtype=jnp.float32)
    W2 = jax.random.normal(ks[7], (D // 2, NC), dtype=jnp.float32) * ((D // 2) ** -0.5)
    b2 = jnp.zeros((NC,), dtype=jnp.float32)
    return {"x": x, "edge_index": edge_index, "edge_attr": edge_attr,
            "Wqkv": Wqkv, "We": We, "Wo": Wo, "bo": bo,
            "gamma": gamma, "beta": beta, "W1": W1, "b1": b1, "W2": W2, "b2": b2}


def reference(x, edge_index, edge_attr, Wqkv, We, Wo, bo, gamma, beta, W1, b1, W2, b2):
    # EdgeBiasedSelfAttention
    qkv = x @ Wqkv
    q, k, v = jnp.split(qkv, 3, axis=-1)
    q = q.reshape(-1, H, DH)
    k = k.reshape(-1, H, DH)
    v = v.reshape(-1, H, DH)
    edge_bias = edge_attr @ We  # [E, H]
    src = edge_index[0]
    dst = edge_index[1]
    q_i = q[dst]  # [E, H, DH]
    k_j = k[src]
    v_j = v[src]
    scale = DH ** (-0.5)
    score = (q_i * k_j).sum(axis=-1) * scale + edge_bias  # [E, H]
    # segment softmax over incoming edges of each dst node
    smax = jax.ops.segment_max(score, dst, num_segments=N)  # [N, H]
    smax = jnp.where(jnp.isfinite(smax), smax, 0.0)
    ex = jnp.exp(score - smax[dst])
    denom = jax.ops.segment_sum(ex, dst, num_segments=N)  # [N, H]
    attn = ex / (denom[dst] + 1e-16)  # [E, H]
    msg = v_j * attn[..., None]  # [E, H, DH]
    agg = jax.ops.segment_sum(msg, dst, num_segments=N)  # [N, H, DH]
    attn_out = agg.reshape(N, D) @ Wo + bo
    # residual + LayerNorm
    h = x + attn_out
    mu = h.mean(axis=-1, keepdims=True)
    var = ((h - mu) ** 2).mean(axis=-1, keepdims=True)
    h = (h - mu) / jnp.sqrt(var + 1e-5) * gamma + beta
    # classifier
    h = jnp.maximum(h @ W1 + b1, 0.0)
    return h @ W2 + b2

if __name__ == "__main__":
    import jax
    _d = setup_inputs()
    print(jax.jit(kernel)(*tuple(_d.values())))

</pallas_src>

<mosaic_0001>
#map = affine_map<(d0, d1) -> (0, 0)>
#map1 = affine_map<(d0, d1) -> (0)>
#map2 = affine_map<(d0, d1) -> (0, 0, 0)>
module attributes {stable_mosaic.version = 14 : i64} {
  func.func @_edge_body(%arg0: i32, %arg1: i32, %arg2: memref<20000x64xf32, #tpu.memory_space<hbm>>, %arg3: memref<20000x128xf32, #tpu.memory_space<hbm>>, %arg4: memref<4000x160xf32, #tpu.memory_space<hbm>>, %arg5: memref<24xf32, #tpu.memory_space<hbm>>, %arg6: memref<4000x80xi32, #tpu.memory_space<hbm>>, %arg7: memref<4000x80xi32, #tpu.memory_space<hbm>>, %arg8: memref<640x72xf32, #tpu.memory_space<hbm>>, %arg9: memref<2x10240x72xf32, #tpu.memory_space<hbm>>, %arg10: memref<4x80xi32, #tpu.memory_space<vmem>>, %arg11: memref<4x80xi32, #tpu.memory_space<vmem>>, %arg12: memref<4x160xf32, #tpu.memory_space<vmem>>, %arg13: memref<2x80xi32, #tpu.memory_space<vmem>>, %arg14: memref<2x80xi32, #tpu.memory_space<vmem>>, %arg15: memref<160x64xf32, #tpu.memory_space<vmem>>, %arg16: memref<160x128xf32, #tpu.memory_space<vmem>>, %arg17: memref<160x72xf32, #tpu.memory_space<vmem>>, %arg18: memref<24xf32, #tpu.memory_space<vmem>>, %arg19: memref<10240x72xf32, #tpu.memory_space<vmem_shared>>, %arg20: memref<!tpu.dma_semaphore, #tpu.memory_space<semaphore_mem>>, %arg21: memref<!tpu.dma_semaphore, #tpu.memory_space<semaphore_mem>>, %arg22: memref<!tpu.dma_semaphore, #tpu.memory_space<semaphore_mem>>, %arg23: memref<!tpu.dma_semaphore, #tpu.memory_space<semaphore_mem>>) attributes {dimension_semantics = [#tpu.dimension_semantics<core_parallel>, #tpu.dimension_semantics<subcore_parallel>], iteration_bounds = array<i64: 2, 16>, scalar_prefetch = 0 : i64, scratch_operands = 14 : i64, tpu.core_type = #tpu.core_type<sc_vector_subcore>, window_params = [{transform_indices = #map}, {transform_indices = #map}, {transform_indices = #map}, {transform_indices = #map1}, {transform_indices = #map}, {transform_indices = #map}, {transform_indices = #map}, {transform_indices = #map2}]} {
    %mul3A = arith.constant 10000 : i32
    %mul3A_0 = arith.muli %arg0, %mul3A : i32
    %mul3A_1 = arith.constant 640 : i32
    %mul3A_2 = arith.muli %arg1, %mul3A_1 : i32
    "tpu.region"() ({
      %run_scoped3A = tpu.sem_alloc : memref<!tpu.dma_semaphore, #tpu.memory_space<semaphore_mem>>
      %dma_start3A_446 = arith.constant 0 : i32
      %dma_start3A_447 = tpu.memref_slice %arg19[%mul3A_2, %dma_start3A_446] : memref<10240x72xf32, #tpu.memory_space<vmem_shared>> -> memref<640x72xf32, #tpu.memory_space<vmem_shared>>
      tpu.enqueue_dma source(%arg8 : memref<640x72xf32, #tpu.memory_space<hbm>>) target(%dma_start3A_447 : memref<640x72xf32, #tpu.memory_space<vmem_shared>>) target_semaphore(%run_scoped3A : memref<!tpu.dma_semaphore, #tpu.memory_space<semaphore_mem>>)
      %dma_wait3A_448 = arith.constant 0 : i32
      %dma_wait3A_449 = tpu.memref_slice %arg19[%mul3A_2, %dma_wait3A_448] : memref<10240x72xf32, #tpu.memory_space<vmem_shared>> -> memref<640x72xf32, #tpu.memory_space<vmem_shared>>
      tpu.wait_dma2 semaphore(%run_scoped3A : memref<!tpu.dma_semaphore, #tpu.memory_space<semaphore_mem>>) src(%arg8 : memref<640x72xf32, #tpu.memory_space<hbm>>) dst(%dma_wait3A_449 : memref<640x72xf32, #tpu.memory_space<vmem_shared>>)
      tpu.yield
    }) : () -> ()
    %iota3A = tpu.iota {dimensions = array<i32: 0>} : vector<16xi32>
    %mul3A_3 = arith.constant 2 : i32
    %mul3A_4 = vector.broadcast %mul3A_3 : i32 to vector<16xi32>
    %mul3A_5 = arith.muli %iota3A, %mul3A_4 : vector<16xi32>
    "tpu.region"() ({
      %run_scoped3A = tpu.sem_alloc : memref<!tpu.dma_semaphore, #tpu.memory_space<semaphore_mem>>
      tpu.enqueue_dma source(%arg5 : memref<24xf32, #tpu.memory_space<hbm>>) target(%arg18 : memref<24xf32, #tpu.memory_space<vmem>>) target_semaphore(%run_scoped3A : memref<!tpu.dma_semaphore, #tpu.memory_space<semaphore_mem>>)
      tpu.wait_dma2 semaphore(%run_scoped3A : memref<!tpu.dma_semaphore, #tpu.memory_space<semaphore_mem>>) src(%arg5 : memref<24xf32, #tpu.memory_space<hbm>>) dst(%arg18 : memref<24xf32, #tpu.memory_space<vmem>>)
      tpu.yield
    }) : () -> ()
    %broadcast_in_dim3A = arith.constant 8 : i32
    %broadcast_in_dim3A_6 = vector.broadcast %broadcast_in_dim3A : i32 to vector<16xi32>
    %mul3A_7 = arith.constant 4 : i32
    %mul3A_8 = arith.muli %arg0, %mul3A_7 : i32
    %add3A = vector.broadcast %mul3A_8 : i32 to vector<16xi32>
    %add3A_9 = arith.addi %broadcast_in_dim3A_6, %add3A : vector<16xi32>
    %gather3A = tpu.vector_load_idx %arg18[%add3A_9] : memref<24xf32, #tpu.memory_space<vmem>>[vector<16xi32>], vector<16xf32>,
    %broadcast_in_dim3A_10 = arith.constant 9 : i32
    %broadcast_in_dim3A_11 = vector.broadcast %broadcast_in_dim3A_10 : i32 to vector<16xi32>
    %mul3A_12 = arith.constant 4 : i32
    %mul3A_13 = arith.muli %arg0, %mul3A_12 : i32
    %add3A_14 = vector.broadcast %mul3A_13 : i32 to vector<16xi32>
    %add3A_15 = arith.addi %broadcast_in_dim3A_11, %add3A_14 : vector<16xi32>
    %gather3A_16 = tpu.vector_load_idx %arg18[%add3A_15] : memref<24xf32, #tpu.memory_space<vmem>>[vector<16xi32>], vector<16xf32>,
    %broadcast_in_dim3A_17 = arith.constant 10 : i32
    %broadcast_in_dim3A_18 = vector.broadcast %broadcast_in_dim3A_17 : i32 to vector<16xi32>
    %mul3A_19 = arith.constant 4 : i32
    %mul3A_20 = arith.muli %arg0, %mul3A_19 : i32
    %add3A_21 = vector.broadcast %mul3A_20 : i32 to vector<16xi32>
    %add3A_22 = arith.addi %broadcast_in_dim3A_18, %add3A_21 : vector<16xi32>
    %gather3A_23 = tpu.vector_load_idx %arg18[%add3A_22] : memref<24xf32, #tpu.memory_space<vmem>>[vector<16xi32>], vector<16xf32>,
    %broadcast_in_dim3A_24 = arith.constant 11 : i32
    %broadcast_in_dim3A_25 = vector.broadcast %broadcast_in_dim3A_24 : i32 to vector<16xi32>
    %mul3A_26 = arith.constant 4 : i32
    %mul3A_27 = arith.muli %arg0, %mul3A_26 : i32
    %add3A_28 = vector.broadcast %mul3A_27 : i32 to vector<16xi32>
    %add3A_29 = arith.addi %broadcast_in_dim3A_25, %add3A_28 : vector<16xi32>
    %gather3A_30 = tpu.vector_load_idx %arg18[%add3A_29] : memref<24xf32, #tpu.memory_space<vmem>>[vector<16xi32>], vector<16xf32>,
    %broadcast_in_dim3A_31 = arith.constant 16 : i32
    %broadcast_in_dim3A_32 = vector.broadcast %broadcast_in_dim3A_31 : i32 to vector<16xi32>
    %mul3A_33 = arith.constant 4 : i32
    %mul3A_34 = arith.muli %arg0, %mul3A_33 : i32
    %add3A_35 = vector.broadcast %mul3A_34 : i32 to vector<16xi32>
    %add3A_36 = arith.addi %broadcast_in_dim3A_32, %add3A_35 : vector<16xi32>
    %gather3A_37 = tpu.vector_load_idx %arg18[%add3A_36] : memref<24xf32, #tpu.memory_space<vmem>>[vector<16xi32>], vector<16xf32>,
    %broadcast_in_dim3A_38 = arith.constant 17 : i32
    %broadcast_in_dim3A_39 = vector.broadcast %broadcast_in_dim3A_38 : i32 to vector<16xi32>
    %mul3A_40 = arith.constant 4 : i32
    %mul3A_41 = arith.muli %arg0, %mul3A_40 : i32
    %add3A_42 = vector.broadcast %mul3A_41 : i32 to vector<16xi32>
    %add3A_43 = arith.addi %broadcast_in_dim3A_39, %add3A_42 : vector<16xi32>
    %gather3A_44 = tpu.vector_load_idx %arg18[%add3A_43] : memref<24xf32, #tpu.memory_space<vmem>>[vector<16xi32>], vector<16xf32>,
    %broadcast_in_dim3A_45 = arith.constant 18 : i32
    %broadcast_in_dim3A_46 = vector.broadcast %broadcast_in_dim3A_45 : i32 to vector<16xi32>
    %mul3A_47 = arith.constant 4 : i32
    %mul3A_48 = arith.muli %arg0, %mul3A_47 : i32
    %add3A_49 = vector.broadcast %mul3A_48 : i32 to vector<16xi32>
    %add3A_50 = arith.addi %broadcast_in_dim3A_46, %add3A_49 : vector<16xi32>
    %gather3A_51 = tpu.vector_load_idx %arg18[%add3A_50] : memref<24xf32, #tpu.memory_space<vmem>>[vector<16xi32>], vector<16xf32>,
    %broadcast_in_dim3A_52 = arith.constant 19 : i32
    %broadcast_in_dim3A_53 = vector.broadcast %broadcast_in_dim3A_52 : i32 to vector<16xi32>
    %mul3A_54 = arith.constant 4 : i32
    %mul3A_55 = arith.muli %arg0, %mul3A_54 : i32
    %add3A_56 = vector.broadcast %mul3A_55 : i32 to vector<16xi32>
    %add3A_57 = arith.addi %broadcast_in_dim3A_53, %add3A_56 : vector<16xi32>
    %gather3A_58 = tpu.vector_load_idx %arg18[%add3A_57] : memref<24xf32, #tpu.memory_space<vmem>>[vector<16xi32>], vector<16xf32>,
    %broadcast_in_dim3A_59 = arith.constant 0.000000e+00 : f32
    %broadcast_in_dim3A_60 = vector.broadcast %broadcast_in_dim3A_59 : f32 to vector<16xf32>
    %add3A_61 = arith.constant 0 : i32
    %add3A_62 = vector.broadcast %add3A_61 : i32 to vector<16xi32>
    %add3A_63 = arith.addi %iota3A, %add3A_62 : vector<16xi32>
    %broadcast_in_dim3A_64 = arith.constant 68 : i32
    %broadcast_in_dim3A_65 = vector.broadcast %broadcast_in_dim3A_64 : i32 to vector<16xi32>
    tpu.vector_store_idx %arg17[%add3A_63, %broadcast_in_dim3A_65], %broadcast_in_dim3A_60 : memref<160x72xf32, #tpu.memory_space<vmem>>[vector<16xi32>, vector<16xi32>], vector<16xf32>,
    %broadcast_in_dim3A_66 = arith.constant 69 : i32
    %broadcast_in_dim3A_67 = vector.broadcast %broadcast_in_dim3A_66 : i32 to vector<16xi32>
    tpu.vector_store_idx %arg17[%add3A_63, %broadcast_in_dim3A_67], %broadcast_in_dim3A_60 : memref<160x72xf32, #tpu.memory_space<vmem>>[vector<16xi32>, vector<16xi32>], vector<16xf32>,
    %broadcast_in_dim3A_68 = arith.constant 70 : i32
    %broadcast_in_dim3A_69 = vector.broadcast %broadcast_in_dim3A_68 : i32 to vector<16xi32>
    tpu.vector_store_idx %arg17[%add3A_63, %broadcast_in_dim3A_69], %broadcast_in_dim3A_60 : memref<160x72xf32, #tpu.memory_space<vmem>>[vector<16xi32>, vector<16xi32>], vector<16xf32>,
    %broadcast_in_dim3A_70 = arith.constant 71 : i32
    %broadcast_in_dim3A_71 = vector.broadcast %broadcast_in_dim3A_70 : i32 to vector<16xi32>
    tpu.vector_store_idx %arg17[%add3A_63, %broadcast_in_dim3A_71], %broadcast_in_dim3A_60 : memref<160x72xf32, #tpu.memory_space<vmem>>[vector<16xi32>, vector<16xi32>], vector<16xf32>,
    %add3A_72 = arith.constant 16 : i32
    %add3A_73 = vector.broadcast %add3A_72 : i32 to vector<16xi32>
    %add3A_74 = arith.addi %iota3A, %add3A_73 : vector<16xi32>
    %broadcast_in_dim3A_75 = arith.constant 68 : i32
    %broadcast_in_dim3A_76 = vector.broadcast %broadcast_in_dim3A_75 : i32 to vector<16xi32>
    tpu.vector_store_idx %arg17[%add3A_74, %broadcast_in_dim3A_76], %broadcast_in_dim3A_60 : memref<160x72xf32, #tpu.memory_space<vmem>>[vector<16xi32>, vector<16xi32>], vector<16xf32>,
    %broadcast_in_dim3A_77 = arith.constant 69 : i32
    %broadcast_in_dim3A_78 = vector.broadcast %broadcast_in_dim3A_77 : i32 to vector<16xi32>
    tpu.vector_store_idx %arg17[%add3A_74, %broadcast_in_dim3A_78], %broadcast_in_dim3A_60 : memref<160x72xf32, #tpu.memory_space<vmem>>[vector<16xi32>, vector<16xi32>], vector<16xf32>,
    %broadcast_in_dim3A_79 = arith.constant 70 : i32
    %broadcast_in_dim3A_80 = vector.broadcast %broadcast_in_dim3A_79 : i32 to vector<16xi32>
    tpu.vector_store_idx %arg17[%add3A_74, %broadcast_in_dim3A_80], %broadcast_in_dim3A_60 : memref<160x72xf32, #tpu.memory_space<vmem>>[vector<16xi32>, vector<16xi32>], vector<16xf32>,
    %broadcast_in_dim3A_81 = arith.constant 71 : i32
    %broadcast_in_dim3A_82 = vector.broadcast %broadcast_in_dim3A_81 : i32 to vector<16xi32>
    tpu.vector_store_idx %arg17[%add3A_74, %broadcast_in_dim3A_82], %broadcast_in_dim3A_60 : memref<160x72xf32, #tpu.memory_space<vmem>>[vector<16xi32>, vector<16xi32>], vector<16xf32>,
    %add3A_83 = arith.constant 32 : i32
    %add3A_84 = vector.broadcast %add3A_83 : i32 to vector<16xi32>
    %add3A_85 = arith.addi %iota3A, %add3A_84 : vector<16xi32>
    %broadcast_in_dim3A_86 = arith.constant 68 : i32
    %broadcast_in_dim3A_87 = vector.broadcast %broadcast_in_dim3A_86 : i32 to vector<16xi32>
    tpu.vector_store_idx %arg17[%add3A_85, %broadcast_in_dim3A_87], %broadcast_in_dim3A_60 : memref<160x72xf32, #tpu.memory_space<vmem>>[vector<16xi32>, vector<16xi32>], vector<16xf32>,
    %broadcast_in_dim3A_88 = arith.constant 69 : i32
    %broadcast_in_dim3A_89 = vector.broadcast %broadcast_in_dim3A_88 : i32 to vector<16xi32>
    tpu.vector_store_idx %arg17[%add3A_85, %broadcast_in_dim3A_89], %broadcast_in_dim3A_60 : memref<160x72xf32, #tpu.memory_space<vmem>>[vector<16xi32>, vector<16xi32>], vector<16xf32>,
    %broadcast_in_dim3A_90 = arith.constant 70 : i32
    %broadcast_in_dim3A_91 = vector.broadcast %broadcast_in_dim3A_90 : i32 to vector<16xi32>
    tpu.vector_store_idx %arg17[%add3A_85, %broadcast_in_dim3A_91], %broadcast_in_dim3A_60 : memref<160x72xf32, #tpu.memory_space<vmem>>[vector<16xi32>, vector<16xi32>], vector<16xf32>,
    %broadcast_in_dim3A_92 = arith.constant 71 : i32
    %broadcast_in_dim3A_93 = vector.broadcast %broadcast_in_dim3A_92 : i32 to vector<16xi32>
    tpu.vector_store_idx %arg17[%add3A_85, %broadcast_in_dim3A_93], %broadcast_in_dim3A_60 : memref<160x72xf32, #tpu.memory_space<vmem>>[vector<16xi32>, vector<16xi32>], vector<16xf32>,
    %add3A_94 = arith.constant 48 : i32
    %add3A_95 = vector.broadcast %add3A_94 : i32 to vector<16xi32>
    %add3A_96 = arith.addi %iota3A, %add3A_95 : vector<16xi32>
    %broadcast_in_dim3A_97 = arith.constant 68 : i32
    %broadcast_in_dim3A_98 = vector.broadcast %broadcast_in_dim3A_97 : i32 to vector<16xi32>
    tpu.vector_store_idx %arg17[%add3A_96, %broadcast_in_dim3A_98], %broadcast_in_dim3A_60 : memref<160x72xf32, #tpu.memory_space<vmem>>[vector<16xi32>, vector<16xi32>], vector<16xf32>,
    %broadcast_in_dim3A_99 = arith.constant 69 : i32
    %broadcast_in_dim3A_100 = vector.broadcast %broadcast_in_dim3A_99 : i32 to vector<16xi32>
    tpu.vector_store_idx %arg17[%add3A_96, %broadcast_in_dim3A_100], %broadcast_in_dim3A_60 : memref<160x72xf32, #tpu.memory_space<vmem>>[vector<16xi32>, vector<16xi32>], vector<16xf32>,
    %broadcast_in_dim3A_101 = arith.constant 70 : i32
    %broadcast_in_dim3A_102 = vector.broadcast %broadcast_in_dim3A_101 : i32 to vector<16xi32>
    tpu.vector_store_idx %arg17[%add3A_96, %broadcast_in_dim3A_102], %broadcast_in_dim3A_60 : memref<160x72xf32, #tpu.memory_space<vmem>>[vector<16xi32>, vector<16xi32>], vector<16xf32>,
    %broadcast_in_dim3A_103 = arith.constant 71 : i32
    %broadcast_in_dim3A_104 = vector.broadcast %broadcast_in_dim3A_103 : i32 to vector<16xi32>
    tpu.vector_store_idx %arg17[%add3A_96, %broadcast_in_dim3A_104], %broadcast_in_dim3A_60 : memref<160x72xf32, #tpu.memory_space<vmem>>[vector<16xi32>, vector<16xi32>], vector<16xf32>,
    %add3A_105 = arith.constant 64 : i32
    %add3A_106 = vector.broadcast %add3A_105 : i32 to vector<16xi32>
    %add3A_107 = arith.addi %iota3A, %add3A_106 : vector<16xi32>
    %broadcast_in_dim3A_108 = arith.constant 68 : i32
    %broadcast_in_dim3A_109 = vector.broadcast %broadcast_in_dim3A_108 : i32 to vector<16xi32>
    tpu.vector_store_idx %arg17[%add3A_107, %broadcast_in_dim3A_109], %broadcast_in_dim3A_60 : memref<160x72xf32, #tpu.memory_space<vmem>>[vector<16xi32>, vector<16xi32>], vector<16xf32>,
    %broadcast_in_dim3A_110 = arith.constant 69 : i32
    %broadcast_in_dim3A_111 = vector.broadcast %broadcast_in_dim3A_110 : i32 to vector<16xi32>
    tpu.vector_store_idx %arg17[%add3A_107, %broadcast_in_dim3A_111], %broadcast_in_dim3A_60 : memref<160x72xf32, #tpu.memory_space<vmem>>[vector<16xi32>, vector<16xi32>], vector<16xf32>,
    %broadcast_in_dim3A_112 = arith.constant 70 : i32
    %broadcast_in_dim3A_113 = vector.broadcast %broadcast_in_dim3A_112 : i32 to vector<16xi32>
    tpu.vector_store_idx %arg17[%add3A_107, %broadcast_in_dim3A_113], %broadcast_in_dim3A_60 : memref<160x72xf32, #tpu.memory_space<vmem>>[vector<16xi32>, vector<16xi32>], vector<16xf32>,
    %broadcast_in_dim3A_114 = arith.constant 71 : i32
    %broadcast_in_dim3A_115 = vector.broadcast %broadcast_in_dim3A_114 : i32 to vector<16xi32>
    tpu.vector_store_idx %arg17[%add3A_107, %broadcast_in_dim3A_115], %broadcast_in_dim3A_60 : memref<160x72xf32, #tpu.memory_space<vmem>>[vector<16xi32>, vector<16xi32>], vector<16xf32>,
    %add3A_116 = arith.constant 80 : i32
    %add3A_117 = vector.broadcast %add3A_116 : i32 to vector<16xi32>
    %add3A_118 = arith.addi %iota3A, %add3A_117 : vector<16xi32>
    %broadcast_in_dim3A_119 = arith.constant 68 : i32
    %broadcast_in_dim3A_120 = vector.broadcast %broadcast_in_dim3A_119 : i32 to vector<16xi32>
    tpu.vector_store_idx %arg17[%add3A_118, %broadcast_in_dim3A_120], %broadcast_in_dim3A_60 : memref<160x72xf32, #tpu.memory_space<vmem>>[vector<16xi32>, vector<16xi32>], vector<16xf32>,
    %broadcast_in_dim3A_121 = arith.constant 69 : i32
    %broadcast_in_dim3A_122 = vector.broadcast %broadcast_in_dim3A_121 : i32 to vector<16xi32>
    tpu.vector_store_idx %arg17[%add3A_118, %broadcast_in_dim3A_122], %broadcast_in_dim3A_60 : memref<160x72xf32, #tpu.memory_space<vmem>>[vector<16xi32>, vector<16xi32>], vector<16xf32>,
    %broadcast_in_dim3A_123 = arith.constant 70 : i32
    %broadcast_in_dim3A_124 = vector.broadcast %broadcast_in_dim3A_123 : i32 to vector<16xi32>
    tpu.vector_store_idx %arg17[%add3A_118, %broadcast_in_dim3A_124], %broadcast_in_dim3A_60 : memref<160x72xf32, #tpu.memory_space<vmem>>[vector<16xi32>, vector<16xi32>], vector<16xf32>,
    %broadcast_in_dim3A_125 = arith.constant 71 : i32
    %broadcast_in_dim3A_126 = vector.broadcast %broadcast_in_dim3A_125 : i32 to vector<16xi32>
    tpu.vector_store_idx %arg17[%add3A_118, %broadcast_in_dim3A_126], %broadcast_in_dim3A_60 : memref<160x72xf32, #tpu.memory_space<vmem>>[vector<16xi32>, vector<16xi32>], vector<16xf32>,
    %add3A_127 = arith.constant 96 : i32
    %add3A_128 = vector.broadcast %add3A_127 : i32 to vector<16xi32>
    %add3A_129 = arith.addi %iota3A, %add3A_128 : vector<16xi32>
    %broadcast_in_dim3A_130 = arith.constant 68 : i32
    %broadcast_in_dim3A_131 = vector.broadcast %broadcast_in_dim3A_130 : i32 to vector<16xi32>
    tpu.vector_store_idx %arg17[%add3A_129, %broadcast_in_dim3A_131], %broadcast_in_dim3A_60 : memref<160x72xf32, #tpu.memory_space<vmem>>[vector<16xi32>, vector<16xi32>], vector<16xf32>,
    %broadcast_in_dim3A_132 = arith.constant 69 : i32
    %broadcast_in_dim3A_133 = vector.broadcast %broadcast_in_dim3A_132 : i32 to vector<16xi32>
    tpu.vector_store_idx %arg17[%add3A_129, %broadcast_in_dim3A_133], %broadcast_in_dim3A_60 : memref<160x72xf32, #tpu.memory_space<vmem>>[vector<16xi32>, vector<16xi32>], vector<16xf32>,
    %broadcast_in_dim3A_134 = arith.constant 70 : i32
    %broadcast_in_dim3A_135 = vector.broadcast %broadcast_in_dim3A_134 : i32 to vector<16xi32>
    tpu.vector_store_idx %arg17[%add3A_129, %broadcast_in_dim3A_135], %broadcast_in_dim3A_60 : memref<160x72xf32, #tpu.memory_space<vmem>>[vector<16xi32>, vector<16xi32>], vector<16xf32>,
    %broadcast_in_dim3A_136 = arith.constant 71 : i32
    %broadcast_in_dim3A_137 = vector.broadcast %broadcast_in_dim3A_136 : i32 to vector<16xi32>
    tpu.vector_store_idx %arg17[%add3A_129, %broadcast_in_dim3A_137], %broadcast_in_dim3A_60 : memref<160x72xf32, #tpu.memory_space<vmem>>[vector<16xi32>, vector<16xi32>], vector<16xf32>,
    %add3A_138 = arith.constant 112 : i32
    %add3A_139 = vector.broadcast %add3A_138 : i32 to vector<16xi32>
    %add3A_140 = arith.addi %iota3A, %add3A_139 : vector<16xi32>
    %broadcast_in_dim3A_141 = arith.constant 68 : i32
    %broadcast_in_dim3A_142 = vector.broadcast %broadcast_in_dim3A_141 : i32 to vector<16xi32>
    tpu.vector_store_idx %arg17[%add3A_140, %broadcast_in_dim3A_142], %broadcast_in_dim3A_60 : memref<160x72xf32, #tpu.memory_space<vmem>>[vector<16xi32>, vector<16xi32>], vector<16xf32>,
    %broadcast_in_dim3A_143 = arith.constant 69 : i32
    %broadcast_in_dim3A_144 = vector.broadcast %broadcast_in_dim3A_143 : i32 to vector<16xi32>
    tpu.vector_store_idx %arg17[%add3A_140, %broadcast_in_dim3A_144], %broadcast_in_dim3A_60 : memref<160x72xf32, #tpu.memory_space<vmem>>[vector<16xi32>, vector<16xi32>], vector<16xf32>,
    %broadcast_in_dim3A_145 = arith.constant 70 : i32
    %broadcast_in_dim3A_146 = vector.broadcast %broadcast_in_dim3A_145 : i32 to vector<16xi32>
    tpu.vector_store_idx %arg17[%add3A_140, %broadcast_in_dim3A_146], %broadcast_in_dim3A_60 : memref<160x72xf32, #tpu.memory_space<vmem>>[vector<16xi32>, vector<16xi32>], vector<16xf32>,
    %broadcast_in_dim3A_147 = arith.constant 71 : i32
    %broadcast_in_dim3A_148 = vector.broadcast %broadcast_in_dim3A_147 : i32 to vector<16xi32>
    tpu.vector_store_idx %arg17[%add3A_140, %broadcast_in_dim3A_148], %broadcast_in_dim3A_60 : memref<160x72xf32, #tpu.memory_space<vmem>>[vector<16xi32>, vector<16xi32>], vector<16xf32>,
    %add3A_149 = arith.constant 128 : i32
    %add3A_150 = vector.broadcast %add3A_149 : i32 to vector<16xi32>
    %add3A_151 = arith.addi %iota3A, %add3A_150 : vector<16xi32>
    %broadcast_in_dim3A_152 = arith.constant 68 : i32
    %broadcast_in_dim3A_153 = vector.broadcast %broadcast_in_dim3A_152 : i32 to vector<16xi32>
    tpu.vector_store_idx %arg17[%add3A_151, %broadcast_in_dim3A_153], %broadcast_in_dim3A_60 : memref<160x72xf32, #tpu.memory_space<vmem>>[vector<16xi32>, vector<16xi32>], vector<16xf32>,
    %broadcast_in_dim3A_154 = arith.constant 69 : i32
    %broadcast_in_dim3A_155 = vector.broadcast %broadcast_in_dim3A_154 : i32 to vector<16xi32>
    tpu.vector_store_idx %arg17[%add3A_151, %broadcast_in_dim3A_155], %broadcast_in_dim3A_60 : memref<160x72xf32, #tpu.memory_space<vmem>>[vector<16xi32>, vector<16xi32>], vector<16xf32>,
    %broadcast_in_dim3A_156 = arith.constant 70 : i32
    %broadcast_in_dim3A_157 = vector.broadcast %broadcast_in_dim3A_156 : i32 to vector<16xi32>
    tpu.vector_store_idx %arg17[%add3A_151, %broadcast_in_dim3A_157], %broadcast_in_dim3A_60 : memref<160x72xf32, #tpu.memory_space<vmem>>[vector<16xi32>, vector<16xi32>], vector<16xf32>,
    %broadcast_in_dim3A_158 = arith.constant 71 : i32
    %broadcast_in_dim3A_159 = vector.broadcast %broadcast_in_dim3A_158 : i32 to vector<16xi32>
    tpu.vector_store_idx %arg17[%add3A_151, %broadcast_in_dim3A_159], %broadcast_in_dim3A_60 : memref<160x72xf32, #tpu.memory_space<vmem>>[vector<16xi32>, vector<16xi32>], vector<16xf32>,
    %add3A_160 = arith.constant 144 : i32
    %add3A_161 = vector.broadcast %add3A_160 : i32 to vector<16xi32>
    %add3A_162 = arith.addi %iota3A, %add3A_161 : vector<16xi32>
    %broadcast_in_dim3A_163 = arith.constant 68 : i32
    %broadcast_in_dim3A_164 = vector.broadcast %broadcast_in_dim3A_163 : i32 to vector<16xi32>
    tpu.vector_store_idx %arg17[%add3A_162, %broadcast_in_dim3A_164], %broadcast_in_dim3A_60 : memref<160x72xf32, #tpu.memory_space<vmem>>[vector<16xi32>, vector<16xi32>], vector<16xf32>,
    %broadcast_in_dim3A_165 = arith.constant 69 : i32
    %broadcast_in_dim3A_166 = vector.broadcast %broadcast_in_dim3A_165 : i32 to vector<16xi32>
    tpu.vector_store_idx %arg17[%add3A_162, %broadcast_in_dim3A_166], %broadcast_in_dim3A_60 : memref<160x72xf32, #tpu.memory_space<vmem>>[vector<16xi32>, vector<16xi32>], vector<16xf32>,
    %broadcast_in_dim3A_167 = arith.constant 70 : i32
    %broadcast_in_dim3A_168 = vector.broadcast %broadcast_in_dim3A_167 : i32 to vector<16xi32>
    tpu.vector_store_idx %arg17[%add3A_162, %broadcast_in_dim3A_168], %broadcast_in_dim3A_60 : memref<160x72xf32, #tpu.memory_space<vmem>>[vector<16xi32>, vector<16xi32>], vector<16xf32>,
    %broadcast_in_dim3A_169 = arith.constant 71 : i32
    %broadcast_in_dim3A_170 = vector.broadcast %broadcast_in_dim3A_169 : i32 to vector<16xi32>
    tpu.vector_store_idx %arg17[%add3A_162, %broadcast_in_dim3A_170], %broadcast_in_dim3A_60 : memref<160x72xf32, #tpu.memory_space<vmem>>[vector<16xi32>, vector<16xi32>], vector<16xf32>,
    %barrier3A = arith.constant 0 : index
    tpu.barrier barrier_id(%barrier3A)
    %mul3A_171 = arith.constant 250 : i32
    %mul3A_172 = arith.muli %arg1, %mul3A_171 : i32
    %add3A_173 = arith.constant 0 : i32
    %add3A_174 = arith.addi %mul3A_172, %add3A_173 : i32
    %dma_start3A = arith.constant 0 : i32
    %dma_start3A_175 = arith.constant 0 : i32
    %dma_start3A_176 = tpu.memref_slice %arg10[%dma_start3A, %dma_start3A_175] : memref<4x80xi32, #tpu.memory_space<vmem>> -> memref<1x80xi32, #tpu.memory_space<vmem>>
    %dma_start3A_177 = tpu.memref_squeeze %dma_start3A_176 : memref<1x80xi32, #tpu.memory_space<vmem>> -> memref<80xi32, #tpu.memory_space<vmem>>
    %dma_start3A_178 = arith.constant 0 : i32
    %dma_start3A_179 = tpu.memref_slice %arg7[%add3A_174, %dma_start3A_178] : memref<4000x80xi32, #tpu.memory_space<hbm>> -> memref<1x80xi32, #tpu.memory_space<hbm>>
    %dma_start3A_180 = tpu.memref_squeeze %dma_start3A_179 : memref<1x80xi32, #tpu.memory_space<hbm>> -> memref<80xi32, #tpu.memory_space<hbm>>
    %dma_start3A_181 = arith.constant 0 : i32
    %dma_start3A_182 = tpu.memref_slice %arg10[%dma_start3A, %dma_start3A_181] : memref<4x80xi32, #tpu.memory_space<vmem>> -> memref<1x80xi32, #tpu.memory_space<vmem>>
    %dma_start3A_183 = tpu.memref_squeeze %dma_start3A_182 : memref<1x80xi32, #tpu.memory_space<vmem>> -> memref<80xi32, #tpu.memory_space<vmem>>
    %dma_start3A_184 = arith.constant 0 : i32
    %dma_start3A_185 = tpu.memref_slice %arg7[%add3A_174, %dma_start3A_184] : memref<4000x80xi32, #tpu.memory_space<hbm>> -> memref<1x80xi32, #tpu.memory_space<hbm>>
    %dma_start3A_186 = tpu.memref_squeeze %dma_start3A_185 : memref<1x80xi32, #tpu.memory_space<hbm>> -> memref<80xi32, #tpu.memory_space<hbm>>
    tpu.enqueue_dma source(%dma_start3A_186 : memref<80xi32, #tpu.memory_space<hbm>>) target(%dma_start3A_183 : memref<80xi32, #tpu.memory_space<vmem>>) target_semaphore(%arg20 : memref<!tpu.dma_semaphore, #tpu.memory_space<semaphore_mem>>)
    %dma_start3A_187 = arith.constant 0 : i32
    %dma_start3A_188 = arith.constant 0 : i32
    %dma_start3A_189 = tpu.memref_slice %arg11[%dma_start3A_187, %dma_start3A_188] : memref<4x80xi32, #tpu.memory_space<vmem>> -> memref<1x80xi32, #tpu.memory_space<vmem>>
    %dma_start3A_190 = tpu.memref_squeeze %dma_start3A_189 : memref<1x80xi32, #tpu.memory_space<vmem>> -> memref<80xi32, #tpu.memory_space<vmem>>
    %dma_start3A_191 = arith.constant 0 : i32
    %dma_start3A_192 = tpu.memref_slice %arg6[%add3A_174, %dma_start3A_191] : memref<4000x80xi32, #tpu.memory_space<hbm>> -> memref<1x80xi32, #tpu.memory_space<hbm>>
    %dma_start3A_193 = tpu.memref_squeeze %dma_start3A_192 : memref<1x80xi32, #tpu.memory_space<hbm>> -> memref<80xi32, #tpu.memory_space<hbm>>
    %dma_start3A_194 = arith.constant 0 : i32
    %dma_start3A_195 = tpu.memref_slice %arg11[%dma_start3A_187, %dma_start3A_194] : memref<4x80xi32, #tpu.memory_space<vmem>> -> memref<1x80xi32, #tpu.memory_space<vmem>>
    %dma_start3A_196 = tpu.memref_squeeze %dma_start3A_195 : memref<1x80xi32, #tpu.memory_space<vmem>> -> memref<80xi32, #tpu.memory_space<vmem>>
    %dma_start3A_197 = arith.constant 0 : i32
    %dma_start3A_198 = tpu.memref_slice %arg6[%add3A_174, %dma_start3A_197] : memref<4000x80xi32, #tpu.memory_space<hbm>> -> memref<1x80xi32, #tpu.memory_space<hbm>>
    %dma_start3A_199 = tpu.memref_squeeze %dma_start3A_198 : memref<1x80xi32, #tpu.memory_space<hbm>> -> memref<80xi32, #tpu.memory_space<hbm>>
    tpu.enqueue_dma source(%dma_start3A_199 : memref<80xi32, #tpu.memory_space<hbm>>) target(%dma_start3A_196 : memref<80xi32, #tpu.memory_space<vmem>>) target_semaphore(%arg20 : memref<!tpu.dma_semaphore, #tpu.memory_space<semaphore_mem>>)
    %dma_start3A_200 = arith.constant 0 : i32
    %dma_start3A_201 = arith.constant 0 : i32
    %dma_start3A_202 = tpu.memref_slice %arg12[%dma_start3A_200, %dma_start3A_201] : memref<4x160xf32, #tpu.memory_space<vmem>> -> memref<1x160xf32, #tpu.memory_space<vmem>>
    %dma_start3A_203 = tpu.memref_squeeze %dma_start3A_202 : memref<1x160xf32, #tpu.memory_space<vmem>> -> memref<160xf32, #tpu.memory_space<vmem>>
    %dma_start3A_204 = arith.constant 0 : i32
    %dma_start3A_205 = tpu.memref_slice %arg4[%add3A_174, %dma_start3A_204] : memref<4000x160xf32, #tpu.memory_space<hbm>> -> memref<1x160xf32, #tpu.memory_space<hbm>>
    %dma_start3A_206 = tpu.memref_squeeze %dma_start3A_205 : memref<1x160xf32, #tpu.memory_space<hbm>> -> memref<160xf32, #tpu.memory_space<hbm>>
    %dma_start3A_207 = arith.constant 0 : i32
    %dma_start3A_208 = tpu.memref_slice %arg12[%dma_start3A_200, %dma_start3A_207] : memref<4x160xf32, #tpu.memory_space<vmem>> -> memref<1x160xf32, #tpu.memory_space<vmem>>
    %dma_start3A_209 = tpu.memref_squeeze %dma_start3A_208 : memref<1x160xf32, #tpu.memory_space<vmem>> -> memref<160xf32, #tpu.memory_space<vmem>>
    %dma_start3A_210 = arith.constant 0 : i32
    %dma_start3A_211 = tpu.memref_slice %arg4[%add3A_174, %dma_start3A_210] : memref<4000x160xf32, #tpu.memory_space<hbm>> -> memref<1x160xf32, #tpu.memory_space<hbm>>
    %dma_start3A_212 = tpu.memref_squeeze %dma_start3A_211 : memref<1x160xf32, #tpu.memory_space<hbm>> -> memref<160xf32, #tpu.memory_space<hbm>>
    tpu.enqueue_dma source(%dma_start3A_212 : memref<160xf32, #tpu.memory_space<hbm>>) target(%dma_start3A_209 : memref<160xf32, #tpu.memory_space<vmem>>) target_semaphore(%arg20 : memref<!tpu.dma_semaphore, #tpu.memory_space<semaphore_mem>>)
    %mul3A_213 = arith.constant 250 : i32
    %mul3A_214 = arith.muli %arg1, %mul3A_213 : i32
    %add3A_215 = arith.constant 0 : i32
    %add3A_216 = arith.addi %mul3A_214, %add3A_215 : i32
    %dma_wait3A = arith.constant 0 : i32
    %dma_wait3A_217 = arith.constant 0 : i32
    %dma_wait3A_218 = tpu.memref_slice %arg10[%dma_wait3A, %dma_wait3A_217] : memref<4x80xi32, #tpu.memory_space<vmem>> -> memref<1x80xi32, #tpu.memory_space<vmem>>
    %dma_wait3A_219 = tpu.memref_squeeze %dma_wait3A_218 : memref<1x80xi32, #tpu.memory_space<vmem>> -> memref<80xi32, #tpu.memory_space<vmem>>
    %dma_wait3A_220 = arith.constant 0 : i32
    %dma_wait3A_221 = tpu.memref_slice %arg7[%add3A_216, %dma_wait3A_220] : memref<4000x80xi32, #tpu.memory_space<hbm>> -> memref<1x80xi32, #tpu.memory_space<hbm>>
    %dma_wait3A_222 = tpu.memref_squeeze %dma_wait3A_221 : memref<1x80xi32, #tpu.memory_space<hbm>> -> memref<80xi32, #tpu.memory_space<hbm>>
    %dma_wait3A_223 = arith.constant 0 : i32
    %dma_wait3A_224 = tpu.memref_slice %arg10[%dma_wait3A, %dma_wait3A_223] : memref<4x80xi32, #tpu.memory_space<vmem>> -> memref<1x80xi32, #tpu.memory_space<vmem>>
    %dma_wait3A_225 = tpu.memref_squeeze %dma_wait3A_224 : memref<1x80xi32, #tpu.memory_space<vmem>> -> memref<80xi32, #tpu.memory_space<vmem>>
    %dma_wait3A_226 = arith.constant 0 : i32
    %dma_wait3A_227 = tpu.memref_slice %arg7[%add3A_216, %dma_wait3A_226] : memref<4000x80xi32, #tpu.memory_space<hbm>> -> memref<1x80xi32, #tpu.memory_space<hbm>>
    %dma_wait3A_228 = tpu.memref_squeeze %dma_wait3A_227 : memref<1x80xi32, #tpu.memory_space<hbm>> -> memref<80xi32, #tpu.memory_space<hbm>>
    tpu.wait_dma2 semaphore(%arg20 : memref<!tpu.dma_semaphore, #tpu.memory_space<semaphore_mem>>) src(%dma_wait3A_228 : memref<80xi32, #tpu.memory_space<hbm>>) dst(%dma_wait3A_225 : memref<80xi32, #tpu.memory_space<vmem>>)
    %dma_wait3A_229 = arith.constant 0 : i32
    %dma_wait3A_230 = arith.constant 0 : i32
    %dma_wait3A_231 = tpu.memref_slice %arg11[%dma_wait3A_229, %dma_wait3A_230] : memref<4x80xi32, #tpu.memory_space<vmem>> -> memref<1x80xi32, #tpu.memory_space<vmem>>
    %dma_wait3A_232 = tpu.memref_squeeze %dma_wait3A_231 : memref<1x80xi32, #tpu.memory_space<vmem>> -> memref<80xi32, #tpu.memory_space<vmem>>
    %dma_wait3A_233 = arith.constant 0 : i32
    %dma_wait3A_234 = tpu.memref_slice %arg6[%add3A_216, %dma_wait3A_233] : memref<4000x80xi32, #tpu.memory_space<hbm>> -> memref<1x80xi32, #tpu.memory_space<hbm>>
    %dma_wait3A_235 = tpu.memref_squeeze %dma_wait3A_234 : memref<1x80xi32, #tpu.memory_space<hbm>> -> memref<80xi32, #tpu.memory_space<hbm>>
    %dma_wait3A_236 = arith.constant 0 : i32
    %dma_wait3A_237 = tpu.memref_slice %arg11[%dma_wait3A_229, %dma_wait3A_236] : memref<4x80xi32, #tpu.memory_space<vmem>> -> memref<1x80xi32, #tpu.memory_space<vmem>>
    %dma_wait3A_238 = tpu.memref_squeeze %dma_wait3A_237 : memref<1x80xi32, #tpu.memory_space<vmem>> -> memref<80xi32, #tpu.memory_space<vmem>>
    %dma_wait3A_239 = arith.constant 0 : i32
    %dma_wait3A_240 = tpu.memref_slice %arg6[%add3A_216, %dma_wait3A_239] : memref<4000x80xi32, #tpu.memory_space<hbm>> -> memref<1x80xi32, #tpu.memory_space<hbm>>
    %dma_wait3A_241 = tpu.memref_squeeze %dma_wait3A_240 : memref<1x80xi32, #tpu.memory_space<hbm>> -> memref<80xi32, #tpu.memory_space<hbm>>
    tpu.wait_dma2 semaphore(%arg20 : memref<!tpu.dma_semaphore, #tpu.memory_space<semaphore_mem>>) src(%dma_wait3A_241 : memref<80xi32, #tpu.memory_space<hbm>>) dst(%dma_wait3A_238 : memref<80xi32, #tpu.memory_space<vmem>>)
    %dma_wait3A_242 = arith.constant 0 : i32
    %dma_wait3A_243 = arith.constant 0 : i32
    %dma_wait3A_244 = tpu.memref_slice %arg12[%dma_wait3A_242, %dma_wait3A_243] : memref<4x160xf32, #tpu.memory_space<vmem>> -> memref<1x160xf32, #tpu.memory_space<vmem>>
    %dma_wait3A_245 = tpu.memref_squeeze %dma_wait3A_244 : memref<1x160xf32, #tpu.memory_space<vmem>> -> memref<160xf32, #tpu.memory_space<vmem>>
    %dma_wait3A_246 = arith.constant 0 : i32
    %dma_wait3A_247 = tpu.memref_slice %arg4[%add3A_216, %dma_wait3A_246] : memref<4000x160xf32, #tpu.memory_space<hbm>> -> memref<1x160xf32, #tpu.memory_space<hbm>>
    %dma_wait3A_248 = tpu.memref_squeeze %dma_wait3A_247 : memref<1x160xf32, #tpu.memory_space<hbm>> -> memref<160xf32, #tpu.memory_space<hbm>>
    %dma_wait3A_249 = arith.constant 0 : i32
    %dma_wait3A_250 = tpu.memref_slice %arg12[%dma_wait3A_242, %dma_wait3A_249] : memref<4x160xf32, #tpu.memory_space<vmem>> -> memref<1x160xf32, #tpu.memory_space<vmem>>
    %dma_wait3A_251 = tpu.memref_squeeze %dma_wait3A_250 : memref<1x160xf32, #tpu.memory_space<vmem>> -> memref<160xf32, #tpu.memory_space<vmem>>
    %dma_wait3A_252 = arith.constant 0 : i32
    %dma_wait3A_253 = tpu.memref_slice %arg4[%add3A_216, %dma_wait3A_252] : memref<4000x160xf32, #tpu.memory_space<hbm>> -> memref<1x160xf32, #tpu.memory_space<hbm>>
    %dma_wait3A_254 = tpu.memref_squeeze %dma_wait3A_253 : memref<1x160xf32, #tpu.memory_space<hbm>> -> memref<160xf32, #tpu.memory_space<hbm>>
    tpu.wait_dma2 semaphore(%arg20 : memref<!tpu.dma_semaphore, #tpu.memory_space<semaphore_mem>>) src(%dma_wait3A_254 : memref<160xf32, #tpu.memory_space<hbm>>) dst(%dma_wait3A_251 : memref<160xf32, #tpu.memory_space<vmem>>)
    %get3A = arith.constant 0 : i32
    %get3A_255 = arith.index_cast %get3A : i32 to index
    %get3A_256 = arith.constant 0 : index
    %get3A_257 = tpu.vector_load %arg10[%get3A_255, %get3A_256] {strides = array<i32>} : memref<4x80xi32, #tpu.memory_space<vmem>>, vector<16xi32>,
    %add3A_258 = vector.broadcast %mul3A_0 : i32 to vector<16xi32>
    %add3A_259 = arith.addi %get3A_257, %add3A_258 : vector<16xi32>
    %swap3A = arith.constant 0 : i32
    %swap3A_260 = arith.index_cast %swap3A : i32 to index
    %swap3A_261 = arith.constant 0 : index
    %swap3A_262 = tpu.vector_load %arg13[%swap3A_260, %swap3A_261] {strides = array<i32>} : memref<2x80xi32, #tpu.memory_space<vmem>>, vector<16xi32>,
    tpu.vector_store %arg13[%swap3A_260, %swap3A_261], %add3A_259 {strides = array<i32>} : memref<2x80xi32, #tpu.memory_space<vmem>>, vector<16xi32>,
    %get3A_263 = arith.constant 0 : i32
    %get3A_264 = arith.index_cast %get3A_263 : i32 to index
    %get3A_265 = arith.constant 0 : index
    %get3A_266 = tpu.vector_load %arg11[%get3A_264, %get3A_265] {strides = array<i32>} : memref<4x80xi32, #tpu.memory_space<vmem>>, vector<16xi32>,
    %add3A_267 = vector.broadcast %mul3A_0 : i32 to vector<16xi32>
    %add3A_268 = arith.addi %get3A_266, %add3A_267 : vector<16xi32>
    %swap3A_269 = arith.constant 0 : i32
    %swap3A_270 = arith.index_cast %swap3A_269 : i32 to index
    %swap3A_271 = arith.constant 0 : index
    %swap3A_272 = tpu.vector_load %arg14[%swap3A_270, %swap3A_271] {strides = array<i32>} : memref<2x80xi32, #tpu.memory_space<vmem>>, vector<16xi32>,
    tpu.vector_store %arg14[%swap3A_270, %swap3A_271], %add3A_268 {strides = array<i32>} : memref<2x80xi32, #tpu.memory_space<vmem>>, vector<16xi32>,
    %get3A_273 = arith.constant 0 : i32
    %get3A_274 = arith.index_cast %get3A_273 : i32 to index
    %get3A_275 = arith.constant 16 : index
    %get3A_276 = tpu.vector_load %arg10[%get3A_274, %get3A_275] {strides = array<i32>} : memref<4x80xi32, #tpu.memory_space<vmem>>, vector<16xi32>,
    %add3A_277 = vector.broadcast %mul3A_0 : i32 to vector<16xi32>
    %add3A_278 = arith.addi %get3A_276, %add3A_277 : vector<16xi32>
    %swap3A_279 = arith.constant 0 : i32
    %swap3A_280 = arith.index_cast %swap3A_279 : i32 to index
    %swap3A_281 = arith.constant 16 : index
    %swap3A_282 = tpu.vector_load %arg13[%swap3A_280, %swap3A_281] {strides = array<i32>} : memref<2x80xi32, #tpu.memory_space<vmem>>, vector<16xi32>,
    tpu.vector_store %arg13[%swap3A_280, %swap3A_281], %add3A_278 {strides = array<i32>} : memref<2x80xi32, #tpu.memory_space<vmem>>, vector<16xi32>,
    %get3A_283 = arith.constant 0 : i32
    %get3A_284 = arith.index_cast %get3A_283 : i32 to index
    %get3A_285 = arith.constant 16 : index
    %get3A_286 = tpu.vector_load %arg11[%get3A_284, %get3A_285] {strides = array<i32>} : memref<4x80xi32, #tpu.memory_space<vmem>>, vector<16xi32>,
    %add3A_287 = vector.broadcast %mul3A_0 : i32 to vector<16xi32>
    %add3A_288 = arith.addi %get3A_286, %add3A_287 : vector<16xi32>
    %swap3A_289 = arith.constant 0 : i32
    %swap3A_290 = arith.index_cast %swap3A_289 : i32 to index
    %swap3A_291 = arith.constant 16 : index
    %swap3A_292 = tpu.vector_load %arg14[%swap3A_290, %swap3A_291] {strides = array<i32>} : memref<2x80xi32, #tpu.memory_space<vmem>>, vector<16xi32>,
    tpu.vector_store %arg14[%swap3A_290, %swap3A_291], %add3A_288 {strides = array<i32>} : memref<2x80xi32, #tpu.memory_space<vmem>>, vector<16xi32>,
    %get3A_293 = arith.constant 0 : i32
    %get3A_294 = arith.index_cast %get3A_293 : i32 to index
    %get3A_295 = arith.constant 32 : index
    %get3A_296 = tpu.vector_load %arg10[%get3A_294, %get3A_295] {strides = array<i32>} : memref<4x80xi32, #tpu.memory_space<vmem>>, vector<16xi32>,
    %add3A_297 = vector.broadcast %mul3A_0 : i32 to vector<16xi32>
    %add3A_298 = arith.addi %get3A_296, %add3A_297 : vector<16xi32>
    %swap3A_299 = arith.constant 0 : i32
    %swap3A_300 = arith.index_cast %swap3A_299 : i32 to index
    %swap3A_301 = arith.constant 32 : index
    %swap3A_302 = tpu.vector_load %arg13[%swap3A_300, %swap3A_301] {strides = array<i32>} : memref<2x80xi32, #tpu.memory_space<vmem>>, vector<16xi32>,
    tpu.vector_store %arg13[%swap3A_300, %swap3A_301], %add3A_298 {strides = array<i32>} : memref<2x80xi32, #tpu.memory_space<vmem>>, vector<16xi32>,
    %get3A_303 = arith.constant 0 : i32
    %get3A_304 = arith.index_cast %get3A_303 : i32 to index
    %get3A_305 = arith.constant 32 : index
    %get3A_306 = tpu.vector_load %arg11[%get3A_304, %get3A_305] {strides = array<i32>} : memref<4x80xi32, #tpu.memory_space<vmem>>, vector<16xi32>,
    %add3A_307 = vector.broadcast %mul3A_0 : i32 to vector<16xi32>
    %add3A_308 = arith.addi %get3A_306, %add3A_307 : vector<16xi32>
    %swap3A_309 = arith.constant 0 : i32
    %swap3A_310 = arith.index_cast %swap3A_309 : i32 to index
    %swap3A_311 = arith.constant 32 : index
    %swap3A_312 = tpu.vector_load %arg14[%swap3A_310, %swap3A_311] {strides = array<i32>} : memref<2x80xi32, #tpu.memory_space<vmem>>, vector<16xi32>,
    tpu.vector_store %arg14[%swap3A_310, %swap3A_311], %add3A_308 {strides = array<i32>} : memref<2x80xi32, #tpu.memory_space<vmem>>, vector<16xi32>,
    %get3A_313 = arith.constant 0 : i32
    %get3A_314 = arith.index_cast %get3A_313 : i32 to index
    %get3A_315 = arith.constant 48 : index
    %get3A_316 = tpu.vector_load %arg10[%get3A_314, %get3A_315] {strides = array<i32>} : memref<4x80xi32, #tpu.memory_space<vmem>>, vector<16xi32>,
    %add3A_317 = vector.broadcast %mul3A_0 : i32 to vector<16xi32>
    %add3A_318 = arith.addi %get3A_316, %add3A_317 : vector<16xi32>
    %swap3A_319 = arith.constant 0 : i32
    %swap3A_320 = arith.index_cast %swap3A_319 : i32 to index
    %swap3A_321 = arith.constant 48 : index
    %swap3A_322 = tpu.vector_load %arg13[%swap3A_320, %swap3A_321] {strides = array<i32>} : memref<2x80xi32, #tpu.memory_space<vmem>>, vector<16xi32>,
    tpu.vector_store %arg13[%swap3A_320, %swap3A_321], %add3A_318 {strides = array<i32>} : memref<2x80xi32, #tpu.memory_space<vmem>>, vector<16xi32>,
    %get3A_323 = arith.constant 0 : i32
    %get3A_324 = arith.index_cast %get3A_323 : i32 to index
    %get3A_325 = arith.constant 48 : index
    %get3A_326 = tpu.vector_load %arg11[%get3A_324, %get3A_325] {strides = array<i32>} : memref<4x80xi32, #tpu.memory_space<vmem>>, vector<16xi32>,
    %add3A_327 = vector.broadcast %mul3A_0 : i32 to vector<16xi32>
    %add3A_328 = arith.addi %get3A_326, %add3A_327 : vector<16xi32>
    %swap3A_329 = arith.constant 0 : i32
    %swap3A_330 = arith.index_cast %swap3A_329 : i32 to index
    %swap3A_331 = arith.constant 48 : index
    %swap3A_332 = tpu.vector_load %arg14[%swap3A_330, %swap3A_331] {strides = array<i32>} : memref<2x80xi32, #tpu.memory_space<vmem>>, vector<16xi32>,
    tpu.vector_store %arg14[%swap3A_330, %swap3A_331], %add3A_328 {strides = array<i32>} : memref<2x80xi32, #tpu.memory_space<vmem>>, vector<16xi32>,
    %get3A_333 = arith.constant 0 : i32
    %get3A_334 = arith.index_cast %get3A_333 : i32 to index
    %get3A_335 = arith.constant 64 : index
    %get3A_336 = tpu.vector_load %arg10[%get3A_334, %get3A_335] {strides = array<i32>} : memref<4x80xi32, #tpu.memory_space<vmem>>, vector<16xi32>,
    %add3A_337 = vector.broadcast %mul3A_0 : i32 to vector<16xi32>
    %add3A_338 = arith.addi %get3A_336, %add3A_337 : vector<16xi32>
    %swap3A_339 = arith.constant 0 : i32
    %swap3A_340 = arith.index_cast %swap3A_339 : i32 to index
    %swap3A_341 = arith.constant 64 : index
    %swap3A_342 = tpu.vector_load %arg13[%swap3A_340, %swap3A_341] {strides = array<i32>} : memref<2x80xi32, #tpu.memory_space<vmem>>, vector<16xi32>,
    tpu.vector_store %arg13[%swap3A_340, %swap3A_341], %add3A_338 {strides = array<i32>} : memref<2x80xi32, #tpu.memory_space<vmem>>, vector<16xi32>,
    %get3A_343 = arith.constant 0 : i32
    %get3A_344 = arith.index_cast %get3A_343 : i32 to index
    %get3A_345 = arith.constant 64 : index
    %get3A_346 = tpu.vector_load %arg11[%get3A_344, %get3A_345] {strides = array<i32>} : memref<4x80xi32, #tpu.memory_space<vmem>>, vector<16xi32>,
    %add3A_347 = vector.broadcast %mul3A_0 : i32 to vector<16xi32>
    %add3A_348 = arith.addi %get3A_346, %add3A_347 : vector<16xi32>
    %swap3A_349 = arith.constant 0 : i32
    %swap3A_350 = arith.index_cast %swap3A_349 : i32 to index
    %swap3A_351 = arith.constant 64 : index
    %swap3A_352 = tpu.vector_load %arg14[%swap3A_350, %swap3A_351] {strides = array<i32>} : memref<2x80xi32, #tpu.memory_space<vmem>>, vector<16xi32>,
    tpu.vector_store %arg14[%swap3A_350, %swap3A_351], %add3A_348 {strides = array<i32>} : memref<2x80xi32, #tpu.memory_space<vmem>>, vector<16xi32>,
    %dma_start3A_353 = arith.constant 0 : i32
    %dma_start3A_354 = arith.constant 0 : i32
    %dma_start3A_355 = arith.constant 0 : i32
    %dma_start3A_356 = tpu.memref_slice %arg15[%dma_start3A_354, %dma_start3A_355] : memref<160x64xf32, #tpu.memory_space<vmem>> -> memref<80x64xf32, #tpu.memory_space<vmem>>
    %dma_start3A_357 = arith.constant 0 : i32
    %dma_start3A_358 = tpu.memref_slice %arg13[%dma_start3A_353, %dma_start3A_357] : memref<2x80xi32, #tpu.memory_space<vmem>> -> memref<1x80xi32, #tpu.memory_space<vmem>>
    %dma_start3A_359 = tpu.memref_squeeze %dma_start3A_358 : memref<1x80xi32, #tpu.memory_space<vmem>> -> memref<80xi32, #tpu.memory_space<vmem>>
    %dma_start3A_360 = arith.constant 0 : i32
    %dma_start3A_361 = arith.constant 0 : i32
    %dma_start3A_362 = tpu.memref_slice %arg2[%dma_start3A_360, %dma_start3A_361] : memref<20000x64xf32, #tpu.memory_space<hbm>> -> memref<20000x64xf32, #tpu.memory_space<hbm>>
    tpu.enqueue_indirect_dma source(%dma_start3A_362 : memref<20000x64xf32, #tpu.memory_space<hbm>>) target(%dma_start3A_356 : memref<80x64xf32, #tpu.memory_space<vmem>>) offsets(%dma_start3A_359 : memref<80xi32, #tpu.memory_space<vmem>>) semaphore(%arg21 : memref<!tpu.dma_semaphore, #tpu.memory_space<semaphore_mem>>)
    %dma_start3A_363 = arith.constant 0 : i32
    %dma_start3A_364 = arith.constant 0 : i32
    %dma_start3A_365 = arith.constant 0 : i32
    %dma_start3A_366 = tpu.memref_slice %arg16[%dma_start3A_364, %dma_start3A_365] : memref<160x128xf32, #tpu.memory_space<vmem>> -> memref<80x128xf32, #tpu.memory_space<vmem>>
    %dma_start3A_367 = arith.constant 0 : i32
    %dma_start3A_368 = tpu.memref_slice %arg14[%dma_start3A_363, %dma_start3A_367] : memref<2x80xi32, #tpu.memory_space<vmem>> -> memref<1x80xi32, #tpu.memory_space<vmem>>
    %dma_start3A_369 = tpu.memref_squeeze %dma_start3A_368 : memref<1x80xi32, #tpu.memory_space<vmem>> -> memref<80xi32, #tpu.memory_space<vmem>>
    %dma_start3A_370 = arith.constant 0 : i32
    %dma_start3A_371 = arith.constant 0 : i32
    %dma_start3A_372 = tpu.memref_slice %arg3[%dma_start3A_370, %dma_start3A_371] : memref<20000x128xf32, #tpu.memory_space<hbm>> -> memref<20000x128xf32, #tpu.memory_space<hbm>>
    tpu.enqueue_indirect_dma source(%dma_start3A_372 : memref<20000x128xf32, #tpu.memory_space<hbm>>) target(%dma_start3A_366 : memref<80x128xf32, #tpu.memory_space<vmem>>) offsets(%dma_start3A_369 : memref<80xi32, #tpu.memory_space<vmem>>) semaphore(%arg22 : memref<!tpu.dma_semaphore, #tpu.memory_space<semaphore_mem>>)
    %mul3A_373 = arith.constant 250 : i32
    %mul3A_374 = arith.muli %arg1, %mul3A_373 : i32
    %add3A_375 = arith.constant 1 : i32
    %add3A_376 = arith.addi %mul3A_374, %add3A_375 : i32
    %dma_start3A_377 = arith.constant 1 : i32
    %dma_start3A_378 = arith.constant 0 : i32
    %dma_start3A_379 = tpu.memref_slice %arg10[%dma_start3A_377, %dma_start3A_378] : memref<4x80xi32, #tpu.memory_space<vmem>> -> memref<1x80xi32, #tpu.memory_space<vmem>>
    %dma_start3A_380 = tpu.memref_squeeze %dma_start3A_379 : memref<1x80xi32, #tpu.memory_space<vmem>> -> memref<80xi32, #tpu.memory_space<vmem>>
    %dma_start3A_381 = arith.constant 0 : i32
    %dma_start3A_382 = tpu.memref_slice %arg7[%add3A_376, %dma_start3A_381] : memref<4000x80xi32, #tpu.memory_space<hbm>> -> memref<1x80xi32, #tpu.memory_space<hbm>>
    %dma_start3A_383 = tpu.memref_squeeze %dma_start3A_382 : memref<1x80xi32, #tpu.memory_space<hbm>> -> memref<80xi32, #tpu.memory_space<hbm>>
    %dma_start3A_384 = arith.constant 0 : i32
    %dma_start3A_385 = tpu.memref_slice %arg10[%dma_start3A_377, %dma_start3A_384] : memref<4x80xi32, #tpu.memory_space<vmem>> -> memref<1x80xi32, #tpu.memory_space<vmem>>
    %dma_start3A_386 = tpu.memref_squeeze %dma_start3A_385 : memref<1x80xi32, #tpu.memory_space<vmem>> -> memref<80xi32, #tpu.memory_space<vmem>>
    %dma_start3A_387 = arith.constant 0 : i32
    %dma_start3A_388 = tpu.memref_slice %arg7[%add3A_376, %dma_start3A_387] : memref<4000x80xi32, #tpu.memory_space<hbm>> -> memref<1x80xi32, #tpu.memory_space<hbm>>
    %dma_start3A_389 = tpu.memref_squeeze %dma_start3A_388 : memref<1x80xi32, #tpu.memory_space<hbm>> -> memref<80xi32, #tpu.memory_space<hbm>>
    tpu.enqueue_dma source(%dma_start3A_389 : memref<80xi32, #tpu.memory_space<hbm>>) target(%dma_start3A_386 : memref<80xi32, #tpu.memory_space<vmem>>) target_semaphore(%arg20 : memref<!tpu.dma_semaphore, #tpu.memory_space<semaphore_mem>>)
    %dma_start3A_390 = arith.constant 1 : i32
    %dma_start3A_391 = arith.constant 0 : i32
    %dma_start3A_392 = tpu.memref_slice %arg11[%dma_start3A_390, %dma_start3A_391] : memref<4x80xi32, #tpu.memory_space<vmem>> -> memref<1x80xi32, #tpu.memory_space<vmem>>
    %dma_start3A_393 = tpu.memref_squeeze %dma_start3A_392 : memref<1x80xi32, #tpu.memory_space<vmem>> -> memref<80xi32, #tpu.memory_space<vmem>>
    %dma_start3A_394 = arith.constant 0 : i32
    %dma_start3A_395 = tpu.memref_slice %arg6[%add3A_376, %dma_start3A_394] : memref<4000x80xi32, #tpu.memory_space<hbm>> -> memref<1x80xi32, #tpu.memory_space<hbm>>
    %dma_start3A_396 = tpu.memref_squeeze %dma_start3A_395 : memref<1x80xi32, #tpu.memory_space<hbm>> -> memref<80xi32, #tpu.memory_space<hbm>>
    %dma_start3A_397 = arith.constant 0 : i32
    %dma_start3A_398 = tpu.memref_slice %arg11[%dma_start3A_390, %dma_start3A_397] : memref<4x80xi32, #tpu.memory_space<vmem>> -> memref<1x80xi32, #tpu.memory_space<vmem>>
    %dma_start3A_399 = tpu.memref_squeeze %dma_start3A_398 : memref<1x80xi32, #tpu.memory_space<vmem>> -> memref<80xi32, #tpu.memory_space<vmem>>
    %dma_start3A_400 = arith.constant 0 : i32
    %dma_start3A_401 = tpu.memref_slice %arg6[%add3A_376, %dma_start3A_400] : memref<4000x80xi32, #tpu.memory_space<hbm>> -> memref<1x80xi32, #tpu.memory_space<hbm>>
    %dma_start3A_402 = tpu.memref_squeeze %dma_start3A_401 : memref<1x80xi32, #tpu.memory_space<hbm>> -> memref<80xi32, #tpu.memory_space<hbm>>
    tpu.enqueue_dma source(%dma_start3A_402 : memref<80xi32, #tpu.memory_space<hbm>>) target(%dma_start3A_399 : memref<80xi32, #tpu.memory_space<vmem>>) target_semaphore(%arg20 : memref<!tpu.dma_semaphore, #tpu.memory_space<semaphore_mem>>)
    %dma_start3A_403 = arith.constant 1 : i32
    %dma_start3A_404 = arith.constant 0 : i32
    %dma_start3A_405 = tpu.memref_slice %arg12[%dma_start3A_403, %dma_start3A_404] : memref<4x160xf32, #tpu.memory_space<vmem>> -> memref<1x160xf32, #tpu.memory_space<vmem>>
    %dma_start3A_406 = tpu.memref_squeeze %dma_start3A_405 : memref<1x160xf32, #tpu.memory_space<vmem>> -> memref<160xf32, #tpu.memory_space<vmem>>
    %dma_start3A_407 = arith.constant 0 : i32
    %dma_start3A_408 = tpu.memref_slice %arg4[%add3A_376, %dma_start3A_407] : memref<4000x160xf32, #tpu.memory_space<hbm>> -> memref<1x160xf32, #tpu.memory_space<hbm>>
    %dma_start3A_409 = tpu.memref_squeeze %dma_start3A_408 : memref<1x160xf32, #tpu.memory_space<hbm>> -> memref<160xf32, #tpu.memory_space<hbm>>
    %dma_start3A_410 = arith.constant 0 : i32
    %dma_start3A_411 = tpu.memref_slice %arg12[%dma_start3A_403, %dma_start3A_410] : memref<4x160xf32, #tpu.memory_space<vmem>> -> memref<1x160xf32, #tpu.memory_space<vmem>>
    %dma_start3A_412 = tpu.memref_squeeze %dma_start3A_411 : memref<1x160xf32, #tpu.memory_space<vmem>> -> memref<160xf32, #tpu.memory_space<vmem>>
    %dma_start3A_413 = arith.constant 0 : i32
    %dma_start3A_414 = tpu.memref_slice %arg4[%add3A_376, %dma_start3A_413] : memref<4000x160xf32, #tpu.memory_space<hbm>> -> memref<1x160xf32, #tpu.memory_space<hbm>>
    %dma_start3A_415 = tpu.memref_squeeze %dma_start3A_414 : memref<1x160xf32, #tpu.memory_space<hbm>> -> memref<160xf32, #tpu.memory_space<hbm>>
    tpu.enqueue_dma source(%dma_start3A_415 : memref<160xf32, #tpu.memory_space<hbm>>) target(%dma_start3A_412 : memref<160xf32, #tpu.memory_space<vmem>>) target_semaphore(%arg20 : memref<!tpu.dma_semaphore, #tpu.memory_space<semaphore_mem>>)
    %scan3A = arith.constant 0 : i32
    %scan3A_416 = arith.constant 0 : i32
    %scan3A_417 = arith.constant 250 : i32
    %scan3A_418 = arith.addi %scan3A_416, %scan3A_417 : i32
    %scan3A_419 = arith.constant 1 : i32
    scf.for %scan3A_446 = %scan3A_416 to %scan3A_418 step %scan3A_419  : i32 {
      %rem3A = arith.constant 4 : i32
      %rem3A_447 = arith.remsi %scan3A_446, %rem3A : i32
      %rem3A_448 = arith.constant 2 : i32
      %rem3A_449 = arith.remsi %scan3A_446, %rem3A_448 : i32
      %ge3A = arith.constant 2 : i32
      %ge3A_450 = arith.cmpi sge, %scan3A_446, %ge3A : i32
      %convert_element_type3A = arith.extui %ge3A_450 : i1 to i32
      %cond3A = arith.constant 0 : i32
      %cond3A_451 = arith.cmpi ne, %convert_element_type3A, %cond3A : i32
      scf.if %cond3A_451 {
        %dma_wait3A_596 = arith.constant 0 : i32
        %dma_wait3A_597 = arith.constant 0 : i32
        %dma_wait3A_598 = tpu.memref_slice %arg17[%dma_wait3A_596, %dma_wait3A_597] : memref<160x72xf32, #tpu.memory_space<vmem>> -> memref<80x72xf32, #tpu.memory_space<vmem>>
        %dma_wait3A_599 = arith.constant 0 : i32
        %dma_wait3A_600 = tpu.memref_slice %arg10[%rem3A_447, %dma_wait3A_599] : memref<4x80xi32, #tpu.memory_space<vmem>> -> memref<1x80xi32, #tpu.memory_space<vmem>>
        %dma_wait3A_601 = tpu.memref_squeeze %dma_wait3A_600 : memref<1x80xi32, #tpu.memory_space<vmem>> -> memref<80xi32, #tpu.memory_space<vmem>>
        %dma_wait3A_602 = arith.constant 0 : i32
        %dma_wait3A_603 = arith.constant 0 : i32
        %dma_wait3A_604 = tpu.memref_slice %arg19[%dma_wait3A_602, %dma_wait3A_603] : memref<10240x72xf32, #tpu.memory_space<vmem_shared>> -> memref<10240x72xf32, #tpu.memory_space<vmem_shared>>
        tpu.wait_indirect_dma semaphore(%arg23 : memref<!tpu.dma_semaphore, #tpu.memory_space<semaphore_mem>>) src(%dma_wait3A_598 : memref<80x72xf32, #tpu.memory_space<vmem>>) dst(%dma_wait3A_604 : memref<10240x72xf32, #tpu.memory_space<vmem_shared>>)
      } else {
      }
      %add3A_452 = arith.constant 2 : i32
      %add3A_453 = arith.addi %scan3A_446, %add3A_452 : i32
      %lt3A = arith.constant 250 : i32
      %lt3A_454 = arith.cmpi slt, %add3A_453, %lt3A : i32
      %convert_element_type3A_455 = arith.extui %lt3A_454 : i1 to i32
      %cond3A_456 = arith.constant 0 : i32
      %cond3A_457 = arith.cmpi ne, %convert_element_type3A_455, %cond3A_456 : i32
      scf.if %cond3A_457 {
        %add3A_596 = arith.constant 2 : i32
        %add3A_597 = arith.addi %scan3A_446, %add3A_596 : i32
        %add3A_598 = arith.constant 2 : i32
        %add3A_599 = arith.addi %scan3A_446, %add3A_598 : i32
        %rem3A_600 = arith.constant 4 : i32
        %rem3A_601 = arith.remsi %add3A_599, %rem3A_600 : i32
        %mul3A_602 = arith.constant 250 : i32
        %mul3A_603 = arith.muli %arg1, %mul3A_602 : i32
        %add3A_604 = arith.addi %mul3A_603, %add3A_597 : i32
        %dma_start3A_605 = arith.constant 0 : i32
        %dma_start3A_606 = tpu.memref_slice %arg10[%rem3A_601, %dma_start3A_605] : memref<4x80xi32, #tpu.memory_space<vmem>> -> memref<1x80xi32, #tpu.memory_space<vmem>>
        %dma_start3A_607 = tpu.memref_squeeze %dma_start3A_606 : memref<1x80xi32, #tpu.memory_space<vmem>> -> memref<80xi32, #tpu.memory_space<vmem>>
        %dma_start3A_608 = arith.constant 0 : i32
        %dma_start3A_609 = tpu.memref_slice %arg7[%add3A_604, %dma_start3A_608] : memref<4000x80xi32, #tpu.memory_space<hbm>> -> memref<1x80xi32, #tpu.memory_space<hbm>>
        %dma_start3A_610 = tpu.memref_squeeze %dma_start3A_609 : memref<1x80xi32, #tpu.memory_space<hbm>> -> memref<80xi32, #tpu.memory_space<hbm>>
        %dma_start3A_611 = arith.constant 0 : i32
        %dma_start3A_612 = tpu.memref_slice %arg10[%rem3A_601, %dma_start3A_611] : memref<4x80xi32, #tpu.memory_space<vmem>> -> memref<1x80xi32, #tpu.memory_space<vmem>>
        %dma_start3A_613 = tpu.memref_squeeze %dma_start3A_612 : memref<1x80xi32, #tpu.memory_space<vmem>> -> memref<80xi32, #tpu.memory_space<vmem>>
        %dma_start3A_614 = arith.constant 0 : i32
        %dma_start3A_615 = tpu.memref_slice %arg7[%add3A_604, %dma_start3A_614] : memref<4000x80xi32, #tpu.memory_space<hbm>> -> memref<1x80xi32, #tpu.memory_space<hbm>>
        %dma_start3A_616 = tpu.memref_squeeze %dma_start3A_615 : memref<1x80xi32, #tpu.memory_space<hbm>> -> memref<80xi32, #tpu.memory_space<hbm>>
        tpu.enqueue_dma source(%dma_start3A_616 : memref<80xi32, #tpu.memory_space<hbm>>) target(%dma_start3A_613 : memref<80xi32, #tpu.memory_space<vmem>>) target_semaphore(%arg20 : memref<!tpu.dma_semaphore, #tpu.memory_space<semaphore_mem>>)
        %dma_start3A_617 = arith.constant 0 : i32
        %dma_start3A_618 = tpu.memref_slice %arg11[%rem3A_601, %dma_start3A_617] : memref<4x80xi32, #tpu.memory_space<vmem>> -> memref<1x80xi32, #tpu.memory_space<vmem>>
        %dma_start3A_619 = tpu.memref_squeeze %dma_start3A_618 : memref<1x80xi32, #tpu.memory_space<vmem>> -> memref<80xi32, #tpu.memory_space<vmem>>
        %dma_start3A_620 = arith.constant 0 : i32
        %dma_start3A_621 = tpu.memref_slice %arg6[%add3A_604, %dma_start3A_620] : memref<4000x80xi32, #tpu.memory_space<hbm>> -> memref<1x80xi32, #tpu.memory_space<hbm>>
        %dma_start3A_622 = tpu.memref_squeeze %dma_start3A_621 : memref<1x80xi32, #tpu.memory_space<hbm>> -> memref<80xi32, #tpu.memory_space<hbm>>
        %dma_start3A_623 = arith.constant 0 : i32
        %dma_start3A_624 = tpu.memref_slice %arg11[%rem3A_601, %dma_start3A_623] : memref<4x80xi32, #tpu.memory_space<vmem>> -> memref<1x80xi32, #tpu.memory_space<vmem>>
        %dma_start3A_625 = tpu.memref_squeeze %dma_start3A_624 : memref<1x80xi32, #tpu.memory_space<vmem>> -> memref<80xi32, #tpu.memory_space<vmem>>
        %dma_start3A_626 = arith.constant 0 : i32
        %dma_start3A_627 = tpu.memref_slice %arg6[%add3A_604, %dma_start3A_626] : memref<4000x80xi32, #tpu.memory_space<hbm>> -> memref<1x80xi32, #tpu.memory_space<hbm>>
        %dma_start3A_628 = tpu.memref_squeeze %dma_start3A_627 : memref<1x80xi32, #tpu.memory_space<hbm>> -> memref<80xi32, #tpu.memory_space<hbm>>
        tpu.enqueue_dma source(%dma_start3A_628 : memref<80xi32, #tpu.memory_space<hbm>>) target(%dma_start3A_625 : memref<80xi32, #tpu.memory_space<vmem>>) target_semaphore(%arg20 : memref<!tpu.dma_semaphore, #tpu.memory_space<semaphore_mem>>)
        %dma_start3A_629 = arith.constant 0 : i32
        %dma_start3A_630 = tpu.memref_slice %arg12[%rem3A_601, %dma_start3A_629] : memref<4x160xf32, #tpu.memory_space<vmem>> -> memref<1x160xf32, #tpu.memory_space<vmem>>
        %dma_start3A_631 = tpu.memref_squeeze %dma_start3A_630 : memref<1x160xf32, #tpu.memory_space<vmem>> -> memref<160xf32, #tpu.memory_space<vmem>>
        %dma_start3A_632 = arith.constant 0 : i32
        %dma_start3A_633 = tpu.memref_slice %arg4[%add3A_604, %dma_start3A_632] : memref<4000x160xf32, #tpu.memory_space<hbm>> -> memref<1x160xf32, #tpu.memory_space<hbm>>
        %dma_start3A_634 = tpu.memref_squeeze %dma_start3A_633 : memref<1x160xf32, #tpu.memory_space<hbm>> -> memref<160xf32, #tpu.memory_space<hbm>>
        %dma_start3A_635 = arith.constant 0 : i32
        %dma_start3A_636 = tpu.memref_slice %arg12[%rem3A_601, %dma_start3A_635] : memref<4x160xf32, #tpu.memory_space<vmem>> -> memref<1x160xf32, #tpu.memory_space<vmem>>
        %dma_start3A_637 = tpu.memref_squeeze %dma_start3A_636 : memref<1x160xf32, #tpu.memory_space<vmem>> -> memref<160xf32, #tpu.memory_space<vmem>>
        %dma_start3A_638 = arith.constant 0 : i32
        %dma_start3A_639 = tpu.memref_slice %arg4[%add3A_604, %dma_start3A_638] : memref<4000x160xf32, #tpu.memory_space<hbm>> -> memref<1x160xf32, #tpu.memory_space<hbm>>
        %dma_start3A_640 = tpu.memref_squeeze %dma_start3A_639 : memref<1x160xf32, #tpu.memory_space<hbm>> -> memref<160xf32, #tpu.memory_space<hbm>>
        tpu.enqueue_dma source(%dma_start3A_640 : memref<160xf32, #tpu.memory_space<hbm>>) target(%dma_start3A_637 : memref<160xf32, #tpu.memory_space<vmem>>) target_semaphore(%arg20 : memref<!tpu.dma_semaphore, #tpu.memory_space<semaphore_mem>>)
      } else {
      }
      %add3A_458 = arith.constant 1 : i32
      %add3A_459 = arith.addi %scan3A_446, %add3A_458 : i32
      %lt3A_460 = arith.constant 250 : i32
      %lt3A_461 = arith.cmpi slt, %add3A_459, %lt3A_460 : i32
      %convert_element_type3A_462 = arith.extui %lt3A_461 : i1 to i32
      %cond3A_463 = arith.constant 0 : i32
      %cond3A_464 = arith.cmpi ne, %convert_element_type3A_462, %cond3A_463 : i32
      scf.if %cond3A_464 {
        %add3A_596 = arith.constant 1 : i32
        %add3A_597 = arith.addi %scan3A_446, %add3A_596 : i32
        %rem3A_598 = arith.constant 4 : i32
        %rem3A_599 = arith.remsi %add3A_597, %rem3A_598 : i32
        %add3A_600 = arith.constant 1 : i32
        %add3A_601 = arith.addi %scan3A_446, %add3A_600 : i32
        %mul3A_602 = arith.constant 250 : i32
        %mul3A_603 = arith.muli %arg1, %mul3A_602 : i32
        %add3A_604 = arith.addi %mul3A_603, %add3A_601 : i32
        %dma_wait3A_605 = arith.constant 0 : i32
        %dma_wait3A_606 = tpu.memref_slice %arg10[%rem3A_599, %dma_wait3A_605] : memref<4x80xi32, #tpu.memory_space<vmem>> -> memref<1x80xi32, #tpu.memory_space<vmem>>
        %dma_wait3A_607 = tpu.memref_squeeze %dma_wait3A_606 : memref<1x80xi32, #tpu.memory_space<vmem>> -> memref<80xi32, #tpu.memory_space<vmem>>
        %dma_wait3A_608 = arith.constant 0 : i32
        %dma_wait3A_609 = tpu.memref_slice %arg7[%add3A_604, %dma_wait3A_608] : memref<4000x80xi32, #tpu.memory_space<hbm>> -> memref<1x80xi32, #tpu.memory_space<hbm>>
        %dma_wait3A_610 = tpu.memref_squeeze %dma_wait3A_609 : memref<1x80xi32, #tpu.memory_space<hbm>> -> memref<80xi32, #tpu.memory_space<hbm>>
        %dma_wait3A_611 = arith.constant 0 : i32
        %dma_wait3A_612 = tpu.memref_slice %arg10[%rem3A_599, %dma_wait3A_611] : memref<4x80xi32, #tpu.memory_space<vmem>> -> memref<1x80xi32, #tpu.memory_space<vmem>>
        %dma_wait3A_613 = tpu.memref_squeeze %dma_wait3A_612 : memref<1x80xi32, #tpu.memory_space<vmem>> -> memref<80xi32, #tpu.memory_space<vmem>>
        %dma_wait3A_614 = arith.constant 0 : i32
        %dma_wait3A_615 = tpu.memref_slice %arg7[%add3A_604, %dma_wait3A_614] : memref<4000x80xi32, #tpu.memory_space<hbm>> -> memref<1x80xi32, #tpu.memory_space<hbm>>
        %dma_wait3A_616 = tpu.memref_squeeze %dma_wait3A_615 : memref<1x80xi32, #tpu.memory_space<hbm>> -> memref<80xi32, #tpu.memory_space<hbm>>
        tpu.wait_dma2 semaphore(%arg20 : memref<!tpu.dma_semaphore, #tpu.memory_space<semaphore_mem>>) src(%dma_wait3A_616 : memref<80xi32, #tpu.memory_space<hbm>>) dst(%dma_wait3A_613 : memref<80xi32, #tpu.memory_space<vmem>>)
        %dma_wait3A_617 = arith.constant 0 : i32
        %dma_wait3A_618 = tpu.memref_slice %arg11[%rem3A_599, %dma_wait3A_617] : memref<4x80xi32, #tpu.memory_space<vmem>> -> memref<1x80xi32, #tpu.memory_space<vmem>>
        %dma_wait3A_619 = tpu.memref_squeeze %dma_wait3A_618 : memref<1x80xi32, #tpu.memory_space<vmem>> -> memref<80xi32, #tpu.memory_space<vmem>>
        %dma_wait3A_620 = arith.constant 0 : i32
        %dma_wait3A_621 = tpu.memref_slice %arg6[%add3A_604, %dma_wait3A_620] : memref<4000x80xi32, #tpu.memory_space<hbm>> -> memref<1x80xi32, #tpu.memory_space<hbm>>
        %dma_wait3A_622 = tpu.memref_squeeze %dma_wait3A_621 : memref<1x80xi32, #tpu.memory_space<hbm>> -> memref<80xi32, #tpu.memory_space<hbm>>
        %dma_wait3A_623 = arith.constant 0 : i32
        %dma_wait3A_624 = tpu.memref_slice %arg11[%rem3A_599, %dma_wait3A_623] : memref<4x80xi32, #tpu.memory_space<vmem>> -> memref<1x80xi32, #tpu.memory_space<vmem>>
        %dma_wait3A_625 = tpu.memref_squeeze %dma_wait3A_624 : memref<1x80xi32, #tpu.memory_space<vmem>> -> memref<80xi32, #tpu.memory_space<vmem>>
        %dma_wait3A_626 = arith.constant 0 : i32
        %dma_wait3A_627 = tpu.memref_slice %arg6[%add3A_604, %dma_wait3A_626] : memref<4000x80xi32, #tpu.memory_space<hbm>> -> memref<1x80xi32, #tpu.memory_space<hbm>>
        %dma_wait3A_628 = tpu.memref_squeeze %dma_wait3A_627 : memref<1x80xi32, #tpu.memory_space<hbm>> -> memref<80xi32, #tpu.memory_space<hbm>>
        tpu.wait_dma2 semaphore(%arg20 : memref<!tpu.dma_semaphore, #tpu.memory_space<semaphore_mem>>) src(%dma_wait3A_628 : memref<80xi32, #tpu.memory_space<hbm>>) dst(%dma_wait3A_625 : memref<80xi32, #tpu.memory_space<vmem>>)
        %dma_wait3A_629 = arith.constant 0 : i32
        %dma_wait3A_630 = tpu.memref_slice %arg12[%rem3A_599, %dma_wait3A_629] : memref<4x160xf32, #tpu.memory_space<vmem>> -> memref<1x160xf32, #tpu.memory_space<vmem>>
        %dma_wait3A_631 = tpu.memref_squeeze %dma_wait3A_630 : memref<1x160xf32, #tpu.memory_space<vmem>> -> memref<160xf32, #tpu.memory_space<vmem>>
        %dma_wait3A_632 = arith.constant 0 : i32
        %dma_wait3A_633 = tpu.memref_slice %arg4[%add3A_604, %dma_wait3A_632] : memref<4000x160xf32, #tpu.memory_space<hbm>> -> memref<1x160xf32, #tpu.memory_space<hbm>>
        %dma_wait3A_634 = tpu.memref_squeeze %dma_wait3A_633 : memref<1x160xf32, #tpu.memory_space<hbm>> -> memref<160xf32, #tpu.memory_space<hbm>>
        %dma_wait3A_635 = arith.constant 0 : i32
        %dma_wait3A_636 = tpu.memref_slice %arg12[%rem3A_599, %dma_wait3A_635] : memref<4x160xf32, #tpu.memory_space<vmem>> -> memref<1x160xf32, #tpu.memory_space<vmem>>
        %dma_wait3A_637 = tpu.memref_squeeze %dma_wait3A_636 : memref<1x160xf32, #tpu.memory_space<vmem>> -> memref<160xf32, #tpu.memory_space<vmem>>
        %dma_wait3A_638 = arith.constant 0 : i32
        %dma_wait3A_639 = tpu.memref_slice %arg4[%add3A_604, %dma_wait3A_638] : memref<4000x160xf32, #tpu.memory_space<hbm>> -> memref<1x160xf32, #tpu.memory_space<hbm>>
        %dma_wait3A_640 = tpu.memref_squeeze %dma_wait3A_639 : memref<1x160xf32, #tpu.memory_space<hbm>> -> memref<160xf32, #tpu.memory_space<hbm>>
        tpu.wait_dma2 semaphore(%arg20 : memref<!tpu.dma_semaphore, #tpu.memory_space<semaphore_mem>>) src(%dma_wait3A_640 : memref<160xf32, #tpu.memory_space<hbm>>) dst(%dma_wait3A_637 : memref<160xf32, #tpu.memory_space<vmem>>)
        %sub3A = arith.constant 1 : i32
        %sub3A_641 = arith.subi %sub3A, %rem3A_449 : i32
        %get3A_642 = arith.index_cast %rem3A_599 : i32 to index
        %get3A_643 = arith.constant 0 : index
        %get3A_644 = tpu.vector_load %arg10[%get3A_642, %get3A_643] {strides = array<i32>} : memref<4x80xi32, #tpu.memory_space<vmem>>, vector<16xi32>,
        %add3A_645 = vector.broadcast %mul3A_0 : i32 to vector<16xi32>
        %add3A_646 = arith.addi %get3A_644, %add3A_645 : vector<16xi32>
        %swap3A_647 = arith.index_cast %sub3A_641 : i32 to index
        %swap3A_648 = arith.constant 0 : index
        %swap3A_649 = tpu.vector_load %arg13[%swap3A_647, %swap3A_648] {strides = array<i32>} : memref<2x80xi32, #tpu.memory_space<vmem>>, vector<16xi32>,
        tpu.vector_store %arg13[%swap3A_647, %swap3A_648], %add3A_646 {strides = array<i32>} : memref<2x80xi32, #tpu.memory_space<vmem>>, vector<16xi32>,
        %get3A_650 = arith.index_cast %rem3A_599 : i32 to index
        %get3A_651 = arith.constant 0 : index
        %get3A_652 = tpu.vector_load %arg11[%get3A_650, %get3A_651] {strides = array<i32>} : memref<4x80xi32, #tpu.memory_space<vmem>>, vector<16xi32>,
        %add3A_653 = vector.broadcast %mul3A_0 : i32 to vector<16xi32>
        %add3A_654 = arith.addi %get3A_652, %add3A_653 : vector<16xi32>
        %swap3A_655 = arith.index_cast %sub3A_641 : i32 to index
        %swap3A_656 = arith.constant 0 : index
        %swap3A_657 = tpu.vector_load %arg14[%swap3A_655, %swap3A_656] {strides = array<i32>} : memref<2x80xi32, #tpu.memory_space<vmem>>, vector<16xi32>,
        tpu.vector_store %arg14[%swap3A_655, %swap3A_656], %add3A_654 {strides = array<i32>} : memref<2x80xi32, #tpu.memory_space<vmem>>, vector<16xi32>,
        %get3A_658 = arith.index_cast %rem3A_599 : i32 to index
        %get3A_659 = arith.constant 16 : index
        %get3A_660 = tpu.vector_load %arg10[%get3A_658, %get3A_659] {strides = array<i32>} : memref<4x80xi32, #tpu.memory_space<vmem>>, vector<16xi32>,
        %add3A_661 = vector.broadcast %mul3A_0 : i32 to vector<16xi32>
        %add3A_662 = arith.addi %get3A_660, %add3A_661 : vector<16xi32>
        %swap3A_663 = arith.index_cast %sub3A_641 : i32 to index
        %swap3A_664 = arith.constant 16 : index
        %swap3A_665 = tpu.vector_load %arg13[%swap3A_663, %swap3A_664] {strides = array<i32>} : memref<2x80xi32, #tpu.memory_space<vmem>>, vector<16xi32>,
        tpu.vector_store %arg13[%swap3A_663, %swap3A_664], %add3A_662 {strides = array<i32>} : memref<2x80xi32, #tpu.memory_space<vmem>>, vector<16xi32>,
        %get3A_666 = arith.index_cast %rem3A_599 : i32 to index
        %get3A_667 = arith.constant 16 : index
        %get3A_668 = tpu.vector_load %arg11[%get3A_666, %get3A_667] {strides = array<i32>} : memref<4x80xi32, #tpu.memory_space<vmem>>, vector<16xi32>,
        %add3A_669 = vector.broadcast %mul3A_0 : i32 to vector<16xi32>
        %add3A_670 = arith.addi %get3A_668, %add3A_669 : vector<16xi32>
        %swap3A_671 = arith.index_cast %sub3A_641 : i32 to index
        %swap3A_672 = arith.constant 16 : index
        %swap3A_673 = tpu.vector_load %arg14[%swap3A_671, %swap3A_672] {strides = array<i32>} : memref<2x80xi32, #tpu.memory_space<vmem>>, vector<16xi32>,
        tpu.vector_store %arg14[%swap3A_671, %swap3A_672], %add3A_670 {strides = array<i32>} : memref<2x80xi32, #tpu.memory_space<vmem>>, vector<16xi32>,
        %get3A_674 = arith.index_cast %rem3A_599 : i32 to index
        %get3A_675 = arith.constant 32 : index
        %get3A_676 = tpu.vector_load %arg10[%get3A_674, %get3A_675] {strides = array<i32>} : memref<4x80xi32, #tpu.memory_space<vmem>>, vector<16xi32>,
        %add3A_677 = vector.broadcast %mul3A_0 : i32 to vector<16xi32>
        %add3A_678 = arith.addi %get3A_676, %add3A_677 : vector<16xi32>
        %swap3A_679 = arith.index_cast %sub3A_641 : i32 to index
        %swap3A_680 = arith.constant 32 : index
        %swap3A_681 = tpu.vector_load %arg13[%swap3A_679, %swap3A_680] {strides = array<i32>} : memref<2x80xi32, #tpu.memory_space<vmem>>, vector<16xi32>,
        tpu.vector_store %arg13[%swap3A_679, %swap3A_680], %add3A_678 {strides = array<i32>} : memref<2x80xi32, #tpu.memory_space<vmem>>, vector<16xi32>,
        %get3A_682 = arith.index_cast %rem3A_599 : i32 to index
        %get3A_683 = arith.constant 32 : index
        %get3A_684 = tpu.vector_load %arg11[%get3A_682, %get3A_683] {strides = array<i32>} : memref<4x80xi32, #tpu.memory_space<vmem>>, vector<16xi32>,
        %add3A_685 = vector.broadcast %mul3A_0 : i32 to vector<16xi32>
        %add3A_686 = arith.addi %get3A_684, %add3A_685 : vector<16xi32>
        %swap3A_687 = arith.index_cast %sub3A_641 : i32 to index
        %swap3A_688 = arith.constant 32 : index
        %swap3A_689 = tpu.vector_load %arg14[%swap3A_687, %swap3A_688] {strides = array<i32>} : memref<2x80xi32, #tpu.memory_space<vmem>>, vector<16xi32>,
        tpu.vector_store %arg14[%swap3A_687, %swap3A_688], %add3A_686 {strides = array<i32>} : memref<2x80xi32, #tpu.memory_space<vmem>>, vector<16xi32>,
        %get3A_690 = arith.index_cast %rem3A_599 : i32 to index
        %get3A_691 = arith.constant 48 : index
        %get3A_692 = tpu.vector_load %arg10[%get3A_690, %get3A_691] {strides = array<i32>} : memref<4x80xi32, #tpu.memory_space<vmem>>, vector<16xi32>,
        %add3A_693 = vector.broadcast %mul3A_0 : i32 to vector<16xi32>
        %add3A_694 = arith.addi %get3A_692, %add3A_693 : vector<16xi32>
        %swap3A_695 = arith.index_cast %sub3A_641 : i32 to index
        %swap3A_696 = arith.constant 48 : index
        %swap3A_697 = tpu.vector_load %arg13[%swap3A_695, %swap3A_696] {strides = array<i32>} : memref<2x80xi32, #tpu.memory_space<vmem>>, vector<16xi32>,
        tpu.vector_store %arg13[%swap3A_695, %swap3A_696], %add3A_694 {strides = array<i32>} : memref<2x80xi32, #tpu.memory_space<vmem>>, vector<16xi32>,
        %get3A_698 = arith.index_cast %rem3A_599 : i32 to index
        %get3A_699 = arith.constant 48 : index
        %get3A_700 = tpu.vector_load %arg11[%get3A_698, %get3A_699] {strides = array<i32>} : memref<4x80xi32, #tpu.memory_space<vmem>>, vector<16xi32>,
        %add3A_701 = vector.broadcast %mul3A_0 : i32 to vector<16xi32>
        %add3A_702 = arith.addi %get3A_700, %add3A_701 : vector<16xi32>
        %swap3A_703 = arith.index_cast %sub3A_641 : i32 to index
        %swap3A_704 = arith.constant 48 : index
        %swap3A_705 = tpu.vector_load %arg14[%swap3A_703, %swap3A_704] {strides = array<i32>} : memref<2x80xi32, #tpu.memory_space<vmem>>, vector<16xi32>,
        tpu.vector_store %arg14[%swap3A_703, %swap3A_704], %add3A_702 {strides = array<i32>} : memref<2x80xi32, #tpu.memory_space<vmem>>, vector<16xi32>,
        %get3A_706 = arith.index_cast %rem3A_599 : i32 to index
        %get3A_707 = arith.constant 64 : index
        %get3A_708 = tpu.vector_load %arg10[%get3A_706, %get3A_707] {strides = array<i32>} : memref<4x80xi32, #tpu.memory_space<vmem>>, vector<16xi32>,
        %add3A_709 = vector.broadcast %mul3A_0 : i32 to vector<16xi32>
        %add3A_710 = arith.addi %get3A_708, %add3A_709 : vector<16xi32>
        %swap3A_711 = arith.index_cast %sub3A_641 : i32 to index
        %swap3A_712 = arith.constant 64 : index
        %swap3A_713 = tpu.vector_load %arg13[%swap3A_711, %swap3A_712] {strides = array<i32>} : memref<2x80xi32, #tpu.memory_space<vmem>>, vector<16xi32>,
        tpu.vector_store %arg13[%swap3A_711, %swap3A_712], %add3A_710 {strides = array<i32>} : memref<2x80xi32, #tpu.memory_space<vmem>>, vector<16xi32>,
        %get3A_714 = arith.index_cast %rem3A_599 : i32 to index
        %get3A_715 = arith.constant 64 : index
        %get3A_716 = tpu.vector_load %arg11[%get3A_714, %get3A_715] {strides = array<i32>} : memref<4x80xi32, #tpu.memory_space<vmem>>, vector<16xi32>,
        %add3A_717 = vector.broadcast %mul3A_0 : i32 to vector<16xi32>
        %add3A_718 = arith.addi %get3A_716, %add3A_717 : vector<16xi32>
        %swap3A_719 = arith.index_cast %sub3A_641 : i32 to index
        %swap3A_720 = arith.constant 64 : index
        %swap3A_721 = tpu.vector_load %arg14[%swap3A_719, %swap3A_720] {strides = array<i32>} : memref<2x80xi32, #tpu.memory_space<vmem>>, vector<16xi32>,
        tpu.vector_store %arg14[%swap3A_719, %swap3A_720], %add3A_718 {strides = array<i32>} : memref<2x80xi32, #tpu.memory_space<vmem>>, vector<16xi32>,
        %sub3A_722 = arith.constant 1 : i32
        %sub3A_723 = arith.subi %sub3A_722, %rem3A_449 : i32
        %mul3A_724 = arith.constant 80 : i32
        %mul3A_725 = arith.muli %sub3A_723, %mul3A_724 : i32
        %dma_start3A_726 = arith.constant 0 : i32
        %dma_start3A_727 = tpu.memref_slice %arg15[%mul3A_725, %dma_start3A_726] : memref<160x64xf32, #tpu.memory_space<vmem>> -> memref<80x64xf32, #tpu.memory_space<vmem>>
        %dma_start3A_728 = arith.constant 0 : i32
        %dma_start3A_729 = tpu.memref_slice %arg13[%sub3A_723, %dma_start3A_728] : memref<2x80xi32, #tpu.memory_space<vmem>> -> memref<1x80xi32, #tpu.memory_space<vmem>>
        %dma_start3A_730 = tpu.memref_squeeze %dma_start3A_729 : memref<1x80xi32, #tpu.memory_space<vmem>> -> memref<80xi32, #tpu.memory_space<vmem>>
        %dma_start3A_731 = arith.constant 0 : i32
        %dma_start3A_732 = arith.constant 0 : i32
        %dma_start3A_733 = tpu.memref_slice %arg2[%dma_start3A_731, %dma_start3A_732] : memref<20000x64xf32, #tpu.memory_space<hbm>> -> memref<20000x64xf32, #tpu.memory_space<hbm>>
        tpu.enqueue_indirect_dma source(%dma_start3A_733 : memref<20000x64xf32, #tpu.memory_space<hbm>>) target(%dma_start3A_727 : memref<80x64xf32, #tpu.memory_space<vmem>>) offsets(%dma_start3A_730 : memref<80xi32, #tpu.memory_space<vmem>>) semaphore(%arg21 : memref<!tpu.dma_semaphore, #tpu.memory_space<semaphore_mem>>)
        %mul3A_734 = arith.constant 80 : i32
        %mul3A_735 = arith.muli %sub3A_723, %mul3A_734 : i32
        %dma_start3A_736 = arith.constant 0 : i32
        %dma_start3A_737 = tpu.memref_slice %arg16[%mul3A_735, %dma_start3A_736] : memref<160x128xf32, #tpu.memory_space<vmem>> -> memref<80x128xf32, #tpu.memory_space<vmem>>
        %dma_start3A_738 = arith.constant 0 : i32
        %dma_start3A_739 = tpu.memref_slice %arg14[%sub3A_723, %dma_start3A_738] : memref<2x80xi32, #tpu.memory_space<vmem>> -> memref<1x80xi32, #tpu.memory_space<vmem>>
        %dma_start3A_740 = tpu.memref_squeeze %dma_start3A_739 : memref<1x80xi32, #tpu.memory_space<vmem>> -> memref<80xi32, #tpu.memory_space<vmem>>
        %dma_start3A_741 = arith.constant 0 : i32
        %dma_start3A_742 = arith.constant 0 : i32
        %dma_start3A_743 = tpu.memref_slice %arg3[%dma_start3A_741, %dma_start3A_742] : memref<20000x128xf32, #tpu.memory_space<hbm>> -> memref<20000x128xf32, #tpu.memory_space<hbm>>
        tpu.enqueue_indirect_dma source(%dma_start3A_743 : memref<20000x128xf32, #tpu.memory_space<hbm>>) target(%dma_start3A_737 : memref<80x128xf32, #tpu.memory_space<vmem>>) offsets(%dma_start3A_740 : memref<80xi32, #tpu.memory_space<vmem>>) semaphore(%arg22 : memref<!tpu.dma_semaphore, #tpu.memory_space<semaphore_mem>>)
      } else {
      }
      %mul3A_465 = arith.constant 80 : i32
      %mul3A_466 = arith.muli %rem3A_449, %mul3A_465 : i32
      %dma_wait3A_467 = arith.constant 0 : i32
      %dma_wait3A_468 = tpu.memref_slice %arg15[%mul3A_466, %dma_wait3A_467] : memref<160x64xf32, #tpu.memory_space<vmem>> -> memref<80x64xf32, #tpu.memory_space<vmem>>
      %dma_wait3A_469 = arith.constant 0 : i32
      %dma_wait3A_470 = tpu.memref_slice %arg13[%rem3A_449, %dma_wait3A_469] : memref<2x80xi32, #tpu.memory_space<vmem>> -> memref<1x80xi32, #tpu.memory_space<vmem>>
      %dma_wait3A_471 = tpu.memref_squeeze %dma_wait3A_470 : memref<1x80xi32, #tpu.memory_space<vmem>> -> memref<80xi32, #tpu.memory_space<vmem>>
      %dma_wait3A_472 = arith.constant 0 : i32
      %dma_wait3A_473 = arith.constant 0 : i32
      %dma_wait3A_474 = tpu.memref_slice %arg2[%dma_wait3A_472, %dma_wait3A_473] : memref<20000x64xf32, #tpu.memory_space<hbm>> -> memref<20000x64xf32, #tpu.memory_space<hbm>>
      tpu.wait_indirect_dma semaphore(%arg21 : memref<!tpu.dma_semaphore, #tpu.memory_space<semaphore_mem>>) src(%dma_wait3A_474 : memref<20000x64xf32, #tpu.memory_space<hbm>>) dst(%dma_wait3A_468 : memref<80x64xf32, #tpu.memory_space<vmem>>)
      %mul3A_475 = arith.constant 80 : i32
      %mul3A_476 = arith.muli %rem3A_449, %mul3A_475 : i32
      %dma_wait3A_477 = arith.constant 0 : i32
      %dma_wait3A_478 = tpu.memref_slice %arg16[%mul3A_476, %dma_wait3A_477] : memref<160x128xf32, #tpu.memory_space<vmem>> -> memref<80x128xf32, #tpu.memory_space<vmem>>
      %dma_wait3A_479 = arith.constant 0 : i32
      %dma_wait3A_480 = tpu.memref_slice %arg14[%rem3A_449, %dma_wait3A_479] : memref<2x80xi32, #tpu.memory_space<vmem>> -> memref<1x80xi32, #tpu.memory_space<vmem>>
      %dma_wait3A_481 = tpu.memref_squeeze %dma_wait3A_480 : memref<1x80xi32, #tpu.memory_space<vmem>> -> memref<80xi32, #tpu.memory_space<vmem>>
      %dma_wait3A_482 = arith.constant 0 : i32
      %dma_wait3A_483 = arith.constant 0 : i32
      %dma_wait3A_484 = tpu.memref_slice %arg3[%dma_wait3A_482, %dma_wait3A_483] : memref<20000x128xf32, #tpu.memory_space<hbm>> -> memref<20000x128xf32, #tpu.memory_space<hbm>>
      tpu.wait_indirect_dma semaphore(%arg22 : memref<!tpu.dma_semaphore, #tpu.memory_space<semaphore_mem>>) src(%dma_wait3A_484 : memref<20000x128xf32, #tpu.memory_space<hbm>>) dst(%dma_wait3A_478 : memref<80x128xf32, #tpu.memory_space<vmem>>)
      %mul3A_485 = arith.constant 80 : i32
      %mul3A_486 = arith.muli %rem3A_449, %mul3A_485 : i32
      %add3A_487 = arith.constant 0 : i32
      %add3A_488 = vector.broadcast %add3A_487 : i32 to vector<16xi32>
      %add3A_489 = arith.addi %iota3A, %add3A_488 : vector<16xi32>
      %and3A = arith.constant 15 : i32
      %and3A_490 = vector.broadcast %and3A : i32 to vector<16xi32>
      %and3A_491 = arith.andi %add3A_489, %and3A_490 : vector<16xi32>
      %add3A_492 = arith.constant 1 : i32
      %add3A_493 = vector.broadcast %add3A_492 : i32 to vector<16xi32>
      %add3A_494 = arith.addi %iota3A, %add3A_493 : vector<16xi32>
      %and3A_495 = arith.constant 15 : i32
      %and3A_496 = vector.broadcast %and3A_495 : i32 to vector<16xi32>
      %and3A_497 = arith.andi %add3A_494, %and3A_496 : vector<16xi32>
      %add3A_498 = arith.constant 2 : i32
      %add3A_499 = vector.broadcast %add3A_498 : i32 to vector<16xi32>
      %add3A_500 = arith.addi %iota3A, %add3A_499 : vector<16xi32>
      %and3A_501 = arith.constant 15 : i32
      %and3A_502 = vector.broadcast %and3A_501 : i32 to vector<16xi32>
      %and3A_503 = arith.andi %add3A_500, %and3A_502 : vector<16xi32>
      %add3A_504 = arith.constant 3 : i32
      %add3A_505 = vector.broadcast %add3A_504 : i32 to vector<16xi32>
      %add3A_506 = arith.addi %iota3A, %add3A_505 : vector<16xi32>
      %and3A_507 = arith.constant 15 : i32
      %and3A_508 = vector.broadcast %and3A_507 : i32 to vector<16xi32>
      %and3A_509 = arith.andi %add3A_506, %and3A_508 : vector<16xi32>
      %add3A_510 = arith.constant 4 : i32
      %add3A_511 = vector.broadcast %add3A_510 : i32 to vector<16xi32>
      %add3A_512 = arith.addi %iota3A, %add3A_511 : vector<16xi32>
      %and3A_513 = arith.constant 15 : i32
      %and3A_514 = vector.broadcast %and3A_513 : i32 to vector<16xi32>
      %and3A_515 = arith.andi %add3A_512, %and3A_514 : vector<16xi32>
      %add3A_516 = arith.constant 5 : i32
      %add3A_517 = vector.broadcast %add3A_516 : i32 to vector<16xi32>
      %add3A_518 = arith.addi %iota3A, %add3A_517 : vector<16xi32>
      %and3A_519 = arith.constant 15 : i32
      %and3A_520 = vector.broadcast %and3A_519 : i32 to vector<16xi32>
      %and3A_521 = arith.andi %add3A_518, %and3A_520 : vector<16xi32>
      %add3A_522 = arith.constant 6 : i32
      %add3A_523 = vector.broadcast %add3A_522 : i32 to vector<16xi32>
      %add3A_524 = arith.addi %iota3A, %add3A_523 : vector<16xi32>
      %and3A_525 = arith.constant 15 : i32
      %and3A_526 = vector.broadcast %and3A_525 : i32 to vector<16xi32>
      %and3A_527 = arith.andi %add3A_524, %and3A_526 : vector<16xi32>
      %add3A_528 = arith.constant 7 : i32
      %add3A_529 = vector.broadcast %add3A_528 : i32 to vector<16xi32>
      %add3A_530 = arith.addi %iota3A, %add3A_529 : vector<16xi32>
      %and3A_531 = arith.constant 15 : i32
      %and3A_532 = vector.broadcast %and3A_531 : i32 to vector<16xi32>
      %and3A_533 = arith.andi %add3A_530, %and3A_532 : vector<16xi32>
      %add3A_534 = arith.constant 8 : i32
      %add3A_535 = vector.broadcast %add3A_534 : i32 to vector<16xi32>
      %add3A_536 = arith.addi %iota3A, %add3A_535 : vector<16xi32>
      %and3A_537 = arith.constant 15 : i32
      %and3A_538 = vector.broadcast %and3A_537 : i32 to vector<16xi32>
      %and3A_539 = arith.andi %add3A_536, %and3A_538 : vector<16xi32>
      %add3A_540 = arith.constant 9 : i32
      %add3A_541 = vector.broadcast %add3A_540 : i32 to vector<16xi32>
      %add3A_542 = arith.addi %iota3A, %add3A_541 : vector<16xi32>
      %and3A_543 = arith.constant 15 : i32
      %and3A_544 = vector.broadcast %and3A_543 : i32 to vector<16xi32>
      %and3A_545 = arith.andi %add3A_542, %and3A_544 : vector<16xi32>
      %add3A_546 = arith.constant 10 : i32
      %add3A_547 = vector.broadcast %add3A_546 : i32 to vector<16xi32>
      %add3A_548 = arith.addi %iota3A, %add3A_547 : vector<16xi32>
      %and3A_549 = arith.constant 15 : i32
      %and3A_550 = vector.broadcast %and3A_549 : i32 to vector<16xi32>
      %and3A_551 = arith.andi %add3A_548, %and3A_550 : vector<16xi32>
      %add3A_552 = arith.constant 11 : i32
      %add3A_553 = vector.broadcast %add3A_552 : i32 to vector<16xi32>
      %add3A_554 = arith.addi %iota3A, %add3A_553 : vector<16xi32>
      %and3A_555 = arith.constant 15 : i32
      %and3A_556 = vector.broadcast %and3A_555 : i32 to vector<16xi32>
      %and3A_557 = arith.andi %add3A_554, %and3A_556 : vector<16xi32>
      %add3A_558 = arith.constant 12 : i32
      %add3A_559 = vector.broadcast %add3A_558 : i32 to vector<16xi32>
      %add3A_560 = arith.addi %iota3A, %add3A_559 : vector<16xi32>
      %and3A_561 = arith.constant 15 : i32
      %and3A_562 = vector.broadcast %and3A_561 : i32 to vector<16xi32>
      %and3A_563 = arith.andi %add3A_560, %and3A_562 : vector<16xi32>
      %add3A_564 = arith.constant 13 : i32
      %add3A_565 = vector.broadcast %add3A_564 : i32 to vector<16xi32>
      %add3A_566 = arith.addi %iota3A, %add3A_565 : vector<16xi32>
      %and3A_567 = arith.constant 15 : i32
      %and3A_568 = vector.broadcast %and3A_567 : i32 to vector<16xi32>
      %and3A_569 = arith.andi %add3A_566, %and3A_568 : vector<16xi32>
      %add3A_570 = arith.constant 14 : i32
      %add3A_571 = vector.broadcast %add3A_570 : i32 to vector<16xi32>
      %add3A_572 = arith.addi %iota3A, %add3A_571 : vector<16xi32>
      %and3A_573 = arith.constant 15 : i32
      %and3A_574 = vector.broadcast %and3A_573 : i32 to vector<16xi32>
      %and3A_575 = arith.andi %add3A_572, %and3A_574 : vector<16xi32>
      %add3A_576 = arith.constant 15 : i32
      %add3A_577 = vector.broadcast %add3A_576 : i32 to vector<16xi32>
      %add3A_578 = arith.addi %iota3A, %add3A_577 : vector<16xi32>
      %and3A_579 = arith.constant 15 : i32
      %and3A_580 = vector.broadcast %and3A_579 : i32 to vector<16xi32>
      %and3A_581 = arith.andi %add3A_578, %and3A_580 : vector<16xi32>
      %scan3A_582 = arith.constant 0 : i32
      %scan3A_583 = arith.constant 0 : i32
      %scan3A_584 = arith.constant 5 : i32
      %scan3A_585 = arith.addi %scan3A_583, %scan3A_584 : i32
      %scan3A_586 = arith.constant 1 : i32
      scf.for %scan3A_596 = %scan3A_583 to %scan3A_585 step %scan3A_586  : i32 {
        %mul3A_597 = arith.constant 16 : i32
        %mul3A_598 = arith.muli %scan3A_596, %mul3A_597 : i32
        %add3A_599 = arith.addi %mul3A_486, %mul3A_598 : i32
        %add3A_600 = vector.broadcast %add3A_599 : i32 to vector<16xi32>
        %add3A_601 = arith.addi %iota3A, %add3A_600 : vector<16xi32>
        %mul3A_602 = arith.constant 16 : i32
        %mul3A_603 = arith.muli %scan3A_596, %mul3A_602 : i32
        %add3A_604 = arith.addi %mul3A_486, %mul3A_603 : i32
        %add3A_605 = vector.broadcast %add3A_604 : i32 to vector<16xi32>
        %add3A_606 = arith.addi %iota3A, %add3A_605 : vector<16xi32>
        %mul3A_607 = arith.constant 32 : i32
        %mul3A_608 = arith.muli %scan3A_596, %mul3A_607 : i32
        %add3A_609 = vector.broadcast %mul3A_608 : i32 to vector<16xi32>
        %add3A_610 = arith.addi %mul3A_5, %add3A_609 : vector<16xi32>
        %broadcast_in_dim3A_611 = arith.constant 1 : i32
        %broadcast_in_dim3A_612 = vector.broadcast %broadcast_in_dim3A_611 : i32 to vector<16xi32>
        %mul3A_613 = vector.broadcast %rem3A_447 : i32 to vector<16xi32>
        %mul3A_614 = arith.muli %broadcast_in_dim3A_612, %mul3A_613 : vector<16xi32>
        %gather3A_615 = tpu.vector_load_idx %arg12[%mul3A_614, %add3A_610] : memref<4x160xf32, #tpu.memory_space<vmem>>[vector<16xi32>, vector<16xi32>], vector<16xf32>,
        %add3A_616 = arith.constant 1 : i32
        %add3A_617 = vector.broadcast %add3A_616 : i32 to vector<16xi32>
        %add3A_618 = arith.addi %add3A_610, %add3A_617 : vector<16xi32>
        %gather3A_619 = tpu.vector_load_idx %arg12[%mul3A_614, %add3A_618] : memref<4x160xf32, #tpu.memory_space<vmem>>[vector<16xi32>, vector<16xi32>], vector<16xf32>,
        %add3A_620 = arith.constant 0 : i32
        %add3A_621 = vector.broadcast %add3A_620 : i32 to vector<16xi32>
        %add3A_622 = arith.addi %and3A_491, %add3A_621 : vector<16xi32>
        %gather3A_623 = tpu.vector_load_idx %arg15[%add3A_601, %add3A_622] : memref<160x64xf32, #tpu.memory_space<vmem>>[vector<16xi32>, vector<16xi32>], vector<16xf32>,
        %gather3A_624 = tpu.vector_load_idx %arg16[%add3A_601, %add3A_622] : memref<160x128xf32, #tpu.memory_space<vmem>>[vector<16xi32>, vector<16xi32>], vector<16xf32>,
        %mul3A_625 = arith.mulf %gather3A_623, %gather3A_624 : vector<16xf32>
        %add3A_626 = arith.constant 0 : i32
        %add3A_627 = vector.broadcast %add3A_626 : i32 to vector<16xi32>
        %add3A_628 = arith.addi %and3A_497, %add3A_627 : vector<16xi32>
        %gather3A_629 = tpu.vector_load_idx %arg15[%add3A_601, %add3A_628] : memref<160x64xf32, #tpu.memory_space<vmem>>[vector<16xi32>, vector<16xi32>], vector<16xf32>,
        %gather3A_630 = tpu.vector_load_idx %arg16[%add3A_601, %add3A_628] : memref<160x128xf32, #tpu.memory_space<vmem>>[vector<16xi32>, vector<16xi32>], vector<16xf32>,
        %mul3A_631 = arith.mulf %gather3A_629, %gather3A_630 : vector<16xf32>
        %add3A_632 = arith.constant 0 : i32
        %add3A_633 = vector.broadcast %add3A_632 : i32 to vector<16xi32>
        %add3A_634 = arith.addi %and3A_503, %add3A_633 : vector<16xi32>
        %gather3A_635 = tpu.vector_load_idx %arg15[%add3A_601, %add3A_634] : memref<160x64xf32, #tpu.memory_space<vmem>>[vector<16xi32>, vector<16xi32>], vector<16xf32>,
        %gather3A_636 = tpu.vector_load_idx %arg16[%add3A_601, %add3A_634] : memref<160x128xf32, #tpu.memory_space<vmem>>[vector<16xi32>, vector<16xi32>], vector<16xf32>,
        %mul3A_637 = arith.mulf %gather3A_635, %gather3A_636 : vector<16xf32>
        %add3A_638 = arith.constant 0 : i32
        %add3A_639 = vector.broadcast %add3A_638 : i32 to vector<16xi32>
        %add3A_640 = arith.addi %and3A_509, %add3A_639 : vector<16xi32>
        %gather3A_641 = tpu.vector_load_idx %arg15[%add3A_601, %add3A_640] : memref<160x64xf32, #tpu.memory_space<vmem>>[vector<16xi32>, vector<16xi32>], vector<16xf32>,
        %gather3A_642 = tpu.vector_load_idx %arg16[%add3A_601, %add3A_640] : memref<160x128xf32, #tpu.memory_space<vmem>>[vector<16xi32>, vector<16xi32>], vector<16xf32>,
        %mul3A_643 = arith.mulf %gather3A_641, %gather3A_642 : vector<16xf32>
        %add3A_644 = arith.constant 0 : i32
        %add3A_645 = vector.broadcast %add3A_644 : i32 to vector<16xi32>
        %add3A_646 = arith.addi %and3A_515, %add3A_645 : vector<16xi32>
        %gather3A_647 = tpu.vector_load_idx %arg15[%add3A_601, %add3A_646] : memref<160x64xf32, #tpu.memory_space<vmem>>[vector<16xi32>, vector<16xi32>], vector<16xf32>,
        %gather3A_648 = tpu.vector_load_idx %arg16[%add3A_601, %add3A_646] : memref<160x128xf32, #tpu.memory_space<vmem>>[vector<16xi32>, vector<16xi32>], vector<16xf32>,
        %mul3A_649 = arith.mulf %gather3A_647, %gather3A_648 : vector<16xf32>
        %add3A_650 = arith.constant 0 : i32
        %add3A_651 = vector.broadcast %add3A_650 : i32 to vector<16xi32>
        %add3A_652 = arith.addi %and3A_521, %add3A_651 : vector<16xi32>
        %gather3A_653 = tpu.vector_load_idx %arg15[%add3A_601, %add3A_652] : memref<160x64xf32, #tpu.memory_space<vmem>>[vector<16xi32>, vector<16xi32>], vector<16xf32>,
        %gather3A_654 = tpu.vector_load_idx %arg16[%add3A_601, %add3A_652] : memref<160x128xf32, #tpu.memory_space<vmem>>[vector<16xi32>, vector<16xi32>], vector<16xf32>,
        %mul3A_655 = arith.mulf %gather3A_653, %gather3A_654 : vector<16xf32>
        %add3A_656 = arith.constant 0 : i32
        %add3A_657 = vector.broadcast %add3A_656 : i32 to vector<16xi32>
        %add3A_658 = arith.addi %and3A_527, %add3A_657 : vector<16xi32>
        %gather3A_659 = tpu.vector_load_idx %arg15[%add3A_601, %add3A_658] : memref<160x64xf32, #tpu.memory_space<vmem>>[vector<16xi32>, vector<16xi32>], vector<16xf32>,
        %gather3A_660 = tpu.vector_load_idx %arg16[%add3A_601, %add3A_658] : memref<160x128xf32, #tpu.memory_space<vmem>>[vector<16xi32>, vector<16xi32>], vector<16xf32>,
        %mul3A_661 = arith.mulf %gather3A_659, %gather3A_660 : vector<16xf32>
        %add3A_662 = arith.constant 0 : i32
        %add3A_663 = vector.broadcast %add3A_662 : i32 to vector<16xi32>
        %add3A_664 = arith.addi %and3A_533, %add3A_663 : vector<16xi32>
        %gather3A_665 = tpu.vector_load_idx %arg15[%add3A_601, %add3A_664] : memref<160x64xf32, #tpu.memory_space<vmem>>[vector<16xi32>, vector<16xi32>], vector<16xf32>,
        %gather3A_666 = tpu.vector_load_idx %arg16[%add3A_601, %add3A_664] : memref<160x128xf32, #tpu.memory_space<vmem>>[vector<16xi32>, vector<16xi32>], vector<16xf32>,
        %mul3A_667 = arith.mulf %gather3A_665, %gather3A_666 : vector<16xf32>
        %add3A_668 = arith.constant 0 : i32
        %add3A_669 = vector.broadcast %add3A_668 : i32 to vector<16xi32>
        %add3A_670 = arith.addi %and3A_539, %add3A_669 : vector<16xi32>
        %gather3A_671 = tpu.vector_load_idx %arg15[%add3A_601, %add3A_670] : memref<160x64xf32, #tpu.memory_space<vmem>>[vector<16xi32>, vector<16xi32>], vector<16xf32>,
        %gather3A_672 = tpu.vector_load_idx %arg16[%add3A_601, %add3A_670] : memref<160x128xf32, #tpu.memory_space<vmem>>[vector<16xi32>, vector<16xi32>], vector<16xf32>,
        %mul3A_673 = arith.mulf %gather3A_671, %gather3A_672 : vector<16xf32>
        %add3A_674 = arith.constant 0 : i32
        %add3A_675 = vector.broadcast %add3A_674 : i32 to vector<16xi32>
        %add3A_676 = arith.addi %and3A_545, %add3A_675 : vector<16xi32>
        %gather3A_677 = tpu.vector_load_idx %arg15[%add3A_601, %add3A_676] : memref<160x64xf32, #tpu.memory_space<vmem>>[vector<16xi32>, vector<16xi32>], vector<16xf32>,
        %gather3A_678 = tpu.vector_load_idx %arg16[%add3A_601, %add3A_676] : memref<160x128xf32, #tpu.memory_space<vmem>>[vector<16xi32>, vector<16xi32>], vector<16xf32>,
        %mul3A_679 = arith.mulf %gather3A_677, %gather3A_678 : vector<16xf32>
        %add3A_680 = arith.constant 0 : i32
        %add3A_681 = vector.broadcast %add3A_680 : i32 to vector<16xi32>
        %add3A_682 = arith.addi %and3A_551, %add3A_681 : vector<16xi32>
        %gather3A_683 = tpu.vector_load_idx %arg15[%add3A_601, %add3A_682] : memref<160x64xf32, #tpu.memory_space<vmem>>[vector<16xi32>, vector<16xi32>], vector<16xf32>,
        %gather3A_684 = tpu.vector_load_idx %arg16[%add3A_601, %add3A_682] : memref<160x128xf32, #tpu.memory_space<vmem>>[vector<16xi32>, vector<16xi32>], vector<16xf32>,
        %mul3A_685 = arith.mulf %gather3A_683, %gather3A_684 : vector<16xf32>
        %add3A_686 = arith.constant 0 : i32
        %add3A_687 = vector.broadcast %add3A_686 : i32 to vector<16xi32>
        %add3A_688 = arith.addi %and3A_557, %add3A_687 : vector<16xi32>
        %gather3A_689 = tpu.vector_load_idx %arg15[%add3A_601, %add3A_688] : memref<160x64xf32, #tpu.memory_space<vmem>>[vector<16xi32>, vector<16xi32>], vector<16xf32>,
        %gather3A_690 = tpu.vector_load_idx %arg16[%add3A_601, %add3A_688] : memref<160x128xf32, #tpu.memory_space<vmem>>[vector<16xi32>, vector<16xi32>], vector<16xf32>,
        %mul3A_691 = arith.mulf %gather3A_689, %gather3A_690 : vector<16xf32>
        %add3A_692 = arith.constant 0 : i32
        %add3A_693 = vector.broadcast %add3A_692 : i32 to vector<16xi32>
        %add3A_694 = arith.addi %and3A_563, %add3A_693 : vector<16xi32>
        %gather3A_695 = tpu.vector_load_idx %arg15[%add3A_601, %add3A_694] : memref<160x64xf32, #tpu.memory_space<vmem>>[vector<16xi32>, vector<16xi32>], vector<16xf32>,
        %gather3A_696 = tpu.vector_load_idx %arg16[%add3A_601, %add3A_694] : memref<160x128xf32, #tpu.memory_space<vmem>>[vector<16xi32>, vector<16xi32>], vector<16xf32>,
        %mul3A_697 = arith.mulf %gather3A_695, %gather3A_696 : vector<16xf32>
        %add3A_698 = arith.constant 0 : i32
        %add3A_699 = vector.broadcast %add3A_698 : i32 to vector<16xi32>
        %add3A_700 = arith.addi %and3A_569, %add3A_699 : vector<16xi32>
        %gather3A_701 = tpu.vector_load_idx %arg15[%add3A_601, %add3A_700] : memref<160x64xf32, #tpu.memory_space<vmem>>[vector<16xi32>, vector<16xi32>], vector<16xf32>,
        %gather3A_702 = tpu.vector_load_idx %arg16[%add3A_601, %add3A_700] : memref<160x128xf32, #tpu.memory_space<vmem>>[vector<16xi32>, vector<16xi32>], vector<16xf32>,
        %mul3A_703 = arith.mulf %gather3A_701, %gather3A_702 : vector<16xf32>
        %add3A_704 = arith.constant 0 : i32
        %add3A_705 = vector.broadcast %add3A_704 : i32 to vector<16xi32>
        %add3A_706 = arith.addi %and3A_575, %add3A_705 : vector<16xi32>
        %gather3A_707 = tpu.vector_load_idx %arg15[%add3A_601, %add3A_706] : memref<160x64xf32, #tpu.memory_space<vmem>>[vector<16xi32>, vector<16xi32>], vector<16xf32>,
        %gather3A_708 = tpu.vector_load_idx %arg16[%add3A_601, %add3A_706] : memref<160x128xf32, #tpu.memory_space<vmem>>[vector<16xi32>, vector<16xi32>], vector<16xf32>,
        %mul3A_709 = arith.mulf %gather3A_707, %gather3A_708 : vector<16xf32>
        %add3A_710 = arith.constant 0 : i32
        %add3A_711 = vector.broadcast %add3A_710 : i32 to vector<16xi32>
        %add3A_712 = arith.addi %and3A_581, %add3A_711 : vector<16xi32>
        %gather3A_713 = tpu.vector_load_idx %arg15[%add3A_601, %add3A_712] : memref<160x64xf32, #tpu.memory_space<vmem>>[vector<16xi32>, vector<16xi32>], vector<16xf32>,
        %gather3A_714 = tpu.vector_load_idx %arg16[%add3A_601, %add3A_712] : memref<160x128xf32, #tpu.memory_space<vmem>>[vector<16xi32>, vector<16xi32>], vector<16xf32>,
        %mul3A_715 = arith.mulf %gather3A_713, %gather3A_714 : vector<16xf32>
        %mul3A_716 = arith.mulf %gather3A_615, %gather3A : vector<16xf32>
        %mul3A_717 = arith.mulf %gather3A_619, %gather3A_37 : vector<16xf32>
        %add3A_718 = arith.addf %mul3A_716, %mul3A_717 : vector<16xf32>
        %add3A_719 = arith.addf %mul3A_625, %mul3A_631 : vector<16xf32>
        %add3A_720 = arith.addf %mul3A_637, %mul3A_643 : vector<16xf32>
        %add3A_721 = arith.addf %mul3A_649, %mul3A_655 : vector<16xf32>
        %add3A_722 = arith.addf %mul3A_661, %mul3A_667 : vector<16xf32>
        %add3A_723 = arith.addf %mul3A_673, %mul3A_679 : vector<16xf32>
        %add3A_724 = arith.addf %mul3A_685, %mul3A_691 : vector<16xf32>
        %add3A_725 = arith.addf %mul3A_697, %mul3A_703 : vector<16xf32>
        %add3A_726 = arith.addf %mul3A_709, %mul3A_715 : vector<16xf32>
        %add3A_727 = arith.addf %add3A_719, %add3A_720 : vector<16xf32>
        %add3A_728 = arith.addf %add3A_721, %add3A_722 : vector<16xf32>
        %add3A_729 = arith.addf %add3A_723, %add3A_724 : vector<16xf32>
        %add3A_730 = arith.addf %add3A_725, %add3A_726 : vector<16xf32>
        %add3A_731 = arith.addf %add3A_727, %add3A_728 : vector<16xf32>
        %add3A_732 = arith.addf %add3A_729, %add3A_730 : vector<16xf32>
        %add3A_733 = arith.addf %add3A_731, %add3A_732 : vector<16xf32>
        %add3A_734 = arith.addf %add3A_733, %add3A_718 : vector<16xf32>
        %exp3A = math.exp %add3A_734 : vector<16xf32>
        %broadcast_in_dim3A_735 = arith.constant 64 : i32
        %broadcast_in_dim3A_736 = vector.broadcast %broadcast_in_dim3A_735 : i32 to vector<16xi32>
        tpu.vector_store_idx %arg17[%add3A_606, %broadcast_in_dim3A_736], %exp3A : memref<160x72xf32, #tpu.memory_space<vmem>>[vector<16xi32>, vector<16xi32>], vector<16xf32>,
        %add3A_737 = arith.constant 0 : i32
        %add3A_738 = vector.broadcast %add3A_737 : i32 to vector<16xi32>
        %add3A_739 = arith.addi %and3A_491, %add3A_738 : vector<16xi32>
        %add3A_740 = arith.constant 64 : i32
        %add3A_741 = vector.broadcast %add3A_740 : i32 to vector<16xi32>
        %add3A_742 = arith.addi %add3A_739, %add3A_741 : vector<16xi32>
        %gather3A_743 = tpu.vector_load_idx %arg16[%add3A_601, %add3A_742] : memref<160x128xf32, #tpu.memory_space<vmem>>[vector<16xi32>, vector<16xi32>], vector<16xf32>,
        %mul3A_744 = arith.mulf %exp3A, %gather3A_743 : vector<16xf32>
        tpu.vector_store_idx %arg17[%add3A_606, %add3A_739], %mul3A_744 : memref<160x72xf32, #tpu.memory_space<vmem>>[vector<16xi32>, vector<16xi32>], vector<16xf32>,
        %add3A_745 = arith.constant 0 : i32
        %add3A_746 = vector.broadcast %add3A_745 : i32 to vector<16xi32>
        %add3A_747 = arith.addi %and3A_497, %add3A_746 : vector<16xi32>
        %add3A_748 = arith.constant 64 : i32
        %add3A_749 = vector.broadcast %add3A_748 : i32 to vector<16xi32>
        %add3A_750 = arith.addi %add3A_747, %add3A_749 : vector<16xi32>
        %gather3A_751 = tpu.vector_load_idx %arg16[%add3A_601, %add3A_750] : memref<160x128xf32, #tpu.memory_space<vmem>>[vector<16xi32>, vector<16xi32>], vector<16xf32>,
        %mul3A_752 = arith.mulf %exp3A, %gather3A_751 : vector<16xf32>
        tpu.vector_store_idx %arg17[%add3A_606, %add3A_747], %mul3A_752 : memref<160x72xf32, #tpu.memory_space<vmem>>[vector<16xi32>, vector<16xi32>], vector<16xf32>,
        %add3A_753 = arith.constant 0 : i32
        %add3A_754 = vector.broadcast %add3A_753 : i32 to vector<16xi32>
        %add3A_755 = arith.addi %and3A_503, %add3A_754 : vector<16xi32>
        %add3A_756 = arith.constant 64 : i32
        %add3A_757 = vector.broadcast %add3A_756 : i32 to vector<16xi32>
        %add3A_758 = arith.addi %add3A_755, %add3A_757 : vector<16xi32>
        %gather3A_759 = tpu.vector_load_idx %arg16[%add3A_601, %add3A_758] : memref<160x128xf32, #tpu.memory_space<vmem>>[vector<16xi32>, vector<16xi32>], vector<16xf32>,
        %mul3A_760 = arith.mulf %exp3A, %gather3A_759 : vector<16xf32>
        tpu.vector_store_idx %arg17[%add3A_606, %add3A_755], %mul3A_760 : memref<160x72xf32, #tpu.memory_space<vmem>>[vector<16xi32>, vector<16xi32>], vector<16xf32>,
        %add3A_761 = arith.constant 0 : i32
        %add3A_762 = vector.broadcast %add3A_761 : i32 to vector<16xi32>
        %add3A_763 = arith.addi %and3A_509, %add3A_762 : vector<16xi32>
        %add3A_764 = arith.constant 64 : i32
        %add3A_765 = vector.broadcast %add3A_764 : i32 to vector<16xi32>
        %add3A_766 = arith.addi %add3A_763, %add3A_765 : vector<16xi32>
        %gather3A_767 = tpu.vector_load_idx %arg16[%add3A_601, %add3A_766] : memref<160x128xf32, #tpu.memory_space<vmem>>[vector<16xi32>, vector<16xi32>], vector<16xf32>,
        %mul3A_768 = arith.mulf %exp3A, %gather3A_767 : vector<16xf32>
        tpu.vector_store_idx %arg17[%add3A_606, %add3A_763], %mul3A_768 : memref<160x72xf32, #tpu.memory_space<vmem>>[vector<16xi32>, vector<16xi32>], vector<16xf32>,
        %add3A_769 = arith.constant 0 : i32
        %add3A_770 = vector.broadcast %add3A_769 : i32 to vector<16xi32>
        %add3A_771 = arith.addi %and3A_515, %add3A_770 : vector<16xi32>
        %add3A_772 = arith.constant 64 : i32
        %add3A_773 = vector.broadcast %add3A_772 : i32 to vector<16xi32>
        %add3A_774 = arith.addi %add3A_771, %add3A_773 : vector<16xi32>
        %gather3A_775 = tpu.vector_load_idx %arg16[%add3A_601, %add3A_774] : memref<160x128xf32, #tpu.memory_space<vmem>>[vector<16xi32>, vector<16xi32>], vector<16xf32>,
        %mul3A_776 = arith.mulf %exp3A, %gather3A_775 : vector<16xf32>
        tpu.vector_store_idx %arg17[%add3A_606, %add3A_771], %mul3A_776 : memref<160x72xf32, #tpu.memory_space<vmem>>[vector<16xi32>, vector<16xi32>], vector<16xf32>,
        %add3A_777 = arith.constant 0 : i32
        %add3A_778 = vector.broadcast %add3A_777 : i32 to vector<16xi32>
        %add3A_779 = arith.addi %and3A_521, %add3A_778 : vector<16xi32>
        %add3A_780 = arith.constant 64 : i32
        %add3A_781 = vector.broadcast %add3A_780 : i32 to vector<16xi32>
        %add3A_782 = arith.addi %add3A_779, %add3A_781 : vector<16xi32>
        %gather3A_783 = tpu.vector_load_idx %arg16[%add3A_601, %add3A_782] : memref<160x128xf32, #tpu.memory_space<vmem>>[vector<16xi32>, vector<16xi32>], vector<16xf32>,
        %mul3A_784 = arith.mulf %exp3A, %gather3A_783 : vector<16xf32>
        tpu.vector_store_idx %arg17[%add3A_606, %add3A_779], %mul3A_784 : memref<160x72xf32, #tpu.memory_space<vmem>>[vector<16xi32>, vector<16xi32>], vector<16xf32>,
        %add3A_785 = arith.constant 0 : i32
        %add3A_786 = vector.broadcast %add3A_785 : i32 to vector<16xi32>
        %add3A_787 = arith.addi %and3A_527, %add3A_786 : vector<16xi32>
        %add3A_788 = arith.constant 64 : i32
        %add3A_789 = vector.broadcast %add3A_788 : i32 to vector<16xi32>
        %add3A_790 = arith.addi %add3A_787, %add3A_789 : vector<16xi32>
        %gather3A_791 = tpu.vector_load_idx %arg16[%add3A_601, %add3A_790] : memref<160x128xf32, #tpu.memory_space<vmem>>[vector<16xi32>, vector<16xi32>], vector<16xf32>,
        %mul3A_792 = arith.mulf %exp3A, %gather3A_791 : vector<16xf32>
        tpu.vector_store_idx %arg17[%add3A_606, %add3A_787], %mul3A_792 : memref<160x72xf32, #tpu.memory_space<vmem>>[vector<16xi32>, vector<16xi32>], vector<16xf32>,
        %add3A_793 = arith.constant 0 : i32
        %add3A_794 = vector.broadcast %add3A_793 : i32 to vector<16xi32>
        %add3A_795 = arith.addi %and3A_533, %add3A_794 : vector<16xi32>
        %add3A_796 = arith.constant 64 : i32
        %add3A_797 = vector.broadcast %add3A_796 : i32 to vector<16xi32>
        %add3A_798 = arith.addi %add3A_795, %add3A_797 : vector<16xi32>
        %gather3A_799 = tpu.vector_load_idx %arg16[%add3A_601, %add3A_798] : memref<160x128xf32, #tpu.memory_space<vmem>>[vector<16xi32>, vector<16xi32>], vector<16xf32>,
        %mul3A_800 = arith.mulf %exp3A, %gather3A_799 : vector<16xf32>
        tpu.vector_store_idx %arg17[%add3A_606, %add3A_795], %mul3A_800 : memref<160x72xf32, #tpu.memory_space<vmem>>[vector<16xi32>, vector<16xi32>], vector<16xf32>,
        %add3A_801 = arith.constant 0 : i32
        %add3A_802 = vector.broadcast %add3A_801 : i32 to vector<16xi32>
        %add3A_803 = arith.addi %and3A_539, %add3A_802 : vector<16xi32>
        %add3A_804 = arith.constant 64 : i32
        %add3A_805 = vector.broadcast %add3A_804 : i32 to vector<16xi32>
        %add3A_806 = arith.addi %add3A_803, %add3A_805 : vector<16xi32>
        %gather3A_807 = tpu.vector_load_idx %arg16[%add3A_601, %add3A_806] : memref<160x128xf32, #tpu.memory_space<vmem>>[vector<16xi32>, vector<16xi32>], vector<16xf32>,
        %mul3A_808 = arith.mulf %exp3A, %gather3A_807 : vector<16xf32>
        tpu.vector_store_idx %arg17[%add3A_606, %add3A_803], %mul3A_808 : memref<160x72xf32, #tpu.memory_space<vmem>>[vector<16xi32>, vector<16xi32>], vector<16xf32>,
        %add3A_809 = arith.constant 0 : i32
        %add3A_810 = vector.broadcast %add3A_809 : i32 to vector<16xi32>
        %add3A_811 = arith.addi %and3A_545, %add3A_810 : vector<16xi32>
        %add3A_812 = arith.constant 64 : i32
        %add3A_813 = vector.broadcast %add3A_812 : i32 to vector<16xi32>
        %add3A_814 = arith.addi %add3A_811, %add3A_813 : vector<16xi32>
        %gather3A_815 = tpu.vector_load_idx %arg16[%add3A_601, %add3A_814] : memref<160x128xf32, #tpu.memory_space<vmem>>[vector<16xi32>, vector<16xi32>], vector<16xf32>,
        %mul3A_816 = arith.mulf %exp3A, %gather3A_815 : vector<16xf32>
        tpu.vector_store_idx %arg17[%add3A_606, %add3A_811], %mul3A_816 : memref<160x72xf32, #tpu.memory_space<vmem>>[vector<16xi32>, vector<16xi32>], vector<16xf32>,
        %add3A_817 = arith.constant 0 : i32
        %add3A_818 = vector.broadcast %add3A_817 : i32 to vector<16xi32>
        %add3A_819 = arith.addi %and3A_551, %add3A_818 : vector<16xi32>
        %add3A_820 = arith.constant 64 : i32
        %add3A_821 = vector.broadcast %add3A_820 : i32 to vector<16xi32>
        %add3A_822 = arith.addi %add3A_819, %add3A_821 : vector<16xi32>
        %gather3A_823 = tpu.vector_load_idx %arg16[%add3A_601, %add3A_822] : memref<160x128xf32, #tpu.memory_space<vmem>>[vector<16xi32>, vector<16xi32>], vector<16xf32>,
        %mul3A_824 = arith.mulf %exp3A, %gather3A_823 : vector<16xf32>
        tpu.vector_store_idx %arg17[%add3A_606, %add3A_819], %mul3A_824 : memref<160x72xf32, #tpu.memory_space<vmem>>[vector<16xi32>, vector<16xi32>], vector<16xf32>,
        %add3A_825 = arith.constant 0 : i32
        %add3A_826 = vector.broadcast %add3A_825 : i32 to vector<16xi32>
        %add3A_827 = arith.addi %and3A_557, %add3A_826 : vector<16xi32>
        %add3A_828 = arith.constant 64 : i32
        %add3A_829 = vector.broadcast %add3A_828 : i32 to vector<16xi32>
        %add3A_830 = arith.addi %add3A_827, %add3A_829 : vector<16xi32>
        %gather3A_831 = tpu.vector_load_idx %arg16[%add3A_601, %add3A_830] : memref<160x128xf32, #tpu.memory_space<vmem>>[vector<16xi32>, vector<16xi32>], vector<16xf32>,
        %mul3A_832 = arith.mulf %exp3A, %gather3A_831 : vector<16xf32>
        tpu.vector_store_idx %arg17[%add3A_606, %add3A_827], %mul3A_832 : memref<160x72xf32, #tpu.memory_space<vmem>>[vector<16xi32>, vector<16xi32>], vector<16xf32>,
        %add3A_833 = arith.constant 0 : i32
        %add3A_834 = vector.broadcast %add3A_833 : i32 to vector<16xi32>
        %add3A_835 = arith.addi %and3A_563, %add3A_834 : vector<16xi32>
        %add3A_836 = arith.constant 64 : i32
        %add3A_837 = vector.broadcast %add3A_836 : i32 to vector<16xi32>
        %add3A_838 = arith.addi %add3A_835, %add3A_837 : vector<16xi32>
        %gather3A_839 = tpu.vector_load_idx %arg16[%add3A_601, %add3A_838] : memref<160x128xf32, #tpu.memory_space<vmem>>[vector<16xi32>, vector<16xi32>], vector<16xf32>,
        %mul3A_840 = arith.mulf %exp3A, %gather3A_839 : vector<16xf32>
        tpu.vector_store_idx %arg17[%add3A_606, %add3A_835], %mul3A_840 : memref<160x72xf32, #tpu.memory_space<vmem>>[vector<16xi32>, vector<16xi32>], vector<16xf32>,
        %add3A_841 = arith.constant 0 : i32
        %add3A_842 = vector.broadcast %add3A_841 : i32 to vector<16xi32>
        %add3A_843 = arith.addi %and3A_569, %add3A_842 : vector<16xi32>
        %add3A_844 = arith.constant 64 : i32
        %add3A_845 = vector.broadcast %add3A_844 : i32 to vector<16xi32>
        %add3A_846 = arith.addi %add3A_843, %add3A_845 : vector<16xi32>
        %gather3A_847 = tpu.vector_load_idx %arg16[%add3A_601, %add3A_846] : memref<160x128xf32, #tpu.memory_space<vmem>>[vector<16xi32>, vector<16xi32>], vector<16xf32>,
        %mul3A_848 = arith.mulf %exp3A, %gather3A_847 : vector<16xf32>
        tpu.vector_store_idx %arg17[%add3A_606, %add3A_843], %mul3A_848 : memref<160x72xf32, #tpu.memory_space<vmem>>[vector<16xi32>, vector<16xi32>], vector<16xf32>,
        %add3A_849 = arith.constant 0 : i32
        %add3A_850 = vector.broadcast %add3A_849 : i32 to vector<16xi32>
        %add3A_851 = arith.addi %and3A_575, %add3A_850 : vector<16xi32>
        %add3A_852 = arith.constant 64 : i32
        %add3A_853 = vector.broadcast %add3A_852 : i32 to vector<16xi32>
        %add3A_854 = arith.addi %add3A_851, %add3A_853 : vector<16xi32>
        %gather3A_855 = tpu.vector_load_idx %arg16[%add3A_601, %add3A_854] : memref<160x128xf32, #tpu.memory_space<vmem>>[vector<16xi32>, vector<16xi32>], vector<16xf32>,
        %mul3A_856 = arith.mulf %exp3A, %gather3A_855 : vector<16xf32>
        tpu.vector_store_idx %arg17[%add3A_606, %add3A_851], %mul3A_856 : memref<160x72xf32, #tpu.memory_space<vmem>>[vector<16xi32>, vector<16xi32>], vector<16xf32>,
        %add3A_857 = arith.constant 0 : i32
        %add3A_858 = vector.broadcast %add3A_857 : i32 to vector<16xi32>
        %add3A_859 = arith.addi %and3A_581, %add3A_858 : vector<16xi32>
        %add3A_860 = arith.constant 64 : i32
        %add3A_861 = vector.broadcast %add3A_860 : i32 to vector<16xi32>
        %add3A_862 = arith.addi %add3A_859, %add3A_861 : vector<16xi32>
        %gather3A_863 = tpu.vector_load_idx %arg16[%add3A_601, %add3A_862] : memref<160x128xf32, #tpu.memory_space<vmem>>[vector<16xi32>, vector<16xi32>], vector<16xf32>,
        %mul3A_864 = arith.mulf %exp3A, %gather3A_863 : vector<16xf32>
        tpu.vector_store_idx %arg17[%add3A_606, %add3A_859], %mul3A_864 : memref<160x72xf32, #tpu.memory_space<vmem>>[vector<16xi32>, vector<16xi32>], vector<16xf32>,
        %add3A_865 = arith.constant 16 : i32
        %add3A_866 = vector.broadcast %add3A_865 : i32 to vector<16xi32>
        %add3A_867 = arith.addi %and3A_491, %add3A_866 : vector<16xi32>
        %gather3A_868 = tpu.vector_load_idx %arg15[%add3A_601, %add3A_867] : memref<160x64xf32, #tpu.memory_space<vmem>>[vector<16xi32>, vector<16xi32>], vector<16xf32>,
        %gather3A_869 = tpu.vector_load_idx %arg16[%add3A_601, %add3A_867] : memref<160x128xf32, #tpu.memory_space<vmem>>[vector<16xi32>, vector<16xi32>], vector<16xf32>,
        %mul3A_870 = arith.mulf %gather3A_868, %gather3A_869 : vector<16xf32>
        %add3A_871 = arith.constant 16 : i32
        %add3A_872 = vector.broadcast %add3A_871 : i32 to vector<16xi32>
        %add3A_873 = arith.addi %and3A_497, %add3A_872 : vector<16xi32>
        %gather3A_874 = tpu.vector_load_idx %arg15[%add3A_601, %add3A_873] : memref<160x64xf32, #tpu.memory_space<vmem>>[vector<16xi32>, vector<16xi32>], vector<16xf32>,
        %gather3A_875 = tpu.vector_load_idx %arg16[%add3A_601, %add3A_873] : memref<160x128xf32, #tpu.memory_space<vmem>>[vector<16xi32>, vector<16xi32>], vector<16xf32>,
        %mul3A_876 = arith.mulf %gather3A_874, %gather3A_875 : vector<16xf32>
        %add3A_877 = arith.constant 16 : i32
        %add3A_878 = vector.broadcast %add3A_877 : i32 to vector<16xi32>
        %add3A_879 = arith.addi %and3A_503, %add3A_878 : vector<16xi32>
        %gather3A_880 = tpu.vector_load_idx %arg15[%add3A_601, %add3A_879] : memref<160x64xf32, #tpu.memory_space<vmem>>[vector<16xi32>, vector<16xi32>], vector<16xf32>,
        %gather3A_881 = tpu.vector_load_idx %arg16[%add3A_601, %add3A_879] : memref<160x128xf32, #tpu.memory_space<vmem>>[vector<16xi32>, vector<16xi32>], vector<16xf32>,
        %mul3A_882 = arith.mulf %gather3A_880, %gather3A_881 : vector<16xf32>
        %add3A_883 = arith.constant 16 : i32
        %add3A_884 = vector.broadcast %add3A_883 : i32 to vector<16xi32>
        %add3A_885 = arith.addi %and3A_509, %add3A_884 : vector<16xi32>
        %gather3A_886 = tpu.vector_load_idx %arg15[%add3A_601, %add3A_885] : memref<160x64xf32, #tpu.memory_space<vmem>>[vector<16xi32>, vector<16xi32>], vector<16xf32>,
        %gather3A_887 = tpu.vector_load_idx %arg16[%add3A_601, %add3A_885] : memref<160x128xf32, #tpu.memory_space<vmem>>[vector<16xi32>, vector<16xi32>], vector<16xf32>,
        %mul3A_888 = arith.mulf %gather3A_886, %gather3A_887 : vector<16xf32>
        %add3A_889 = arith.constant 16 : i32
        %add3A_890 = vector.broadcast %add3A_889 : i32 to vector<16xi32>
        %add3A_891 = arith.addi %and3A_515, %add3A_890 : vector<16xi32>
        %gather3A_892 = tpu.vector_load_idx %arg15[%add3A_601, %add3A_891] : memref<160x64xf32, #tpu.memory_space<vmem>>[vector<16xi32>, vector<16xi32>], vector<16xf32>,
        %gather3A_893 = tpu.vector_load_idx %arg16[%add3A_601, %add3A_891] : memref<160x128xf32, #tpu.memory_space<vmem>>[vector<16xi32>, vector<16xi32>], vector<16xf32>,
        %mul3A_894 = arith.mulf %gather3A_892, %gather3A_893 : vector<16xf32>
        %add3A_895 = arith.constant 16 : i32
        %add3A_896 = vector.broadcast %add3A_895 : i32 to vector<16xi32>
        %add3A_897 = arith.addi %and3A_521, %add3A_896 : vector<16xi32>
        %gather3A_898 = tpu.vector_load_idx %arg15[%add3A_601, %add3A_897] : memref<160x64xf32, #tpu.memory_space<vmem>>[vector<16xi32>, vector<16xi32>], vector<16xf32>,
        %gather3A_899 = tpu.vector_load_idx %arg16[%add3A_601, %add3A_897] : memref<160x128xf32, #tpu.memory_space<vmem>>[vector<16xi32>, vector<16xi32>], vector<16xf32>,
        %mul3A_900 = arith.mulf %gather3A_898, %gather3A_899 : vector<16xf32>
        %add3A_901 = arith.constant 16 : i32
        %add3A_902 = vector.broadcast %add3A_901 : i32 to vector<16xi32>
        %add3A_903 = arith.addi %and3A_527, %add3A_902 : vector<16xi32>
        %gather3A_904 = tpu.vector_load_idx %arg15[%add3A_601, %add3A_903] : memref<160x64xf32, #tpu.memory_space<vmem>>[vector<16xi32>, vector<16xi32>], vector<16xf32>,
        %gather3A_905 = tpu.vector_load_idx %arg16[%add3A_601, %add3A_903] : memref<160x128xf32, #tpu.memory_space<vmem>>[vector<16xi32>, vector<16xi32>], vector<16xf32>,
        %mul3A_906 = arith.mulf %gather3A_904, %gather3A_905 : vector<16xf32>
        %add3A_907 = arith.constant 16 : i32
        %add3A_908 = vector.broadcast %add3A_907 : i32 to vector<16xi32>
        %add3A_909 = arith.addi %and3A_533, %add3A_908 : vector<16xi32>
        %gather3A_910 = tpu.vector_load_idx %arg15[%add3A_601, %add3A_909] : memref<160x64xf32, #tpu.memory_space<vmem>>[vector<16xi32>, vector<16xi32>], vector<16xf32>,
        %gather3A_911 = tpu.vector_load_idx %arg16[%add3A_601, %add3A_909] : memref<160x128xf32, #tpu.memory_space<vmem>>[vector<16xi32>, vector<16xi32>], vector<16xf32>,
        %mul3A_912 = arith.mulf %gather3A_910, %gather3A_911 : vector<16xf32>
        %add3A_913 = arith.constant 16 : i32
        %add3A_914 = vector.broadcast %add3A_913 : i32 to vector<16xi32>
        %add3A_915 = arith.addi %and3A_539, %add3A_914 : vector<16xi32>
        %gather3A_916 = tpu.vector_load_idx %arg15[%add3A_601, %add3A_915] : memref<160x64xf32, #tpu.memory_space<vmem>>[vector<16xi32>, vector<16xi32>], vector<16xf32>,
        %gather3A_917 = tpu.vector_load_idx %arg16[%add3A_601, %add3A_915] : memref<160x128xf32, #tpu.memory_space<vmem>>[vector<16xi32>, vector<16xi32>], vector<16xf32>,
        %mul3A_918 = arith.mulf %gather3A_916, %gather3A_917 : vector<16xf32>
        %add3A_919 = arith.constant 16 : i32
        %add3A_920 = vector.broadcast %add3A_919 : i32 to vector<16xi32>
        %add3A_921 = arith.addi %and3A_545, %add3A_920 : vector<16xi32>
        %gather3A_922 = tpu.vector_load_idx %arg15[%add3A_601, %add3A_921] : memref<160x64xf32, #tpu.memory_space<vmem>>[vector<16xi32>, vector<16xi32>], vector<16xf32>,
        %gather3A_923 = tpu.vector_load_idx %arg16[%add3A_601, %add3A_921] : memref<160x128xf32, #tpu.memory_space<vmem>>[vector<16xi32>, vector<16xi32>], vector<16xf32>,
        %mul3A_924 = arith.mulf %gather3A_922, %gather3A_923 : vector<16xf32>
        %add3A_925 = arith.constant 16 : i32
        %add3A_926 = vector.broadcast %add3A_925 : i32 to vector<16xi32>
        %add3A_927 = arith.addi %and3A_551, %add3A_926 : vector<16xi32>
        %gather3A_928 = tpu.vector_load_idx %arg15[%add3A_601, %add3A_927] : memref<160x64xf32, #tpu.memory_space<vmem>>[vector<16xi32>, vector<16xi32>], vector<16xf32>,
        %gather3A_929 = tpu.vector_load_idx %arg16[%add3A_601, %add3A_927] : memref<160x128xf32, #tpu.memory_space<vmem>>[vector<16xi32>, vector<16xi32>], vector<16xf32>,
        %mul3A_930 = arith.mulf %gather3A_928, %gather3A_929 : vector<16xf32>
        %add3A_931 = arith.constant 16 : i32
        %add3A_932 = vector.broadcast %add3A_931 : i32 to vector<16xi32>
        %add3A_933 = arith.addi %and3A_557, %add3A_932 : vector<16xi32>
        %gather3A_934 = tpu.vector_load_idx %arg15[%add3A_601, %add3A_933] : memref<160x64xf32, #tpu.memory_space<vmem>>[vector<16xi32>, vector<16xi32>], vector<16xf32>,
        %gather3A_935 = tpu.vector_load_idx %arg16[%add3A_601, %add3A_933] : memref<160x128xf32, #tpu.memory_space<vmem>>[vector<16xi32>, vector<16xi32>], vector<16xf32>,
        %mul3A_936 = arith.mulf %gather3A_934, %gather3A_935 : vector<16xf32>
        %add3A_937 = arith.constant 16 : i32
        %add3A_938 = vector.broadcast %add3A_937 : i32 to vector<16xi32>
        %add3A_939 = arith.addi %and3A_563, %add3A_938 : vector<16xi32>
        %gather3A_940 = tpu.vector_load_idx %arg15[%add3A_601, %add3A_939] : memref<160x64xf32, #tpu.memory_space<vmem>>[vector<16xi32>, vector<16xi32>], vector<16xf32>,
        %gather3A_941 = tpu.vector_load_idx %arg16[%add3A_601, %add3A_939] : memref<160x128xf32, #tpu.memory_space<vmem>>[vector<16xi32>, vector<16xi32>], vector<16xf32>,
        %mul3A_942 = arith.mulf %gather3A_940, %gather3A_941 : vector<16xf32>
        %add3A_943 = arith.constant 16 : i32
        %add3A_944 = vector.broadcast %add3A_943 : i32 to vector<16xi32>
        %add3A_945 = arith.addi %and3A_569, %add3A_944 : vector<16xi32>
        %gather3A_946 = tpu.vector_load_idx %arg15[%add3A_601, %add3A_945] : memref<160x64xf32, #tpu.memory_space<vmem>>[vector<16xi32>, vector<16xi32>], vector<16xf32>,
        %gather3A_947 = tpu.vector_load_idx %arg16[%add3A_601, %add3A_945] : memref<160x128xf32, #tpu.memory_space<vmem>>[vector<16xi32>, vector<16xi32>], vector<16xf32>,
        %mul3A_948 = arith.mulf %gather3A_946, %gather3A_947 : vector<16xf32>
        %add3A_949 = arith.constant 16 : i32
        %add3A_950 = vector.broadcast %add3A_949 : i32 to vector<16xi32>
        %add3A_951 = arith.addi %and3A_575, %add3A_950 : vector<16xi32>
        %gather3A_952 = tpu.vector_load_idx %arg15[%add3A_601, %add3A_951] : memref<160x64xf32, #tpu.memory_space<vmem>>[vector<16xi32>, vector<16xi32>], vector<16xf32>,
        %gather3A_953 = tpu.vector_load_idx %arg16[%add3A_601, %add3A_951] : memref<160x128xf32, #tpu.memory_space<vmem>>[vector<16xi32>, vector<16xi32>], vector<16xf32>,
        %mul3A_954 = arith.mulf %gather3A_952, %gather3A_953 : vector<16xf32>
        %add3A_955 = arith.constant 16 : i32
        %add3A_956 = vector.broadcast %add3A_955 : i32 to vector<16xi32>
        %add3A_957 = arith.addi %and3A_581, %add3A_956 : vector<16xi32>
        %gather3A_958 = tpu.vector_load_idx %arg15[%add3A_601, %add3A_957] : memref<160x64xf32, #tpu.memory_space<vmem>>[vector<16xi32>, vector<16xi32>], vector<16xf32>,
        %gather3A_959 = tpu.vector_load_idx %arg16[%add3A_601, %add3A_957] : memref<160x128xf32, #tpu.memory_space<vmem>>[vector<16xi32>, vector<16xi32>], vector<16xf32>,
        %mul3A_960 = arith.mulf %gather3A_958, %gather3A_959 : vector<16xf32>
        %mul3A_961 = arith.mulf %gather3A_615, %gather3A_16 : vector<16xf32>
        %mul3A_962 = arith.mulf %gather3A_619, %gather3A_44 : vector<16xf32>
        %add3A_963 = arith.addf %mul3A_961, %mul3A_962 : vector<16xf32>
        %add3A_964 = arith.addf %mul3A_870, %mul3A_876 : vector<16xf32>
        %add3A_965 = arith.addf %mul3A_882, %mul3A_888 : vector<16xf32>
        %add3A_966 = arith.addf %mul3A_894, %mul3A_900 : vector<16xf32>
        %add3A_967 = arith.addf %mul3A_906, %mul3A_912 : vector<16xf32>
        %add3A_968 = arith.addf %mul3A_918, %mul3A_924 : vector<16xf32>
        %add3A_969 = arith.addf %mul3A_930, %mul3A_936 : vector<16xf32>
        %add3A_970 = arith.addf %mul3A_942, %mul3A_948 : vector<16xf32>
        %add3A_971 = arith.addf %mul3A_954, %mul3A_960 : vector<16xf32>
        %add3A_972 = arith.addf %add3A_964, %add3A_965 : vector<16xf32>
        %add3A_973 = arith.addf %add3A_966, %add3A_967 : vector<16xf32>
        %add3A_974 = arith.addf %add3A_968, %add3A_969 : vector<16xf32>
        %add3A_975 = arith.addf %add3A_970, %add3A_971 : vector<16xf32>
        %add3A_976 = arith.addf %add3A_972, %add3A_973 : vector<16xf32>
        %add3A_977 = arith.addf %add3A_974, %add3A_975 : vector<16xf32>
        %add3A_978 = arith.addf %add3A_976, %add3A_977 : vector<16xf32>
        %add3A_979 = arith.addf %add3A_978, %add3A_963 : vector<16xf32>
        %exp3A_980 = math.exp %add3A_979 : vector<16xf32>
        %broadcast_in_dim3A_981 = arith.constant 65 : i32
        %broadcast_in_dim3A_982 = vector.broadcast %broadcast_in_dim3A_981 : i32 to vector<16xi32>
        tpu.vector_store_idx %arg17[%add3A_606, %broadcast_in_dim3A_982], %exp3A_980 : memref<160x72xf32, #tpu.memory_space<vmem>>[vector<16xi32>, vector<16xi32>], vector<16xf32>,
        %add3A_983 = arith.constant 16 : i32
        %add3A_984 = vector.broadcast %add3A_983 : i32 to vector<16xi32>
        %add3A_985 = arith.addi %and3A_491, %add3A_984 : vector<16xi32>
        %add3A_986 = arith.constant 64 : i32
        %add3A_987 = vector.broadcast %add3A_986 : i32 to vector<16xi32>
        %add3A_988 = arith.addi %add3A_985, %add3A_987 : vector<16xi32>
        %gather3A_989 = tpu.vector_load_idx %arg16[%add3A_601, %add3A_988] : memref<160x128xf32, #tpu.memory_space<vmem>>[vector<16xi32>, vector<16xi32>], vector<16xf32>,
        %mul3A_990 = arith.mulf %exp3A_980, %gather3A_989 : vector<16xf32>
        tpu.vector_store_idx %arg17[%add3A_606, %add3A_985], %mul3A_990 : memref<160x72xf32, #tpu.memory_space<vmem>>[vector<16xi32>, vector<16xi32>], vector<16xf32>,
        %add3A_991 = arith.constant 16 : i32
        %add3A_992 = vector.broadcast %add3A_991 : i32 to vector<16xi32>
        %add3A_993 = arith.addi %and3A_497, %add3A_992 : vector<16xi32>
        %add3A_994 = arith.constant 64 : i32
        %add3A_995 = vector.broadcast %add3A_994 : i32 to vector<16xi32>
        %add3A_996 = arith.addi %add3A_993, %add3A_995 : vector<16xi32>
        %gather3A_997 = tpu.vector_load_idx %arg16[%add3A_601, %add3A_996] : memref<160x128xf32, #tpu.memory_space<vmem>>[vector<16xi32>, vector<16xi32>], vector<16xf32>,
        %mul3A_998 = arith.mulf %exp3A_980, %gather3A_997 : vector<16xf32>
        tpu.vector_store_idx %arg17[%add3A_606, %add3A_993], %mul3A_998 : memref<160x72xf32, #tpu.memory_space<vmem>>[vector<16xi32>, vector<16xi32>], vector<16xf32>,
        %add3A_999 = arith.constant 16 : i32
        %add3A_1000 = vector.broadcast %add3A_999 : i32 to vector<16xi32>
        %add3A_1001 = arith.addi %and3A_503, %add3A_1000 : vector<16xi32>
        %add3A_1002 = arith.constant 64 : i32
        %add3A_1003 = vector.broadcast %add3A_1002 : i32 to vector<16xi32>
        %add3A_1004 = arith.addi %add3A_1001, %add3A_1003 : vector<16xi32>
        %gather3A_1005 = tpu.vector_load_idx %arg16[%add3A_601, %add3A_1004] : memref<160x128xf32, #tpu.memory_space<vmem>>[vector<16xi32>, vector<16xi32>], vector<16xf32>,
        %mul3A_1006 = arith.mulf %exp3A_980, %gather3A_1005 : vector<16xf32>
        tpu.vector_store_idx %arg17[%add3A_606, %add3A_1001], %mul3A_1006 : memref<160x72xf32, #tpu.memory_space<vmem>>[vector<16xi32>, vector<16xi32>], vector<16xf32>,
        %add3A_1007 = arith.constant 16 : i32
        %add3A_1008 = vector.broadcast %add3A_1007 : i32 to vector<16xi32>
        %add3A_1009 = arith.addi %and3A_509, %add3A_1008 : vector<16xi32>
        %add3A_1010 = arith.constant 64 : i32
        %add3A_1011 = vector.broadcast %add3A_1010 : i32 to vector<16xi32>
        %add3A_1012 = arith.addi %add3A_1009, %add3A_1011 : vector<16xi32>
        %gather3A_1013 = tpu.vector_load_idx %arg16[%add3A_601, %add3A_1012] : memref<160x128xf32, #tpu.memory_space<vmem>>[vector<16xi32>, vector<16xi32>], vector<16xf32>,
        %mul3A_1014 = arith.mulf %exp3A_980, %gather3A_1013 : vector<16xf32>
        tpu.vector_store_idx %arg17[%add3A_606, %add3A_1009], %mul3A_1014 : memref<160x72xf32, #tpu.memory_space<vmem>>[vector<16xi32>, vector<16xi32>], vector<16xf32>,
        %add3A_1015 = arith.constant 16 : i32
        %add3A_1016 = vector.broadcast %add3A_1015 : i32 to vector<16xi32>
        %add3A_1017 = arith.addi %and3A_515, %add3A_1016 : vector<16xi32>
        %add3A_1018 = arith.constant 64 : i32
        %add3A_1019 = vector.broadcast %add3A_1018 : i32 to vector<16xi32>
        %add3A_1020 = arith.addi %add3A_1017, %add3A_1019 : vector<16xi32>
        %gather3A_1021 = tpu.vector_load_idx %arg16[%add3A_601, %add3A_1020] : memref<160x128xf32, #tpu.memory_space<vmem>>[vector<16xi32>, vector<16xi32>], vector<16xf32>,
        %mul3A_1022 = arith.mulf %exp3A_980, %gather3A_1021 : vector<16xf32>
        tpu.vector_store_idx %arg17[%add3A_606, %add3A_1017], %mul3A_1022 : memref<160x72xf32, #tpu.memory_space<vmem>>[vector<16xi32>, vector<16xi32>], vector<16xf32>,
        %add3A_1023 = arith.constant 16 : i32
        %add3A_1024 = vector.broadcast %add3A_1023 : i32 to vector<16xi32>
        %add3A_1025 = arith.addi %and3A_521, %add3A_1024 : vector<16xi32>
        %add3A_1026 = arith.constant 64 : i32
        %add3A_1027 = vector.broadcast %add3A_1026 : i32 to vector<16xi32>
        %add3A_1028 = arith.addi %add3A_1025, %add3A_1027 : vector<16xi32>
        %gather3A_1029 = tpu.vector_load_idx %arg16[%add3A_601, %add3A_1028] : memref<160x128xf32, #tpu.memory_space<vmem>>[vector<16xi32>, vector<16xi32>], vector<16xf32>,
        %mul3A_1030 = arith.mulf %exp3A_980, %gather3A_1029 : vector<16xf32>
        tpu.vector_store_idx %arg17[%add3A_606, %add3A_1025], %mul3A_1030 : memref<160x72xf32, #tpu.memory_space<vmem>>[vector<16xi32>, vector<16xi32>], vector<16xf32>,
        %add3A_1031 = arith.constant 16 : i32
        %add3A_1032 = vector.broadcast %add3A_1031 : i32 to vector<16xi32>
        %add3A_1033 = arith.addi %and3A_527, %add3A_1032 : vector<16xi32>
        %add3A_1034 = arith.constant 64 : i32
        %add3A_1035 = vector.broadcast %add3A_1034 : i32 to vector<16xi32>
        %add3A_1036 = arith.addi %add3A_1033, %add3A_1035 : vector<16xi32>
        %gather3A_1037 = tpu.vector_load_idx %arg16[%add3A_601, %add3A_1036] : memref<160x128xf32, #tpu.memory_space<vmem>>[vector<16xi32>, vector<16xi32>], vector<16xf32>,
        %mul3A_1038 = arith.mulf %exp3A_980, %gather3A_1037 : vector<16xf32>
        tpu.vector_store_idx %arg17[%add3A_606, %add3A_1033], %mul3A_1038 : memref<160x72xf32, #tpu.memory_space<vmem>>[vector<16xi32>, vector<16xi32>], vector<16xf32>,
        %add3A_1039 = arith.constant 16 : i32
        %add3A_1040 = vector.broadcast %add3A_1039 : i32 to vector<16xi32>
        %add3A_1041 = arith.addi %and3A_533, %add3A_1040 : vector<16xi32>
        %add3A_1042 = arith.constant 64 : i32
        %add3A_1043 = vector.broadcast %add3A_1042 : i32 to vector<16xi32>
        %add3A_1044 = arith.addi %add3A_1041, %add3A_1043 : vector<16xi32>
        %gather3A_1045 = tpu.vector_load_idx %arg16[%add3A_601, %add3A_1044] : memref<160x128xf32, #tpu.memory_space<vmem>>[vector<16xi32>, vector<16xi32>], vector<16xf32>,
        %mul3A_1046 = arith.mulf %exp3A_980, %gather3A_1045 : vector<16xf32>
        tpu.vector_store_idx %arg17[%add3A_606, %add3A_1041], %mul3A_1046 : memref<160x72xf32, #tpu.memory_space<vmem>>[vector<16xi32>, vector<16xi32>], vector<16xf32>,
        %add3A_1047 = arith.constant 16 : i32
        %add3A_1048 = vector.broadcast %add3A_1047 : i32 to vector<16xi32>
        %add3A_1049 = arith.addi %and3A_539, %add3A_1048 : vector<16xi32>
        %add3A_1050 = arith.constant 64 : i32
        %add3A_1051 = vector.broadcast %add3A_1050 : i32 to vector<16xi32>
        %add3A_1052 = arith.addi %add3A_1049, %add3A_1051 : vector<16xi32>
        %gather3A_1053 = tpu.vector_load_idx %arg16[%add3A_601, %add3A_1052] : memref<160x128xf32, #tpu.memory_space<vmem>>[vector<16xi32>, vector<16xi32>], vector<16xf32>,
        %mul3A_1054 = arith.mulf %exp3A_980, %gather3A_1053 : vector<16xf32>
        tpu.vector_store_idx %arg17[%add3A_606, %add3A_1049], %mul3A_1054 : memref<160x72xf32, #tpu.memory_space<vmem>>[vector<16xi32>, vector<16xi32>], vector<16xf32>,
        %add3A_1055 = arith.constant 16 : i32
        %add3A_1056 = vector.broadcast %add3A_1055 : i32 to vector<16xi32>
        %add3A_1057 = arith.addi %and3A_545, %add3A_1056 : vector<16xi32>
        %add3A_1058 = arith.constant 64 : i32
        %add3A_1059 = vector.broadcast %add3A_1058 : i32 to vector<16xi32>
        %add3A_1060 = arith.addi %add3A_1057, %add3A_1059 : vector<16xi32>
        %gather3A_1061 = tpu.vector_load_idx %arg16[%add3A_601, %add3A_1060] : memref<160x128xf32, #tpu.memory_space<vmem>>[vector<16xi32>, vector<16xi32>], vector<16xf32>,
        %mul3A_1062 = arith.mulf %exp3A_980, %gather3A_1061 : vector<16xf32>
        tpu.vector_store_idx %arg17[%add3A_606, %add3A_1057], %mul3A_1062 : memref<160x72xf32, #tpu.memory_space<vmem>>[vector<16xi32>, vector<16xi32>], vector<16xf32>,
        %add3A_1063 = arith.constant 16 : i32
        %add3A_1064 = vector.broadcast %add3A_1063 : i32 to vector<16xi32>
        %add3A_1065 = arith.addi %and3A_551, %add3A_1064 : vector<16xi32>
        %add3A_1066 = arith.constant 64 : i32
        %add3A_1067 = vector.broadcast %add3A_1066 : i32 to vector<16xi32>
        %add3A_1068 = arith.addi %add3A_1065, %add3A_1067 : vector<16xi32>
        %gather3A_1069 = tpu.vector_load_idx %arg16[%add3A_601, %add3A_1068] : memref<160x128xf32, #tpu.memory_space<vmem>>[vector<16xi32>, vector<16xi32>], vector<16xf32>,
        %mul3A_1070 = arith.mulf %exp3A_980, %gather3A_1069 : vector<16xf32>
        tpu.vector_store_idx %arg17[%add3A_606, %add3A_1065], %mul3A_1070 : memref<160x72xf32, #tpu.memory_space<vmem>>[vector<16xi32>, vector<16xi32>], vector<16xf32>,
        %add3A_1071 = arith.constant 16 : i32
        %add3A_1072 = vector.broadcast %add3A_1071 : i32 to vector<16xi32>
        %add3A_1073 = arith.addi %and3A_557, %add3A_1072 : vector<16xi32>
        %add3A_1074 = arith.constant 64 : i32
        %add3A_1075 = vector.broadcast %add3A_1074 : i32 to vector<16xi32>
        %add3A_1076 = arith.addi %add3A_1073, %add3A_1075 : vector<16xi32>
        %gather3A_1077 = tpu.vector_load_idx %arg16[%add3A_601, %add3A_1076] : memref<160x128xf32, #tpu.memory_space<vmem>>[vector<16xi32>, vector<16xi32>], vector<16xf32>,
        %mul3A_1078 = arith.mulf %exp3A_980, %gather3A_1077 : vector<16xf32>
        tpu.vector_store_idx %arg17[%add3A_606, %add3A_1073], %mul3A_1078 : memref<160x72xf32, #tpu.memory_space<vmem>>[vector<16xi32>, vector<16xi32>], vector<16xf32>,
        %add3A_1079 = arith.constant 16 : i32
        %add3A_1080 = vector.broadcast %add3A_1079 : i32 to vector<16xi32>
        %add3A_1081 = arith.addi %and3A_563, %add3A_1080 : vector<16xi32>
        %add3A_1082 = arith.constant 64 : i32
        %add3A_1083 = vector.broadcast %add3A_1082 : i32 to vector<16xi32>
        %add3A_1084 = arith.addi %add3A_1081, %add3A_1083 : vector<16xi32>
        %gather3A_1085 = tpu.vector_load_idx %arg16[%add3A_601, %add3A_1084] : memref<160x128xf32, #tpu.memory_space<vmem>>[vector<16xi32>, vector<16xi32>], vector<16xf32>,
        %mul3A_1086 = arith.mulf %exp3A_980, %gather3A_1085 : vector<16xf32>
        tpu.vector_store_idx %arg17[%add3A_606, %add3A_1081], %mul3A_1086 : memref<160x72xf32, #tpu.memory_space<vmem>>[vector<16xi32>, vector<16xi32>], vector<16xf32>,
        %add3A_1087 = arith.constant 16 : i32
        %add3A_1088 = vector.broadcast %add3A_1087 : i32 to vector<16xi32>
        %add3A_1089 = arith.addi %and3A_569, %add3A_1088 : vector<16xi32>
        %add3A_1090 = arith.constant 64 : i32
        %add3A_1091 = vector.broadcast %add3A_1090 : i32 to vector<16xi32>
        %add3A_1092 = arith.addi %add3A_1089, %add3A_1091 : vector<16xi32>
        %gather3A_1093 = tpu.vector_load_idx %arg16[%add3A_601, %add3A_1092] : memref<160x128xf32, #tpu.memory_space<vmem>>[vector<16xi32>, vector<16xi32>], vector<16xf32>,
        %mul3A_1094 = arith.mulf %exp3A_980, %gather3A_1093 : vector<16xf32>
        tpu.vector_store_idx %arg17[%add3A_606, %add3A_1089], %mul3A_1094 : memref<160x72xf32, #tpu.memory_space<vmem>>[vector<16xi32>, vector<16xi32>], vector<16xf32>,
        %add3A_1095 = arith.constant 16 : i32
        %add3A_1096 = vector.broadcast %add3A_1095 : i32 to vector<16xi32>
        %add3A_1097 = arith.addi %and3A_575, %add3A_1096 : vector<16xi32>
        %add3A_1098 = arith.constant 64 : i32
        %add3A_1099 = vector.broadcast %add3A_1098 : i32 to vector<16xi32>
        %add3A_1100 = arith.addi %add3A_1097, %add3A_1099 : vector<16xi32>
        %gather3A_1101 = tpu.vector_load_idx %arg16[%add3A_601, %add3A_1100] : memref<160x128xf32, #tpu.memory_space<vmem>>[vector<16xi32>, vector<16xi32>], vector<16xf32>,
        %mul3A_1102 = arith.mulf %exp3A_980, %gather3A_1101 : vector<16xf32>
        tpu.vector_store_idx %arg17[%add3A_606, %add3A_1097], %mul3A_1102 : memref<160x72xf32, #tpu.memory_space<vmem>>[vector<16xi32>, vector<16xi32>], vector<16xf32>,
        %add3A_1103 = arith.constant 16 : i32
        %add3A_1104 = vector.broadcast %add3A_1103 : i32 to vector<16xi32>
        %add3A_1105 = arith.addi %and3A_581, %add3A_1104 : vector<16xi32>
        %add3A_1106 = arith.constant 64 : i32
        %add3A_1107 = vector.broadcast %add3A_1106 : i32 to vector<16xi32>
        %add3A_1108 = arith.addi %add3A_1105, %add3A_1107 : vector<16xi32>
        %gather3A_1109 = tpu.vector_load_idx %arg16[%add3A_601, %add3A_1108] : memref<160x128xf32, #tpu.memory_space<vmem>>[vector<16xi32>, vector<16xi32>], vector<16xf32>,
        %mul3A_1110 = arith.mulf %exp3A_980, %gather3A_1109 : vector<16xf32>
        tpu.vector_store_idx %arg17[%add3A_606, %add3A_1105], %mul3A_1110 : memref<160x72xf32, #tpu.memory_space<vmem>>[vector<16xi32>, vector<16xi32>], vector<16xf32>,
        %add3A_1111 = arith.constant 32 : i32
        %add3A_1112 = vector.broadcast %add3A_1111 : i32 to vector<16xi32>
        %add3A_1113 = arith.addi %and3A_491, %add3A_1112 : vector<16xi32>
        %gather3A_1114 = tpu.vector_load_idx %arg15[%add3A_601, %add3A_1113] : memref<160x64xf32, #tpu.memory_space<vmem>>[vector<16xi32>, vector<16xi32>], vector<16xf32>,
        %gather3A_1115 = tpu.vector_load_idx %arg16[%add3A_601, %add3A_1113] : memref<160x128xf32, #tpu.memory_space<vmem>>[vector<16xi32>, vector<16xi32>], vector<16xf32>,
        %mul3A_1116 = arith.mulf %gather3A_1114, %gather3A_1115 : vector<16xf32>
        %add3A_1117 = arith.constant 32 : i32
        %add3A_1118 = vector.broadcast %add3A_1117 : i32 to vector<16xi32>
        %add3A_1119 = arith.addi %and3A_497, %add3A_1118 : vector<16xi32>
        %gather3A_1120 = tpu.vector_load_idx %arg15[%add3A_601, %add3A_1119] : memref<160x64xf32, #tpu.memory_space<vmem>>[vector<16xi32>, vector<16xi32>], vector<16xf32>,
        %gather3A_1121 = tpu.vector_load_idx %arg16[%add3A_601, %add3A_1119] : memref<160x128xf32, #tpu.memory_space<vmem>>[vector<16xi32>, vector<16xi32>], vector<16xf32>,
        %mul3A_1122 = arith.mulf %gather3A_1120, %gather3A_1121 : vector<16xf32>
        %add3A_1123 = arith.constant 32 : i32
        %add3A_1124 = vector.broadcast %add3A_1123 : i32 to vector<16xi32>
        %add3A_1125 = arith.addi %and3A_503, %add3A_1124 : vector<16xi32>
        %gather3A_1126 = tpu.vector_load_idx %arg15[%add3A_601, %add3A_1125] : memref<160x64xf32, #tpu.memory_space<vmem>>[vector<16xi32>, vector<16xi32>], vector<16xf32>,
        %gather3A_1127 = tpu.vector_load_idx %arg16[%add3A_601, %add3A_1125] : memref<160x128xf32, #tpu.memory_space<vmem>>[vector<16xi32>, vector<16xi32>], vector<16xf32>,
        %mul3A_1128 = arith.mulf %gather3A_1126, %gather3A_1127 : vector<16xf32>
        %add3A_1129 = arith.constant 32 : i32
        %add3A_1130 = vector.broadcast %add3A_1129 : i32 to vector<16xi32>
        %add3A_1131 = arith.addi %and3A_509, %add3A_1130 : vector<16xi32>
        %gather3A_1132 = tpu.vector_load_idx %arg15[%add3A_601, %add3A_1131] : memref<160x64xf32, #tpu.memory_space<vmem>>[vector<16xi32>, vector<16xi32>], vector<16xf32>,
        %gather3A_1133 = tpu.vector_load_idx %arg16[%add3A_601, %add3A_1131] : memref<160x128xf32, #tpu.memory_space<vmem>>[vector<16xi32>, vector<16xi32>], vector<16xf32>,
        %mul3A_1134 = arith.mulf %gather3A_1132, %gather3A_1133 : vector<16xf32>
        %add3A_1135 = arith.constant 32 : i32
        %add3A_1136 = vector.broadcast %add3A_1135 : i32 to vector<16xi32>
        %add3A_1137 = arith.addi %and3A_515, %add3A_1136 : vector<16xi32>
        %gather3A_1138 = tpu.vector_load_idx %arg15[%add3A_601, %add3A_1137] : memref<160x64xf32, #tpu.memory_space<vmem>>[vector<16xi32>, vector<16xi32>], vector<16xf32>,
        %gather3A_1139 = tpu.vector_load_idx %arg16[%add3A_601, %add3A_1137] : memref<160x128xf32, #tpu.memory_space<vmem>>[vector<16xi32>, vector<16xi32>], vector<16xf32>,
        %mul3A_1140 = arith.mulf %gather3A_1138, %gather3A_1139 : vector<16xf32>
        %add3A_1141 = arith.constant 32 : i32
        %add3A_1142 = vector.broadcast %add3A_1141 : i32 to vector<16xi32>
        %add3A_1143 = arith.addi %and3A_521, %add3A_1142 : vector<16xi32>
        %gather3A_1144 = tpu.vector_load_idx %arg15[%add3A_601, %add3A_1143] : memref<160x64xf32, #tpu.memory_space<vmem>>[vector<16xi32>, vector<16xi32>], vector<16xf32>,
        %gather3A_1145 = tpu.vector_load_idx %arg16[%add3A_601, %add3A_1143] : memref<160x128xf32, #tpu.memory_space<vmem>>[vector<16xi32>, vector<16xi32>], vector<16xf32>,
        %mul3A_1146 = arith.mulf %gather3A_1144, %gather3A_1145 : vector<16xf32>
        %add3A_1147 = arith.constant 32 : i32
        %add3A_1148 = vector.broadcast %add3A_1147 : i32 to vector<16xi32>
        %add3A_1149 = arith.addi %and3A_527, %add3A_1148 : vector<16xi32>
        %gather3A_1150 = tpu.vector_load_idx %arg15[%add3A_601, %add3A_1149] : memref<160x64xf32, #tpu.memory_space<vmem>>[vector<16xi32>, vector<16xi32>], vector<16xf32>,
        %gather3A_1151 = tpu.vector_load_idx %arg16[%add3A_601, %add3A_1149] : memref<160x128xf32, #tpu.memory_space<vmem>>[vector<16xi32>, vector<16xi32>], vector<16xf32>,
        %mul3A_1152 = arith.mulf %gather3A_1150, %gather3A_1151 : vector<16xf32>
        %add3A_1153 = arith.constant 32 : i32
        %add3A_1154 = vector.broadcast %add3A_1153 : i32 to vector<16xi32>
        %add3A_1155 = arith.addi %and3A_533, %add3A_1154 : vector<16xi32>
        %gather3A_1156 = tpu.vector_load_idx %arg15[%add3A_601, %add3A_1155] : memref<160x64xf32, #tpu.memory_space<vmem>>[vector<16xi32>, vector<16xi32>], vector<16xf32>,
        %gather3A_1157 = tpu.vector_load_idx %arg16[%add3A_601, %add3A_1155] : memref<160x128xf32, #tpu.memory_space<vmem>>[vector<16xi32>, vector<16xi32>], vector<16xf32>,
        %mul3A_1158 = arith.mulf %gather3A_1156, %gather3A_1157 : vector<16xf32>
        %add3A_1159 = arith.constant 32 : i32
        %add3A_1160 = vector.broadcast %add3A_1159 : i32 to vector<16xi32>
        %add3A_1161 = arith.addi %and3A_539, %add3A_1160 : vector<16xi32>
        %gather3A_1162 = tpu.vector_load_idx %arg15[%add3A_601, %add3A_1161] : memref<160x64xf32, #tpu.memory_space<vmem>>[vector<16xi32>, vector<16xi32>], vector<16xf32>,
        %gather3A_1163 = tpu.vector_load_idx %arg16[%add3A_601, %add3A_1161] : memref<160x128xf32, #tpu.memory_space<vmem>>[vector<16xi32>, vector<16xi32>], vector<16xf32>,
        %mul3A_1164 = arith.mulf %gather3A_1162, %gather3A_1163 : vector<16xf32>
        %add3A_1165 = arith.constant 32 : i32
        %add3A_1166 = vector.broadcast %add3A_1165 : i32 to vector<16xi32>
        %add3A_1167 = arith.addi %and3A_545, %add3A_1166 : vector<16xi32>
        %gather3A_1168 = tpu.vector_load_idx %arg15[%add3A_601, %add3A_1167] : memref<160x64xf32, #tpu.memory_space<vmem>>[vector<16xi32>, vector<16xi32>], vector<16xf32>,
        %gather3A_1169 = tpu.vector_load_idx %arg16[%add3A_601, %add3A_1167] : memref<160x128xf32, #tpu.memory_space<vmem>>[vector<16xi32>, vector<16xi32>], vector<16xf32>,
        %mul3A_1170 = arith.mulf %gather3A_1168, %gather3A_1169 : vector<16xf32>
        %add3A_1171 = arith.constant 32 : i32
        %add3A_1172 = vector.broadcast %add3A_1171 : i32 to vector<16xi32>
        %add3A_1173 = arith.addi %and3A_551, %add3A_1172 : vector<16xi32>
        %gather3A_1174 = tpu.vector_load_idx %arg15[%add3A_601, %add3A_1173] : memref<160x64xf32, #tpu.memory_space<vmem>>[vector<16xi32>, vector<16xi32>], vector<16xf32>,
        %gather3A_1175 = tpu.vector_load_idx %arg16[%add3A_601, %add3A_1173] : memref<160x128xf32, #tpu.memory_space<vmem>>[vector<16xi32>, vector<16xi32>], vector<16xf32>,
        %mul3A_1176 = arith.mulf %gather3A_1174, %gather3A_1175 : vector<16xf32>
        %add3A_1177 = arith.constant 32 : i32
        %add3A_1178 = vector.broadcast %add3A_1177 : i32 to vector<16xi32>
        %add3A_1179 = arith.addi %and3A_557, %add3A_1178 : vector<16xi32>
        %gather3A_1180 = tpu.vector_load_idx %arg15[%add3A_601, %add3A_1179] : memref<160x64xf32, #tpu.memory_space<vmem>>[vector<16xi32>, vector<16xi32>], vector<16xf32>,
        %gather3A_1181 = tpu.vector_load_idx %arg16[%add3A_601, %add3A_1179] : memref<160x128xf32, #tpu.memory_space<vmem>>[vector<16xi32>, vector<16xi32>], vector<16xf32>,
        %mul3A_1182 = arith.mulf %gather3A_1180, %gather3A_1181 : vector<16xf32>
        %add3A_1183 = arith.constant 32 : i32
        %add3A_1184 = vector.broadcast %add3A_1183 : i32 to vector<16xi32>
        %add3A_1185 = arith.addi %and3A_563, %add3A_1184 : vector<16xi32>
        %gather3A_1186 = tpu.vector_load_idx %arg15[%add3A_601, %add3A_1185] : memref<160x64xf32, #tpu.memory_space<vmem>>[vector<16xi32>, vector<16xi32>], vector<16xf32>,
        %gather3A_1187 = tpu.vector_load_idx %arg16[%add3A_601, %add3A_1185] : memref<160x128xf32, #tpu.memory_space<vmem>>[vector<16xi32>, vector<16xi32>], vector<16xf32>,
        %mul3A_1188 = arith.mulf %gather3A_1186, %gather3A_1187 : vector<16xf32>
        %add3A_1189 = arith.constant 32 : i32
        %add3A_1190 = vector.broadcast %add3A_1189 : i32 to vector<16xi32>
        %add3A_1191 = arith.addi %and3A_569, %add3A_1190 : vector<16xi32>
        %gather3A_1192 = tpu.vector_load_idx %arg15[%add3A_601, %add3A_1191] : memref<160x64xf32, #tpu.memory_space<vmem>>[vector<16xi32>, vector<16xi32>], vector<16xf32>,
        %gather3A_1193 = tpu.vector_load_idx %arg16[%add3A_601, %add3A_1191] : memref<160x128xf32, #tpu.memory_space<vmem>>[vector<16xi32>, vector<16xi32>], vector<16xf32>,
        %mul3A_1194 = arith.mulf %gather3A_1192, %gather3A_1193 : vector<16xf32>
        %add3A_1195 = arith.constant 32 : i32
        %add3A_1196 = vector.broadcast %add3A_1195 : i32 to vector<16xi32>
        %add3A_1197 = arith.addi %and3A_575, %add3A_1196 : vector<16xi32>
        %gather3A_1198 = tpu.vector_load_idx %arg15[%add3A_601, %add3A_1197] : memref<160x64xf32, #tpu.memory_space<vmem>>[vector<16xi32>, vector<16xi32>], vector<16xf32>,
        %gather3A_1199 = tpu.vector_load_idx %arg16[%add3A_601, %add3A_1197] : memref<160x128xf32, #tpu.memory_space<vmem>>[vector<16xi32>, vector<16xi32>], vector<16xf32>,
        %mul3A_1200 = arith.mulf %gather3A_1198, %gather3A_1199 : vector<16xf32>
        %add3A_1201 = arith.constant 32 : i32
        %add3A_1202 = vector.broadcast %add3A_1201 : i32 to vector<16xi32>
        %add3A_1203 = arith.addi %and3A_581, %add3A_1202 : vector<16xi32>
        %gather3A_1204 = tpu.vector_load_idx %arg15[%add3A_601, %add3A_1203] : memref<160x64xf32, #tpu.memory_space<vmem>>[vector<16xi32>, vector<16xi32>], vector<16xf32>,
        %gather3A_1205 = tpu.vector_load_idx %arg16[%add3A_601, %add3A_1203] : memref<160x128xf32, #tpu.memory_space<vmem>>[vector<16xi32>, vector<16xi32>], vector<16xf32>,
        %mul3A_1206 = arith.mulf %gather3A_1204, %gather3A_1205 : vector<16xf32>
        %mul3A_1207 = arith.mulf %gather3A_615, %gather3A_23 : vector<16xf32>
        %mul3A_1208 = arith.mulf %gather3A_619, %gather3A_51 : vector<16xf32>
        %add3A_1209 = arith.addf %mul3A_1207, %mul3A_1208 : vector<16xf32>
        %add3A_1210 = arith.addf %mul3A_1116, %mul3A_1122 : vector<16xf32>
        %add3A_1211 = arith.addf %mul3A_1128, %mul3A_1134 : vector<16xf32>
        %add3A_1212 = arith.addf %mul3A_1140, %mul3A_1146 : vector<16xf32>
        %add3A_1213 = arith.addf %mul3A_1152, %mul3A_1158 : vector<16xf32>
        %add3A_1214 = arith.addf %mul3A_1164, %mul3A_1170 : vector<16xf32>
        %add3A_1215 = arith.addf %mul3A_1176, %mul3A_1182 : vector<16xf32>
        %add3A_1216 = arith.addf %mul3A_1188, %mul3A_1194 : vector<16xf32>
        %add3A_1217 = arith.addf %mul3A_1200, %mul3A_1206 : vector<16xf32>
        %add3A_1218 = arith.addf %add3A_1210, %add3A_1211 : vector<16xf32>
        %add3A_1219 = arith.addf %add3A_1212, %add3A_1213 : vector<16xf32>
        %add3A_1220 = arith.addf %add3A_1214, %add3A_1215 : vector<16xf32>
        %add3A_1221 = arith.addf %add3A_1216, %add3A_1217 : vector<16xf32>
        %add3A_1222 = arith.addf %add3A_1218, %add3A_1219 : vector<16xf32>
        %add3A_1223 = arith.addf %add3A_1220, %add3A_1221 : vector<16xf32>
        %add3A_1224 = arith.addf %add3A_1222, %add3A_1223 : vector<16xf32>
        %add3A_1225 = arith.addf %add3A_1224, %add3A_1209 : vector<16xf32>
        %exp3A_1226 = math.exp %add3A_1225 : vector<16xf32>
        %broadcast_in_dim3A_1227 = arith.constant 66 : i32
        %broadcast_in_dim3A_1228 = vector.broadcast %broadcast_in_dim3A_1227 : i32 to vector<16xi32>
        tpu.vector_store_idx %arg17[%add3A_606, %broadcast_in_dim3A_1228], %exp3A_1226 : memref<160x72xf32, #tpu.memory_space<vmem>>[vector<16xi32>, vector<16xi32>], vector<16xf32>,
        %add3A_1229 = arith.constant 32 : i32
        %add3A_1230 = vector.broadcast %add3A_1229 : i32 to vector<16xi32>
        %add3A_1231 = arith.addi %and3A_491, %add3A_1230 : vector<16xi32>
        %add3A_1232 = arith.constant 64 : i32
        %add3A_1233 = vector.broadcast %add3A_1232 : i32 to vector<16xi32>
        %add3A_1234 = arith.addi %add3A_1231, %add3A_1233 : vector<16xi32>
        %gather3A_1235 = tpu.vector_load_idx %arg16[%add3A_601, %add3A_1234] : memref<160x128xf32, #tpu.memory_space<vmem>>[vector<16xi32>, vector<16xi32>], vector<16xf32>,
        %mul3A_1236 = arith.mulf %exp3A_1226, %gather3A_1235 : vector<16xf32>
        tpu.vector_store_idx %arg17[%add3A_606, %add3A_1231], %mul3A_1236 : memref<160x72xf32, #tpu.memory_space<vmem>>[vector<16xi32>, vector<16xi32>], vector<16xf32>,
        %add3A_1237 = arith.constant 32 : i32
        %add3A_1238 = vector.broadcast %add3A_1237 : i32 to vector<16xi32>
        %add3A_1239 = arith.addi %and3A_497, %add3A_1238 : vector<16xi32>
        %add3A_1240 = arith.constant 64 : i32
        %add3A_1241 = vector.broadcast %add3A_1240 : i32 to vector<16xi32>
        %add3A_1242 = arith.addi %add3A_1239, %add3A_1241 : vector<16xi32>
        %gather3A_1243 = tpu.vector_load_idx %arg16[%add3A_601, %add3A_1242] : memref<160x128xf32, #tpu.memory_space<vmem>>[vector<16xi32>, vector<16xi32>], vector<16xf32>,
        %mul3A_1244 = arith.mulf %exp3A_1226, %gather3A_1243 : vector<16xf32>
        tpu.vector_store_idx %arg17[%add3A_606, %add3A_1239], %mul3A_1244 : memref<160x72xf32, #tpu.memory_space<vmem>>[vector<16xi32>, vector<16xi32>], vector<16xf32>,
        %add3A_1245 = arith.constant 32 : i32
        %add3A_1246 = vector.broadcast %add3A_1245 : i32 to vector<16xi32>
        %add3A_1247 = arith.addi %and3A_503, %add3A_1246 : vector<16xi32>
        %add3A_1248 = arith.constant 64 : i32
        %add3A_1249 = vector.broadcast %add3A_1248 : i32 to vector<16xi32>
        %add3A_1250 = arith.addi %add3A_1247, %add3A_1249 : vector<16xi32>
        %gather3A_1251 = tpu.vector_load_idx %arg16[%add3A_601, %add3A_1250] : memref<160x128xf32, #tpu.memory_space<vmem>>[vector<16xi32>, vector<16xi32>], vector<16xf32>,
        %mul3A_1252 = arith.mulf %exp3A_1226, %gather3A_1251 : vector<16xf32>
        tpu.vector_store_idx %arg17[%add3A_606, %add3A_1247], %mul3A_1252 : memref<160x72xf32, #tpu.memory_space<vmem>>[vector<16xi32>, vector<16xi32>], vector<16xf32>,
        %add3A_1253 = arith.constant 32 : i32
        %add3A_1254 = vector.broadcast %add3A_1253 : i32 to vector<16xi32>
        %add3A_1255 = arith.addi %and3A_509, %add3A_1254 : vector<16xi32>
        %add3A_1256 = arith.constant 64 : i32
        %add3A_1257 = vector.broadcast %add3A_1256 : i32 to vector<16xi32>
        %add3A_1258 = arith.addi %add3A_1255, %add3A_1257 : vector<16xi32>
        %gather3A_1259 = tpu.vector_load_idx %arg16[%add3A_601, %add3A_1258] : memref<160x128xf32, #tpu.memory_space<vmem>>[vector<16xi32>, vector<16xi32>], vector<16xf32>,
        %mul3A_1260 = arith.mulf %exp3A_1226, %gather3A_1259 : vector<16xf32>
        tpu.vector_store_idx %arg17[%add3A_606, %add3A_1255], %mul3A_1260 : memref<160x72xf32, #tpu.memory_space<vmem>>[vector<16xi32>, vector<16xi32>], vector<16xf32>,
        %add3A_1261 = arith.constant 32 : i32
        %add3A_1262 = vector.broadcast %add3A_1261 : i32 to vector<16xi32>
        %add3A_1263 = arith.addi %and3A_515, %add3A_1262 : vector<16xi32>
        %add3A_1264 = arith.constant 64 : i32
        %add3A_1265 = vector.broadcast %add3A_1264 : i32 to vector<16xi32>
        %add3A_1266 = arith.addi %add3A_1263, %add3A_1265 : vector<16xi32>
        %gather3A_1267 = tpu.vector_load_idx %arg16[%add3A_601, %add3A_1266] : memref<160x128xf32, #tpu.memory_space<vmem>>[vector<16xi32>, vector<16xi32>], vector<16xf32>,
        %mul3A_1268 = arith.mulf %exp3A_1226, %gather3A_1267 : vector<16xf32>
        tpu.vector_store_idx %arg17[%add3A_606, %add3A_1263], %mul3A_1268 : memref<160x72xf32, #tpu.memory_space<vmem>>[vector<16xi32>, vector<16xi32>], vector<16xf32>,
        %add3A_1269 = arith.constant 32 : i32
        %add3A_1270 = vector.broadcast %add3A_1269 : i32 to vector<16xi32>
        %add3A_1271 = arith.addi %and3A_521, %add3A_1270 : vector<16xi32>
        %add3A_1272 = arith.constant 64 : i32
        %add3A_1273 = vector.broadcast %add3A_1272 : i32 to vector<16xi32>
        %add3A_1274 = arith.addi %add3A_1271, %add3A_1273 : vector<16xi32>
        %gather3A_1275 = tpu.vector_load_idx %arg16[%add3A_601, %add3A_1274] : memref<160x128xf32, #tpu.memory_space<vmem>>[vector<16xi32>, vector<16xi32>], vector<16xf32>,
        %mul3A_1276 = arith.mulf %exp3A_1226, %gather3A_1275 : vector<16xf32>
        tpu.vector_store_idx %arg17[%add3A_606, %add3A_1271], %mul3A_1276 : memref<160x72xf32, #tpu.memory_space<vmem>>[vector<16xi32>, vector<16xi32>], vector<16xf32>,
        %add3A_1277 = arith.constant 32 : i32
        %add3A_1278 = vector.broadcast %add3A_1277 : i32 to vector<16xi32>
        %add3A_1279 = arith.addi %and3A_527, %add3A_1278 : vector<16xi32>
        %add3A_1280 = arith.constant 64 : i32
        %add3A_1281 = vector.broadcast %add3A_1280 : i32 to vector<16xi32>
        %add3A_1282 = arith.addi %add3A_1279, %add3A_1281 : vector<16xi32>
        %gather3A_1283 = tpu.vector_load_idx %arg16[%add3A_601, %add3A_1282] : memref<160x128xf32, #tpu.memory_space<vmem>>[vector<16xi32>, vector<16xi32>], vector<16xf32>,
        %mul3A_1284 = arith.mulf %exp3A_1226, %gather3A_1283 : vector<16xf32>
        tpu.vector_store_idx %arg17[%add3A_606, %add3A_1279], %mul3A_1284 : memref<160x72xf32, #tpu.memory_space<vmem>>[vector<16xi32>, vector<16xi32>], vector<16xf32>,
        %add3A_1285 = arith.constant 32 : i32
        %add3A_1286 = vector.broadcast %add3A_1285 : i32 to vector<16xi32>
        %add3A_1287 = arith.addi %and3A_533, %add3A_1286 : vector<16xi32>
        %add3A_1288 = arith.constant 64 : i32
        %add3A_1289 = vector.broadcast %add3A_1288 : i32 to vector<16xi32>
        %add3A_1290 = arith.addi %add3A_1287, %add3A_1289 : vector<16xi32>
        %gather3A_1291 = tpu.vector_load_idx %arg16[%add3A_601, %add3A_1290] : memref<160x128xf32, #tpu.memory_space<vmem>>[vector<16xi32>, vector<16xi32>], vector<16xf32>,
        %mul3A_1292 = arith.mulf %exp3A_1226, %gather3A_1291 : vector<16xf32>
        tpu.vector_store_idx %arg17[%add3A_606, %add3A_1287], %mul3A_1292 : memref<160x72xf32, #tpu.memory_space<vmem>>[vector<16xi32>, vector<16xi32>], vector<16xf32>,
        %add3A_1293 = arith.constant 32 : i32
        %add3A_1294 = vector.broadcast %add3A_1293 : i32 to vector<16xi32>
        %add3A_1295 = arith.addi %and3A_539, %add3A_1294 : vector<16xi32>
        %add3A_1296 = arith.constant 64 : i32
        %add3A_1297 = vector.broadcast %add3A_1296 : i32 to vector<16xi32>
        %add3A_1298 = arith.addi %add3A_1295, %add3A_1297 : vector<16xi32>
        %gather3A_1299 = tpu.vector_load_idx %arg16[%add3A_601, %add3A_1298] : memref<160x128xf32, #tpu.memory_space<vmem>>[vector<16xi32>, vector<16xi32>], vector<16xf32>,
        %mul3A_1300 = arith.mulf %exp3A_1226, %gather3A_1299 : vector<16xf32>
        tpu.vector_store_idx %arg17[%add3A_606, %add3A_1295], %mul3A_1300 : memref<160x72xf32, #tpu.memory_space<vmem>>[vector<16xi32>, vector<16xi32>], vector<16xf32>,
        %add3A_1301 = arith.constant 32 : i32
        %add3A_1302 = vector.broadcast %add3A_1301 : i32 to vector<16xi32>
        %add3A_1303 = arith.addi %and3A_545, %add3A_1302 : vector<16xi32>
        %add3A_1304 = arith.constant 64 : i32
        %add3A_1305 = vector.broadcast %add3A_1304 : i32 to vector<16xi32>
        %add3A_1306 = arith.addi %add3A_1303, %add3A_1305 : vector<16xi32>
        %gather3A_1307 = tpu.vector_load_idx %arg16[%add3A_601, %add3A_1306] : memref<160x128xf32, #tpu.memory_space<vmem>>[vector<16xi32>, vector<16xi32>], vector<16xf32>,
        %mul3A_1308 = arith.mulf %exp3A_1226, %gather3A_1307 : vector<16xf32>
        tpu.vector_store_idx %arg17[%add3A_606, %add3A_1303], %mul3A_1308 : memref<160x72xf32, #tpu.memory_space<vmem>>[vector<16xi32>, vector<16xi32>], vector<16xf32>,
        %add3A_1309 = arith.constant 32 : i32
        %add3A_1310 = vector.broadcast %add3A_1309 : i32 to vector<16xi32>
        %add3A_1311 = arith.addi %and3A_551, %add3A_1310 : vector<16xi32>
        %add3A_1312 = arith.constant 64 : i32
        %add3A_1313 = vector.broadcast %add3A_1312 : i32 to vector<16xi32>
        %add3A_1314 = arith.addi %add3A_1311, %add3A_1313 : vector<16xi32>
        %gather3A_1315 = tpu.vector_load_idx %arg16[%add3A_601, %add3A_1314] : memref<160x128xf32, #tpu.memory_space<vmem>>[vector<16xi32>, vector<16xi32>], vector<16xf32>,
        %mul3A_1316 = arith.mulf %exp3A_1226, %gather3A_1315 : vector<16xf32>
        tpu.vector_store_idx %arg17[%add3A_606, %add3A_1311], %mul3A_1316 : memref<160x72xf32, #tpu.memory_space<vmem>>[vector<16xi32>, vector<16xi32>], vector<16xf32>,
        %add3A_1317 = arith.constant 32 : i32
        %add3A_1318 = vector.broadcast %add3A_1317 : i32 to vector<16xi32>
        %add3A_1319 = arith.addi %and3A_557, %add3A_1318 : vector<16xi32>
        %add3A_1320 = arith.constant 64 : i32
        %add3A_1321 = vector.broadcast %add3A_1320 : i32 to vector<16xi32>
        %add3A_1322 = arith.addi %add3A_1319, %add3A_1321 : vector<16xi32>
        %gather3A_1323 = tpu.vector_load_idx %arg16[%add3A_601, %add3A_1322] : memref<160x128xf32, #tpu.memory_space<vmem>>[vector<16xi32>, vector<16xi32>], vector<16xf32>,
        %mul3A_1324 = arith.mulf %exp3A_1226, %gather3A_1323 : vector<16xf32>
        tpu.vector_store_idx %arg17[%add3A_606, %add3A_1319], %mul3A_1324 : memref<160x72xf32, #tpu.memory_space<vmem>>[vector<16xi32>, vector<16xi32>], vector<16xf32>,
        %add3A_1325 = arith.constant 32 : i32
        %add3A_1326 = vector.broadcast %add3A_1325 : i32 to vector<16xi32>
        %add3A_1327 = arith.addi %and3A_563, %add3A_1326 : vector<16xi32>
        %add3A_1328 = arith.constant 64 : i32
        %add3A_1329 = vector.broadcast %add3A_1328 : i32 to vector<16xi32>
        %add3A_1330 = arith.addi %add3A_1327, %add3A_1329 : vector<16xi32>
        %gather3A_1331 = tpu.vector_load_idx %arg16[%add3A_601, %add3A_1330] : memref<160x128xf32, #tpu.memory_space<vmem>>[vector<16xi32>, vector<16xi32>], vector<16xf32>,
        %mul3A_1332 = arith.mulf %exp3A_1226, %gather3A_1331 : vector<16xf32>
        tpu.vector_store_idx %arg17[%add3A_606, %add3A_1327], %mul3A_1332 : memref<160x72xf32, #tpu.memory_space<vmem>>[vector<16xi32>, vector<16xi32>], vector<16xf32>,
        %add3A_1333 = arith.constant 32 : i32
        %add3A_1334 = vector.broadcast %add3A_1333 : i32 to vector<16xi32>
        %add3A_1335 = arith.addi %and3A_569, %add3A_1334 : vector<16xi32>
        %add3A_1336 = arith.constant 64 : i32
        %add3A_1337 = vector.broadcast %add3A_1336 : i32 to vector<16xi32>
        %add3A_1338 = arith.addi %add3A_1335, %add3A_1337 : vector<16xi32>
        %gather3A_1339 = tpu.vector_load_idx %arg16[%add3A_601, %add3A_1338] : memref<160x128xf32, #tpu.memory_space<vmem>>[vector<16xi32>, vector<16xi32>], vector<16xf32>,
        %mul3A_1340 = arith.mulf %exp3A_1226, %gather3A_1339 : vector<16xf32>
        tpu.vector_store_idx %arg17[%add3A_606, %add3A_1335], %mul3A_1340 : memref<160x72xf32, #tpu.memory_space<vmem>>[vector<16xi32>, vector<16xi32>], vector<16xf32>,
        %add3A_1341 = arith.constant 32 : i32
        %add3A_1342 = vector.broadcast %add3A_1341 : i32 to vector<16xi32>
        %add3A_1343 = arith.addi %and3A_575, %add3A_1342 : vector<16xi32>
        %add3A_1344 = arith.constant 64 : i32
        %add3A_1345 = vector.broadcast %add3A_1344 : i32 to vector<16xi32>
        %add3A_1346 = arith.addi %add3A_1343, %add3A_1345 : vector<16xi32>
        %gather3A_1347 = tpu.vector_load_idx %arg16[%add3A_601, %add3A_1346] : memref<160x128xf32, #tpu.memory_space<vmem>>[vector<16xi32>, vector<16xi32>], vector<16xf32>,
        %mul3A_1348 = arith.mulf %exp3A_1226, %gather3A_1347 : vector<16xf32>
        tpu.vector_store_idx %arg17[%add3A_606, %add3A_1343], %mul3A_1348 : memref<160x72xf32, #tpu.memory_space<vmem>>[vector<16xi32>, vector<16xi32>], vector<16xf32>,
        %add3A_1349 = arith.constant 32 : i32
        %add3A_1350 = vector.broadcast %add3A_1349 : i32 to vector<16xi32>
        %add3A_1351 = arith.addi %and3A_581, %add3A_1350 : vector<16xi32>
        %add3A_1352 = arith.constant 64 : i32
        %add3A_1353 = vector.broadcast %add3A_1352 : i32 to vector<16xi32>
        %add3A_1354 = arith.addi %add3A_1351, %add3A_1353 : vector<16xi32>
        %gather3A_1355 = tpu.vector_load_idx %arg16[%add3A_601, %add3A_1354] : memref<160x128xf32, #tpu.memory_space<vmem>>[vector<16xi32>, vector<16xi32>], vector<16xf32>,
        %mul3A_1356 = arith.mulf %exp3A_1226, %gather3A_1355 : vector<16xf32>
        tpu.vector_store_idx %arg17[%add3A_606, %add3A_1351], %mul3A_1356 : memref<160x72xf32, #tpu.memory_space<vmem>>[vector<16xi32>, vector<16xi32>], vector<16xf32>,
        %add3A_1357 = arith.constant 48 : i32
        %add3A_1358 = vector.broadcast %add3A_1357 : i32 to vector<16xi32>
        %add3A_1359 = arith.addi %and3A_491, %add3A_1358 : vector<16xi32>
        %gather3A_1360 = tpu.vector_load_idx %arg15[%add3A_601, %add3A_1359] : memref<160x64xf32, #tpu.memory_space<vmem>>[vector<16xi32>, vector<16xi32>], vector<16xf32>,
        %gather3A_1361 = tpu.vector_load_idx %arg16[%add3A_601, %add3A_1359] : memref<160x128xf32, #tpu.memory_space<vmem>>[vector<16xi32>, vector<16xi32>], vector<16xf32>,
        %mul3A_1362 = arith.mulf %gather3A_1360, %gather3A_1361 : vector<16xf32>
        %add3A_1363 = arith.constant 48 : i32
        %add3A_1364 = vector.broadcast %add3A_1363 : i32 to vector<16xi32>
        %add3A_1365 = arith.addi %and3A_497, %add3A_1364 : vector<16xi32>
        %gather3A_1366 = tpu.vector_load_idx %arg15[%add3A_601, %add3A_1365] : memref<160x64xf32, #tpu.memory_space<vmem>>[vector<16xi32>, vector<16xi32>], vector<16xf32>,
        %gather3A_1367 = tpu.vector_load_idx %arg16[%add3A_601, %add3A_1365] : memref<160x128xf32, #tpu.memory_space<vmem>>[vector<16xi32>, vector<16xi32>], vector<16xf32>,
        %mul3A_1368 = arith.mulf %gather3A_1366, %gather3A_1367 : vector<16xf32>
        %add3A_1369 = arith.constant 48 : i32
        %add3A_1370 = vector.broadcast %add3A_1369 : i32 to vector<16xi32>
        %add3A_1371 = arith.addi %and3A_503, %add3A_1370 : vector<16xi32>
        %gather3A_1372 = tpu.vector_load_idx %arg15[%add3A_601, %add3A_1371] : memref<160x64xf32, #tpu.memory_space<vmem>>[vector<16xi32>, vector<16xi32>], vector<16xf32>,
        %gather3A_1373 = tpu.vector_load_idx %arg16[%add3A_601, %add3A_1371] : memref<160x128xf32, #tpu.memory_space<vmem>>[vector<16xi32>, vector<16xi32>], vector<16xf32>,
        %mul3A_1374 = arith.mulf %gather3A_1372, %gather3A_1373 : vector<16xf32>
        %add3A_1375 = arith.constant 48 : i32
        %add3A_1376 = vector.broadcast %add3A_1375 : i32 to vector<16xi32>
        %add3A_1377 = arith.addi %and3A_509, %add3A_1376 : vector<16xi32>
        %gather3A_1378 = tpu.vector_load_idx %arg15[%add3A_601, %add3A_1377] : memref<160x64xf32, #tpu.memory_space<vmem>>[vector<16xi32>, vector<16xi32>], vector<16xf32>,
        %gather3A_1379 = tpu.vector_load_idx %arg16[%add3A_601, %add3A_1377] : memref<160x128xf32, #tpu.memory_space<vmem>>[vector<16xi32>, vector<16xi32>], vector<16xf32>,
        %mul3A_1380 = arith.mulf %gather3A_1378, %gather3A_1379 : vector<16xf32>
        %add3A_1381 = arith.constant 48 : i32
        %add3A_1382 = vector.broadcast %add3A_1381 : i32 to vector<16xi32>
        %add3A_1383 = arith.addi %and3A_515, %add3A_1382 : vector<16xi32>
        %gather3A_1384 = tpu.vector_load_idx %arg15[%add3A_601, %add3A_1383] : memref<160x64xf32, #tpu.memory_space<vmem>>[vector<16xi32>, vector<16xi32>], vector<16xf32>,
        %gather3A_1385 = tpu.vector_load_idx %arg16[%add3A_601, %add3A_1383] : memref<160x128xf32, #tpu.memory_space<vmem>>[vector<16xi32>, vector<16xi32>], vector<16xf32>,
        %mul3A_1386 = arith.mulf %gather3A_1384, %gather3A_1385 : vector<16xf32>
        %add3A_1387 = arith.constant 48 : i32
        %add3A_1388 = vector.broadcast %add3A_1387 : i32 to vector<16xi32>
        %add3A_1389 = arith.addi %and3A_521, %add3A_1388 : vector<16xi32>
        %gather3A_1390 = tpu.vector_load_idx %arg15[%add3A_601, %add3A_1389] : memref<160x64xf32, #tpu.memory_space<vmem>>[vector<16xi32>, vector<16xi32>], vector<16xf32>,
        %gather3A_1391 = tpu.vector_load_idx %arg16[%add3A_601, %add3A_1389] : memref<160x128xf32, #tpu.memory_space<vmem>>[vector<16xi32>, vector<16xi32>], vector<16xf32>,
        %mul3A_1392 = arith.mulf %gather3A_1390, %gather3A_1391 : vector<16xf32>
        %add3A_1393 = arith.constant 48 : i32
        %add3A_1394 = vector.broadcast %add3A_1393 : i32 to vector<16xi32>
        %add3A_1395 = arith.addi %and3A_527, %add3A_1394 : vector<16xi32>
        %gather3A_1396 = tpu.vector_load_idx %arg15[%add3A_601, %add3A_1395] : memref<160x64xf32, #tpu.memory_space<vmem>>[vector<16xi32>, vector<16xi32>], vector<16xf32>,
        %gather3A_1397 = tpu.vector_load_idx %arg16[%add3A_601, %add3A_1395] : memref<160x128xf32, #tpu.memory_space<vmem>>[vector<16xi32>, vector<16xi32>], vector<16xf32>,
        %mul3A_1398 = arith.mulf %gather3A_1396, %gather3A_1397 : vector<16xf32>
        %add3A_1399 = arith.constant 48 : i32
        %add3A_1400 = vector.broadcast %add3A_1399 : i32 to vector<16xi32>
        %add3A_1401 = arith.addi %and3A_533, %add3A_1400 : vector<16xi32>
        %gather3A_1402 = tpu.vector_load_idx %arg15[%add3A_601, %add3A_1401] : memref<160x64xf32, #tpu.memory_space<vmem>>[vector<16xi32>, vector<16xi32>], vector<16xf32>,
        %gather3A_1403 = tpu.vector_load_idx %arg16[%add3A_601, %add3A_1401] : memref<160x128xf32, #tpu.memory_space<vmem>>[vector<16xi32>, vector<16xi32>], vector<16xf32>,
        %mul3A_1404 = arith.mulf %gather3A_1402, %gather3A_1403 : vector<16xf32>
        %add3A_1405 = arith.constant 48 : i32
        %add3A_1406 = vector.broadcast %add3A_1405 : i32 to vector<16xi32>
        %add3A_1407 = arith.addi %and3A_539, %add3A_1406 : vector<16xi32>
        %gather3A_1408 = tpu.vector_load_idx %arg15[%add3A_601, %add3A_1407] : memref<160x64xf32, #tpu.memory_space<vmem>>[vector<16xi32>, vector<16xi32>], vector<16xf32>,
        %gather3A_1409 = tpu.vector_load_idx %arg16[%add3A_601, %add3A_1407] : memref<160x128xf32, #tpu.memory_space<vmem>>[vector<16xi32>, vector<16xi32>], vector<16xf32>,
        %mul3A_1410 = arith.mulf %gather3A_1408, %gather3A_1409 : vector<16xf32>
        %add3A_1411 = arith.constant 48 : i32
        %add3A_1412 = vector.broadcast %add3A_1411 : i32 to vector<16xi32>
        %add3A_1413 = arith.addi %and3A_545, %add3A_1412 : vector<16xi32>
        %gather3A_1414 = tpu.vector_load_idx %arg15[%add3A_601, %add3A_1413] : memref<160x64xf32, #tpu.memory_space<vmem>>[vector<16xi32>, vector<16xi32>], vector<16xf32>,
        %gather3A_1415 = tpu.vector_load_idx %arg16[%add3A_601, %add3A_1413] : memref<160x128xf32, #tpu.memory_space<vmem>>[vector<16xi32>, vector<16xi32>], vector<16xf32>,
        %mul3A_1416 = arith.mulf %gather3A_1414, %gather3A_1415 : vector<16xf32>
        %add3A_1417 = arith.constant 48 : i32
        %add3A_1418 = vector.broadcast %add3A_1417 : i32 to vector<16xi32>
        %add3A_1419 = arith.addi %and3A_551, %add3A_1418 : vector<16xi32>
        %gather3A_1420 = tpu.vector_load_idx %arg15[%add3A_601, %add3A_1419] : memref<160x64xf32, #tpu.memory_space<vmem>>[vector<16xi32>, vector<16xi32>], vector<16xf32>,
        %gather3A_1421 = tpu.vector_load_idx %arg16[%add3A_601, %add3A_1419] : memref<160x128xf32, #tpu.memory_space<vmem>>[vector<16xi32>, vector<16xi32>], vector<16xf32>,
        %mul3A_1422 = arith.mulf %gather3A_1420, %gather3A_1421 : vector<16xf32>
        %add3A_1423 = arith.constant 48 : i32
        %add3A_1424 = vector.broadcast %add3A_1423 : i32 to vector<16xi32>
        %add3A_1425 = arith.addi %and3A_557, %add3A_1424 : vector<16xi32>
        %gather3A_1426 = tpu.vector_load_idx %arg15[%add3A_601, %add3A_1425] : memref<160x64xf32, #tpu.memory_space<vmem>>[vector<16xi32>, vector<16xi32>], vector<16xf32>,
        %gather3A_1427 = tpu.vector_load_idx %arg16[%add3A_601, %add3A_1425] : memref<160x128xf32, #tpu.memory_space<vmem>>[vector<16xi32>, vector<16xi32>], vector<16xf32>,
        %mul3A_1428 = arith.mulf %gather3A_1426, %gather3A_1427 : vector<16xf32>
        %add3A_1429 = arith.constant 48 : i32
        %add3A_1430 = vector.broadcast %add3A_1429 : i32 to vector<16xi32>
        %add3A_1431 = arith.addi %and3A_563, %add3A_1430 : vector<16xi32>
        %gather3A_1432 = tpu.vector_load_idx %arg15[%add3A_601, %add3A_1431] : memref<160x64xf32, #tpu.memory_space<vmem>>[vector<16xi32>, vector<16xi32>], vector<16xf32>,
        %gather3A_1433 = tpu.vector_load_idx %arg16[%add3A_601, %add3A_1431] : memref<160x128xf32, #tpu.memory_space<vmem>>[vector<16xi32>, vector<16xi32>], vector<16xf32>,
        %mul3A_1434 = arith.mulf %gather3A_1432, %gather3A_1433 : vector<16xf32>
        %add3A_1435 = arith.constant 48 : i32
        %add3A_1436 = vector.broadcast %add3A_1435 : i32 to vector<16xi32>
        %add3A_1437 = arith.addi %and3A_569, %add3A_1436 : vector<16xi32>
        %gather3A_1438 = tpu.vector_load_idx %arg15[%add3A_601, %add3A_1437] : memref<160x64xf32, #tpu.memory_space<vmem>>[vector<16xi32>, vector<16xi32>], vector<16xf32>,
        %gather3A_1439 = tpu.vector_load_idx %arg16[%add3A_601, %add3A_1437] : memref<160x128xf32, #tpu.memory_space<vmem>>[vector<16xi32>, vector<16xi32>], vector<16xf32>,
        %mul3A_1440 = arith.mulf %gather3A_1438, %gather3A_1439 : vector<16xf32>
        %add3A_1441 = arith.constant 48 : i32
        %add3A_1442 = vector.broadcast %add3A_1441 : i32 to vector<16xi32>
        %add3A_1443 = arith.addi %and3A_575, %add3A_1442 : vector<16xi32>
        %gather3A_1444 = tpu.vector_load_idx %arg15[%add3A_601, %add3A_1443] : memref<160x64xf32, #tpu.memory_space<vmem>>[vector<16xi32>, vector<16xi32>], vector<16xf32>,
        %gather3A_1445 = tpu.vector_load_idx %arg16[%add3A_601, %add3A_1443] : memref<160x128xf32, #tpu.memory_space<vmem>>[vector<16xi32>, vector<16xi32>], vector<16xf32>,
        %mul3A_1446 = arith.mulf %gather3A_1444, %gather3A_1445 : vector<16xf32>
        %add3A_1447 = arith.constant 48 : i32
        %add3A_1448 = vector.broadcast %add3A_1447 : i32 to vector<16xi32>
        %add3A_1449 = arith.addi %and3A_581, %add3A_1448 : vector<16xi32>
        %gather3A_1450 = tpu.vector_load_idx %arg15[%add3A_601, %add3A_1449] : memref<160x64xf32, #tpu.memory_space<vmem>>[vector<16xi32>, vector<16xi32>], vector<16xf32>,
        %gather3A_1451 = tpu.vector_load_idx %arg16[%add3A_601, %add3A_1449] : memref<160x128xf32, #tpu.memory_space<vmem>>[vector<16xi32>, vector<16xi32>], vector<16xf32>,
        %mul3A_1452 = arith.mulf %gather3A_1450, %gather3A_1451 : vector<16xf32>
        %mul3A_1453 = arith.mulf %gather3A_615, %gather3A_30 : vector<16xf32>
        %mul3A_1454 = arith.mulf %gather3A_619, %gather3A_58 : vector<16xf32>
        %add3A_1455 = arith.addf %mul3A_1453, %mul3A_1454 : vector<16xf32>
        %add3A_1456 = arith.addf %mul3A_1362, %mul3A_1368 : vector<16xf32>
        %add3A_1457 = arith.addf %mul3A_1374, %mul3A_1380 : vector<16xf32>
        %add3A_1458 = arith.addf %mul3A_1386, %mul3A_1392 : vector<16xf32>
        %add3A_1459 = arith.addf %mul3A_1398, %mul3A_1404 : vector<16xf32>
        %add3A_1460 = arith.addf %mul3A_1410, %mul3A_1416 : vector<16xf32>
        %add3A_1461 = arith.addf %mul3A_1422, %mul3A_1428 : vector<16xf32>
        %add3A_1462 = arith.addf %mul3A_1434, %mul3A_1440 : vector<16xf32>
        %add3A_1463 = arith.addf %mul3A_1446, %mul3A_1452 : vector<16xf32>
        %add3A_1464 = arith.addf %add3A_1456, %add3A_1457 : vector<16xf32>
        %add3A_1465 = arith.addf %add3A_1458, %add3A_1459 : vector<16xf32>
        %add3A_1466 = arith.addf %add3A_1460, %add3A_1461 : vector<16xf32>
        %add3A_1467 = arith.addf %add3A_1462, %add3A_1463 : vector<16xf32>
        %add3A_1468 = arith.addf %add3A_1464, %add3A_1465 : vector<16xf32>
        %add3A_1469 = arith.addf %add3A_1466, %add3A_1467 : vector<16xf32>
        %add3A_1470 = arith.addf %add3A_1468, %add3A_1469 : vector<16xf32>
        %add3A_1471 = arith.addf %add3A_1470, %add3A_1455 : vector<16xf32>
        %exp3A_1472 = math.exp %add3A_1471 : vector<16xf32>
        %broadcast_in_dim3A_1473 = arith.constant 67 : i32
        %broadcast_in_dim3A_1474 = vector.broadcast %broadcast_in_dim3A_1473 : i32 to vector<16xi32>
        tpu.vector_store_idx %arg17[%add3A_606, %broadcast_in_dim3A_1474], %exp3A_1472 : memref<160x72xf32, #tpu.memory_space<vmem>>[vector<16xi32>, vector<16xi32>], vector<16xf32>,
        %add3A_1475 = arith.constant 48 : i32
        %add3A_1476 = vector.broadcast %add3A_1475 : i32 to vector<16xi32>
        %add3A_1477 = arith.addi %and3A_491, %add3A_1476 : vector<16xi32>
        %add3A_1478 = arith.constant 64 : i32
        %add3A_1479 = vector.broadcast %add3A_1478 : i32 to vector<16xi32>
        %add3A_1480 = arith.addi %add3A_1477, %add3A_1479 : vector<16xi32>
        %gather3A_1481 = tpu.vector_load_idx %arg16[%add3A_601, %add3A_1480] : memref<160x128xf32, #tpu.memory_space<vmem>>[vector<16xi32>, vector<16xi32>], vector<16xf32>,
        %mul3A_1482 = arith.mulf %exp3A_1472, %gather3A_1481 : vector<16xf32>
        tpu.vector_store_idx %arg17[%add3A_606, %add3A_1477], %mul3A_1482 : memref<160x72xf32, #tpu.memory_space<vmem>>[vector<16xi32>, vector<16xi32>], vector<16xf32>,
        %add3A_1483 = arith.constant 48 : i32
        %add3A_1484 = vector.broadcast %add3A_1483 : i32 to vector<16xi32>
        %add3A_1485 = arith.addi %and3A_497, %add3A_1484 : vector<16xi32>
        %add3A_1486 = arith.constant 64 : i32
        %add3A_1487 = vector.broadcast %add3A_1486 : i32 to vector<16xi32>
        %add3A_1488 = arith.addi %add3A_1485, %add3A_1487 : vector<16xi32>
        %gather3A_1489 = tpu.vector_load_idx %arg16[%add3A_601, %add3A_1488] : memref<160x128xf32, #tpu.memory_space<vmem>>[vector<16xi32>, vector<16xi32>], vector<16xf32>,
        %mul3A_1490 = arith.mulf %exp3A_1472, %gather3A_1489 : vector<16xf32>
        tpu.vector_store_idx %arg17[%add3A_606, %add3A_1485], %mul3A_1490 : memref<160x72xf32, #tpu.memory_space<vmem>>[vector<16xi32>, vector<16xi32>], vector<16xf32>,
        %add3A_1491 = arith.constant 48 : i32
        %add3A_1492 = vector.broadcast %add3A_1491 : i32 to vector<16xi32>
        %add3A_1493 = arith.addi %and3A_503, %add3A_1492 : vector<16xi32>
        %add3A_1494 = arith.constant 64 : i32
        %add3A_1495 = vector.broadcast %add3A_1494 : i32 to vector<16xi32>
        %add3A_1496 = arith.addi %add3A_1493, %add3A_1495 : vector<16xi32>
        %gather3A_1497 = tpu.vector_load_idx %arg16[%add3A_601, %add3A_1496] : memref<160x128xf32, #tpu.memory_space<vmem>>[vector<16xi32>, vector<16xi32>], vector<16xf32>,
        %mul3A_1498 = arith.mulf %exp3A_1472, %gather3A_1497 : vector<16xf32>
        tpu.vector_store_idx %arg17[%add3A_606, %add3A_1493], %mul3A_1498 : memref<160x72xf32, #tpu.memory_space<vmem>>[vector<16xi32>, vector<16xi32>], vector<16xf32>,
        %add3A_1499 = arith.constant 48 : i32
        %add3A_1500 = vector.broadcast %add3A_1499 : i32 to vector<16xi32>
        %add3A_1501 = arith.addi %and3A_509, %add3A_1500 : vector<16xi32>
        %add3A_1502 = arith.constant 64 : i32
        %add3A_1503 = vector.broadcast %add3A_1502 : i32 to vector<16xi32>
        %add3A_1504 = arith.addi %add3A_1501, %add3A_1503 : vector<16xi32>
        %gather3A_1505 = tpu.vector_load_idx %arg16[%add3A_601, %add3A_1504] : memref<160x128xf32, #tpu.memory_space<vmem>>[vector<16xi32>, vector<16xi32>], vector<16xf32>,
        %mul3A_1506 = arith.mulf %exp3A_1472, %gather3A_1505 : vector<16xf32>
        tpu.vector_store_idx %arg17[%add3A_606, %add3A_1501], %mul3A_1506 : memref<160x72xf32, #tpu.memory_space<vmem>>[vector<16xi32>, vector<16xi32>], vector<16xf32>,
        %add3A_1507 = arith.constant 48 : i32
        %add3A_1508 = vector.broadcast %add3A_1507 : i32 to vector<16xi32>
        %add3A_1509 = arith.addi %and3A_515, %add3A_1508 : vector<16xi32>
        %add3A_1510 = arith.constant 64 : i32
        %add3A_1511 = vector.broadcast %add3A_1510 : i32 to vector<16xi32>
        %add3A_1512 = arith.addi %add3A_1509, %add3A_1511 : vector<16xi32>
        %gather3A_1513 = tpu.vector_load_idx %arg16[%add3A_601, %add3A_1512] : memref<160x128xf32, #tpu.memory_space<vmem>>[vector<16xi32>, vector<16xi32>], vector<16xf32>,
        %mul3A_1514 = arith.mulf %exp3A_1472, %gather3A_1513 : vector<16xf32>
        tpu.vector_store_idx %arg17[%add3A_606, %add3A_1509], %mul3A_1514 : memref<160x72xf32, #tpu.memory_space<vmem>>[vector<16xi32>, vector<16xi32>], vector<16xf32>,
        %add3A_1515 = arith.constant 48 : i32
        %add3A_1516 = vector.broadcast %add3A_1515 : i32 to vector<16xi32>
        %add3A_1517 = arith.addi %and3A_521, %add3A_1516 : vector<16xi32>
        %add3A_1518 = arith.constant 64 : i32
        %add3A_1519 = vector.broadcast %add3A_1518 : i32 to vector<16xi32>
        %add3A_1520 = arith.addi %add3A_1517, %add3A_1519 : vector<16xi32>
        %gather3A_1521 = tpu.vector_load_idx %arg16[%add3A_601, %add3A_1520] : memref<160x128xf32, #tpu.memory_space<vmem>>[vector<16xi32>, vector<16xi32>], vector<16xf32>,
        %mul3A_1522 = arith.mulf %exp3A_1472, %gather3A_1521 : vector<16xf32>
        tpu.vector_store_idx %arg17[%add3A_606, %add3A_1517], %mul3A_1522 : memref<160x72xf32, #tpu.memory_space<vmem>>[vector<16xi32>, vector<16xi32>], vector<16xf32>,
        %add3A_1523 = arith.constant 48 : i32
        %add3A_1524 = vector.broadcast %add3A_1523 : i32 to vector<16xi32>
        %add3A_1525 = arith.addi %and3A_527, %add3A_1524 : vector<16xi32>
        %add3A_1526 = arith.constant 64 : i32
        %add3A_1527 = vector.broadcast %add3A_1526 : i32 to vector<16xi32>
        %add3A_1528 = arith.addi %add3A_1525, %add3A_1527 : vector<16xi32>
        %gather3A_1529 = tpu.vector_load_idx %arg16[%add3A_601, %add3A_1528] : memref<160x128xf32, #tpu.memory_space<vmem>>[vector<16xi32>, vector<16xi32>], vector<16xf32>,
        %mul3A_1530 = arith.mulf %exp3A_1472, %gather3A_1529 : vector<16xf32>
        tpu.vector_store_idx %arg17[%add3A_606, %add3A_1525], %mul3A_1530 : memref<160x72xf32, #tpu.memory_space<vmem>>[vector<16xi32>, vector<16xi32>], vector<16xf32>,
        %add3A_1531 = arith.constant 48 : i32
        %add3A_1532 = vector.broadcast %add3A_1531 : i32 to vector<16xi32>
        %add3A_1533 = arith.addi %and3A_533, %add3A_1532 : vector<16xi32>
        %add3A_1534 = arith.constant 64 : i32
        %add3A_1535 = vector.broadcast %add3A_1534 : i32 to vector<16xi32>
        %add3A_1536 = arith.addi %add3A_1533, %add3A_1535 : vector<16xi32>
        %gather3A_1537 = tpu.vector_load_idx %arg16[%add3A_601, %add3A_1536] : memref<160x128xf32, #tpu.memory_space<vmem>>[vector<16xi32>, vector<16xi32>], vector<16xf32>,
        %mul3A_1538 = arith.mulf %exp3A_1472, %gather3A_1537 : vector<16xf32>
        tpu.vector_store_idx %arg17[%add3A_606, %add3A_1533], %mul3A_1538 : memref<160x72xf32, #tpu.memory_space<vmem>>[vector<16xi32>, vector<16xi32>], vector<16xf32>,
        %add3A_1539 = arith.constant 48 : i32
        %add3A_1540 = vector.broadcast %add3A_1539 : i32 to vector<16xi32>
        %add3A_1541 = arith.addi %and3A_539, %add3A_1540 : vector<16xi32>
        %add3A_1542 = arith.constant 64 : i32
        %add3A_1543 = vector.broadcast %add3A_1542 : i32 to vector<16xi32>
        %add3A_1544 = arith.addi %add3A_1541, %add3A_1543 : vector<16xi32>
        %gather3A_1545 = tpu.vector_load_idx %arg16[%add3A_601, %add3A_1544] : memref<160x128xf32, #tpu.memory_space<vmem>>[vector<16xi32>, vector<16xi32>], vector<16xf32>,
        %mul3A_1546 = arith.mulf %exp3A_1472, %gather3A_1545 : vector<16xf32>
        tpu.vector_store_idx %arg17[%add3A_606, %add3A_1541], %mul3A_1546 : memref<160x72xf32, #tpu.memory_space<vmem>>[vector<16xi32>, vector<16xi32>], vector<16xf32>,
        %add3A_1547 = arith.constant 48 : i32
        %add3A_1548 = vector.broadcast %add3A_1547 : i32 to vector<16xi32>
        %add3A_1549 = arith.addi %and3A_545, %add3A_1548 : vector<16xi32>
        %add3A_1550 = arith.constant 64 : i32
        %add3A_1551 = vector.broadcast %add3A_1550 : i32 to vector<16xi32>
        %add3A_1552 = arith.addi %add3A_1549, %add3A_1551 : vector<16xi32>
        %gather3A_1553 = tpu.vector_load_idx %arg16[%add3A_601, %add3A_1552] : memref<160x128xf32, #tpu.memory_space<vmem>>[vector<16xi32>, vector<16xi32>], vector<16xf32>,
        %mul3A_1554 = arith.mulf %exp3A_1472, %gather3A_1553 : vector<16xf32>
        tpu.vector_store_idx %arg17[%add3A_606, %add3A_1549], %mul3A_1554 : memref<160x72xf32, #tpu.memory_space<vmem>>[vector<16xi32>, vector<16xi32>], vector<16xf32>,
        %add3A_1555 = arith.constant 48 : i32
        %add3A_1556 = vector.broadcast %add3A_1555 : i32 to vector<16xi32>
        %add3A_1557 = arith.addi %and3A_551, %add3A_1556 : vector<16xi32>
        %add3A_1558 = arith.constant 64 : i32
        %add3A_1559 = vector.broadcast %add3A_1558 : i32 to vector<16xi32>
        %add3A_1560 = arith.addi %add3A_1557, %add3A_1559 : vector<16xi32>
        %gather3A_1561 = tpu.vector_load_idx %arg16[%add3A_601, %add3A_1560] : memref<160x128xf32, #tpu.memory_space<vmem>>[vector<16xi32>, vector<16xi32>], vector<16xf32>,
        %mul3A_1562 = arith.mulf %exp3A_1472, %gather3A_1561 : vector<16xf32>
        tpu.vector_store_idx %arg17[%add3A_606, %add3A_1557], %mul3A_1562 : memref<160x72xf32, #tpu.memory_space<vmem>>[vector<16xi32>, vector<16xi32>], vector<16xf32>,
        %add3A_1563 = arith.constant 48 : i32
        %add3A_1564 = vector.broadcast %add3A_1563 : i32 to vector<16xi32>
        %add3A_1565 = arith.addi %and3A_557, %add3A_1564 : vector<16xi32>
        %add3A_1566 = arith.constant 64 : i32
        %add3A_1567 = vector.broadcast %add3A_1566 : i32 to vector<16xi32>
        %add3A_1568 = arith.addi %add3A_1565, %add3A_1567 : vector<16xi32>
        %gather3A_1569 = tpu.vector_load_idx %arg16[%add3A_601, %add3A_1568] : memref<160x128xf32, #tpu.memory_space<vmem>>[vector<16xi32>, vector<16xi32>], vector<16xf32>,
        %mul3A_1570 = arith.mulf %exp3A_1472, %gather3A_1569 : vector<16xf32>
        tpu.vector_store_idx %arg17[%add3A_606, %add3A_1565], %mul3A_1570 : memref<160x72xf32, #tpu.memory_space<vmem>>[vector<16xi32>, vector<16xi32>], vector<16xf32>,
        %add3A_1571 = arith.constant 48 : i32
        %add3A_1572 = vector.broadcast %add3A_1571 : i32 to vector<16xi32>
        %add3A_1573 = arith.addi %and3A_563, %add3A_1572 : vector<16xi32>
        %add3A_1574 = arith.constant 64 : i32
        %add3A_1575 = vector.broadcast %add3A_1574 : i32 to vector<16xi32>
        %add3A_1576 = arith.addi %add3A_1573, %add3A_1575 : vector<16xi32>
        %gather3A_1577 = tpu.vector_load_idx %arg16[%add3A_601, %add3A_1576] : memref<160x128xf32, #tpu.memory_space<vmem>>[vector<16xi32>, vector<16xi32>], vector<16xf32>,
        %mul3A_1578 = arith.mulf %exp3A_1472, %gather3A_1577 : vector<16xf32>
        tpu.vector_store_idx %arg17[%add3A_606, %add3A_1573], %mul3A_1578 : memref<160x72xf32, #tpu.memory_space<vmem>>[vector<16xi32>, vector<16xi32>], vector<16xf32>,
        %add3A_1579 = arith.constant 48 : i32
        %add3A_1580 = vector.broadcast %add3A_1579 : i32 to vector<16xi32>
        %add3A_1581 = arith.addi %and3A_569, %add3A_1580 : vector<16xi32>
        %add3A_1582 = arith.constant 64 : i32
        %add3A_1583 = vector.broadcast %add3A_1582 : i32 to vector<16xi32>
        %add3A_1584 = arith.addi %add3A_1581, %add3A_1583 : vector<16xi32>
        %gather3A_1585 = tpu.vector_load_idx %arg16[%add3A_601, %add3A_1584] : memref<160x128xf32, #tpu.memory_space<vmem>>[vector<16xi32>, vector<16xi32>], vector<16xf32>,
        %mul3A_1586 = arith.mulf %exp3A_1472, %gather3A_1585 : vector<16xf32>
        tpu.vector_store_idx %arg17[%add3A_606, %add3A_1581], %mul3A_1586 : memref<160x72xf32, #tpu.memory_space<vmem>>[vector<16xi32>, vector<16xi32>], vector<16xf32>,
        %add3A_1587 = arith.constant 48 : i32
        %add3A_1588 = vector.broadcast %add3A_1587 : i32 to vector<16xi32>
        %add3A_1589 = arith.addi %and3A_575, %add3A_1588 : vector<16xi32>
        %add3A_1590 = arith.constant 64 : i32
        %add3A_1591 = vector.broadcast %add3A_1590 : i32 to vector<16xi32>
        %add3A_1592 = arith.addi %add3A_1589, %add3A_1591 : vector<16xi32>
        %gather3A_1593 = tpu.vector_load_idx %arg16[%add3A_601, %add3A_1592] : memref<160x128xf32, #tpu.memory_space<vmem>>[vector<16xi32>, vector<16xi32>], vector<16xf32>,
        %mul3A_1594 = arith.mulf %exp3A_1472, %gather3A_1593 : vector<16xf32>
        tpu.vector_store_idx %arg17[%add3A_606, %add3A_1589], %mul3A_1594 : memref<160x72xf32, #tpu.memory_space<vmem>>[vector<16xi32>, vector<16xi32>], vector<16xf32>,
        %add3A_1595 = arith.constant 48 : i32
        %add3A_1596 = vector.broadcast %add3A_1595 : i32 to vector<16xi32>
        %add3A_1597 = arith.addi %and3A_581, %add3A_1596 : vector<16xi32>
        %add3A_1598 = arith.constant 64 : i32
        %add3A_1599 = vector.broadcast %add3A_1598 : i32 to vector<16xi32>
        %add3A_1600 = arith.addi %add3A_1597, %add3A_1599 : vector<16xi32>
        %gather3A_1601 = tpu.vector_load_idx %arg16[%add3A_601, %add3A_1600] : memref<160x128xf32, #tpu.memory_space<vmem>>[vector<16xi32>, vector<16xi32>], vector<16xf32>,
        %mul3A_1602 = arith.mulf %exp3A_1472, %gather3A_1601 : vector<16xf32>
        tpu.vector_store_idx %arg17[%add3A_606, %add3A_1597], %mul3A_1602 : memref<160x72xf32, #tpu.memory_space<vmem>>[vector<16xi32>, vector<16xi32>], vector<16xf32>,
      }
      %scan3A_587 = arith.constant 5 : i32
      %dma_start3A_588 = arith.constant 0 : i32
      %dma_start3A_589 = tpu.memref_slice %arg17[%mul3A_486, %dma_start3A_588] : memref<160x72xf32, #tpu.memory_space<vmem>> -> memref<80x72xf32, #tpu.memory_space<vmem>>
      %dma_start3A_590 = arith.constant 0 : i32
      %dma_start3A_591 = tpu.memref_slice %arg10[%rem3A_447, %dma_start3A_590] : memref<4x80xi32, #tpu.memory_space<vmem>> -> memref<1x80xi32, #tpu.memory_space<vmem>>
      %dma_start3A_592 = tpu.memref_squeeze %dma_start3A_591 : memref<1x80xi32, #tpu.memory_space<vmem>> -> memref<80xi32, #tpu.memory_space<vmem>>
      %dma_start3A_593 = arith.constant 0 : i32
      %dma_start3A_594 = arith.constant 0 : i32
      %dma_start3A_595 = tpu.memref_slice %arg19[%dma_start3A_593, %dma_start3A_594] : memref<10240x72xf32, #tpu.memory_space<vmem_shared>> -> memref<10240x72xf32, #tpu.memory_space<vmem_shared>>
      tpu.enqueue_indirect_dma source(%dma_start3A_589 : memref<80x72xf32, #tpu.memory_space<vmem>>) target(%dma_start3A_595 : memref<10240x72xf32, #tpu.memory_space<vmem_shared>>) offsets(%dma_start3A_592 : memref<80xi32, #tpu.memory_space<vmem>>) semaphore(%arg23 : memref<!tpu.dma_semaphore, #tpu.memory_space<semaphore_mem>>) {add = true}
    }
    %scan3A_420 = arith.constant 250 : i32
    %dma_wait3A_421 = arith.constant 0 : i32
    %dma_wait3A_422 = arith.constant 0 : i32
    %dma_wait3A_423 = arith.constant 0 : i32
    %dma_wait3A_424 = tpu.memref_slice %arg17[%dma_wait3A_422, %dma_wait3A_423] : memref<160x72xf32, #tpu.memory_space<vmem>> -> memref<80x72xf32, #tpu.memory_space<vmem>>
    %dma_wait3A_425 = arith.constant 0 : i32
    %dma_wait3A_426 = tpu.memref_slice %arg10[%dma_wait3A_421, %dma_wait3A_425] : memref<4x80xi32, #tpu.memory_space<vmem>> -> memref<1x80xi32, #tpu.memory_space<vmem>>
    %dma_wait3A_427 = tpu.memref_squeeze %dma_wait3A_426 : memref<1x80xi32, #tpu.memory_space<vmem>> -> memref<80xi32, #tpu.memory_space<vmem>>
    %dma_wait3A_428 = arith.constant 0 : i32
    %dma_wait3A_429 = arith.constant 0 : i32
    %dma_wait3A_430 = tpu.memref_slice %arg19[%dma_wait3A_428, %dma_wait3A_429] : memref<10240x72xf32, #tpu.memory_space<vmem_shared>> -> memref<10240x72xf32, #tpu.memory_space<vmem_shared>>
    tpu.wait_indirect_dma semaphore(%arg23 : memref<!tpu.dma_semaphore, #tpu.memory_space<semaphore_mem>>) src(%dma_wait3A_424 : memref<80x72xf32, #tpu.memory_space<vmem>>) dst(%dma_wait3A_430 : memref<10240x72xf32, #tpu.memory_space<vmem_shared>>)
    %dma_wait3A_431 = arith.constant 0 : i32
    %dma_wait3A_432 = arith.constant 0 : i32
    %dma_wait3A_433 = arith.constant 0 : i32
    %dma_wait3A_434 = tpu.memref_slice %arg17[%dma_wait3A_432, %dma_wait3A_433] : memref<160x72xf32, #tpu.memory_space<vmem>> -> memref<80x72xf32, #tpu.memory_space<vmem>>
    %dma_wait3A_435 = arith.constant 0 : i32
    %dma_wait3A_436 = tpu.memref_slice %arg10[%dma_wait3A_431, %dma_wait3A_435] : memref<4x80xi32, #tpu.memory_space<vmem>> -> memref<1x80xi32, #tpu.memory_space<vmem>>
    %dma_wait3A_437 = tpu.memref_squeeze %dma_wait3A_436 : memref<1x80xi32, #tpu.memory_space<vmem>> -> memref<80xi32, #tpu.memory_space<vmem>>
    %dma_wait3A_438 = arith.constant 0 : i32
    %dma_wait3A_439 = arith.constant 0 : i32
    %dma_wait3A_440 = tpu.memref_slice %arg19[%dma_wait3A_438, %dma_wait3A_439] : memref<10240x72xf32, #tpu.memory_space<vmem_shared>> -> memref<10240x72xf32, #tpu.memory_space<vmem_shared>>
    tpu.wait_indirect_dma semaphore(%arg23 : memref<!tpu.dma_semaphore, #tpu.memory_space<semaphore_mem>>) src(%dma_wait3A_434 : memref<80x72xf32, #tpu.memory_space<vmem>>) dst(%dma_wait3A_440 : memref<10240x72xf32, #tpu.memory_space<vmem_shared>>)
    %barrier3A_441 = arith.constant 0 : index
    tpu.barrier barrier_id(%barrier3A_441)
    %mul3A_442 = arith.constant 640 : i32
    %mul3A_443 = arith.muli %arg1, %mul3A_442 : i32
    %mul3A_444 = arith.constant 640 : i32
    %mul3A_445 = arith.muli %arg1, %mul3A_444 : i32
    "tpu.region"() ({
      %run_scoped3A = tpu.sem_alloc : memref<!tpu.dma_semaphore, #tpu.memory_space<semaphore_mem>>
      %dma_start3A_446 = arith.constant 0 : i32
      %dma_start3A_447 = arith.constant 0 : i32
      %dma_start3A_448 = tpu.memref_slice %arg9[%arg0, %dma_start3A_446, %dma_start3A_447] : memref<2x10240x72xf32, #tpu.memory_space<hbm>> -> memref<1x10240x72xf32, #tpu.memory_space<hbm>>
      %dma_start3A_449 = tpu.memref_squeeze %dma_start3A_448 : memref<1x10240x72xf32, #tpu.memory_space<hbm>> -> memref<10240x72xf32, #tpu.memory_space<hbm>>
      %dma_start3A_450 = arith.constant 0 : i32
      %dma_start3A_451 = tpu.memref_slice %dma_start3A_449[%mul3A_445, %dma_start3A_450] : memref<10240x72xf32, #tpu.memory_space<hbm>> -> memref<640x72xf32, #tpu.memory_space<hbm>>
      %dma_start3A_452 = arith.constant 0 : i32
      %dma_start3A_453 = tpu.memref_slice %arg19[%mul3A_443, %dma_start3A_452] : memref<10240x72xf32, #tpu.memory_space<vmem_shared>> -> memref<640x72xf32, #tpu.memory_space<vmem_shared>>
      tpu.enqueue_dma source(%dma_start3A_453 : memref<640x72xf32, #tpu.memory_space<vmem_shared>>) target(%dma_start3A_451 : memref<640x72xf32, #tpu.memory_space<hbm>>) target_semaphore(%run_scoped3A : memref<!tpu.dma_semaphore, #tpu.memory_space<semaphore_mem>>)
      %dma_wait3A_454 = arith.constant 0 : i32
      %dma_wait3A_455 = arith.constant 0 : i32
      %dma_wait3A_456 = tpu.memref_slice %arg9[%arg0, %dma_wait3A_454, %dma_wait3A_455] : memref<2x10240x72xf32, #tpu.memory_space<hbm>> -> memref<1x10240x72xf32, #tpu.memory_space<hbm>>
      %dma_wait3A_457 = tpu.memref_squeeze %dma_wait3A_456 : memref<1x10240x72xf32, #tpu.memory_space<hbm>> -> memref<10240x72xf32, #tpu.memory_space<hbm>>
      %dma_wait3A_458 = arith.constant 0 : i32
      %dma_wait3A_459 = tpu.memref_slice %dma_wait3A_457[%mul3A_445, %dma_wait3A_458] : memref<10240x72xf32, #tpu.memory_space<hbm>> -> memref<640x72xf32, #tpu.memory_space<hbm>>
      %dma_wait3A_460 = arith.constant 0 : i32
      %dma_wait3A_461 = tpu.memref_slice %arg19[%mul3A_443, %dma_wait3A_460] : memref<10240x72xf32, #tpu.memory_space<vmem_shared>> -> memref<640x72xf32, #tpu.memory_space<vmem_shared>>
      tpu.wait_dma2 semaphore(%run_scoped3A : memref<!tpu.dma_semaphore, #tpu.memory_space<semaphore_mem>>) src(%dma_wait3A_461 : memref<640x72xf32, #tpu.memory_space<vmem_shared>>) dst(%dma_wait3A_459 : memref<640x72xf32, #tpu.memory_space<hbm>>)
      tpu.yield
    }) : () -> ()
    return
  }
}

module attributes {stable_mosaic.version = 14 : i64} {
  func.func @_prologue_body(%arg0: memref<10000x128xf32, #tpu.memory_space<vmem>>, %arg1: memref<128x384xf32, #tpu.memory_space<vmem>>, %arg2: memref<20000x64xf32, #tpu.memory_space<vmem>>, %arg3: memref<20000x128xf32, #tpu.memory_space<vmem>>) attributes {dimension_semantics = [], scalar_prefetch = 0 : i64, scratch_operands = 0 : i64, tpu.core_type = #tpu.core_type<tc>} {
    %get3A = arith.constant 0 : index
    %get3A_0 = arith.constant 0 : index
    %get3A_1 = vector.load %arg0[%get3A, %get3A_0] : memref<10000x128xf32, #tpu.memory_space<vmem>>, vector<10000x128xf32>
    %get3A_2 = arith.constant 0 : index
    %get3A_3 = arith.constant 0 : index
    %get3A_4 = vector.load %arg1[%get3A_2, %get3A_3] : memref<128x384xf32, #tpu.memory_space<vmem>>, vector<128x384xf32>
    %dot_general3A = arith.constant dense<0.000000e+00> : vector<10000x384xf32>
    %dot_general3A_5 = tpu.matmul %get3A_1, %get3A_4, %dot_general3A {dimension_numbers = #tpu.dot_dimension_numbers<[1], [0], [0], [1], [0, 0, 1, 1], [], []>, transpose_lhs_hint = false} : vector<10000x128xf32>, vector<128x384xf32>, vector<10000x384xf32> -> vector<10000x384xf32>
    %slice3A = vector.extract_strided_slice %dot_general3A_5 {offsets = [0, 0], sizes = [10000, 128], strides = [1, 1]} : vector<10000x384xf32> to vector<10000x128xf32>
    %mul3A = arith.constant 2.500000e-01 : f32
    %mul3A_6 = vector.broadcast %mul3A : f32 to vector<10000x128xf32>
    %mul3A_7 = arith.mulf %slice3A, %mul3A_6 : vector<10000x128xf32>
    %slice3A_8 = vector.extract_strided_slice %dot_general3A_5 {offsets = [0, 128], sizes = [10000, 128], strides = [1, 1]} : vector<10000x384xf32> to vector<10000x128xf32>
    %slice3A_9 = vector.extract_strided_slice %dot_general3A_5 {offsets = [0, 256], sizes = [10000, 128], strides = [1, 1]} : vector<10000x384xf32> to vector<10000x128xf32>
    %slice3A_10 = vector.extract_strided_slice %mul3A_7 {offsets = [0, 0], sizes = [10000, 64], strides = [1, 1]} : vector<10000x128xf32> to vector<10000x64xf32>
    %slice3A_11 = vector.extract_strided_slice %mul3A_7 {offsets = [0, 64], sizes = [10000, 64], strides = [1, 1]} : vector<10000x128xf32> to vector<10000x64xf32>
    %concatenate3A = tpu.concatenate %slice3A_10, %slice3A_11 in 0 : vector<10000x64xf32>, vector<10000x64xf32> -> vector<20000x64xf32>
    %swap3A = arith.constant 0 : index
    %swap3A_12 = arith.constant 0 : index
    %swap3A_13 = vector.load %arg2[%swap3A, %swap3A_12] : memref<20000x64xf32, #tpu.memory_space<vmem>>, vector<20000x64xf32>
    tpu.vector_store %arg2[%swap3A, %swap3A_12], %concatenate3A {strides = array<i32>} : memref<20000x64xf32, #tpu.memory_space<vmem>>, vector<20000x64xf32>,
    %slice3A_14 = vector.extract_strided_slice %slice3A_8 {offsets = [0, 0], sizes = [10000, 64], strides = [1, 1]} : vector<10000x128xf32> to vector<10000x64xf32>
    %slice3A_15 = vector.extract_strided_slice %slice3A_9 {offsets = [0, 0], sizes = [10000, 64], strides = [1, 1]} : vector<10000x128xf32> to vector<10000x64xf32>
    %concatenate3A_16 = tpu.concatenate %slice3A_14, %slice3A_15 in 1 : vector<10000x64xf32>, vector<10000x64xf32> -> vector<10000x128xf32>
    %slice3A_17 = vector.extract_strided_slice %slice3A_8 {offsets = [0, 64], sizes = [10000, 64], strides = [1, 1]} : vector<10000x128xf32> to vector<10000x64xf32>
    %slice3A_18 = vector.extract_strided_slice %slice3A_9 {offsets = [0, 64], sizes = [10000, 64], strides = [1, 1]} : vector<10000x128xf32> to vector<10000x64xf32>
    %concatenate3A_19 = tpu.concatenate %slice3A_17, %slice3A_18 in 1 : vector<10000x64xf32>, vector<10000x64xf32> -> vector<10000x128xf32>
    %concatenate3A_20 = tpu.concatenate %concatenate3A_16, %concatenate3A_19 in 0 : vector<10000x128xf32>, vector<10000x128xf32> -> vector<20000x128xf32>
    %swap3A_21 = arith.constant 0 : index
    %swap3A_22 = arith.constant 0 : index
    %swap3A_23 = vector.load %arg3[%swap3A_21, %swap3A_22] : memref<20000x128xf32, #tpu.memory_space<vmem>>, vector<20000x128xf32>
    tpu.vector_store %arg3[%swap3A_21, %swap3A_22], %concatenate3A_20 {strides = array<i32>} : memref<20000x128xf32, #tpu.memory_space<vmem>>, vector<20000x128xf32>,
    return
  }
}

module attributes {stable_mosaic.version = 14 : i64} {
  func.func @_epilogue_body(%arg0: memref<2x10240x72xf32, #tpu.memory_space<vmem>>, %arg1: memref<10000x128xf32, #tpu.memory_space<vmem>>, %arg2: memref<128x128xf32, #tpu.memory_space<vmem>>, %arg3: memref<128xf32, #tpu.memory_space<vmem>>, %arg4: memref<128xf32, #tpu.memory_space<vmem>>, %arg5: memref<128xf32, #tpu.memory_space<vmem>>, %arg6: memref<128x64xf32, #tpu.memory_space<vmem>>, %arg7: memref<64xf32, #tpu.memory_space<vmem>>, %arg8: memref<64x8xf32, #tpu.memory_space<vmem>>, %arg9: memref<8xf32, #tpu.memory_space<vmem>>, %arg10: memref<10000x8xf32, #tpu.memory_space<vmem>>) attributes {dimension_semantics = [], scalar_prefetch = 0 : i64, scratch_operands = 0 : i64, tpu.core_type = #tpu.core_type<tc>} {
    %get3A = arith.constant 0 : index
    %get3A_0 = arith.constant 0 : index
    %get3A_1 = arith.constant 0 : index
    %get3A_2 = vector.load %arg0[%get3A, %get3A_0, %get3A_1] : memref<2x10240x72xf32, #tpu.memory_space<vmem>>, vector<1x10240x72xf32>
    %get3A_3 = vector.shape_cast %get3A_2 : vector<1x10240x72xf32> to vector<10240x72xf32>
    %get3A_4 = arith.constant 1 : index
    %get3A_5 = arith.constant 0 : index
    %get3A_6 = arith.constant 0 : index
    %get3A_7 = vector.load %arg0[%get3A_4, %get3A_5, %get3A_6] : memref<2x10240x72xf32, #tpu.memory_space<vmem>>, vector<1x10240x72xf32>
    %get3A_8 = vector.shape_cast %get3A_7 : vector<1x10240x72xf32> to vector<10240x72xf32>
    %slice3A = vector.extract_strided_slice %get3A_3 {offsets = [0, 0], sizes = [10000, 64], strides = [1, 1]} : vector<10240x72xf32> to vector<10000x64xf32>
    %slice3A_9 = vector.extract_strided_slice %get3A_8 {offsets = [0, 0], sizes = [10000, 64], strides = [1, 1]} : vector<10240x72xf32> to vector<10000x64xf32>
    %concatenate3A = tpu.concatenate %slice3A, %slice3A_9 in 1 : vector<10000x64xf32>, vector<10000x64xf32> -> vector<10000x128xf32>
    %slice3A_10 = vector.extract_strided_slice %get3A_3 {offsets = [0, 64], sizes = [10000, 4], strides = [1, 1]} : vector<10240x72xf32> to vector<10000x4xf32>
    %slice3A_11 = vector.extract_strided_slice %get3A_8 {offsets = [0, 64], sizes = [10000, 4], strides = [1, 1]} : vector<10240x72xf32> to vector<10000x4xf32>
    %concatenate3A_12 = tpu.concatenate %slice3A_10, %slice3A_11 in 1 : vector<10000x4xf32>, vector<10000x4xf32> -> vector<10000x8xf32>
    %iota3A = tpu.iota {dimensions = array<i32: 0>} : vector<8x128xi32>
    %iota3A_13 = tpu.iota {dimensions = array<i32: 1>} : vector<8x128xi32>
    %jit3A = arith.constant 16 : i32
    %div3A = vector.broadcast %jit3A : i32 to vector<8x128xi32>
    %div3A_14 = arith.divsi %iota3A_13, %div3A : vector<8x128xi32>
    %sign3A = arith.constant 0 : i32
    %sign3A_15 = vector.broadcast %sign3A : i32 to vector<8x128xi32>
    %sign3A_16 = arith.cmpi sgt, %iota3A_13, %sign3A_15 : vector<8x128xi32>
    %sign3A_17 = arith.extui %sign3A_16 : vector<8x128xi1> to vector<8x128xi32>
    %sign3A_18 = arith.constant 0 : i32
    %sign3A_19 = vector.broadcast %sign3A_18 : i32 to vector<8x128xi32>
    %sign3A_20 = arith.cmpi slt, %iota3A_13, %sign3A_19 : vector<8x128xi32>
    %sign3A_21 = arith.extui %sign3A_20 : vector<8x128xi1> to vector<8x128xi32>
    %sign3A_22 = arith.subi %sign3A_17, %sign3A_21 : vector<8x128xi32>
    %sign3A_23 = arith.constant 0 : i32
    %sign3A_24 = arith.cmpi sgt, %jit3A, %sign3A_23 : i32
    %sign3A_25 = arith.extui %sign3A_24 : i1 to i32
    %sign3A_26 = arith.constant 0 : i32
    %sign3A_27 = arith.cmpi slt, %jit3A, %sign3A_26 : i32
    %sign3A_28 = arith.extui %sign3A_27 : i1 to i32
    %sign3A_29 = arith.subi %sign3A_25, %sign3A_28 : i32
    %ne3A = vector.broadcast %sign3A_29 : i32 to vector<8x128xi32>
    %ne3A_30 = arith.cmpi ne, %sign3A_22, %ne3A : vector<8x128xi32>
    %rem3A = vector.broadcast %jit3A : i32 to vector<8x128xi32>
    %rem3A_31 = arith.remsi %iota3A_13, %rem3A : vector<8x128xi32>
    %ne3A_32 = arith.constant 0 : i32
    %ne3A_33 = vector.broadcast %ne3A_32 : i32 to vector<8x128xi32>
    %ne3A_34 = arith.cmpi ne, %rem3A_31, %ne3A_33 : vector<8x128xi32>
    %and3A = arith.andi %ne3A_30, %ne3A_34 : vector<8x128xi1>
    %sub3A = arith.constant 1 : i32
    %sub3A_35 = vector.broadcast %sub3A : i32 to vector<8x128xi32>
    %sub3A_36 = arith.subi %div3A_14, %sub3A_35 : vector<8x128xi32>
    %select_n3A = arith.select %and3A, %sub3A_36, %div3A_14 : vector<8x128xi1>, vector<8x128xi32>
    %eq3A = arith.cmpi eq, %select_n3A, %iota3A : vector<8x128xi32>
    %convert_element_type3A = arith.extui %eq3A : vector<8x128xi1> to vector<8x128xi32>
    %convert_element_type3A_37 = arith.sitofp %convert_element_type3A : vector<8x128xi32> to vector<8x128xf32>
    %add3A = arith.constant 1.000000e-16 : f32
    %add3A_38 = vector.broadcast %add3A : f32 to vector<10000x8xf32>
    %add3A_39 = arith.addf %concatenate3A_12, %add3A_38 : vector<10000x8xf32>
    %div3A_40 = arith.constant 1.000000e+00 : f32
    %div3A_41 = vector.broadcast %div3A_40 : f32 to vector<10000x8xf32>
    %div3A_42 = arith.divf %div3A_41, %add3A_39 : vector<10000x8xf32>
    %dot_general3A = arith.constant dense<0.000000e+00> : vector<10000x128xf32>
    %dot_general3A_43 = tpu.matmul %div3A_42, %convert_element_type3A_37, %dot_general3A {dimension_numbers = #tpu.dot_dimension_numbers<[1], [0], [0], [1], [0, 0, 1, 1], [], []>, transpose_lhs_hint = false} : vector<10000x8xf32>, vector<8x128xf32>, vector<10000x128xf32> -> vector<10000x128xf32>
    %mul3A = arith.mulf %concatenate3A, %dot_general3A_43 : vector<10000x128xf32>
    %get3A_44 = arith.constant 0 : index
    %get3A_45 = arith.constant 0 : index
    %get3A_46 = vector.load %arg2[%get3A_44, %get3A_45] : memref<128x128xf32, #tpu.memory_space<vmem>>, vector<128x128xf32>
    %dot_general3A_47 = arith.constant dense<0.000000e+00> : vector<10000x128xf32>
    %dot_general3A_48 = tpu.matmul %mul3A, %get3A_46, %dot_general3A_47 {dimension_numbers = #tpu.dot_dimension_numbers<[1], [0], [0], [1], [0, 0, 1, 1], [], []>, transpose_lhs_hint = false} : vector<10000x128xf32>, vector<128x128xf32>, vector<10000x128xf32> -> vector<10000x128xf32>
    %get3A_49 = arith.constant 0 : index
    %get3A_50 = arith.constant 0 : index
    %get3A_51 = vector.load %arg1[%get3A_49, %get3A_50] : memref<10000x128xf32, #tpu.memory_space<vmem>>, vector<10000x128xf32>
    %add3A_52 = arith.addf %get3A_51, %dot_general3A_48 : vector<10000x128xf32>
    %get3A_53 = arith.constant 0 : index
    %get3A_54 = vector.load %arg3[%get3A_53] : memref<128xf32, #tpu.memory_space<vmem>>, vector<128xf32>
    %broadcast_in_dim3A = vector.shape_cast %get3A_54 : vector<128xf32> to vector<1x128xf32>
    %add3A_55 = vector.broadcast %broadcast_in_dim3A : vector<1x128xf32> to vector<10000x128xf32>
    %add3A_56 = arith.addf %add3A_52, %add3A_55 : vector<10000x128xf32>
    %reduce_sum3A = arith.constant dense<0.000000e+00> : vector<10000xf32>
    %reduce_sum3A_57 = vector.multi_reduction <add>, %add3A_56, %reduce_sum3A [1] : vector<10000x128xf32> to vector<10000xf32>
    %broadcast_in_dim3A_58 = vector.shape_cast %reduce_sum3A_57 : vector<10000xf32> to vector<10000x1xf32>
    %div3A_59 = arith.constant 1.280000e+02 : f32
    %div3A_60 = vector.broadcast %div3A_59 : f32 to vector<10000x1xf32>
    %div3A_61 = arith.divf %broadcast_in_dim3A_58, %div3A_60 : vector<10000x1xf32>
    %sub3A_62 = vector.broadcast %div3A_61 : vector<10000x1xf32> to vector<10000x128xf32>
    %sub3A_63 = arith.subf %add3A_56, %sub3A_62 : vector<10000x128xf32>
    %mul3A_64 = arith.mulf %sub3A_63, %sub3A_63 : vector<10000x128xf32>
    %reduce_sum3A_65 = arith.constant dense<0.000000e+00> : vector<10000xf32>
    %reduce_sum3A_66 = vector.multi_reduction <add>, %mul3A_64, %reduce_sum3A_65 [1] : vector<10000x128xf32> to vector<10000xf32>
    %broadcast_in_dim3A_67 = vector.shape_cast %reduce_sum3A_66 : vector<10000xf32> to vector<10000x1xf32>
    %div3A_68 = arith.constant 1.280000e+02 : f32
    %div3A_69 = vector.broadcast %div3A_68 : f32 to vector<10000x1xf32>
    %div3A_70 = arith.divf %broadcast_in_dim3A_67, %div3A_69 : vector<10000x1xf32>
    %add3A_71 = arith.constant 9.99999974E-6 : f32
    %add3A_72 = vector.broadcast %add3A_71 : f32 to vector<10000x1xf32>
    %add3A_73 = arith.addf %div3A_70, %add3A_72 : vector<10000x1xf32>
    %rsqrt3A = math.rsqrt %add3A_73 : vector<10000x1xf32>
    %mul3A_74 = vector.broadcast %rsqrt3A : vector<10000x1xf32> to vector<10000x128xf32>
    %mul3A_75 = arith.mulf %sub3A_63, %mul3A_74 : vector<10000x128xf32>
    %get3A_76 = arith.constant 0 : index
    %get3A_77 = vector.load %arg4[%get3A_76] : memref<128xf32, #tpu.memory_space<vmem>>, vector<128xf32>
    %broadcast_in_dim3A_78 = vector.shape_cast %get3A_77 : vector<128xf32> to vector<1x128xf32>
    %mul3A_79 = vector.broadcast %broadcast_in_dim3A_78 : vector<1x128xf32> to vector<10000x128xf32>
    %mul3A_80 = arith.mulf %mul3A_75, %mul3A_79 : vector<10000x128xf32>
    %get3A_81 = arith.constant 0 : index
    %get3A_82 = vector.load %arg5[%get3A_81] : memref<128xf32, #tpu.memory_space<vmem>>, vector<128xf32>
    %broadcast_in_dim3A_83 = vector.shape_cast %get3A_82 : vector<128xf32> to vector<1x128xf32>
    %add3A_84 = vector.broadcast %broadcast_in_dim3A_83 : vector<1x128xf32> to vector<10000x128xf32>
    %add3A_85 = arith.addf %mul3A_80, %add3A_84 : vector<10000x128xf32>
    %get3A_86 = arith.constant 0 : index
    %get3A_87 = arith.constant 0 : index
    %get3A_88 = vector.load %arg6[%get3A_86, %get3A_87] : memref<128x64xf32, #tpu.memory_space<vmem>>, vector<128x64xf32>
    %dot_general3A_89 = arith.constant dense<0.000000e+00> : vector<10000x64xf32>
    %dot_general3A_90 = tpu.matmul %add3A_85, %get3A_88, %dot_general3A_89 {dimension_numbers = #tpu.dot_dimension_numbers<[1], [0], [0], [1], [0, 0, 1, 1], [], []>, transpose_lhs_hint = false} : vector<10000x128xf32>, vector<128x64xf32>, vector<10000x64xf32> -> vector<10000x64xf32>
    %get3A_91 = arith.constant 0 : index
    %get3A_92 = vector.load %arg7[%get3A_91] : memref<64xf32, #tpu.memory_space<vmem>>, vector<64xf32>
    %broadcast_in_dim3A_93 = vector.shape_cast %get3A_92 : vector<64xf32> to vector<1x64xf32>
    %add3A_94 = vector.broadcast %broadcast_in_dim3A_93 : vector<1x64xf32> to vector<10000x64xf32>
    %add3A_95 = arith.addf %dot_general3A_90, %add3A_94 : vector<10000x64xf32>
    %max3A = arith.constant 0.000000e+00 : f32
    %max3A_96 = vector.broadcast %max3A : f32 to vector<10000x64xf32>
    %max3A_97 = arith.maximumf %add3A_95, %max3A_96 : vector<10000x64xf32>
    %get3A_98 = arith.constant 0 : index
    %get3A_99 = arith.constant 0 : index
    %get3A_100 = vector.load %arg8[%get3A_98, %get3A_99] : memref<64x8xf32, #tpu.memory_space<vmem>>, vector<64x8xf32>
    %dot_general3A_101 = arith.constant dense<0.000000e+00> : vector<10000x8xf32>
    %dot_general3A_102 = tpu.matmul %max3A_97, %get3A_100, %dot_general3A_101 {dimension_numbers = #tpu.dot_dimension_numbers<[1], [0], [0], [1], [0, 0, 1, 1], [], []>, transpose_lhs_hint = false} : vector<10000x64xf32>, vector<64x8xf32>, vector<10000x8xf32> -> vector<10000x8xf32>
    %get3A_103 = arith.constant 0 : index
    %get3A_104 = vector.load %arg9[%get3A_103] : memref<8xf32, #tpu.memory_space<vmem>>, vector<8xf32>
    %broadcast_in_dim3A_105 = vector.shape_cast %get3A_104 : vector<8xf32> to vector<1x8xf32>
    %add3A_106 = vector.broadcast %broadcast_in_dim3A_105 : vector<1x8xf32> to vector<10000x8xf32>
    %add3A_107 = arith.addf %dot_general3A_102, %add3A_106 : vector<10000x8xf32>
    %swap3A = arith.constant 0 : index
    %swap3A_108 = arith.constant 0 : index
    %swap3A_109 = vector.load %arg10[%swap3A, %swap3A_108] : memref<10000x8xf32, #tpu.memory_space<vmem>>, vector<10000x8xf32>
    tpu.vector_store %arg10[%swap3A, %swap3A_108], %add3A_107 {strides = array<i32>} : memref<10000x8xf32, #tpu.memory_space<vmem>>, vector<10000x8xf32>,
    return
  }
}

</mosaic_0001>

<sc_bundles>
// kernel: kernel.5.cloned.1.call-start
scs
__scs_entry_jumppad:
0x0: {  	(pc) =	sbr.rel $0x88, $3  }
0x1: {  	(tag) =	ssettag $0x0;
	lr =	simm.s32 $0x1  }
0x2: {  	[smem:$0x3F94] =	sst lr;
	_ =	strace $0xD0000000  }
0x3: {  	_ = 	snop  }
0x4: {  	_ = 	snop  }
0x5: {  	_ = 	snop  }
0x6: {  	_ = 	snop  }
0x7: {  	_ = 	snop  }
__scs_overlays_trampoline_lowered:
0x8: {  	[smem:$0x3FA3] =	sst s0  }
0x9: {  	[smem:$0x3FA4] =	sst s1  }
0xa: {  	[smem:$0x3FA5] =	sst s2  }
0xb: {  	[smem:$0x3FA6] =	sst s3  }
0xc: {  	[smem:$0x3FA7] =	sst s4  }
0xd: {  	[smem:$0x3FA8] =	sst s5  }
0xe: {  	[smem:$0x3FA9] =	sst s6  }
0xf: {  	[smem:$0x3FAA] =	sst s7  }
0x10: {  	[smem:$0x3FAB] =	sst s8  }
0x11: {  	[smem:$0x3FAC] =	sst s9;
	s0 =	simm.s32 @!p0 $0x0  }
0x12: {  	s1 =	sld [smem:$0x3F92];
	s0 =	simm.s32 @p0 $0x1  }
0x13: {  	[smem:$0x3FAD] =	sst s0;
	s0 =	simm.s32 @!p1 $0x0  }
0x14: {  	s2 =	sld [smem:$0x3F91];
	s0 =	simm.s32 @p1 $0x1  }
0x15: {  	[smem:$0x3FAE] =	sst s0;
	s0 =	simm.s32 @!p2 $0x0  }
0x16: {  	s3 =	sld [smem:$0x3FDB];
	s0 =	simm.s32 @p2 $0x1  }
0x17: {  	s4 =	simm.s32 $0x1BF5;
	[smem:$0x3FB0] =	sst s0  }
0x18: {  	s0 =	sld [smem:$0x3F93];
	_ =	swait.ge [sflag:s4], $0x0  }
0x19: {  	s7 =	sld [smem:$0x3F94]  }
0x1a: {  	s8 =	sadd.s32 $0xFFFFE003, lr  }
0x1b: {  	s9 =	sadd.s32 $0xFFFFFEF7, lr;
	s5 =	simm.s32 $0xFFFFFFFF;
	p2 =	slt.u32 s8, $0xFFFFF086  }
0x1c: {  	p1 =	slt.u32 s9, $0xF7A;
	s5 =	simm.s32 @!p2 $0x0  }
0x1d: {  	s5 =	simm.s32 @p1 $0x1;
	p0 =	seq.s32 s7, s2  }
0x1e: {  	s7 =	smul.u32 @!p0 $0xF7A, s2;
	p2 =	seq.s32 @!p0 s5, $0x0  }
0x1f: {  	s9 =	smul.u32 $0xF7A, s1;
	s8 =	simm.s32 @!p0 $0x1BF5;
	p2 =	por !p2, p0  }
0x20: {  	[sflag:s8] =	ssyncset.s32 @!p0 $0xFFFFF086;
	s6 =	sadd.s32 @!p0 s3, s7;
	s7 =	simm.s32 @!p0 $0x108  }
0x21: {  	s3 =	sadd.s32 s3, s9;
	s6 =	sadd.s32 @!p0 $0x88, s6;
	s7 =	simm.s32 @p2 $0x1082  }
0x22: {  	[simem:s7], [sflag:s8] =	dma.local @!p0 [hbm:s6], $0xF7A  }
0x23: {  	s9 =	sor.u32 $0xD0000000, s2;
	s6 =	simm.s32 $0x108;
	_ =	swait.ge @!p0 [sflag:s8], $0x0  }
0x24: {  	s3 =	sadd.s32 $0x88, s3;
	s6 =	simm.s32 @!p1 $0x1082;
	[sflag:s4] =	ssyncset.s32 $0xFFFFF086  }
0x25: {  	[simem:s6], [sflag:s4] =	dma.local [hbm:s3], $0xF7A  }
0x26: {  	[smem:$0x3F94] =	sst s1;
	(tag) =	ssettag s2;
	_ =	strace s9  }
0x27: {  	s1 =	sld [smem:$0x3FA4]  }
0x28: {  	s2 =	sld [smem:$0x3FA5]  }
0x29: {  	s4 =	sld [smem:$0x3FA7]  }
0x2a: {  	p0 =	seq.s32 s5, $0x0;
	s5 =	sld [smem:$0x3FA8]  }
0x2b: {  	s6 =	sld [smem:$0x3FA9]  }
0x2c: {  	s7 =	sld [smem:$0x3FAA]  }
0x2d: {  	s3 =	simm.s32 $0x108;
	s8 =	sld [smem:$0x3FAB]  }
0x2e: {  	s3 =	simm.s32 @!p0 $0x1082;
	s9 =	sld [smem:$0x3FAC]  }
0x2f: {  	lr =	sadd.s32 s0, s3;
	s0 =	sld [smem:$0x3FA3]  }
0x30: {  	s3 =	sld [smem:$0x3FA6]  }
0x31: {  	[smem:$0x3FAF] =	sst s10  }
0x32: {  	s10 =	sld [smem:$0x3FAD];
	_ =	sdelay $0x3  }
0x33: {  	p0 =	seq.s32 s10, $0x1;
	s10 =	sld [smem:$0x3FAF];
	_ =	sdelay $0x3  }
0x34: {  	[smem:$0x3FAF] =	sst s10  }
0x35: {  	s10 =	sld [smem:$0x3FAE];
	_ =	sdelay $0x3  }
0x36: {  	p1 =	seq.s32 s10, $0x1;
	s10 =	sld [smem:$0x3FAF];
	_ =	sdelay $0x3  }
0x37: {  	[smem:$0x3FAF] =	sst s10  }
0x38: {  	s10 =	sld [smem:$0x3FB0]  }
0x39: {  	_ = 	snop;
	(pc) =	sbr.ind lr, $3  }
0x3a: {  	_ = 	snop  }
0x3b: {  	_ = 	snop  }
0x3c: {  	p2 =	seq.s32 s10, $0x1;
	s10 =	sld [smem:$0x3FAF]  }
0x3d: {  	_ =	shalt  }
0x3e: {  	_ =	shalt  }
0x3f: {  	_ =	shalt  }
0x40: {  	_ =	shalt  }
0x41: {  	_ =	shalt  }
0x42: {  	_ =	shalt  }
0x43: {  	_ =	shalt  }
0x44: {  	_ =	shalt  }
0x45: {  	_ =	shalt  }
0x46: {  	_ =	shalt  }
0x47: {  	_ =	shalt  }
0x48: {  	_ =	shalt  }
0x49: {  	_ =	shalt  }
0x4a: {  	_ =	shalt  }
0x4b: {  	_ =	shalt  }
0x4c: {  	_ =	shalt  }
0x4d: {  	_ =	shalt  }
0x4e: {  	_ =	shalt  }
0x4f: {  	_ =	shalt  }
0x50: {  	_ =	shalt  }
0x51: {  	_ =	shalt  }
0x52: {  	_ =	shalt  }
0x53: {  	_ =	shalt  }
0x54: {  	_ =	shalt  }
0x55: {  	_ =	shalt  }
0x56: {  	_ =	shalt  }
0x57: {  	_ =	shalt  }
0x58: {  	_ =	shalt  }
0x59: {  	_ =	shalt  }
0x5a: {  	_ =	shalt  }
0x5b: {  	_ =	shalt  }
0x5c: {  	_ =	shalt  }
0x5d: {  	_ =	shalt  }
0x5e: {  	_ =	shalt  }
0x5f: {  	_ =	shalt  }
0x60: {  	_ =	shalt  }
0x61: {  	_ =	shalt  }
0x62: {  	_ =	shalt  }
0x63: {  	_ =	shalt  }
0x64: {  	_ =	shalt  }
0x65: {  	_ =	shalt  }
0x66: {  	_ =	shalt  }
0x67: {  	_ =	shalt  }
0x68: {  	_ =	shalt  }
0x69: {  	_ =	shalt  }
0x6a: {  	_ =	shalt  }
0x6b: {  	_ =	shalt  }
0x6c: {  	_ =	shalt  }
0x6d: {  	_ =	shalt  }
0x6e: {  	_ =	shalt  }
0x6f: {  	_ =	shalt  }
0x70: {  	_ =	shalt  }
0x71: {  	_ =	shalt  }
0x72: {  	_ =	shalt  }
0x73: {  	_ =	shalt  }
0x74: {  	_ =	shalt  }
0x75: {  	_ =	shalt  }
0x76: {  	_ =	shalt  }
0x77: {  	_ =	shalt  }
0x78: {  	_ =	shalt  }
0x79: {  	_ =	shalt  }
0x7a: {  	_ =	shalt  }
0x7b: {  	_ =	shalt  }
0x7c: {  	_ =	shalt  }
0x7d: {  	_ =	shalt  }
0x7e: {  	_ =	shalt  }
0x7f: {  	_ =	shalt  }
0x80: {  	_ =	shalt  }
0x81: {  	_ =	shalt  }
0x82: {  	_ =	shalt  }
0x83: {  	_ =	shalt  }
0x84: {  	_ =	shalt  }
0x85: {  	_ =	shalt  }
0x86: {  	_ =	shalt  }
0x87: {  	_ =	shalt  }
.Lfunc_end0:
.L_simem_size_0:
called_computation_lowered:
.L_overlay_start_0:
0x88: {  	s2 =	sld [smem:$0x3FD9]  }
0x89: {  	s3 =	sld [smem:$0x3FFE];
	_ =	sdelay $0x1  }
0x8a: {  	s1 =	srdreg.scid  }
0x8b: {  	s0 =	sand.u32 $0x1, s1  }
0x8c: {  	s17 =	sshll.u32 s0, $0xA;
	s2 =	sadd.s32 s3, s2  }
0x8d: {  	s2 =	sadd.s32 s2, s17  }
0x8e: {  	[smem:$0x3FBB] =	sst s2  }
0x8f: {  	_ = 	snop  }
0x90: {  	s2 =	sld [smem:$0x3FD0];
	(tm) =	ssettm $0x1  }
0x91: {  	s18 =	sld [smem:$0x3FFB];
	_ =	sdelay $0x3  }
0x92: {  	_ =	strace s18  }
0x93: {  	s3 =	sld [smem:$0x3FFC];
	_ =	sdelay $0x3  }
0x94: {  	_ =	strace s3  }
0x95: {  	s3 =	sld [smem:$0x3FFD];
	_ =	sdelay $0x3  }
0x96: {  	_ =	strace s3  }
0x97: {  	_ =	strace $0x8FFFFFFF  }
0x98: {  	s19 =	sld [smem:$0x3FDB];
	_ =	sdelay $0x1  }
0x99: {  	s4 =	simm.s32 $_scs_section_size  }
0x9a: {  	s5 =	simm.s32 $_size__tile_overlayer_lowered;
	s6 =	simm.s32 $_tile_overlayer_lowered  }
0x9b: {  	s22 =	simm.s32 $0x1BFF;
	s21 =	sshll.u32 s6, $0x1;
	s3 =	sadd.s32 s4, s19  }
0x9c: {  	s7 =	simm.s32 $0x0;
	s20 =	sshll.u32 s5, $0x1;
	s5 =	sadd.s32 s21, s3  }
0x9d: {  	[timem:s7], [sflag:s22] =	dma.local [hbm:s5], s20  }
0x9e: {  	_ =	swait.ge [sflag:s22], s20  }
0x9f: {  	s4 =	ssub.s32 $0x0, s20;
	[sflag:s22] =	ssyncset.done $0x0  }
0xa0: {  	[sflag:s22] =	ssyncadd.s32 s4;
	_ =	sdelay $0x1  }
0xa1: {  	s23 =	simm.s32 $0x1B8B  }
0xa2: {  	_ =	swait.ge [sflag:s23], $0x1  }
0xa3: {  	[sflag:s23] =	ssyncset.done $0x0  }
0xa4: {  	s25 =	simm.s32 $0x1B8E;
	s24 =	sld [smem:$0x3FFE];
	[sflag:s23] =	ssyncadd.s32 $0xFFFFFFFF  }
0xa5: {  	s26 =	simm.s32 $execute0_lowered;
	[smem:$0x3FD2] =	sst s25  }
0xa6: {  	s5 =	sshll.u32 s26, $0x1;
	_ =	strace $0x80000046;
	[dreg:$0x1] =	wrdreg $0xFFFFFFFF  }
0xa7: {  	s28 =	simm.s32 $_size_execute0_lowered;
	s3 =	sadd.s32 s3, s5;
	[dreg:$0x0] =	wrdreg $0x0  }
0xa8: {  	s5 =	sshll.u32 s28, $0x1;
	[dreg:$0x2] =	wrdreg s3  }
0xa9: {  	[dreg:$0x3] =	wrdreg s5  }
0xaa: {  	[dreg:$0x4] =	wrdreg $0xC0  }
0xab: {  	_ =	task [dreg:s7], $0x5FFFF  }
0xac: {  	[dreg:$0x1] =	wrdreg $0xFFFFFFFF  }
0xad: {  	[dreg:$0x0] =	wrdreg $0x60  }
0xae: {  	[dreg:$0x2] =	wrdreg s24  }
0xaf: {  	[dreg:$0x3] =	wrdreg s2  }
0xb0: {  	[dreg:$0x4] =	wrdreg $0xAB580  }
0xb1: {  	[dreg:$0x5] =	wrdreg $0x9  }
0xb2: {  	_ =	task.clear_ibuf [dreg:s7], $0x6FFFF;
	_ =	strace $0x90000046  }
0xb3: {  	s29 =	simm.s32 $0x9;
	_ =	strace $0x80000048  }
0xb4: {  	_ =	swait.ge [sflag:s29], $0x1  }
0xb5: {  	[sflag:s29] =	ssyncadd.s32 $0xFFFFFFFF  }
0xb6: {  	_ =	strace $0x90000048  }
0xb7: {  	_ =	sfence  }
0xb8: {  	s30 =	sld [smem:$0x0];
	_ =	sdelay $0x2  }
0xb9: {  	s31 =	sshll.u32 s1, $0xD;
	s1 =	sshrl.u32 s1, $0x2  }
0xba: {  	s3 =	sand.u32 $0x4000, s31;
	s1 =	sadd.s32 s1, s30  }
0xbb: {  	s0 =	sor.u32 s3, s0;
	s1 =	sshll.u32 s1, $0x11  }
0xbc: {  	s0 =	sor.u32 s1, s0  }
0xbd: {  	s0 =	sadd.s32 $0x8F2B, s0  }
0xbe: {  	[sflag:s0] =	ssyncadd.remote.s32 $0x1  }
0xbf: {  	_ =	sfence.sel $0xFFFF  }
0xc0: {  	[dreg:$0x0] =	wrdreg $0xFFFFFFFF;
	(pc) =	sbr.abs _section_cstart, $3  }
0xc1: {  	[dreg:$0x1] =	wrdreg $0xFFFFFFFF  }
0xc2: {  	_ =	task.clear_ibuf [dreg:s7], $0x2FFFF;
	_ =	strace $0x9FFFFFFF  }
0xc3: {  	(tm) =	ssettm $0x7FFFFFFF  }
tec
execute0_lowered:
.L_overlay_start_1:
0x0: {  	(tag) =	ssettag $0x1  }
0x1: {  	s0 =	srdreg.scid  }
0x2: {  	s0 =	sand.u32 $0x1, s0  }
0x3: {  	s1 =	sshll.u32 s0, $0x2  }
0x4: {  	v0 =	vmov s1  }
0x5: {  	v1 =	vor.u32 $0x8, v0  }
0x6: {  	v2 =	vor.u32 $0x9, v0;
	[tilespmem:$0x1F520] =	vst v1  }
0x7: {  	v3 =	vor.u32 $0xB, v0;
	[tilespmem:$0x1F530] =	vst v2  }
0x8: {  	v2 =	vor.u32 $0xA, v0;
	[tilespmem:$0x1F550] =	vst v3  }
0x9: {  	v1 =	vlaneseq.u32;
	v3 =	vor.u32 $0x10, v0;
	[tilespmem:$0x1F540] =	vst v2  }
0xa: {  	v2 =	vmul.u32 $0x48, v1;
	[tilespmem:$0x1F560] =	vst v3;
	v3 =	vor.u32 $0x11, v0  }
0xb: {  	[tilespmem:$0x1F570] =	vst v3;
	v3 =	vor.u32 $0x12, v0;
	v0 =	vor.u32 $0x13, v0  }
0xc: {  	[tilespmem:$0x1F590] =	vst v0;
	v0 =	vadd.s32 $0x44, v2  }
0xd: {  	[tilespmem:$0x1F5A0] =	vst v0;
	v0 =	vadd.s32 $0x45, v2  }
0xe: {  	[tilespmem:$0x1F5B0] =	vst v0;
	v0 =	vadd.s32 $0x46, v2  }
0xf: {  	[tilespmem:$0x1F5C0] =	vst v0;
	v0 =	vadd.s32 $0x47, v2  }
0x10: {  	[tilespmem:$0x1F5D0] =	vst v0;
	v0 =	vadd.s32 $0x4C4, v2  }
0x11: {  	[tilespmem:$0x1F5E0] =	vst v0;
	v0 =	vadd.s32 $0x4C5, v2  }
0x12: {  	[tilespmem:$0x1F5F0] =	vst v0;
	v0 =	vadd.s32 $0x4C6, v2  }
0x13: {  	[tilespmem:$0x1F600] =	vst v0;
	v0 =	vadd.s32 $0x4C7, v2  }
0x14: {  	[tilespmem:$0x1F610] =	vst v0;
	v0 =	vadd.s32 $0x944, v2  }
0x15: {  	[tilespmem:$0x1F620] =	vst v0;
	v0 =	vadd.s32 $0x945, v2  }
0x16: {  	[tilespmem:$0x1F630] =	vst v0;
	v0 =	vadd.s32 $0x946, v2  }
0x17: {  	[tilespmem:$0x1F640] =	vst v0;
	v0 =	vadd.s32 $0x947, v2  }
0x18: {  	[tilespmem:$0x1F650] =	vst v0;
	v0 =	vadd.s32 $0xDC4, v2  }
0x19: {  	[tilespmem:$0x1F660] =	vst v0;
	v0 =	vadd.s32 $0xDC5, v2  }
0x1a: {  	[tilespmem:$0x1F670] =	vst v0;
	v0 =	vadd.s32 $0xDC6, v2  }
0x1b: {  	[tilespmem:$0x1F680] =	vst v0;
	v0 =	vadd.s32 $0xDC7, v2  }
0x1c: {  	[tilespmem:$0x1F690] =	vst v0;
	v0 =	vadd.s32 $0x1244, v2  }
0x1d: {  	[tilespmem:$0x1F6A0] =	vst v0;
	v0 =	vadd.s32 $0x1245, v2  }
0x1e: {  	[tilespmem:$0x1F6B0] =	vst v0;
	v0 =	vadd.s32 $0x1246, v2  }
0x1f: {  	[tilespmem:$0x1F6C0] =	vst v0;
	v0 =	vadd.s32 $0x1247, v2  }
0x20: {  	[tilespmem:$0x1F6D0] =	vst v0;
	v0 =	vadd.s32 $0x16C4, v2  }
0x21: {  	[tilespmem:$0x1F6E0] =	vst v0;
	v0 =	vadd.s32 $0x16C5, v2  }
0x22: {  	[tilespmem:$0x1F6F0] =	vst v0;
	v0 =	vadd.s32 $0x16C6, v2  }
0x23: {  	[tilespmem:$0x1F700] =	vst v0;
	v0 =	vadd.s32 $0x16C7, v2  }
0x24: {  	[tilespmem:$0x1F710] =	vst v0;
	v0 =	vadd.s32 $0x1B44, v2  }
0x25: {  	[tilespmem:$0x1F720] =	vst v0;
	v0 =	vadd.s32 $0x1B45, v2  }
0x26: {  	[tilespmem:$0x1F730] =	vst v0;
	v0 =	vadd.s32 $0x1B46, v2  }
0x27: {  	[tilespmem:$0x1F740] =	vst v0;
	v0 =	vadd.s32 $0x1B47, v2  }
0x28: {  	[tilespmem:$0x1F750] =	vst v0;
	v0 =	vadd.s32 $0x1FC4, v2  }
0x29: {  	[tilespmem:$0x1F760] =	vst v0;
	v0 =	vadd.s32 $0x1FC5, v2  }
0x2a: {  	[tilespmem:$0x1F770] =	vst v0;
	v0 =	vadd.s32 $0x1FC6, v2  }
0x2b: {  	[tilespmem:$0x1F780] =	vst v0;
	v0 =	vadd.s32 $0x1FC7, v2  }
0x2c: {  	[tilespmem:$0x1F790] =	vst v0;
	v0 =	vadd.s32 $0x2444, v2  }
0x2d: {  	[tilespmem:$0x1F7A0] =	vst v0;
	v0 =	vadd.s32 $0x2445, v2  }
0x2e: {  	[tilespmem:$0x1F7B0] =	vst v0;
	v0 =	vadd.s32 $0x2446, v2  }
0x2f: {  	[tilespmem:$0x1F7C0] =	vst v0;
	v0 =	vadd.s32 $0x2447, v2  }
0x30: {  	[tilespmem:$0x1F7D0] =	vst v0;
	v0 =	vadd.s32 $0x28C4, v2  }
0x31: {  	[tilespmem:$0x1F7E0] =	vst v0;
	v0 =	vadd.s32 $0x28C5, v2  }
0x32: {  	[tilespmem:$0x1F7F0] =	vst v0;
	v0 =	vimm.s32 $0xFEDCBA9  }
0x33: {  	v0 =	vunpack.c.l.s4.s8 v0  }
0x34: {  	v6 =	vimm.s32 $0x10FEDCBA;
	v58 =	vimm.s32 $0xFEDCBA98;
	v5 =	vand.u32 $0x3, v1  }
0x35: {  	[tilespmem:$0x1F580] =	vst v3;
	v3 =	vimm.s32 $0x87654321;
	v11 =	vunpack.c.0.s8.s32 v0;
	v0 =	vunpack.c.l.s4.s8 v6  }
0x36: {  	v56 =	vshrl.u32 v1, $0x2;
	v7 =	vmul.u32 $0x2, v5;
	v3 =	vunpack.c.l.s4.s8 v3  }
0x37: {  	v5 =	vunpack.c.l.s4.s8 v58;
	v27 =	vunpack.c.0.s8.s32 v0;
	v0 =	vimm.s32 $0x98765432  }
0x38: {  	v28 =	vunpack.c.0.s8.s32 v3;
	v3 =	vimm.s32 $0x210FEDCB;
	v0 =	vunpack.c.l.s4.s8 v0  }
0x39: {  	v4 =	vadd.s32 $0x28C6, v2;
	v3 =	vunpack.c.l.s4.s8 v3;
	v2 =	vadd.s32 $0x28C7, v2  }
0x3a: {  	[tilespmem:$0x1F810] =	vst v2;
	v2 =	vmul.u32 $0x8, v56;
	v29 =	vunpack.c.0.s8.s32 v0;
	v0 =	vimm.s32 $0x76543210  }
0x3b: {  	v0 =	vunpack.c.l.s4.s8 v0  }
0x3c: {  	v31 =	vunpack.c.0.s8.s32 v3;
	v3 =	vunpack.c.0.s8.s32 v5;
	[tilespmem:$0x1F820] =	vst v2;
	v2 =	vcombine.low v28, v11  }
0x3d: {  	v0 =	vunpack.c.0.s8.s32 v0  }
0x3e: {  	v3 =	vand.u32 $0xF, v3;
	v48 =	vand.u32 $0xF, v2  }
0x3f: {  	v2 =	vcombine.low v29, v27;
	v49 =	vcombine.low v3, v0;
	v0 =	vimm.s32 $0x43210FED  }
0x40: {  	v0 =	vunpack.c.l.s4.s8 v0  }
0x41: {  	v50 =	vand.u32 $0xF, v2;
	v2 =	vimm.s32 $0xCBA98765  }
0x42: {  	v53 =	vunpack.c.0.s8.s32 v0;
	v0 =	vunpack.c.l.s4.s8 v2;
	v2 =	vimm.s32 $0x543210FE  }
0x43: {  	v62 =	vimm.s32 $0xEDCBA987;
	v2 =	vunpack.c.l.s4.s8 v2  }
0x44: {  	v54 =	vunpack.c.0.s8.s32 v0;
	v0 =	vunpack.c.l.s4.s8 v62  }
0x45: {  	v41 =	vunpack.c.0.s8.s32 v2;
	v2 =	vimm.s32 $0x4C4B4A49  }
0x46: {  	v57 =	vimm.s32 $0xA9876543;
	v43 =	vunpack.c.0.s8.s32 v0;
	v0 =	vunpack.c.0.s8.s32 v2  }
0x47: {  	[tilespmem:$0x1F800] =	vst v4;
	v4 =	vunpack.c.l.s4.s8 v57  }
0x48: {  	[tilespmem:$0x1F830] =	vst v0;
	v0 =	vimm.s32 $0x404F4E4D  }
0x49: {  	v32 =	vunpack.c.0.s8.s32 v4;
	v0 =	vunpack.c.0.s8.s32 v0  }
0x4a: {  	v59 =	vimm.s32 $0x3210FEDC  }
0x4b: {  	v61 =	vimm.s32 $0x6543210F;
	v4 =	vcombine.low v32, v31;
	[tilespmem:$0x1F840] =	vst v0;
	v0 =	vimm.s32 $0x44434241  }
0x4c: {  	v5 =	vunpack.c.l.s4.s8 v59;
	v57 =	vunpack.c.0.s8.s32 v0;
	v0 =	vimm.s32 $0x4D4C4B4A  }
0x4d: {  	v51 =	vand.u32 $0xF, v4;
	v59 =	vunpack.c.0.s8.s32 v0;
	v0 =	vimm.s32 $0x41404F4E  }
0x4e: {  	v4 =	vunpack.c.l.s4.s8 v61;
	v61 =	vunpack.c.0.s8.s32 v0;
	v0 =	vimm.s32 $0x49484746  }
0x4f: {  	v0 =	vunpack.c.0.s8.s32 v0;
	_ =	sdelay $0x1  }
0x50: {  	v2 =	vimm.s32 $0x48474645;
	[tilespmem:$0x1F850] =	vst v0;
	v0 =	vimm.s32 $0x4E4D4C4B  }
0x51: {  	v58 =	vunpack.c.0.s8.s32 v2;
	v2 =	vimm.s32 $0x45444342;
	v0 =	vunpack.c.0.s8.s32 v0  }
0x52: {  	v62 =	vunpack.c.0.s8.s32 v2;
	v2 =	vimm.s32 $0x4241404F  }
0x53: {  	[tilespmem:$0x1F860] =	vst v0;
	v0 =	vunpack.c.0.s8.s32 v2;
	_ =	sdelay $0x1  }
0x54: {  	[tilespmem:$0x1F870] =	vst v0;
	v0 =	vimm.s32 $0x46454443  }
0x55: {  	v0 =	vunpack.c.0.s8.s32 v0;
	_ =	sdelay $0x1  }
0x56: {  	[tilespmem:$0x1F880] =	vst v0;
	v0 =	vimm.s32 $0x4A494847  }
0x57: {  	v0 =	vunpack.c.0.s8.s32 v0  }
0x58: {  	v2 =	vimm.s32 $0x4F4E4D4C  }
0x59: {  	[tilespmem:$0x1F890] =	vst v0;
	v0 =	vunpack.c.0.s8.s32 v2;
	_ =	sdelay $0x1  }
0x5a: {  	[tilespmem:$0x1F8A0] =	vst v0;
	v0 =	vimm.s32 $0x43424140  }
0x5b: {  	v0 =	vunpack.c.0.s8.s32 v0;
	_ =	sdelay $0x1  }
0x5c: {  	[tilespmem:$0x1F8B0] =	vst v0;
	v0 =	vimm.s32 $0x47464544  }
0x5d: {  	v0 =	vunpack.c.0.s8.s32 v0  }
0x5e: {  	v2 =	vimm.s32 $0x4B4A4948  }
0x5f: {  	[tilespmem:$0x1F8C0] =	vst v0;
	v0 =	vunpack.c.0.s8.s32 v2;
	_ =	sdelay $0x1  }
0x60: {  	[tilespmem:$0x1F8D0] =	vst v0;
	v0 =	vimm.s32 $0x1C1B1A19  }
0x61: {  	v0 =	vunpack.c.0.s8.s32 v0;
	_ =	sdelay $0x1  }
0x62: {  	[tilespmem:$0x1F8E0] =	vst v0;
	v0 =	vimm.s32 $0x101F1E1D  }
0x63: {  	v0 =	vunpack.c.0.s8.s32 v0  }
0x64: {  	v2 =	vimm.s32 $0x14131211  }
0x65: {  	[tilespmem:$0x1F8F0] =	vst v0;
	v0 =	vunpack.c.0.s8.s32 v2;
	_ =	sdelay $0x1  }
0x66: {  	[tilespmem:$0x1F900] =	vst v0;
	v0 =	vimm.s32 $0x18171615  }
0x67: {  	v0 =	vunpack.c.0.s8.s32 v0;
	_ =	sdelay $0x1  }
0x68: {  	[tilespmem:$0x1F910] =	vst v0;
	v0 =	vimm.s32 $0x1D1C1B1A  }
0x69: {  	v0 =	vunpack.c.0.s8.s32 v0  }
0x6a: {  	v2 =	vimm.s32 $0x11101F1E  }
0x6b: {  	[tilespmem:$0x1F920] =	vst v0;
	v0 =	vunpack.c.0.s8.s32 v2;
	_ =	sdelay $0x1  }
0x6c: {  	[tilespmem:$0x1F930] =	vst v0;
	v0 =	vimm.s32 $0x15141312  }
0x6d: {  	v0 =	vunpack.c.0.s8.s32 v0;
	_ =	sdelay $0x1  }
0x6e: {  	[tilespmem:$0x1F940] =	vst v0;
	v0 =	vimm.s32 $0x19181716  }
0x6f: {  	v0 =	vunpack.c.0.s8.s32 v0  }
0x70: {  	v2 =	vimm.s32 $0x1E1D1C1B  }
0x71: {  	[tilespmem:$0x1F950] =	vst v0;
	v0 =	vunpack.c.0.s8.s32 v2;
	_ =	sdelay $0x1  }
0x72: {  	[tilespmem:$0x1F960] =	vst v0;
	v0 =	vimm.s32 $0x1211101F  }
0x73: {  	v0 =	vunpack.c.0.s8.s32 v0;
	_ =	sdelay $0x1  }
0x74: {  	[tilespmem:$0x1F970] =	vst v0;
	v0 =	vimm.s32 $0x16151413  }
0x75: {  	v0 =	vunpack.c.0.s8.s32 v0  }
0x76: {  	v2 =	vimm.s32 $0x1A191817  }
0x77: {  	[tilespmem:$0x1F980] =	vst v0;
	v0 =	vunpack.c.0.s8.s32 v2;
	_ =	sdelay $0x1  }
0x78: {  	[tilespmem:$0x1F990] =	vst v0;
	v0 =	vimm.s32 $0x1F1E1D1C  }
0x79: {  	v0 =	vunpack.c.0.s8.s32 v0;
	_ =	sdelay $0x1  }
0x7a: {  	[tilespmem:$0x1F9A0] =	vst v0;
	v0 =	vimm.s32 $0x13121110  }
0x7b: {  	v0 =	vunpack.c.0.s8.s32 v0  }
0x7c: {  	v2 =	vimm.s32 $0x17161514  }
0x7d: {  	[tilespmem:$0x1F9B0] =	vst v0;
	v0 =	vunpack.c.0.s8.s32 v2;
	_ =	sdelay $0x1  }
0x7e: {  	[tilespmem:$0x1F9C0] =	vst v0;
	v0 =	vimm.s32 $0x1B1A1918  }
0x7f: {  	v0 =	vunpack.c.0.s8.s32 v0;
	_ =	sdelay $0x1  }
0x80: {  	[tilespmem:$0x1F9D0] =	vst v0;
	v0 =	vimm.s32 $0x5C5B5A59  }
0x81: {  	v0 =	vunpack.c.0.s8.s32 v0  }
0x82: {  	v2 =	vimm.s32 $0x505F5E5D  }
0x83: {  	[tilespmem:$0x1F9E0] =	vst v0;
	v0 =	vunpack.c.0.s8.s32 v2;
	_ =	sdelay $0x1  }
0x84: {  	[tilespmem:$0x1F9F0] =	vst v0;
	v0 =	vimm.s32 $0x54535251  }
0x85: {  	v0 =	vunpack.c.0.s8.s32 v0;
	_ =	sdelay $0x1  }
0x86: {  	[tilespmem:$0x1FA00] =	vst v0;
	v0 =	vimm.s32 $0x58575655  }
0x87: {  	v0 =	vunpack.c.0.s8.s32 v0  }
0x88: {  	v2 =	vimm.s32 $0x5D5C5B5A  }
0x89: {  	[tilespmem:$0x1FA10] =	vst v0;
	v0 =	vunpack.c.0.s8.s32 v2;
	_ =	sdelay $0x1  }
0x8a: {  	[tilespmem:$0x1FA20] =	vst v0;
	v0 =	vimm.s32 $0x51505F5E  }
0x8b: {  	v0 =	vunpack.c.0.s8.s32 v0;
	_ =	sdelay $0x1  }
0x8c: {  	[tilespmem:$0x1FA30] =	vst v0;
	v0 =	vimm.s32 $0x55545352  }
0x8d: {  	v0 =	vunpack.c.0.s8.s32 v0  }
0x8e: {  	v2 =	vimm.s32 $0x59585756  }
0x8f: {  	[tilespmem:$0x1FA40] =	vst v0;
	v0 =	vunpack.c.0.s8.s32 v2;
	_ =	sdelay $0x1  }
0x90: {  	[tilespmem:$0x1FA50] =	vst v0;
	v0 =	vimm.s32 $0x5E5D5C5B  }
0x91: {  	v0 =	vunpack.c.0.s8.s32 v0;
	_ =	sdelay $0x1  }
0x92: {  	[tilespmem:$0x1FA60] =	vst v0;
	v0 =	vimm.s32 $0x5251505F  }
0x93: {  	v0 =	vunpack.c.0.s8.s32 v0  }
0x94: {  	v2 =	vimm.s32 $0x56555453  }
0x95: {  	[tilespmem:$0x1FA70] =	vst v0;
	v0 =	vunpack.c.0.s8.s32 v2;
	_ =	sdelay $0x1  }
0x96: {  	[tilespmem:$0x1FA80] =	vst v0;
	v0 =	vimm.s32 $0x5A595857  }
0x97: {  	v0 =	vunpack.c.0.s8.s32 v0;
	_ =	sdelay $0x1  }
0x98: {  	[tilespmem:$0x1FA90] =	vst v0;
	v0 =	vimm.s32 $0x5F5E5D5C  }
0x99: {  	v0 =	vunpack.c.0.s8.s32 v0  }
0x9a: {  	v2 =	vimm.s32 $0x53525150  }
0x9b: {  	[tilespmem:$0x1FAA0] =	vst v0;
	v0 =	vunpack.c.0.s8.s32 v2;
	_ =	sdelay $0x1  }
0x9c: {  	[tilespmem:$0x1FAB0] =	vst v0;
	v0 =	vimm.s32 $0x57565554  }
0x9d: {  	v0 =	vunpack.c.0.s8.s32 v0;
	_ =	sdelay $0x1  }
0x9e: {  	[tilespmem:$0x1FAC0] =	vst v0;
	v0 =	vimm.s32 $0x5B5A5958  }
0x9f: {  	v0 =	vunpack.c.0.s8.s32 v0  }
0xa0: {  	v2 =	vimm.s32 $0x2C2B2A29  }
0xa1: {  	[tilespmem:$0x1FAD0] =	vst v0;
	v0 =	vunpack.c.0.s8.s32 v2;
	_ =	sdelay $0x1  }
0xa2: {  	[tilespmem:$0x1FAE0] =	vst v0;
	v0 =	vimm.s32 $0x202F2E2D  }
0xa3: {  	v0 =	vunpack.c.0.s8.s32 v0;
	_ =	sdelay $0x1  }
0xa4: {  	[tilespmem:$0x1FAF0] =	vst v0;
	v0 =	vimm.s32 $0x24232221  }
0xa5: {  	v0 =	vunpack.c.0.s8.s32 v0  }
0xa6: {  	v2 =	vimm.s32 $0x28272625  }
0xa7: {  	[tilespmem:$0x1FB00] =	vst v0;
	v0 =	vunpack.c.0.s8.s32 v2;
	_ =	sdelay $0x1  }
0xa8: {  	[tilespmem:$0x1FB10] =	vst v0;
	v0 =	vimm.s32 $0x2D2C2B2A  }
0xa9: {  	v0 =	vunpack.c.0.s8.s32 v0;
	_ =	sdelay $0x1  }
0xaa: {  	[tilespmem:$0x1FB20] =	vst v0;
	v0 =	vimm.s32 $0x21202F2E  }
0xab: {  	v0 =	vunpack.c.0.s8.s32 v0  }
0xac: {  	v2 =	vimm.s32 $0x25242322  }
0xad: {  	[tilespmem:$0x1FB30] =	vst v0;
	v0 =	vunpack.c.0.s8.s32 v2;
	_ =	sdelay $0x1  }
0xae: {  	[tilespmem:$0x1FB40] =	vst v0;
	v0 =	vimm.s32 $0x29282726  }
0xaf: {  	v0 =	vunpack.c.0.s8.s32 v0;
	_ =	sdelay $0x1  }
0xb0: {  	[tilespmem:$0x1FB50] =	vst v0;
	v0 =	vimm.s32 $0x2E2D2C2B  }
0xb1: {  	v0 =	vunpack.c.0.s8.s32 v0  }
0xb2: {  	v2 =	vimm.s32 $0x2221202F  }
0xb3: {  	[tilespmem:$0x1FB60] =	vst v0;
	v0 =	vunpack.c.0.s8.s32 v2;
	_ =	sdelay $0x1  }
0xb4: {  	[tilespmem:$0x1FB70] =	vst v0;
	v0 =	vimm.s32 $0x26252423  }
0xb5: {  	v0 =	vunpack.c.0.s8.s32 v0;
	_ =	sdelay $0x1  }
0xb6: {  	[tilespmem:$0x1FB80] =	vst v0;
	v0 =	vimm.s32 $0x2A292827  }
0xb7: {  	v0 =	vunpack.c.0.s8.s32 v0  }
0xb8: {  	v2 =	vimm.s32 $0x2F2E2D2C  }
0xb9: {  	[tilespmem:$0x1FB90] =	vst v0;
	v0 =	vunpack.c.0.s8.s32 v2;
	_ =	sdelay $0x1  }
0xba: {  	[tilespmem:$0x1FBA0] =	vst v0;
	v0 =	vimm.s32 $0x23222120  }
0xbb: {  	v0 =	vunpack.c.0.s8.s32 v0;
	_ =	sdelay $0x1  }
0xbc: {  	[tilespmem:$0x1FBB0] =	vst v0;
	v0 =	vimm.s32 $0x27262524  }
0xbd: {  	v0 =	vunpack.c.0.s8.s32 v0  }
0xbe: {  	v2 =	vimm.s32 $0x2B2A2928  }
0xbf: {  	[tilespmem:$0x1FBC0] =	vst v0;
	v0 =	vunpack.c.0.s8.s32 v2;
	_ =	sdelay $0x1  }
0xc0: {  	[tilespmem:$0x1FBD0] =	vst v0;
	v0 =	vimm.s32 $0x6C6B6A69  }
0xc1: {  	v0 =	vunpack.c.0.s8.s32 v0;
	_ =	sdelay $0x1  }
0xc2: {  	[tilespmem:$0x1FBE0] =	vst v0;
	v0 =	vimm.s32 $0x606F6E6D  }
0xc3: {  	v0 =	vunpack.c.0.s8.s32 v0  }
0xc4: {  	v2 =	vimm.s32 $0x64636261  }
0xc5: {  	[tilespmem:$0x1FBF0] =	vst v0;
	v0 =	vunpack.c.0.s8.s32 v2;
	_ =	sdelay $0x1  }
0xc6: {  	[tilespmem:$0x1FC00] =	vst v0;
	v0 =	vimm.s32 $0x68676665  }
0xc7: {  	v0 =	vunpack.c.0.s8.s32 v0;
	_ =	sdelay $0x1  }
0xc8: {  	[tilespmem:$0x1FC10] =	vst v0;
	v0 =	vimm.s32 $0x6D6C6B6A  }
0xc9: {  	v0 =	vunpack.c.0.s8.s32 v0  }
0xca: {  	v2 =	vimm.s32 $0x61606F6E  }
0xcb: {  	[tilespmem:$0x1FC20] =	vst v0;
	v0 =	vunpack.c.0.s8.s32 v2;
	_ =	sdelay $0x1  }
0xcc: {  	[tilespmem:$0x1FC30] =	vst v0;
	v0 =	vimm.s32 $0x65646362  }
0xcd: {  	v0 =	vunpack.c.0.s8.s32 v0;
	_ =	sdelay $0x1  }
0xce: {  	[tilespmem:$0x1FC40] =	vst v0;
	v0 =	vimm.s32 $0x69686766  }
0xcf: {  	v0 =	vunpack.c.0.s8.s32 v0  }
0xd0: {  	v2 =	vimm.s32 $0x6E6D6C6B  }
0xd1: {  	[tilespmem:$0x1FC50] =	vst v0;
	v0 =	vunpack.c.0.s8.s32 v2;
	_ =	sdelay $0x1  }
0xd2: {  	[tilespmem:$0x1FC60] =	vst v0;
	v0 =	vimm.s32 $0x6261606F  }
0xd3: {  	v0 =	vunpack.c.0.s8.s32 v0;
	_ =	sdelay $0x1  }
0xd4: {  	[tilespmem:$0x1FC70] =	vst v0;
	v0 =	vimm.s32 $0x66656463  }
0xd5: {  	v0 =	vunpack.c.0.s8.s32 v0  }
0xd6: {  	v2 =	vimm.s32 $0x6A696867  }
0xd7: {  	[tilespmem:$0x1FC80] =	vst v0;
	v0 =	vunpack.c.0.s8.s32 v2;
	_ =	sdelay $0x1  }
0xd8: {  	[tilespmem:$0x1FC90] =	vst v0;
	v0 =	vimm.s32 $0x6F6E6D6C  }
0xd9: {  	v0 =	vunpack.c.0.s8.s32 v0;
	_ =	sdelay $0x1  }
0xda: {  	[tilespmem:$0x1FCA0] =	vst v0;
	v0 =	vimm.s32 $0x63626160  }
0xdb: {  	v0 =	vunpack.c.0.s8.s32 v0  }
0xdc: {  	v2 =	vimm.s32 $0x67666564  }
0xdd: {  	[tilespmem:$0x1FCB0] =	vst v0;
	v0 =	vunpack.c.0.s8.s32 v2;
	_ =	sdelay $0x1  }
0xde: {  	[tilespmem:$0x1FCC0] =	vst v0;
	v0 =	vimm.s32 $0x6B6A6968  }
0xdf: {  	v0 =	vunpack.c.0.s8.s32 v0;
	_ =	sdelay $0x1  }
0xe0: {  	[tilespmem:$0x1FCD0] =	vst v0;
	v0 =	vimm.s32 $0x3C3B3A39  }
0xe1: {  	v0 =	vunpack.c.0.s8.s32 v0  }
0xe2: {  	v2 =	vimm.s32 $0x303F3E3D  }
0xe3: {  	[tilespmem:$0x1FCE0] =	vst v0;
	v0 =	vunpack.c.0.s8.s32 v2;
	_ =	sdelay $0x1  }
0xe4: {  	[tilespmem:$0x1FCF0] =	vst v0;
	v0 =	vimm.s32 $0x34333231  }
0xe5: {  	v0 =	vunpack.c.0.s8.s32 v0;
	_ =	sdelay $0x1  }
0xe6: {  	[tilespmem:$0x1FD00] =	vst v0;
	v0 =	vimm.s32 $0x38373635  }
0xe7: {  	v0 =	vunpack.c.0.s8.s32 v0  }
0xe8: {  	v2 =	vimm.s32 $0x3D3C3B3A  }
0xe9: {  	[tilespmem:$0x1FD10] =	vst v0;
	v0 =	vunpack.c.0.s8.s32 v2;
	_ =	sdelay $0x1  }
0xea: {  	[tilespmem:$0x1FD20] =	vst v0;
	v0 =	vimm.s32 $0x31303F3E  }
0xeb: {  	s20 =	rddreg [dreg:$0x0];
	s3 =	simm.s32 $0x0;
	v0 =	vunpack.c.0.s8.s32 v0  }
0xec: {  	[smem:$0x7FF] =	sst s3  }
0xed: {  	s2 =	rddreg [dreg:$0x2];
	_ =	strace $0x80000047;
	[tilespmem:$0x1FD30] =	vst v0;
	v0 =	vimm.s32 $0x35343332  }
0xee: {  	[tilespmem:$0x1FE50] =	vst v7;
	v0 =	vunpack.c.0.s8.s32 v0  }
0xef: {  	v2 =	vimm.s32 $0x39383736;
	[tilespmem:$0x1FE70] =	vst v11  }
0xf0: {  	[tilespmem:$0x1FD40] =	vst v0;
	v0 =	vunpack.c.0.s8.s32 v2  }
0xf1: {  	[tilespmem:$0x1FE80] =	vst v28  }
0xf2: {  	[tilespmem:$0x1FD50] =	vst v0;
	v0 =	vimm.s32 $0x3E3D3C3B  }
0xf3: {  	[tilespmem:$0x1FE90] =	vst v27;
	v0 =	vunpack.c.0.s8.s32 v0  }
0xf4: {  	[tilespmem:$0x1FEA0] =	vst v29  }
0xf5: {  	[tilespmem:$0x1FD60] =	vst v0;
	v0 =	vimm.s32 $0x3231303F  }
0xf6: {  	v60 =	vimm.s32 $0xBA987654;
	[tilespmem:$0x1FEB0] =	vst v31;
	v0 =	vunpack.c.0.s8.s32 v0  }
0xf7: {  	v33 =	vunpack.c.0.s8.s32 v5;
	v6 =	vunpack.c.l.s4.s8 v60;
	[tilespmem:$0x1FEC0] =	vst v32;
	v2 =	vimm.s32 $0x36353433  }
0xf8: {  	[tilespmem:$0x1FD70] =	vst v0;
	v0 =	vunpack.c.0.s8.s32 v2  }
0xf9: {  	v34 =	vunpack.c.0.s8.s32 v6;
	v3 =	vimm.s32 $0xDCBA9876;
	[tilespmem:$0x1FED0] =	vst v33  }
0xfa: {  	v3 =	vunpack.c.l.s4.s8 v3;
	[tilespmem:$0x1FD80] =	vst v0;
	v0 =	vimm.s32 $0x3A393837  }
0xfb: {  	[tilespmem:$0x1FEE0] =	vst v34;
	v0 =	vunpack.c.0.s8.s32 v0  }
0xfc: {  	v39 =	vunpack.c.0.s8.s32 v3;
	[tilespmem:$0x1FEF0] =	vst v41  }
0xfd: {  	v60 =	vunpack.c.0.s8.s32 v4;
	[tilespmem:$0x1FD90] =	vst v0;
	v0 =	vimm.s32 $0x3F3E3D3C  }
0xfe: {  	[tilespmem:$0x1FF00] =	vst v39;
	v0 =	vunpack.c.0.s8.s32 v0  }
0xff: {  	[tilespmem:$0x1FF10] =	vst v60;
	v2 =	vimm.s32 $0x33323130  }
0x100: {  	[tilespmem:$0x1FDA0] =	vst v0;
	v0 =	vunpack.c.0.s8.s32 v2  }
0x101: {  	[tilespmem:$0x1FF20] =	vst v43;
	v2 =	vimm.s32 $0x7C7B7A79  }
0x102: {  	v30 =	vunpack.c.0.s8.s32 v2;
	v2 =	vimm.s32 $0x78777675;
	[tilespmem:$0x1FDB0] =	vst v0;
	v0 =	vimm.s32 $0x37363534  }
0x103: {  	[tilespmem:$0x1FF30] =	vst v50;
	v37 =	vunpack.c.0.s8.s32 v2;
	v2 =	vimm.s32 $0x75747372;
	v0 =	vunpack.c.0.s8.s32 v0  }
0x104: {  	[tilespmem:$0x1FF40] =	vst v48;
	v42 =	vunpack.c.0.s8.s32 v2;
	v2 =	vimm.s32 $0x76757473  }
0x105: {  	v2 =	vunpack.c.0.s8.s32 v2;
	[tilespmem:$0x1FDC0] =	vst v0;
	v0 =	vimm.s32 $0x3B3A3938  }
0x106: {  	[tilespmem:$0x1FF50] =	vst v62;
	v0 =	vunpack.c.0.s8.s32 v0  }
0x107: {  	v63 =	vimm.s32 $0x77767574;
	[tilespmem:$0x1FDF0] =	vst v2  }
0x108: {  	s12 =	stileid.u32;
	s28 =	simm.s32 $0x1;
	v2 =	vimm.s32 $0x73727170;
	[tilespmem:$0x1FDD0] =	vst v0;
	v0 =	vimm.s32 $0x707F7E7D  }
0x109: {  	s29 =	simm.s32 $0x50;
	s31 =	simm.s32 $0x640;
	s13 =	smul.u32 $0xB400, s12;
	[tilespmem:$0x1FF60] =	vst v30;
	v2 =	vunpack.c.0.s8.s32 v2;
	v35 =	vunpack.c.0.s8.s32 v0;
	v0 =	vimm.s32 $0x74737271  }
0x10a: {  	s30 =	simm.s32 $0x2;
	s5 =	sadd.s32 $0x558E00, s20;
	s14 =	smul.u32 $0x9C4, s12;
	[tilespmem:$0x1FF90] =	vst v37;
	v36 =	vunpack.c.0.s8.s32 v0;
	v0 =	vimm.s32 $0x7D7C7B7A  }
0x10b: {  	s4 =	sadd.s32 $0x4FC00, s20;
	s6 =	sadd.s32 $0x1A00, s20;
	s10 =	smul.u32 $0x2710, s0;
	[tilespmem:$0x1FE20] =	vst v2;
	v2 =	vunpack.c.0.s8.s32 v63;
	v38 =	vunpack.c.0.s8.s32 v0;
	v0 =	vimm.s32 $0x71707F7E  }
0x10c: {  	s8 =	sadd.s32 $0x80C00, s20;
	s9 =	sadd.s32 $0x76E00, s20;
	s22 =	smul.u32 $0x1388, s12;
	[tilespmem:$0x1FFC0] =	vst v42;
	v40 =	vunpack.c.0.s8.s32 v0;
	v0 =	vimm.s32 $0x79787776  }
0x10d: {  	s11 =	sadd.s32 $0x8AA00, s20;
	s7 =	smul.u32 $0x16800, s0;
	s0 =	ssub.s32 $0x2, s0;
	[tilespmem:$0x1FE30] =	vst v2;
	v44 =	vunpack.c.0.s8.s32 v0;
	v0 =	vmov s10  }
0x10e: {  	s21 =	sshrl.u32 s0, $0x1;
	s16 =	sadd.s32 s13, s2;
	s18 =	sadd.s32 s9, s14;
	[tilespmem:$0x1FDE0] =	vst v0;
	v0 =	vimm.s32 $0x7E7D7C7B  }
0x10f: {  	s14 =	sadd.s32 s8, s14;
	s26 =	sshrl.u32 s13, $0x3;
	s1 =	sadd.s32 s7, s20;
	[tilespmem:$0x1FF70] =	vst v35;
	v45 =	vunpack.c.0.s8.s32 v0;
	v0 =	vimm.s32 $0x7271707F  }
0x110: {  	s0 =	ssub.s32 s0, s21;
	[dreg:$0x4] =	wrdreg s11;
	s11 =	smul.u32 $0xFA, s12;
	[tilespmem:$0x1FF80] =	vst v36;
	v55 =	vunpack.c.0.s8.s32 v0;
	v0 =	vimm.s32 $0x7A797877  }
0x111: {  	s7 =	sadd.s32 s5, s22;
	s20 =	sshrl.u32 s16, $0x3;
	s21 =	simm.s32 $0x5;
	[tilespmem:$0x1FFA0] =	vst v38;
	v0 =	vunpack.c.0.s8.s32 v0  }
0x112: {  	s22 =	simm.s32 $0xAB40;
	s1 =	sadd.s32 $0x8C200, s1;
	v3 =	vimm.s32 $0x7F7E7D7C;
	s15 =	sor.u32 $0x1, s11;
	[tilespmem:$0x1FFB0] =	vst v40  }
0x113: {  	s19 =	smax.u32 s0, $0x1;
	[dreg:$0x5] =	wrdreg s18;
	s17 =	smul.u32 $0xA, s15;
	[tilespmem:$0x1FE00] =	vst v0;
	v0 =	vunpack.c.0.s8.s32 v3  }
0x114: {  	s0 =	simm.s32 $0x4;
	s12 =	sshll.u32 s12, $0x6;
	[dreg:$0x6] =	wrdreg s14;
	[tilespmem:$0x1FFD0] =	vst v44  }
0x115: {  	[dreg:$0x7] =	wrdreg s7;
	s15 =	smul.u32 $0x14, s15;
	s23 =	sadd.s32 s9, s17;
	[tilespmem:$0x1FE10] =	vst v0;
	v0 =	vimm.s32 $0x7B7A7978  }
0x116: {  	s7 =	simm.s32 $0x2E40;
	s24 =	sadd.s32 s8, s17;
	[dreg:$0x8] =	wrdreg s23;
	[tilespmem:$0x1FFE0] =	vst v45;
	v0 =	vunpack.c.0.s8.s32 v0  }
0x117: {  	s12 =	sor.u32 $0x1C05, s12;
	s25 =	sadd.s32 s5, s15;
	[dreg:$0x9] =	wrdreg s24;
	[tilespmem:$0x1FFF0] =	vst v55  }
0x118: {  	[dreg:$0xa] =	wrdreg s25;
	s23 =	simm.s32 $0x7E40;
	s24 =	sadd.s32 s26, s1;
	[tilespmem:$0x1FE40] =	vst v0;
	v0 =	vor.u32 $0x1, v7  }
0x119: {  	vm0 =	vcmask $0x1F10;
	s26 =	simm.s32 $0x280;
	s1 =	simm.s32 $0x3;
	s25 =	simm.s32 $0x0;
	[tilespmem:$0x1FE60] =	vst v0  }
.LBB2_1:
0x11a: {  	s10 =	rddreg [dreg:$0x4]  }
0x11b: {  	[spmem:s20], [sflag:s12] =	dma.local [hbm:s10], $0x1680  }
0x11c: {  	_ =	swait.ge [sflag:s21], $0x1680  }
0x11d: {  	[sflag:s21] =	ssyncset.done $0x0  }
0x11e: {  	[sflag:s21] =	ssyncadd.s32 $0xFFFFE980  }
0x11f: {  	s14 =	rddreg [dreg:$0x1]  }
0x120: {  	[tilespmem:s22], [sflag:$0x5] =	stream.linear.gather [hbm4b:s14+s3], $0x18, $0x38;
	[tilespmem:$0x15F58] =	vst v63  }
0x121: {  	_ =	swait.ge [sflag:s21], $0x18  }
0x122: {  	v0 =	vld [tilespmem:$0x1F520];
	_ =	sdelay $0x5  }
0x123: {  	[sflag:s21] =	ssyncset.done $0x0  }
0x124: {  	[sflag:s21] =	ssyncadd.s32 $0xFFFFFFE8  }
0x125: {  	v0 =	vld.idx.msk [tilespmem:v0+s22+$0x0], $0xffff;
	_ =	sdelay $0x4  }
0x126: {  	[tilespmem:$0x1F4A0] =	vst v0;
	v0 =	vld [tilespmem:$0x1F530];
	_ =	sdelay $0x7  }
0x127: {  	v0 =	vld.idx.msk [tilespmem:v0+s22+$0x0], $0xffff;
	_ =	sdelay $0x4  }
0x128: {  	[tilespmem:$0x1F4B0] =	vst v0;
	v0 =	vld [tilespmem:$0x1F540];
	_ =	sdelay $0x7  }
0x129: {  	v0 =	vld.idx.msk [tilespmem:v0+s22+$0x0], $0xffff;
	_ =	sdelay $0x4  }
0x12a: {  	[tilespmem:$0x1F4C0] =	vst v0;
	v0 =	vld [tilespmem:$0x1F550];
	_ =	sdelay $0x7  }
0x12b: {  	v0 =	vld.idx.msk [tilespmem:v0+s22+$0x0], $0xffff;
	_ =	sdelay $0x4  }
0x12c: {  	[tilespmem:$0x1F4D0] =	vst v0;
	v0 =	vld [tilespmem:$0x1F560];
	_ =	sdelay $0x7  }
0x12d: {  	v0 =	vld.idx.msk [tilespmem:v0+s22+$0x0], $0xffff;
	_ =	sdelay $0x4  }
0x12e: {  	[tilespmem:$0x1F4E0] =	vst v0;
	v0 =	vld [tilespmem:$0x1F570];
	_ =	sdelay $0x7  }
0x12f: {  	v0 =	vld.idx.msk [tilespmem:v0+s22+$0x0], $0xffff;
	_ =	sdelay $0x4  }
0x130: {  	[tilespmem:$0x1F4F0] =	vst v0;
	v0 =	vld [tilespmem:$0x1F580];
	_ =	sdelay $0x7  }
0x131: {  	v0 =	vld.idx.msk [tilespmem:v0+s22+$0x0], $0xffff;
	_ =	sdelay $0x4  }
0x132: {  	[tilespmem:$0x1F500] =	vst v0;
	v0 =	vld [tilespmem:$0x1F590];
	_ =	sdelay $0x7  }
0x133: {  	v0 =	vld.idx.msk [tilespmem:v0+s22+$0x0], $0xffff;
	_ =	sdelay $0x4  }
0x134: {  	[tilespmem:$0x1F510] =	vst v0;
	v0 =	vld [tilespmem:$0x1F5A0];
	_ =	sdelay $0x6  }
0x135: {  	v2 =	vimm.f32 $0.0e+00  }
0x136: {  	[tilespmem:v0+s23+$0x0] =	vst.idx.msk $0xffff, v2;
	v0 =	vld [tilespmem:$0x1F5B0];
	_ =	sdelay $0x7  }
0x137: {  	[tilespmem:v0+s23+$0x0] =	vst.idx.msk $0xffff, v2;
	v0 =	vld [tilespmem:$0x1F5C0];
	_ =	sdelay $0x7  }
0x138: {  	[tilespmem:v0+s23+$0x0] =	vst.idx.msk $0xffff, v2;
	v0 =	vld [tilespmem:$0x1F5D0];
	_ =	sdelay $0x7  }
0x139: {  	[tilespmem:v0+s23+$0x0] =	vst.idx.msk $0xffff, v2;
	v0 =	vld [tilespmem:$0x1F5E0];
	_ =	sdelay $0x7  }
0x13a: {  	[tilespmem:v0+s23+$0x0] =	vst.idx.msk $0xffff, v2;
	v0 =	vld [tilespmem:$0x1F5F0];
	_ =	sdelay $0x7  }
0x13b: {  	[tilespmem:v0+s23+$0x0] =	vst.idx.msk $0xffff, v2;
	v0 =	vld [tilespmem:$0x1F600];
	_ =	sdelay $0x7  }
0x13c: {  	[tilespmem:v0+s23+$0x0] =	vst.idx.msk $0xffff, v2;
	v0 =	vld [tilespmem:$0x1F610];
	_ =	sdelay $0x7  }
0x13d: {  	[tilespmem:v0+s23+$0x0] =	vst.idx.msk $0xffff, v2;
	v0 =	vld [tilespmem:$0x1F620];
	_ =	sdelay $0x7  }
0x13e: {  	[tilespmem:v0+s23+$0x0] =	vst.idx.msk $0xffff, v2;
	v0 =	vld [tilespmem:$0x1F630];
	_ =	sdelay $0x7  }
0x13f: {  	[tilespmem:v0+s23+$0x0] =	vst.idx.msk $0xffff, v2;
	v0 =	vld [tilespmem:$0x1F640];
	_ =	sdelay $0x7  }
0x140: {  	[tilespmem:v0+s23+$0x0] =	vst.idx.msk $0xffff, v2;
	v0 =	vld [tilespmem:$0x1F650];
	_ =	sdelay $0x7  }
0x141: {  	[tilespmem:v0+s23+$0x0] =	vst.idx.msk $0xffff, v2;
	v0 =	vld [tilespmem:$0x1F660];
	_ =	sdelay $0x7  }
0x142: {  	[tilespmem:v0+s23+$0x0] =	vst.idx.msk $0xffff, v2;
	v0 =	vld [tilespmem:$0x1F670];
	_ =	sdelay $0x7  }
0x143: {  	[tilespmem:v0+s23+$0x0] =	vst.idx.msk $0xffff, v2;
	v0 =	vld [tilespmem:$0x1F680];
	_ =	sdelay $0x7  }
0x144: {  	[tilespmem:v0+s23+$0x0] =	vst.idx.msk $0xffff, v2;
	v0 =	vld [tilespmem:$0x1F690];
	_ =	sdelay $0x7  }
0x145: {  	[tilespmem:v0+s23+$0x0] =	vst.idx.msk $0xffff, v2;
	v0 =	vld [tilespmem:$0x1F6A0];
	_ =	sdelay $0x7  }
0x146: {  	[tilespmem:v0+s23+$0x0] =	vst.idx.msk $0xffff, v2;
	v0 =	vld [tilespmem:$0x1F6B0];
	_ =	sdelay $0x7  }
0x147: {  	[tilespmem:v0+s23+$0x0] =	vst.idx.msk $0xffff, v2;
	v0 =	vld [tilespmem:$0x1F6C0];
	_ =	sdelay $0x7  }
0x148: {  	[tilespmem:v0+s23+$0x0] =	vst.idx.msk $0xffff, v2;
	v0 =	vld [tilespmem:$0x1F6D0];
	_ =	sdelay $0x7  }
0x149: {  	[tilespmem:v0+s23+$0x0] =	vst.idx.msk $0xffff, v2;
	v0 =	vld [tilespmem:$0x1F6E0];
	_ =	sdelay $0x7  }
0x14a: {  	[tilespmem:v0+s23+$0x0] =	vst.idx.msk $0xffff, v2;
	v0 =	vld [tilespmem:$0x1F6F0];
	_ =	sdelay $0x7  }
0x14b: {  	[tilespmem:v0+s23+$0x0] =	vst.idx.msk $0xffff, v2;
	v0 =	vld [tilespmem:$0x1F700];
	_ =	sdelay $0x7  }
0x14c: {  	[tilespmem:v0+s23+$0x0] =	vst.idx.msk $0xffff, v2;
	v0 =	vld [tilespmem:$0x1F710];
	_ =	sdelay $0x7  }
0x14d: {  	[tilespmem:v0+s23+$0x0] =	vst.idx.msk $0xffff, v2;
	v0 =	vld [tilespmem:$0x1F720];
	_ =	sdelay $0x7  }
0x14e: {  	[tilespmem:v0+s23+$0x0] =	vst.idx.msk $0xffff, v2;
	v0 =	vld [tilespmem:$0x1F730];
	_ =	sdelay $0x7  }
0x14f: {  	[tilespmem:v0+s23+$0x0] =	vst.idx.msk $0xffff, v2;
	v0 =	vld [tilespmem:$0x1F740];
	_ =	sdelay $0x7  }
0x150: {  	[tilespmem:v0+s23+$0x0] =	vst.idx.msk $0xffff, v2;
	v0 =	vld [tilespmem:$0x1F750];
	_ =	sdelay $0x7  }
0x151: {  	[tilespmem:v0+s23+$0x0] =	vst.idx.msk $0xffff, v2;
	v0 =	vld [tilespmem:$0x1F760];
	_ =	sdelay $0x7  }
0x152: {  	[tilespmem:v0+s23+$0x0] =	vst.idx.msk $0xffff, v2;
	v0 =	vld [tilespmem:$0x1F770];
	_ =	sdelay $0x7  }
0x153: {  	[tilespmem:v0+s23+$0x0] =	vst.idx.msk $0xffff, v2;
	v0 =	vld [tilespmem:$0x1F780];
	_ =	sdelay $0x7  }
0x154: {  	[tilespmem:v0+s23+$0x0] =	vst.idx.msk $0xffff, v2;
	v0 =	vld [tilespmem:$0x1F790];
	_ =	sdelay $0x7  }
0x155: {  	[tilespmem:v0+s23+$0x0] =	vst.idx.msk $0xffff, v2;
	v0 =	vld [tilespmem:$0x1F7A0];
	_ =	sdelay $0x7  }
0x156: {  	[tilespmem:v0+s23+$0x0] =	vst.idx.msk $0xffff, v2;
	v0 =	vld [tilespmem:$0x1F7B0];
	_ =	sdelay $0x7  }
0x157: {  	[tilespmem:v0+s23+$0x0] =	vst.idx.msk $0xffff, v2;
	v0 =	vld [tilespmem:$0x1F7C0];
	_ =	sdelay $0x7  }
0x158: {  	[tilespmem:v0+s23+$0x0] =	vst.idx.msk $0xffff, v2;
	v0 =	vld [tilespmem:$0x1F7D0];
	_ =	sdelay $0x7  }
0x159: {  	[tilespmem:v0+s23+$0x0] =	vst.idx.msk $0xffff, v2;
	v0 =	vld [tilespmem:$0x1F7E0];
	_ =	sdelay $0x7  }
0x15a: {  	[tilespmem:v0+s23+$0x0] =	vst.idx.msk $0xffff, v2;
	v0 =	vld [tilespmem:$0x1F7F0];
	_ =	sdelay $0x7  }
0x15b: {  	[tilespmem:v0+s23+$0x0] =	vst.idx.msk $0xffff, v2;
	v0 =	vld [tilespmem:$0x1F800];
	_ =	sdelay $0x7  }
0x15c: {  	[tilespmem:v0+s23+$0x0] =	vst.idx.msk $0xffff, v2;
	v0 =	vld [tilespmem:$0x1F810];
	_ =	sdelay $0x7  }
0x15d: {  	[tilespmem:v0+s23+$0x0] =	vst.idx.msk $0xffff, v2  }
0x15e: {  	[bflag:$0x0] =	sbarrier.arrive $0xFFFF  }
0x15f: {  	s15 =	rddreg [dreg:$0x5]  }
0x160: {  	[tilespmem:s3], [sflag:$0x1] =	stream.linear.gather [hbm4b:s15+s3], $0x50, $0x38;
	[tilespmem:$0x15F58] =	vst v63  }
0x161: {  	s13 =	simm.s32 $0x140;
	s16 =	rddreg [dreg:$0x6]  }
0x162: {  	[tilespmem:s13], [sflag:$0x1] =	stream.linear.gather [hbm4b:s16+s3], $0x50, $0x38;
	[tilespmem:$0x15F58] =	vst v63  }
0x163: {  	s17 =	rddreg [dreg:$0x7]  }
0x164: {  	[tilespmem:s26], [sflag:$0x1] =	stream.linear.gather [hbm4b:s17+s3], $0xA0, $0x38;
	[tilespmem:$0x15F58] =	vst v63  }
0x165: {  	_ =	swait.ge [sflag:s28], $0x50  }
0x166: {  	[sflag:s28] =	ssyncset.done $0x0  }
0x167: {  	[sflag:s28] =	ssyncadd.s32 $0xFFFFFFB0  }
0x168: {  	_ =	swait.ge [sflag:s28], $0x50  }
0x169: {  	[sflag:s28] =	ssyncset.done $0x0  }
0x16a: {  	[sflag:s28] =	ssyncadd.s32 $0xFFFFFFB0  }
0x16b: {  	_ =	swait.ge [sflag:s28], $0xA0  }
0x16c: {  	[sflag:s28] =	ssyncset.done $0x0  }
0x16d: {  	v7 =	vld [tilespmem:$0x1FDE0];
	[sflag:s28] =	ssyncadd.s32 $0xFFFFFF60  }
0x16e: {  	v0 =	vld [tilespmem:$0x0]  }
0x16f: {  	v2 =	vld [tilespmem:$0x140]  }
0x170: {  	v3 =	vld [tilespmem:$0x10]  }
0x171: {  	v4 =	vld [tilespmem:$0x150]  }
0x172: {  	v5 =	vld [tilespmem:$0x20]  }
0x173: {  	v6 =	vld [tilespmem:$0x160];
	v0 =	vadd.s32 v7, v0  }
0x174: {  	[tilespmem:$0x500] =	vst v0;
	v0 =	vadd.s32 v7, v2;
	v2 =	vld [tilespmem:$0x30]  }
0x175: {  	[tilespmem:$0x5A0] =	vst v0;
	v0 =	vadd.s32 v7, v3;
	v3 =	vld [tilespmem:$0x170]  }
0x176: {  	v56 =	vld [tilespmem:$0x40];
	[tilespmem:$0x510] =	vst v0;
	v0 =	vadd.s32 v7, v4  }
0x177: {  	v63 =	vld [tilespmem:$0x180];
	[tilespmem:$0x5B0] =	vst v0;
	v0 =	vadd.s32 v7, v5  }
0x178: {  	[tilespmem:$0x520] =	vst v0;
	v0 =	vadd.s32 v7, v6  }
0x179: {  	[tilespmem:$0x5C0] =	vst v0;
	v0 =	vadd.s32 v7, v2  }
0x17a: {  	[tilespmem:$0x530] =	vst v0;
	v0 =	vadd.s32 v7, v3  }
0x17b: {  	[tilespmem:$0x5D0] =	vst v0;
	v0 =	vadd.s32 v7, v56  }
0x17c: {  	[tilespmem:$0x540] =	vst v0;
	v0 =	vadd.s32 v7, v63  }
0x17d: {  	s18 =	simm.s32 $0x500;
	[tilespmem:$0x5E0] =	vst v0  }
0x17e: {  	[tilespmem:s31], [sflag:$0x2] =	stream.indirect.gather [hbm4b:s4+s29], $0x40, s18, s29, $0xb8;
	[tilespmem:$0x15F58] =	vst v63  }
0x17f: {  	s13 =	simm.s32 $0x5A0  }
0x180: {  	[tilespmem:s7], [sflag:$0x3] =	stream.indirect.gather [hbm4b:s6+s29], $0x80, s13, s29, $0xb8;
	[tilespmem:$0x15F58] =	vst v63  }
0x181: {  	s14 =	rddreg [dreg:$0x8]  }
0x182: {  	[tilespmem:s29], [sflag:$0x1] =	stream.linear.gather [hbm4b:s14+s3], $0x50, $0x38;
	[tilespmem:$0x15F58] =	vst v63  }
0x183: {  	s16 =	simm.s32 $0x190;
	s15 =	rddreg [dreg:$0x9]  }
0x184: {  	[tilespmem:s16], [sflag:$0x1] =	stream.linear.gather [hbm4b:s15+s3], $0x50, $0x38;
	[tilespmem:$0x15F58] =	vst v63  }
0x185: {  	s17 =	rddreg [dreg:$0xa];
	s18 =	simm.s32 $0x320;
	s14 =	simm.s32 $0x0  }
0x186: {  	[tilespmem:s18], [sflag:$0x1] =	stream.linear.gather [hbm4b:s17+s3], $0xA0, $0x38;
	[tilespmem:$0x15F58] =	vst v63  }
.LBB2_2:
0x187: {  	p0 =	slt.u32 s14, $0x2  }
0x188: {  	p1 =	sgt.u32 @!p0 s14, $0xF7  }
0x189: {  	p1 =	por p0, !p1  }
.Ltmp0:
0x18a: {  	_ = 	snop;
	(pc) =	sbr.rel @!p1 .LBB2_4-.Ltmp0, $4  }
0x18b: {  	s13 =	simm.s32 @!p0 $0x4  }
0x18c: {  	_ =	swait.ge @!p0 [sflag:s13], $0x1680  }
0x18d: {  	[sflag:s13] =	ssyncset.done @!p0 $0x0  }
0x18e: {  	s10 =	sand.u32 $0x1, s14;
	[sflag:s13] =	ssyncadd.s32 @!p0 $0xFFFFE980  }
0x18f: {  	s13 =	sadd.s32 $0x2, s14  }
0x190: {  	s15 =	sadd.s32 s11, s13  }
0x191: {  	s13 =	sand.u32 $0x3, s13;
	s16 =	smul.u32 $0xA, s15  }
0x192: {  	s17 =	smul.u32 $0x50, s13  }
0x193: {  	s13 =	smul.u32 $0x280, s13  }
0x194: {  	s15 =	smul.u32 $0x14, s15;
	s18 =	sadd.s32 s9, s16;
	s16 =	sadd.s32 s8, s16  }
0x195: {  	[tilespmem:s17], [sflag:$0x1] =	stream.linear.gather [hbm4b:s18+s3], $0x50, $0x38;
	[tilespmem:$0x15F58] =	vst v63  }
.Ltmp1:
0x196: {  	s13 =	sshrl.u32 s13, $0x2;
	s17 =	sadd.s32 $0x140, s17;
	(pc) =	sbr.rel .LBB2_5-.Ltmp1, $4  }
0x197: {  	[tilespmem:s17], [sflag:$0x1] =	stream.linear.gather [hbm4b:s16+s3], $0x50, $0x38;
	[tilespmem:$0x15F58] =	vst v63  }
0x198: {  	s15 =	sadd.s32 s5, s15;
	s13 =	sadd.s32 $0x280, s13  }
0x199: {  	[tilespmem:s13], [sflag:$0x1] =	stream.linear.gather [hbm4b:s15+s3], $0xA0, $0x38;
	[tilespmem:$0x15F58] =	vst v63  }
0x19a: {  	s15 =	sadd.s32 $0x1, s14  }
.LBB2_4:
0x19b: {  	p0 =	seq.s32 s14, $0xF9  }
.Ltmp2:
0x19c: {  	_ = 	snop;
	(pc) =	sbr.rel @p0 .LBB2_6-.Ltmp2, $2  }
0x19d: {  	_ =	sdelay $0x2  }
0x19e: {  	s15 =	simm.s32 $0xF9;
	s13 =	simm.s32 $0xFA  }
.LBB2_5:
0x19f: {  	_ =	swait.ge [sflag:s28], $0x50  }
0x1a0: {  	[sflag:s28] =	ssyncset.done $0x0  }
0x1a1: {  	[sflag:s28] =	ssyncadd.s32 $0xFFFFFFB0  }
0x1a2: {  	_ =	swait.ge [sflag:s28], $0x50  }
0x1a3: {  	[sflag:s28] =	ssyncset.done $0x0  }
0x1a4: {  	[sflag:s28] =	ssyncadd.s32 $0xFFFFFFB0  }
0x1a5: {  	s13 =	sand.u32 $0x3, s15;
	_ =	swait.ge [sflag:s28], $0xA0  }
0x1a6: {  	s13 =	smul.u32 $0x50, s13;
	[sflag:s28] =	ssyncset.done $0x0  }
0x1a7: {  	v2 =	vld [tilespmem:$0x1FDE0];
	[sflag:s28] =	ssyncadd.s32 $0xFFFFFF60  }
0x1a8: {  	v0 =	vld [tilespmem:s13+$0x0];
	_ =	sdelay $0x2  }
0x1a9: {  	s16 =	sxor.u32 $0x1, s10  }
0x1aa: {  	s17 =	smul.u32 $0x50, s16  }
0x1ab: {  	v0 =	vadd.s32 v2, v0  }
0x1ac: {  	[tilespmem:s17+$0x500] =	vst v0  }
0x1ad: {  	v0 =	vld [tilespmem:s13+$0x140];
	_ =	sdelay $0x4  }
0x1ae: {  	v0 =	vadd.s32 v2, v0  }
0x1af: {  	[tilespmem:s17+$0x5A0] =	vst v0  }
0x1b0: {  	v0 =	vld [tilespmem:s13+$0x10];
	_ =	sdelay $0x4  }
0x1b1: {  	v0 =	vadd.s32 v2, v0  }
0x1b2: {  	[tilespmem:s17+$0x510] =	vst v0  }
0x1b3: {  	v0 =	vld [tilespmem:s13+$0x150];
	_ =	sdelay $0x4  }
0x1b4: {  	v0 =	vadd.s32 v2, v0  }
0x1b5: {  	[tilespmem:s17+$0x5B0] =	vst v0  }
0x1b6: {  	v0 =	vld [tilespmem:s13+$0x20];
	_ =	sdelay $0x4  }
0x1b7: {  	v0 =	vadd.s32 v2, v0  }
0x1b8: {  	[tilespmem:s17+$0x520] =	vst v0  }
0x1b9: {  	v0 =	vld [tilespmem:s13+$0x160];
	_ =	sdelay $0x4  }
0x1ba: {  	v0 =	vadd.s32 v2, v0  }
0x1bb: {  	[tilespmem:s17+$0x5C0] =	vst v0  }
0x1bc: {  	v0 =	vld [tilespmem:s13+$0x30];
	_ =	sdelay $0x4  }
0x1bd: {  	v0 =	vadd.s32 v2, v0  }
0x1be: {  	[tilespmem:s17+$0x530] =	vst v0  }
0x1bf: {  	v0 =	vld [tilespmem:s13+$0x170];
	_ =	sdelay $0x4  }
0x1c0: {  	v0 =	vadd.s32 v2, v0  }
0x1c1: {  	[tilespmem:s17+$0x5D0] =	vst v0  }
0x1c2: {  	v0 =	vld [tilespmem:s13+$0x40];
	_ =	sdelay $0x4  }
0x1c3: {  	v0 =	vadd.s32 v2, v0  }
0x1c4: {  	[tilespmem:s17+$0x540] =	vst v0  }
0x1c5: {  	v0 =	vld [tilespmem:s13+$0x180];
	_ =	sdelay $0x2  }
0x1c6: {  	s18 =	smul.u32 $0x5000, s16  }
0x1c7: {  	s16 =	smul.u32 $0xA000, s16  }
0x1c8: {  	s13 =	sshrl.u32 s18, $0x2;
	v0 =	vadd.s32 v2, v0  }
0x1c9: {  	s16 =	sshrl.u32 s16, $0x2;
	s18 =	sor.u32 $0x500, s17;
	s13 =	sadd.s32 $0x640, s13;
	[tilespmem:s17+$0x5E0] =	vst v0  }
0x1ca: {  	[tilespmem:s13], [sflag:$0x2] =	stream.indirect.gather [hbm4b:s4+s29], $0x40, s18, s29, $0xb8;
	[tilespmem:$0x15F58] =	vst v63  }
0x1cb: {  	s18 =	sadd.s32 $0x5A0, s17;
	s13 =	sadd.s32 $0x2E40, s16  }
0x1cc: {  	[tilespmem:s13], [sflag:$0x3] =	stream.indirect.gather [hbm4b:s6+s29], $0x80, s18, s29, $0xb8;
	[tilespmem:$0x15F58] =	vst v63  }
0x1cd: {  	s13 =	smov.u32 s15  }
.LBB2_6:
0x1ce: {  	s14 =	sand.u32 $0x3, s14  }
0x1cf: {  	_ =	swait.ge [sflag:s30], $0x1400;
	v0 =	vmov s14  }
0x1d0: {  	[sflag:s30] =	ssyncset.done $0x0;
	v0 =	vmul.u32 $0xA0, v0  }
0x1d1: {  	[sflag:s30] =	ssyncadd.s32 $0xFFFFEC00  }
0x1d2: {  	_ =	swait.ge [sflag:s1], $0x2800;
	v0 =	vbroadcast v0, $0x0  }
0x1d3: {  	s15 =	smul.u32 $0x50, s10;
	[sflag:s1] =	ssyncset.done $0x0  }
0x1d4: {  	s16 =	simm.s32 $0x0;
	[sflag:s1] =	ssyncadd.s32 $0xFFFFD800;
	[tilespmem:$0x1F490] =	vst v0  }
.LBB2_7:
0x1d5: {  	v0 =	vor.u32 s15, v1  }
0x1d6: {  	v2 =	vshll.u32 v0, $0x6  }
0x1d7: {  	v63 =	vshll.u32 v0, $0x7;
	v3 =	vor.u32 v1, v2  }
0x1d8: {  	v4 =	vor.u32 v1, v63  }
0x1d9: {  	v47 =	vld [tilespmem:$0x1FE50];
	v10 =	vor.u32 v51, v2  }
0x1da: {  	v46 =	vld [tilespmem:$0x1F820];
	v35 =	vor.u32 v51, v63  }
0x1db: {  	v52 =	vld [tilespmem:$0x1F490];
	v5 =	vor.u32 v48, v2  }
0x1dc: {  	v8 =	vor.u32 v50, v63;
	v9 =	vcombine.low v34, v33;
	v3 =	vld.idx.msk [tilespmem:v3+s31+$0x0], $0xffff  }
0x1dd: {  	v6 =	vor.u32 v48, v63;
	v4 =	vld.idx.msk [tilespmem:v4+s7+$0x0], $0xffff  }
0x1de: {  	v7 =	vor.u32 v50, v2;
	v15 =	vand.u32 $0xF, v9;
	v9 =	vcombine.low v54, v53;
	v20 =	vld.idx.msk [tilespmem:v10+s31+$0x0], $0xffff  }
0x1df: {  	v36 =	vor.u32 v15, v2;
	v21 =	vld.idx.msk [tilespmem:v35+s7+$0x0], $0xffff  }
0x1e0: {  	v37 =	vor.u32 v15, v63;
	v14 =	vand.u32 $0xF, v9;
	v9 =	vcombine.low v39, v41;
	v16 =	vld.idx.msk [tilespmem:v5+s31+$0x0], $0xffff  }
0x1e1: {  	v19 =	vld.idx.msk [tilespmem:v8+s7+$0x0], $0xffff;
	v8 =	vor.u32 v14, v2  }
0x1e2: {  	v17 =	vld.idx.msk [tilespmem:v6+s7+$0x0], $0xffff;
	v10 =	vor.u32 v14, v63;
	v13 =	vand.u32 $0xF, v9;
	v9 =	vcombine.low v43, v60  }
0x1e3: {  	v18 =	vld.idx.msk [tilespmem:v7+s31+$0x0], $0xffff;
	v38 =	vor.u32 v13, v2  }
0x1e4: {  	v40 =	vor.u32 v13, v63;
	v22 =	vld.idx.msk [tilespmem:v36+s31+$0x0], $0xffff;
	v12 =	vand.u32 $0xF, v9  }
0x1e5: {  	v23 =	vld.idx.msk [tilespmem:v37+s7+$0x0], $0xffff;
	v42 =	vor.u32 v12, v2  }
0x1e6: {  	v44 =	vcombine.low v31, v32;
	v24 =	vld.idx.msk [tilespmem:v8+s31+$0x0], $0xffff;
	v8 =	vor.u32 v12, v63  }
0x1e7: {  	v9 =	vcombine.low v11, v28;
	v25 =	vld.idx.msk [tilespmem:v10+s7+$0x0], $0xffff;
	v10 =	vor.u32 v49, v2  }
0x1e8: {  	v7 =	vand.u32 $0xF, v44;
	v11 =	vor.u32 v49, v63;
	v26 =	vld.idx.msk [tilespmem:v38+s31+$0x0], $0xffff  }
0x1e9: {  	v45 =	vor.u32 v7, v63;
	v5 =	vand.u32 $0xF, v9;
	v9 =	vcombine.low v27, v29;
	v27 =	vld.idx.msk [tilespmem:v40+s7+$0x0], $0xffff  }
0x1ea: {  	v28 =	vor.u32 v5, v2;
	v29 =	vld.idx.msk [tilespmem:v42+s31+$0x0], $0xffff  }
0x1eb: {  	v30 =	vor.u32 v5, v63;
	v6 =	vand.u32 $0xF, v9;
	v31 =	vld.idx.msk [tilespmem:v8+s7+$0x0], $0xffff  }
0x1ec: {  	v9 =	vor.u32 v6, v2;
	v32 =	vld.idx.msk [tilespmem:v10+s31+$0x0], $0xffff  }
0x1ed: {  	v10 =	vor.u32 v6, v63;
	v8 =	vcombine.low v33, v34;
	v33 =	vld.idx.msk [tilespmem:v11+s7+$0x0], $0xffff  }
0x1ee: {  	v11 =	vor.u32 v7, v2;
	v34 =	vld.idx.msk [tilespmem:v45+s7+$0x0], $0xffff  }
0x1ef: {  	v35 =	vcombine.low v53, v54;
	v28 =	vld.idx.msk [tilespmem:v28+s31+$0x0], $0xffff;
	v8 =	vand.u32 $0xF, v8  }
0x1f0: {  	v30 =	vld.idx.msk [tilespmem:v30+s7+$0x0], $0xffff;
	v36 =	vor.u32 v8, v2  }
0x1f1: {  	v56 =	vcombine.low v41, v39;
	v37 =	vld.idx.msk [tilespmem:v9+s31+$0x0], $0xffff;
	v38 =	vor.u32 v8, v63;
	v9 =	vand.u32 $0xF, v35  }
0x1f2: {  	v40 =	vor.u32 v9, v2;
	v42 =	vor.u32 v9, v63;
	v39 =	vld.idx.msk [tilespmem:v10+s7+$0x0], $0xffff  }
0x1f3: {  	v41 =	vld.idx.msk [tilespmem:v11+s31+$0x0], $0xffff;
	v10 =	vand.u32 $0xF, v56;
	v11 =	vcombine.low v60, v43;
	v43 =	vmul.f32 v25, v24  }
0x1f4: {  	v25 =	vmul.f32 v27, v26;
	v26 =	vmul.f32 v31, v29;
	v29 =	vld [tilespmem:$0x1FE60];
	v35 =	vor.u32 v10, v2  }
0x1f5: {  	v60 =	vor.u32 v10, v63;
	v11 =	vand.u32 $0xF, v11;
	v36 =	vld.idx.msk [tilespmem:v36+s31+$0x0], $0xffff  }
0x1f6: {  	v38 =	vld.idx.msk [tilespmem:v38+s7+$0x0], $0xffff;
	v44 =	vor.u32 v11, v2  }
0x1f7: {  	v45 =	vor.u32 v11, v63;
	v40 =	vld.idx.msk [tilespmem:v40+s31+$0x0], $0xffff  }
0x1f8: {  	v3 =	vmul.f32 v4, v3;
	v4 =	vmul.f32 v17, v16;
	v17 =	vadd.s32 s16, v52;
	v42 =	vld.idx.msk [tilespmem:v42+s7+$0x0], $0xffff  }
0x1f9: {  	v17 =	vadd.s32 v46, v17;
	v16 =	vld.idx.msk [tilespmem:v35+s31+$0x0], $0xffff  }
0x1fa: {  	v24 =	vor.u32 v47, v17;
	v56 =	vld.idx.msk [tilespmem:v60+s7+$0x0], $0xffff  }
0x1fb: {  	v44 =	vld.idx.msk [tilespmem:v44+s31+$0x0], $0xffff  }
0x1fc: {  	v55 =	vmov v53;
	v53 =	vmul.f32 v21, v20;
	v18 =	vmul.f32 v19, v18;
	v27 =	vld.idx.msk [tilespmem:v45+s7+$0x0], $0xffff  }
0x1fd: {  	v28 =	vmul.f32 v30, v28;
	v17 =	vor.u32 v29, v17  }
0x1fe: {  	v18 =	vadd.f32 v53, v18;
	v29 =	vmul.f32 v33, v32;
	v30 =	vmul.f32 v39, v37  }
0x1ff: {  	v47 =	vadd.f32 v4, v3;
	v31 =	vmul.f32 v34, v41;
	v3 =	vld.idx.msk [tilespmem:v24+s26+$0x0], $0xffff;
	v60 =	vmul.f32 v23, v22  }
0x200: {  	v53 =	vadd.f32 v26, v25;
	v35 =	vld [tilespmem:$0x1F4A0];
	v45 =	vmul.f32 v38, v36;
	v46 =	vmul.f32 v42, v40  }
0x201: {  	v21 =	vadd.f32 v43, v60;
	v36 =	vld [tilespmem:$0x1F4E0];
	v16 =	vmul.f32 v56, v16;
	v52 =	vmul.f32 v27, v44  }
0x202: {  	v60 =	vadd.f32 v31, v30;
	v4 =	vld.idx.msk [tilespmem:v17+s26+$0x0], $0xffff;
	v56 =	vadd.f32 v28, v29  }
0x203: {  	v24 =	vadd.f32 v46, v45;
	v16 =	vadd.f32 v52, v16  }
0x204: {  	v18 =	vadd.f32 v18, v47;
	v34 =	vadd.f32 v53, v21  }
0x205: {  	v17 =	vadd.f32 v60, v56;
	v16 =	vadd.f32 v16, v24  }
0x206: {  	v20 =	vmul.f32 v3, v35  }
0x207: {  	v18 =	vadd.f32 v34, v18;
	v21 =	vmul.f32 v4, v36;
	v16 =	vadd.f32 v16, v17;
	_ =	sdelay $0x1  }
0x208: {  	v37 =	vadd.f32 v21, v20;
	v16 =	vadd.f32 v16, v18;
	_ =	sdelay $0x1  }
0x209: {  	v16 =	vadd.f32 v16, v37;
	_ =	sdelay $0x1  }
0x20a: {  	v16 =	vmul.f32 $1.442695020e+00, v16;
	_ =	sdelay $0x1  }
0x20b: {  	(erf) = vpow2.f32 v16;
	_ =	sdelay $0x2  }
0x20c: {  	v0 =	vmul.u32 $0x48, v0;
	_ =	sdelay $0x1  }
0x20d: {  	v39 =	vor.u32 $0x40, v1;
	v38 =	vadd.s32 $0x40, v0;
	v28 =	vld [tilespmem:$0x1F830]  }
0x20e: {  	v29 =	vld [tilespmem:$0x1F840];
	v17 =	vor.u32 v39, v63;
	_ =	sdelay $0x2  }
0x20f: {  	v18 =	vpop (erf)  }
0x210: {  	[tilespmem:v38+s23+$0x0] =	vst.idx.msk $0xffff, v18  }
0x211: {  	v19 =	vsel vm0, v58, v57;
	v16 =	vld.idx.msk [tilespmem:v17+s7+$0x0], $0xffff;
	v17 =	vsel vm0, v29, v28  }
0x212: {  	v40 =	vcombine.low v19, v17  }
0x213: {  	v41 =	vadd.s32 v1, v0  }
0x214: {  	v30 =	vld [tilespmem:$0x1F850];
	v20 =	vor.u32 v40, v63;
	_ =	sdelay $0x1  }
0x215: {  	v16 =	vmul.f32 v18, v16;
	_ =	sdelay $0x1  }
0x216: {  	v47 =	vld [tilespmem:$0x1F890];
	[tilespmem:v41+s23+$0x0] =	vst.idx.msk $0xffff, v16  }
0x217: {  	v21 =	vsel vm0, v30, v62;
	v16 =	vld.idx.msk [tilespmem:v20+s7+$0x0], $0xffff;
	v20 =	vsel vm0, v61, v59  }
0x218: {  	v31 =	vld [tilespmem:$0x1F860];
	v42 =	vcombine.low v21, v20  }
0x219: {  	v43 =	vadd.s32 v48, v0;
	v46 =	vld [tilespmem:$0x1F880]  }
0x21a: {  	v44 =	vld [tilespmem:$0x1F870];
	v22 =	vor.u32 v42, v63;
	_ =	sdelay $0x1  }
0x21b: {  	v16 =	vmul.f32 v18, v16;
	_ =	sdelay $0x1  }
0x21c: {  	v53 =	vld [tilespmem:$0x1F8B0];
	[tilespmem:v43+s23+$0x0] =	vst.idx.msk $0xffff, v16  }
0x21d: {  	v48 =	vsel vm0, v47, v46;
	v45 =	vsel vm0, v44, v31;
	v16 =	vld.idx.msk [tilespmem:v22+s7+$0x0], $0xffff  }
0x21e: {  	v56 =	vld [tilespmem:$0x1F8C0];
	v24 =	vcombine.low v48, v45  }
0x21f: {  	v25 =	vadd.s32 v50, v0;
	v60 =	vld [tilespmem:$0x1F8D0]  }
0x220: {  	v52 =	vld [tilespmem:$0x1F8A0];
	v24 =	vor.u32 v24, v63;
	_ =	sdelay $0x1  }
0x221: {  	v16 =	vmul.f32 v18, v16;
	_ =	sdelay $0x1  }
0x222: {  	[tilespmem:v25+s23+$0x0] =	vst.idx.msk $0xffff, v16  }
0x223: {  	v25 =	vsel vm0, v60, v56;
	v16 =	vld.idx.msk [tilespmem:v24+s7+$0x0], $0xffff;
	v24 =	vsel vm0, v53, v52  }
0x224: {  	v26 =	vcombine.low v25, v24  }
0x225: {  	v27 =	vadd.s32 v51, v0  }
0x226: {  	v26 =	vor.u32 v26, v63;
	_ =	sdelay $0x1  }
0x227: {  	v16 =	vmul.f32 v16, v18;
	_ =	sdelay $0x1  }
0x228: {  	[tilespmem:v27+s23+$0x0] =	vst.idx.msk $0xffff, v16  }
0x229: {  	v27 =	vsel vm0, v28, v58;
	v16 =	vld.idx.msk [tilespmem:v26+s7+$0x0], $0xffff;
	v26 =	vsel vm0, v57, v29  }
0x22a: {  	v28 =	vcombine.low v27, v26  }
0x22b: {  	v15 =	vadd.s32 v15, v0  }
0x22c: {  	v28 =	vor.u32 v28, v63;
	_ =	sdelay $0x1  }
0x22d: {  	v16 =	vmul.f32 v16, v18;
	_ =	sdelay $0x1  }
0x22e: {  	[tilespmem:v15+s23+$0x0] =	vst.idx.msk $0xffff, v16  }
0x22f: {  	v39 =	vsel vm0, v62, v61;
	v15 =	vld.idx.msk [tilespmem:v28+s7+$0x0], $0xffff;
	v28 =	vsel vm0, v59, v30  }
0x230: {  	v29 =	vcombine.low v28, v39  }
0x231: {  	v14 =	vadd.s32 v14, v0  }
0x232: {  	v29 =	vor.u32 v29, v63;
	_ =	sdelay $0x1  }
0x233: {  	v15 =	vmul.f32 v15, v18;
	_ =	sdelay $0x1  }
0x234: {  	[tilespmem:v14+s23+$0x0] =	vst.idx.msk $0xffff, v15  }
0x235: {  	v40 =	vsel vm0, v46, v44;
	v14 =	vld.idx.msk [tilespmem:v29+s7+$0x0], $0xffff;
	v29 =	vsel vm0, v31, v47  }
0x236: {  	v30 =	vcombine.low v29, v40  }
0x237: {  	v13 =	vadd.s32 v13, v0  }
0x238: {  	v30 =	vor.u32 v30, v63;
	_ =	sdelay $0x1  }
0x239: {  	v14 =	vmul.f32 v14, v18;
	_ =	sdelay $0x1  }
0x23a: {  	[tilespmem:v13+s23+$0x0] =	vst.idx.msk $0xffff, v14  }
0x23b: {  	v41 =	vsel vm0, v56, v53;
	v13 =	vld.idx.msk [tilespmem:v30+s7+$0x0], $0xffff;
	v30 =	vsel vm0, v52, v60  }
0x23c: {  	v14 =	vcombine.low v30, v41  }
0x23d: {  	v12 =	vadd.s32 v12, v0  }
0x23e: {  	v14 =	vor.u32 v14, v63;
	_ =	sdelay $0x1  }
0x23f: {  	v13 =	vmul.f32 v13, v18;
	_ =	sdelay $0x1  }
0x240: {  	[tilespmem:v12+s23+$0x0] =	vst.idx.msk $0xffff, v13  }
0x241: {  	v12 =	vld.idx.msk [tilespmem:v14+s7+$0x0], $0xffff  }
0x242: {  	v42 =	vcombine.low v17, v19  }
0x243: {  	v43 =	vadd.s32 v49, v0  }
0x244: {  	v13 =	vor.u32 v42, v63;
	_ =	sdelay $0x1  }
0x245: {  	v12 =	vmul.f32 v12, v18;
	_ =	sdelay $0x1  }
0x246: {  	[tilespmem:v43+s23+$0x0] =	vst.idx.msk $0xffff, v12  }
0x247: {  	v12 =	vld.idx.msk [tilespmem:v13+s7+$0x0], $0xffff  }
0x248: {  	v44 =	vcombine.low v20, v21  }
0x249: {  	v5 =	vadd.s32 v5, v0  }
0x24a: {  	v13 =	vor.u32 v44, v63;
	_ =	sdelay $0x1  }
0x24b: {  	v12 =	vmul.f32 v12, v18;
	_ =	sdelay $0x1  }
0x24c: {  	[tilespmem:v5+s23+$0x0] =	vst.idx.msk $0xffff, v12  }
0x24d: {  	v5 =	vld.idx.msk [tilespmem:v13+s7+$0x0], $0xffff  }
0x24e: {  	v45 =	vcombine.low v45, v48  }
0x24f: {  	v6 =	vadd.s32 v6, v0  }
0x250: {  	v12 =	vor.u32 v45, v63;
	_ =	sdelay $0x1  }
0x251: {  	v5 =	vmul.f32 v5, v18;
	_ =	sdelay $0x1  }
0x252: {  	[tilespmem:v6+s23+$0x0] =	vst.idx.msk $0xffff, v5  }
0x253: {  	v5 =	vld.idx.msk [tilespmem:v12+s7+$0x0], $0xffff  }
0x254: {  	v46 =	vcombine.low v24, v25  }
0x255: {  	v7 =	vadd.s32 v7, v0  }
0x256: {  	v6 =	vor.u32 v46, v63;
	_ =	sdelay $0x1  }
0x257: {  	v5 =	vmul.f32 v5, v18;
	_ =	sdelay $0x1  }
0x258: {  	[tilespmem:v7+s23+$0x0] =	vst.idx.msk $0xffff, v5  }
0x259: {  	v5 =	vld.idx.msk [tilespmem:v6+s7+$0x0], $0xffff  }
0x25a: {  	v47 =	vcombine.low v26, v27  }
0x25b: {  	v48 =	vadd.s32 v8, v0  }
0x25c: {  	v6 =	vor.u32 v47, v63;
	_ =	sdelay $0x1  }
0x25d: {  	v5 =	vmul.f32 v5, v18;
	_ =	sdelay $0x1  }
0x25e: {  	[tilespmem:v48+s23+$0x0] =	vst.idx.msk $0xffff, v5  }
0x25f: {  	v5 =	vld.idx.msk [tilespmem:v6+s7+$0x0], $0xffff  }
0x260: {  	v50 =	vcombine.low v39, v28  }
0x261: {  	v52 =	vadd.s32 v9, v0  }
0x262: {  	v6 =	vor.u32 v50, v63  }
0x263: {  	v35 =	vld [tilespmem:$0x1F920]  }
0x264: {  	v34 =	vld [tilespmem:$0x1F930];
	v5 =	vmul.f32 v5, v18  }
0x265: {  	v36 =	vld [tilespmem:$0x1F940]  }
0x266: {  	v62 =	vld [tilespmem:$0x1F910];
	[tilespmem:v52+s23+$0x0] =	vst.idx.msk $0xffff, v5  }
0x267: {  	v5 =	vld.idx.msk [tilespmem:v6+s7+$0x0], $0xffff  }
0x268: {  	v37 =	vld [tilespmem:$0x1F950];
	v53 =	vcombine.low v40, v29  }
0x269: {  	v38 =	vld [tilespmem:$0x1F970];
	v56 =	vadd.s32 v10, v0  }
0x26a: {  	v20 =	vor.u32 $0x10, v1;
	v1 =	vld [tilespmem:$0x1F8E0];
	v6 =	vor.u32 v53, v63  }
0x26b: {  	v39 =	vld [tilespmem:$0x1F960]  }
0x26c: {  	v14 =	vld [tilespmem:$0x1F900];
	v5 =	vmul.f32 v5, v18  }
0x26d: {  	v13 =	vld [tilespmem:$0x1F8F0]  }
0x26e: {  	v40 =	vld [tilespmem:$0x1F980];
	[tilespmem:v56+s23+$0x0] =	vst.idx.msk $0xffff, v5  }
0x26f: {  	v5 =	vld.idx.msk [tilespmem:v6+s7+$0x0], $0xffff  }
0x270: {  	v41 =	vld [tilespmem:$0x1F990]  }
0x271: {  	v21 =	vsel vm0, v34, v35  }
0x272: {  	v60 =	vadd.s32 v11, v0;
	v8 =	vsel vm0, v62, v14;
	v7 =	vsel vm0, v13, v1  }
0x273: {  	v22 =	vsel vm0, v37, v36;
	v9 =	vor.u32 v20, v2;
	v19 =	vcombine.low v8, v7  }
0x274: {  	v10 =	vor.u32 v20, v63;
	v43 =	vld [tilespmem:$0x1F9A0];
	v5 =	vmul.f32 v5, v18;
	v18 =	vcombine.low v22, v21  }
0x275: {  	v23 =	vsel vm0, v38, v39;
	v24 =	vsel vm0, v41, v40;
	v48 =	vor.u32 v19, v63;
	v53 =	vld [tilespmem:$0x1F9B0]  }
0x276: {  	v17 =	vcombine.low v24, v23;
	v56 =	vld [tilespmem:$0x1F9C0];
	v50 =	vor.u32 v18, v2  }
0x277: {  	v34 =	vsel vm0, v36, v34;
	[tilespmem:v60+s23+$0x0] =	vst.idx.msk $0xffff, v5;
	v52 =	vor.u32 v18, v63;
	v60 =	vld [tilespmem:$0x1F9D0]  }
0x278: {  	v31 =	vsel vm0, v1, v62;
	v30 =	vsel vm0, v14, v13;
	v25 =	vld.idx.msk [tilespmem:v9+s31+$0x0], $0xffff;
	v9 =	vor.u32 v17, v2  }
0x279: {  	v35 =	vsel vm0, v35, v37;
	v15 =	vcombine.low v31, v30;
	v11 =	vor.u32 v19, v2;
	v28 =	vld.idx.msk [tilespmem:v10+s7+$0x0], $0xffff  }
0x27a: {  	v13 =	vcombine.low v35, v34;
	v10 =	vor.u32 v17, v63;
	v32 =	vld.idx.msk [tilespmem:v48+s7+$0x0], $0xffff  }
0x27b: {  	v12 =	vcombine.low v7, v8;
	v26 =	vsel vm0, v53, v43;
	v48 =	vor.u32 v15, v2;
	v33 =	vld.idx.msk [tilespmem:v50+s31+$0x0], $0xffff  }
0x27c: {  	v27 =	vsel vm0, v60, v56;
	v36 =	vld.idx.msk [tilespmem:v52+s7+$0x0], $0xffff;
	v50 =	vor.u32 v13, v63;
	v52 =	vsel vm0, v56, v53  }
0x27d: {  	v53 =	vsel vm0, v43, v60;
	v16 =	vcombine.low v27, v26;
	v37 =	vld.idx.msk [tilespmem:v9+s31+$0x0], $0xffff;
	v9 =	vor.u32 v15, v63  }
0x27e: {  	v29 =	vld.idx.msk [tilespmem:v11+s31+$0x0], $0xffff;
	v14 =	vcombine.low v53, v52;
	v52 =	vor.u32 v12, v63  }
0x27f: {  	v38 =	vsel vm0, v40, v38;
	v39 =	vsel vm0, v39, v41;
	v40 =	vld.idx.msk [tilespmem:v10+s7+$0x0], $0xffff;
	v62 =	vor.u32 v16, v2  }
0x280: {  	v11 =	vcombine.low v39, v38;
	v44 =	vld.idx.msk [tilespmem:v48+s31+$0x0], $0xffff;
	v47 =	vor.u32 v16, v63  }
0x281: {  	v10 =	vor.u32 v13, v2;
	v42 =	vld.idx.msk [tilespmem:v50+s7+$0x0], $0xffff  }
0x282: {  	v5 =	vor.u32 v11, v2;
	v45 =	vld.idx.msk [tilespmem:v9+s7+$0x0], $0xffff  }
0x283: {  	v56 =	vor.u32 v11, v63;
	v50 =	vld.idx.msk [tilespmem:v52+s7+$0x0], $0xffff  }
0x284: {  	v8 =	vcombine.low v26, v27;
	v46 =	vor.u32 v14, v2;
	v41 =	vld.idx.msk [tilespmem:v62+s31+$0x0], $0xffff  }
0x285: {  	v60 =	vor.u32 v14, v63;
	v43 =	vld.idx.msk [tilespmem:v47+s7+$0x0], $0xffff  }
0x286: {  	v7 =	vcombine.low v30, v31;
	v31 =	vor.u32 v8, v63;
	v9 =	vcombine.low v23, v24;
	v47 =	vld.idx.msk [tilespmem:v10+s31+$0x0], $0xffff  }
0x287: {  	v62 =	vor.u32 v12, v2;
	v10 =	vcombine.low v21, v22;
	v21 =	vld.idx.msk [tilespmem:v5+s31+$0x0], $0xffff  }
0x288: {  	v22 =	vld.idx.msk [tilespmem:v56+s7+$0x0], $0xffff;
	v48 =	vor.u32 v9, v2  }
0x289: {  	v23 =	vld.idx.msk [tilespmem:v46+s31+$0x0], $0xffff;
	v27 =	vor.u32 v9, v63  }
0x28a: {  	v46 =	vld.idx.msk [tilespmem:v60+s7+$0x0], $0xffff;
	v60 =	vmov v49;
	v49 =	vor.u32 v8, v2  }
0x28b: {  	v5 =	vcombine.low v34, v35;
	v35 =	vor.u32 v7, v63;
	v31 =	vld.idx.msk [tilespmem:v31+s7+$0x0], $0xffff  }
0x28c: {  	v56 =	vor.u32 v10, v2;
	v26 =	vld.idx.msk [tilespmem:v62+s31+$0x0], $0xffff  }
0x28d: {  	v24 =	vor.u32 v10, v63;
	v34 =	vld.idx.msk [tilespmem:v48+s31+$0x0], $0xffff  }
0x28e: {  	v6 =	vcombine.low v38, v39;
	v39 =	vor.u32 v5, v63;
	v27 =	vld.idx.msk [tilespmem:v27+s7+$0x0], $0xffff  }
0x28f: {  	v48 =	vor.u32 v5, v2;
	v38 =	vld.idx.msk [tilespmem:v49+s31+$0x0], $0xffff  }
0x290: {  	v62 =	vmov v61;
	v61 =	vmov v59;
	v59 =	vor.u32 v6, v2;
	v35 =	vld.idx.msk [tilespmem:v35+s7+$0x0], $0xffff  }
0x291: {  	v52 =	vor.u32 v6, v63;
	v30 =	vld.idx.msk [tilespmem:v56+s31+$0x0], $0xffff  }
0x292: {  	v25 =	vmul.f32 v28, v25;
	v24 =	vld.idx.msk [tilespmem:v24+s7+$0x0], $0xffff;
	v56 =	vmov v51;
	v51 =	vor.u32 v7, v2  }
0x293: {  	v28 =	vmul.f32 v32, v29;
	v32 =	vmul.f32 v36, v33;
	v36 =	vld.idx.msk [tilespmem:v39+s7+$0x0], $0xffff  }
0x294: {  	v29 =	vld.idx.msk [tilespmem:v48+s31+$0x0], $0xffff  }
0x295: {  	v48 =	vld.idx.msk [tilespmem:v59+s31+$0x0], $0xffff  }
0x296: {  	v33 =	vmul.f32 v40, v37;
	v45 =	vmul.f32 v45, v44;
	v59 =	vld.idx.msk [tilespmem:v52+s7+$0x0], $0xffff  }
0x297: {  	v37 =	vmul.f32 v43, v41;
	v49 =	vmul.f32 v42, v47;
	v51 =	vld.idx.msk [tilespmem:v51+s31+$0x0], $0xffff  }
0x298: {  	v1 =	vld [tilespmem:$0x1F4B0];
	v23 =	vmul.f32 v46, v23;
	v26 =	vmul.f32 v50, v26  }
0x299: {  	v25 =	vadd.f32 v28, v25;
	v27 =	vmul.f32 v27, v34;
	v24 =	vmul.f32 v24, v30  }
0x29a: {  	v28 =	vadd.f32 v33, v32;
	v21 =	vmul.f32 v22, v21;
	v30 =	vmul.f32 v31, v38  }
0x29b: {  	v23 =	vadd.f32 v26, v23;
	v24 =	vadd.f32 v27, v24;
	v29 =	vmul.f32 v36, v29  }
0x29c: {  	v40 =	vadd.f32 v45, v37;
	v22 =	vmul.f32 v59, v48;
	v31 =	vmul.f32 v35, v51  }
0x29d: {  	v21 =	vadd.f32 v21, v49;
	v23 =	vadd.f32 v24, v23;
	v24 =	vmul.f32 v3, v1;
	v1 =	vld [tilespmem:$0x1F4F0]  }
0x29e: {  	v22 =	vadd.f32 v22, v29;
	v26 =	vadd.f32 v31, v30  }
0x29f: {  	v25 =	vadd.f32 v28, v25  }
0x2a0: {  	v21 =	vadd.f32 v21, v40;
	v22 =	vadd.f32 v22, v26;
	_ =	sdelay $0x1  }
0x2a1: {  	v21 =	vadd.f32 v21, v25;
	v26 =	vmul.f32 v4, v1;
	v22 =	vadd.f32 v22, v23;
	_ =	sdelay $0x1  }
0x2a2: {  	v42 =	vadd.f32 v26, v24;
	v21 =	vadd.f32 v22, v21;
	_ =	sdelay $0x1  }
0x2a3: {  	v21 =	vadd.f32 v21, v42;
	_ =	sdelay $0x1  }
0x2a4: {  	v21 =	vmul.f32 $1.442695020e+00, v21;
	_ =	sdelay $0x1  }
0x2a5: {  	(erf) = vpow2.f32 v21;
	_ =	sdelay $0x2  }
0x2a6: {  	v29 =	vld [tilespmem:$0x1F9F0]  }
0x2a7: {  	v53 =	vlaneseq.u32;
	v30 =	vld [tilespmem:$0x1FA00]  }
0x2a8: {  	v44 =	vor.u32 $0x50, v53;
	v43 =	vadd.s32 $0x41, v0;
	v31 =	vld [tilespmem:$0x1FA10]  }
0x2a9: {  	v1 =	vld [tilespmem:$0x1F9E0];
	v22 =	vor.u32 v44, v63;
	_ =	sdelay $0x2  }
0x2aa: {  	v23 =	vpop (erf)  }
0x2ab: {  	v32 =	vld [tilespmem:$0x1FA20];
	[tilespmem:v43+s23+$0x0] =	vst.idx.msk $0xffff, v23  }
0x2ac: {  	v24 =	vsel vm0, v31, v30;
	v21 =	vld.idx.msk [tilespmem:v22+s7+$0x0], $0xffff;
	v22 =	vsel vm0, v29, v1  }
0x2ad: {  	v33 =	vld [tilespmem:$0x1FA30];
	v25 =	vcombine.low v24, v22  }
0x2ae: {  	v20 =	vadd.s32 v20, v0;
	v34 =	vld [tilespmem:$0x1FA40]  }
0x2af: {  	v35 =	vld [tilespmem:$0x1FA50];
	v25 =	vor.u32 v25, v63;
	_ =	sdelay $0x1  }
0x2b0: {  	v21 =	vmul.f32 v23, v21;
	_ =	sdelay $0x1  }
0x2b1: {  	v46 =	vld [tilespmem:$0x1FA80];
	[tilespmem:v20+s23+$0x0] =	vst.idx.msk $0xffff, v21  }
0x2b2: {  	v21 =	vsel vm0, v33, v32;
	v20 =	vld.idx.msk [tilespmem:v25+s7+$0x0], $0xffff;
	v25 =	vsel vm0, v35, v34  }
0x2b3: {  	v47 =	vld [tilespmem:$0x1FA90];
	v26 =	vcombine.low v25, v21  }
0x2b4: {  	v19 =	vadd.s32 v19, v0;
	v45 =	vld [tilespmem:$0x1FA70]  }
0x2b5: {  	v36 =	vld [tilespmem:$0x1FA60];
	v26 =	vor.u32 v26, v63;
	_ =	sdelay $0x1  }
0x2b6: {  	v20 =	vmul.f32 v23, v20;
	_ =	sdelay $0x1  }
0x2b7: {  	v49 =	vld [tilespmem:$0x1FAB0];
	[tilespmem:v19+s23+$0x0] =	vst.idx.msk $0xffff, v20  }
0x2b8: {  	v20 =	vsel vm0, v45, v36;
	v19 =	vld.idx.msk [tilespmem:v26+s7+$0x0], $0xffff;
	v26 =	vsel vm0, v47, v46  }
0x2b9: {  	v52 =	vld [tilespmem:$0x1FAD0];
	v27 =	vcombine.low v26, v20  }
0x2ba: {  	v18 =	vadd.s32 v18, v0;
	v48 =	vld [tilespmem:$0x1FAA0]  }
0x2bb: {  	v51 =	vld [tilespmem:$0x1FAC0];
	v27 =	vor.u32 v27, v63;
	_ =	sdelay $0x1  }
0x2bc: {  	v19 =	vmul.f32 v23, v19;
	_ =	sdelay $0x1  }
0x2bd: {  	[tilespmem:v18+s23+$0x0] =	vst.idx.msk $0xffff, v19  }
0x2be: {  	v50 =	vsel vm0, v49, v48;
	v18 =	vld.idx.msk [tilespmem:v27+s7+$0x0], $0xffff;
	v27 =	vsel vm0, v52, v51  }
0x2bf: {  	v28 =	vcombine.low v27, v50  }
0x2c0: {  	v17 =	vadd.s32 v17, v0  }
0x2c1: {  	v28 =	vor.u32 v28, v63;
	_ =	sdelay $0x1  }
0x2c2: {  	v18 =	vmul.f32 v18, v23;
	_ =	sdelay $0x1  }
0x2c3: {  	[tilespmem:v17+s23+$0x0] =	vst.idx.msk $0xffff, v18  }
0x2c4: {  	v59 =	vsel vm0, v30, v29;
	v17 =	vld.idx.msk [tilespmem:v28+s7+$0x0], $0xffff;
	v28 =	vsel vm0, v1, v31  }
0x2c5: {  	v29 =	vcombine.low v28, v59  }
0x2c6: {  	v16 =	vadd.s32 v16, v0  }
0x2c7: {  	v29 =	vor.u32 v29, v63;
	_ =	sdelay $0x1  }
0x2c8: {  	v17 =	vmul.f32 v17, v23;
	_ =	sdelay $0x1  }
0x2c9: {  	[tilespmem:v16+s23+$0x0] =	vst.idx.msk $0xffff, v17  }
0x2ca: {  	v34 =	vsel vm0, v34, v33;
	v16 =	vld.idx.msk [tilespmem:v29+s7+$0x0], $0xffff;
	v29 =	vsel vm0, v32, v35  }
0x2cb: {  	v30 =	vcombine.low v29, v34  }
0x2cc: {  	v15 =	vadd.s32 v15, v0  }
0x2cd: {  	v30 =	vor.u32 v30, v63;
	_ =	sdelay $0x1  }
0x2ce: {  	v16 =	vmul.f32 v16, v23;
	_ =	sdelay $0x1  }
0x2cf: {  	[tilespmem:v15+s23+$0x0] =	vst.idx.msk $0xffff, v16  }
0x2d0: {  	v38 =	vsel vm0, v46, v45;
	v15 =	vld.idx.msk [tilespmem:v30+s7+$0x0], $0xffff;
	v30 =	vsel vm0, v36, v47  }
0x2d1: {  	v31 =	vcombine.low v30, v38  }
0x2d2: {  	v13 =	vadd.s32 v13, v0  }
0x2d3: {  	v31 =	vor.u32 v31, v63;
	_ =	sdelay $0x1  }
0x2d4: {  	v15 =	vmul.f32 v15, v23;
	_ =	sdelay $0x1  }
0x2d5: {  	[tilespmem:v13+s23+$0x0] =	vst.idx.msk $0xffff, v15  }
0x2d6: {  	v44 =	vsel vm0, v51, v49;
	v13 =	vld.idx.msk [tilespmem:v31+s7+$0x0], $0xffff;
	v31 =	vsel vm0, v48, v52  }
0x2d7: {  	v15 =	vcombine.low v31, v44  }
0x2d8: {  	v11 =	vadd.s32 v11, v0  }
0x2d9: {  	v15 =	vor.u32 v15, v63;
	_ =	sdelay $0x1  }
0x2da: {  	v13 =	vmul.f32 v13, v23;
	_ =	sdelay $0x1  }
0x2db: {  	[tilespmem:v11+s23+$0x0] =	vst.idx.msk $0xffff, v13  }
0x2dc: {  	v11 =	vld.idx.msk [tilespmem:v15+s7+$0x0], $0xffff  }
0x2dd: {  	v45 =	vcombine.low v22, v24  }
0x2de: {  	v14 =	vadd.s32 v14, v0  }
0x2df: {  	v13 =	vor.u32 v45, v63;
	_ =	sdelay $0x1  }
0x2e0: {  	v11 =	vmul.f32 v11, v23;
	_ =	sdelay $0x1  }
0x2e1: {  	[tilespmem:v14+s23+$0x0] =	vst.idx.msk $0xffff, v11  }
0x2e2: {  	v11 =	vld.idx.msk [tilespmem:v13+s7+$0x0], $0xffff  }
0x2e3: {  	v46 =	vcombine.low v21, v25  }
0x2e4: {  	v12 =	vadd.s32 v12, v0  }
0x2e5: {  	v13 =	vor.u32 v46, v63;
	_ =	sdelay $0x1  }
0x2e6: {  	v11 =	vmul.f32 v11, v23;
	_ =	sdelay $0x1  }
0x2e7: {  	[tilespmem:v12+s23+$0x0] =	vst.idx.msk $0xffff, v11  }
0x2e8: {  	v11 =	vld.idx.msk [tilespmem:v13+s7+$0x0], $0xffff  }
0x2e9: {  	v47 =	vcombine.low v20, v26  }
0x2ea: {  	v10 =	vadd.s32 v10, v0  }
0x2eb: {  	v12 =	vor.u32 v47, v63;
	_ =	sdelay $0x1  }
0x2ec: {  	v11 =	vmul.f32 v11, v23;
	_ =	sdelay $0x1  }
0x2ed: {  	[tilespmem:v10+s23+$0x0] =	vst.idx.msk $0xffff, v11  }
0x2ee: {  	v10 =	vld.idx.msk [tilespmem:v12+s7+$0x0], $0xffff  }
0x2ef: {  	v11 =	vcombine.low v50, v27  }
0x2f0: {  	v9 =	vadd.s32 v9, v0  }
0x2f1: {  	v11 =	vor.u32 v11, v63;
	_ =	sdelay $0x1  }
0x2f2: {  	v10 =	vmul.f32 v10, v23;
	_ =	sdelay $0x1  }
0x2f3: {  	[tilespmem:v9+s23+$0x0] =	vst.idx.msk $0xffff, v10  }
0x2f4: {  	v9 =	vld.idx.msk [tilespmem:v11+s7+$0x0], $0xffff  }
0x2f5: {  	v10 =	vcombine.low v59, v28  }
0x2f6: {  	v8 =	vadd.s32 v8, v0  }
0x2f7: {  	v10 =	vor.u32 v10, v63;
	_ =	sdelay $0x1  }
0x2f8: {  	v9 =	vmul.f32 v9, v23;
	_ =	sdelay $0x1  }
0x2f9: {  	[tilespmem:v8+s23+$0x0] =	vst.idx.msk $0xffff, v9  }
0x2fa: {  	v8 =	vld.idx.msk [tilespmem:v10+s7+$0x0], $0xffff  }
0x2fb: {  	v41 =	vld [tilespmem:$0x1FB90];
	v9 =	vcombine.low v34, v29  }
0x2fc: {  	v7 =	vadd.s32 v7, v0;
	v37 =	vld [tilespmem:$0x1FB50]  }
0x2fd: {  	v39 =	vld [tilespmem:$0x1FB60];
	v9 =	vor.u32 v9, v63  }
0x2fe: {  	v43 =	vld [tilespmem:$0x1FBA0]  }
0x2ff: {  	v51 =	vld [tilespmem:$0x1FBB0];
	v8 =	vmul.f32 v8, v23  }
0x300: {  	v1 =	vld [tilespmem:$0x1FAE0]  }
0x301: {  	v35 =	vld [tilespmem:$0x1FB20];
	[tilespmem:v7+s23+$0x0] =	vst.idx.msk $0xffff, v8  }
0x302: {  	v7 =	vld.idx.msk [tilespmem:v9+s7+$0x0], $0xffff  }
0x303: {  	v36 =	vld [tilespmem:$0x1FB40];
	v8 =	vcombine.low v38, v30  }
0x304: {  	v5 =	vadd.s32 v5, v0;
	v52 =	vld [tilespmem:$0x1FBC0]  }
0x305: {  	v15 =	vld [tilespmem:$0x1FB10];
	v8 =	vor.u32 v8, v63  }
0x306: {  	v14 =	vld [tilespmem:$0x1FB00]  }
0x307: {  	v13 =	vld [tilespmem:$0x1FAF0];
	v7 =	vmul.f32 v7, v23  }
0x308: {  	v59 =	vld [tilespmem:$0x1FBD0]  }
0x309: {  	v34 =	vld [tilespmem:$0x1FB30];
	[tilespmem:v5+s23+$0x0] =	vst.idx.msk $0xffff, v7  }
0x30a: {  	v5 =	vld.idx.msk [tilespmem:v8+s7+$0x0], $0xffff  }
0x30b: {  	v6 =	vadd.s32 v6, v0;
	v40 =	vld [tilespmem:$0x1FB80];
	v20 =	vor.u32 $0x20, v53  }
0x30c: {  	v26 =	vsel vm0, v51, v43;
	v38 =	vld [tilespmem:$0x1FB70];
	v7 =	vsel vm0, v13, v1;
	v8 =	vsel vm0, v15, v14  }
0x30d: {  	v22 =	vsel vm0, v37, v36;
	v9 =	vor.u32 v20, v2;
	v19 =	vcombine.low v8, v7  }
0x30e: {  	v27 =	vsel vm0, v59, v52;
	v10 =	vor.u32 v20, v63;
	v21 =	vsel vm0, v34, v35  }
0x30f: {  	v18 =	vcombine.low v22, v21;
	v11 =	vor.u32 v19, v2;
	v5 =	vmul.f32 v5, v23  }
0x310: {  	v24 =	vsel vm0, v41, v40;
	v16 =	vcombine.low v27, v26;
	v48 =	vor.u32 v19, v63  }
0x311: {  	v49 =	vor.u32 v18, v2;
	v23 =	vsel vm0, v38, v39;
	[tilespmem:v6+s23+$0x0] =	vst.idx.msk $0xffff, v5  }
0x312: {  	v50 =	vor.u32 v18, v63;
	v17 =	vcombine.low v24, v23;
	v25 =	vld.idx.msk [tilespmem:v9+s31+$0x0], $0xffff  }
0x313: {  	v31 =	vsel vm0, v1, v15;
	v47 =	vor.u32 v16, v2;
	v28 =	vld.idx.msk [tilespmem:v10+s7+$0x0], $0xffff  }
0x314: {  	v34 =	vsel vm0, v36, v34;
	v30 =	vsel vm0, v14, v13;
	v9 =	vor.u32 v17, v2;
	v29 =	vld.idx.msk [tilespmem:v11+s31+$0x0], $0xffff  }
0x315: {  	v35 =	vsel vm0, v35, v37;
	v15 =	vcombine.low v31, v30;
	v10 =	vor.u32 v17, v63;
	v32 =	vld.idx.msk [tilespmem:v48+s7+$0x0], $0xffff  }
0x316: {  	v13 =	vcombine.low v35, v34;
	v33 =	vld.idx.msk [tilespmem:v49+s31+$0x0], $0xffff;
	v48 =	vor.u32 v16, v63  }
0x317: {  	v51 =	vsel vm0, v52, v51;
	v36 =	vld.idx.msk [tilespmem:v50+s7+$0x0], $0xffff;
	v49 =	vor.u32 v15, v2  }
0x318: {  	v38 =	vsel vm0, v40, v38;
	v39 =	vsel vm0, v39, v41;
	v41 =	vld.idx.msk [tilespmem:v47+s31+$0x0], $0xffff;
	v50 =	vor.u32 v13, v63  }
0x319: {  	v52 =	vsel vm0, v43, v59;
	v11 =	vcombine.low v39, v38;
	v37 =	vld.idx.msk [tilespmem:v9+s31+$0x0], $0xffff;
	v9 =	vor.u32 v15, v63  }
0x31a: {  	v14 =	vcombine.low v52, v51;
	v40 =	vld.idx.msk [tilespmem:v10+s7+$0x0], $0xffff;
	v10 =	vor.u32 v13, v2  }
0x31b: {  	v59 =	vor.u32 v11, v2;
	v43 =	vld.idx.msk [tilespmem:v48+s7+$0x0], $0xffff  }
0x31c: {  	v46 =	vor.u32 v14, v2;
	v44 =	vld.idx.msk [tilespmem:v49+s31+$0x0], $0xffff  }
0x31d: {  	v12 =	vcombine.low v7, v8;
	v7 =	vor.u32 v14, v63;
	v5 =	vcombine.low v34, v35;
	v42 =	vld.idx.msk [tilespmem:v50+s7+$0x0], $0xffff  }
0x31e: {  	v52 =	vor.u32 v11, v63;
	v45 =	vld.idx.msk [tilespmem:v9+s7+$0x0], $0xffff  }
0x31f: {  	v6 =	vcombine.low v38, v39;
	v39 =	vor.u32 v5, v63;
	v47 =	vld.idx.msk [tilespmem:v10+s31+$0x0], $0xffff  }
0x320: {  	v8 =	vcombine.low v26, v27;
	v48 =	vor.u32 v12, v2;
	v10 =	vcombine.low v21, v22;
	v21 =	vld.idx.msk [tilespmem:v59+s31+$0x0], $0xffff  }
0x321: {  	v59 =	vor.u32 v12, v63;
	v9 =	vcombine.low v23, v24;
	v23 =	vld.idx.msk [tilespmem:v46+s31+$0x0], $0xffff  }
0x322: {  	v46 =	vld.idx.msk [tilespmem:v7+s7+$0x0], $0xffff;
	v7 =	vcombine.low v30, v31;
	v31 =	vor.u32 v8, v63  }
0x323: {  	v25 =	vmul.f32 v28, v25;
	v22 =	vld.idx.msk [tilespmem:v52+s7+$0x0], $0xffff;
	v52 =	vor.u32 v10, v2  }
0x324: {  	v28 =	vmul.f32 v32, v29;
	v32 =	vmul.f32 v36, v33;
	v36 =	vld.idx.msk [tilespmem:v39+s7+$0x0], $0xffff;
	v24 =	vor.u32 v10, v63  }
0x325: {  	v26 =	vld.idx.msk [tilespmem:v48+s31+$0x0], $0xffff;
	v49 =	vor.u32 v9, v2  }
0x326: {  	v48 =	vld.idx.msk [tilespmem:v59+s7+$0x0], $0xffff;
	v59 =	vor.u32 v8, v2  }
0x327: {  	v27 =	vor.u32 v9, v63;
	v31 =	vld.idx.msk [tilespmem:v31+s7+$0x0], $0xffff  }
0x328: {  	v51 =	vor.u32 v7, v2;
	v30 =	vld.idx.msk [tilespmem:v52+s31+$0x0], $0xffff  }
0x329: {  	v35 =	vor.u32 v7, v63;
	v24 =	vld.idx.msk [tilespmem:v24+s7+$0x0], $0xffff  }
0x32a: {  	v34 =	vld.idx.msk [tilespmem:v49+s31+$0x0], $0xffff;
	v49 =	vor.u32 v5, v2  }
0x32b: {  	v38 =	vld.idx.msk [tilespmem:v59+s31+$0x0], $0xffff;
	v59 =	vor.u32 v6, v2  }
0x32c: {  	v27 =	vld.idx.msk [tilespmem:v27+s7+$0x0], $0xffff;
	v52 =	vor.u32 v6, v63  }
0x32d: {  	v51 =	vld.idx.msk [tilespmem:v51+s31+$0x0], $0xffff  }
0x32e: {  	v35 =	vld.idx.msk [tilespmem:v35+s7+$0x0], $0xffff  }
0x32f: {  	v29 =	vld.idx.msk [tilespmem:v49+s31+$0x0], $0xffff  }
0x330: {  	v33 =	vmul.f32 v40, v37;
	v50 =	vld.idx.msk [tilespmem:v59+s31+$0x0], $0xffff  }
0x331: {  	v37 =	vmul.f32 v43, v41;
	v59 =	vmul.f32 v42, v47;
	v42 =	vld.idx.msk [tilespmem:v52+s7+$0x0], $0xffff  }
0x332: {  	v1 =	vld [tilespmem:$0x1F4C0];
	v25 =	vadd.f32 v28, v25;
	v23 =	vmul.f32 v46, v23;
	v26 =	vmul.f32 v48, v26  }
0x333: {  	v28 =	vadd.f32 v33, v32;
	v24 =	vmul.f32 v24, v30;
	v27 =	vmul.f32 v27, v34  }
0x334: {  	v21 =	vmul.f32 v22, v21;
	v49 =	vmul.f32 v45, v44;
	v23 =	vadd.f32 v26, v23  }
0x335: {  	v24 =	vadd.f32 v27, v24;
	v30 =	vmul.f32 v31, v38;
	v31 =	vmul.f32 v35, v51  }
0x336: {  	v43 =	vadd.f32 v49, v37;
	v29 =	vmul.f32 v36, v29;
	v22 =	vmul.f32 v42, v50  }
0x337: {  	v23 =	vadd.f32 v24, v23;
	v24 =	vmul.f32 v3, v1;
	v1 =	vld [tilespmem:$0x1F500];
	v21 =	vadd.f32 v21, v59  }
0x338: {  	v26 =	vadd.f32 v31, v30;
	v22 =	vadd.f32 v22, v29  }
0x339: {  	v25 =	vadd.f32 v28, v25  }
0x33a: {  	v21 =	vadd.f32 v21, v43;
	v22 =	vadd.f32 v22, v26;
	_ =	sdelay $0x1  }
0x33b: {  	v21 =	vadd.f32 v21, v25;
	v26 =	vmul.f32 v4, v1;
	v22 =	vadd.f32 v22, v23;
	_ =	sdelay $0x1  }
0x33c: {  	v44 =	vadd.f32 v26, v24;
	v21 =	vadd.f32 v22, v21;
	_ =	sdelay $0x1  }
0x33d: {  	v21 =	vadd.f32 v21, v44;
	_ =	sdelay $0x1  }
0x33e: {  	v21 =	vmul.f32 $1.442695020e+00, v21;
	_ =	sdelay $0x1  }
0x33f: {  	(erf) = vpow2.f32 v21;
	_ =	sdelay $0x2  }
0x340: {  	v34 =	vld [tilespmem:$0x1FC10]  }
0x341: {  	v30 =	vld [tilespmem:$0x1FBF0]  }
0x342: {  	v46 =	vor.u32 $0x60, v53;
	v45 =	vadd.s32 $0x42, v0;
	v31 =	vld [tilespmem:$0x1FC00]  }
0x343: {  	v29 =	vld [tilespmem:$0x1FBE0];
	v22 =	vor.u32 v46, v63;
	_ =	sdelay $0x2  }
0x344: {  	v23 =	vpop (erf)  }
0x345: {  	v48 =	vld [tilespmem:$0x1FC50];
	[tilespmem:v45+s23+$0x0] =	vst.idx.msk $0xffff, v23  }
0x346: {  	v24 =	vsel vm0, v34, v31;
	v21 =	vld.idx.msk [tilespmem:v22+s7+$0x0], $0xffff;
	v22 =	vsel vm0, v30, v29  }
0x347: {  	v35 =	vld [tilespmem:$0x1FC20];
	v25 =	vcombine.low v24, v22  }
0x348: {  	v20 =	vadd.s32 v20, v0;
	v47 =	vld [tilespmem:$0x1FC40]  }
0x349: {  	v36 =	vld [tilespmem:$0x1FC30];
	v25 =	vor.u32 v25, v63;
	_ =	sdelay $0x1  }
0x34a: {  	v21 =	vmul.f32 v23, v21;
	_ =	sdelay $0x1  }
0x34b: {  	v39 =	vld [tilespmem:$0x1FC60];
	[tilespmem:v20+s23+$0x0] =	vst.idx.msk $0xffff, v21  }
0x34c: {  	v21 =	vsel vm0, v36, v35;
	v20 =	vld.idx.msk [tilespmem:v25+s7+$0x0], $0xffff;
	v25 =	vsel vm0, v48, v47  }
0x34d: {  	v49 =	vld [tilespmem:$0x1FC70];
	v26 =	vcombine.low v25, v21  }
0x34e: {  	v19 =	vadd.s32 v19, v0;
	v51 =	vld [tilespmem:$0x1FC90]  }
0x34f: {  	v50 =	vld [tilespmem:$0x1FC80];
	v26 =	vor.u32 v26, v63;
	_ =	sdelay $0x1  }
0x350: {  	v20 =	vmul.f32 v23, v20;
	_ =	sdelay $0x1  }
0x351: {  	v52 =	vld [tilespmem:$0x1FCA0];
	[tilespmem:v19+s23+$0x0] =	vst.idx.msk $0xffff, v20  }
0x352: {  	v20 =	vsel vm0, v49, v39;
	v19 =	vld.idx.msk [tilespmem:v26+s7+$0x0], $0xffff;
	v26 =	vsel vm0, v51, v50  }
0x353: {  	v1 =	vld [tilespmem:$0x1FCB0];
	v27 =	vcombine.low v26, v20  }
0x354: {  	v18 =	vadd.s32 v18, v0;
	v44 =	vld [tilespmem:$0x1FCC0]  }
0x355: {  	v45 =	vld [tilespmem:$0x1FCD0];
	v27 =	vor.u32 v27, v63;
	_ =	sdelay $0x1  }
0x356: {  	v19 =	vmul.f32 v23, v19;
	_ =	sdelay $0x1  }
0x357: {  	[tilespmem:v18+s23+$0x0] =	vst.idx.msk $0xffff, v19  }
0x358: {  	v59 =	vsel vm0, v1, v52;
	v18 =	vld.idx.msk [tilespmem:v27+s7+$0x0], $0xffff;
	v27 =	vsel vm0, v45, v44  }
0x359: {  	v28 =	vcombine.low v27, v59  }
0x35a: {  	v17 =	vadd.s32 v17, v0  }
0x35b: {  	v28 =	vor.u32 v28, v63;
	_ =	sdelay $0x1  }
0x35c: {  	v18 =	vmul.f32 v18, v23;
	_ =	sdelay $0x1  }
0x35d: {  	[tilespmem:v17+s23+$0x0] =	vst.idx.msk $0xffff, v18  }
0x35e: {  	v46 =	vsel vm0, v31, v30;
	v17 =	vld.idx.msk [tilespmem:v28+s7+$0x0], $0xffff;
	v28 =	vsel vm0, v29, v34  }
0x35f: {  	v29 =	vcombine.low v28, v46  }
0x360: {  	v16 =	vadd.s32 v16, v0  }
0x361: {  	v29 =	vor.u32 v29, v63;
	_ =	sdelay $0x1  }
0x362: {  	v17 =	vmul.f32 v17, v23;
	_ =	sdelay $0x1  }
0x363: {  	[tilespmem:v16+s23+$0x0] =	vst.idx.msk $0xffff, v17  }
0x364: {  	v47 =	vsel vm0, v47, v36;
	v16 =	vld.idx.msk [tilespmem:v29+s7+$0x0], $0xffff;
	v29 =	vsel vm0, v35, v48  }
0x365: {  	v30 =	vcombine.low v29, v47  }
0x366: {  	v15 =	vadd.s32 v15, v0  }
0x367: {  	v30 =	vor.u32 v30, v63;
	_ =	sdelay $0x1  }
0x368: {  	v16 =	vmul.f32 v16, v23;
	_ =	sdelay $0x1  }
0x369: {  	[tilespmem:v15+s23+$0x0] =	vst.idx.msk $0xffff, v16  }
0x36a: {  	v48 =	vsel vm0, v50, v49;
	v15 =	vld.idx.msk [tilespmem:v30+s7+$0x0], $0xffff;
	v30 =	vsel vm0, v39, v51  }
0x36b: {  	v31 =	vcombine.low v30, v48  }
0x36c: {  	v13 =	vadd.s32 v13, v0  }
0x36d: {  	v31 =	vor.u32 v31, v63;
	_ =	sdelay $0x1  }
0x36e: {  	v15 =	vmul.f32 v15, v23;
	_ =	sdelay $0x1  }
0x36f: {  	[tilespmem:v13+s23+$0x0] =	vst.idx.msk $0xffff, v15  }
0x370: {  	v49 =	vsel vm0, v44, v1;
	v13 =	vld.idx.msk [tilespmem:v31+s7+$0x0], $0xffff;
	v31 =	vsel vm0, v52, v45  }
0x371: {  	v15 =	vcombine.low v31, v49  }
0x372: {  	v11 =	vadd.s32 v11, v0  }
0x373: {  	v15 =	vor.u32 v15, v63;
	_ =	sdelay $0x1  }
0x374: {  	v13 =	vmul.f32 v13, v23;
	_ =	sdelay $0x1  }
0x375: {  	[tilespmem:v11+s23+$0x0] =	vst.idx.msk $0xffff, v13  }
0x376: {  	v11 =	vld.idx.msk [tilespmem:v15+s7+$0x0], $0xffff  }
0x377: {  	v50 =	vcombine.low v22, v24  }
0x378: {  	v14 =	vadd.s32 v14, v0  }
0x379: {  	v13 =	vor.u32 v50, v63;
	_ =	sdelay $0x1  }
0x37a: {  	v11 =	vmul.f32 v11, v23;
	_ =	sdelay $0x1  }
0x37b: {  	[tilespmem:v14+s23+$0x0] =	vst.idx.msk $0xffff, v11  }
0x37c: {  	v11 =	vld.idx.msk [tilespmem:v13+s7+$0x0], $0xffff  }
0x37d: {  	v51 =	vcombine.low v21, v25  }
0x37e: {  	v12 =	vadd.s32 v12, v0  }
0x37f: {  	v13 =	vor.u32 v51, v63;
	_ =	sdelay $0x1  }
0x380: {  	v11 =	vmul.f32 v11, v23;
	_ =	sdelay $0x1  }
0x381: {  	[tilespmem:v12+s23+$0x0] =	vst.idx.msk $0xffff, v11  }
0x382: {  	v11 =	vld.idx.msk [tilespmem:v13+s7+$0x0], $0xffff  }
0x383: {  	v52 =	vcombine.low v20, v26  }
0x384: {  	v10 =	vadd.s32 v10, v0  }
0x385: {  	v12 =	vor.u32 v52, v63;
	_ =	sdelay $0x1  }
0x386: {  	v11 =	vmul.f32 v11, v23;
	_ =	sdelay $0x1  }
0x387: {  	[tilespmem:v10+s23+$0x0] =	vst.idx.msk $0xffff, v11  }
0x388: {  	v10 =	vld.idx.msk [tilespmem:v12+s7+$0x0], $0xffff  }
0x389: {  	v11 =	vcombine.low v59, v27  }
0x38a: {  	v9 =	vadd.s32 v9, v0  }
0x38b: {  	v11 =	vor.u32 v11, v63;
	_ =	sdelay $0x1  }
0x38c: {  	v10 =	vmul.f32 v10, v23;
	_ =	sdelay $0x1  }
0x38d: {  	[tilespmem:v9+s23+$0x0] =	vst.idx.msk $0xffff, v10  }
0x38e: {  	v9 =	vld.idx.msk [tilespmem:v11+s7+$0x0], $0xffff  }
0x38f: {  	v10 =	vcombine.low v46, v28  }
0x390: {  	v8 =	vadd.s32 v8, v0  }
0x391: {  	v10 =	vor.u32 v10, v63;
	_ =	sdelay $0x1  }
0x392: {  	v9 =	vmul.f32 v9, v23;
	_ =	sdelay $0x1  }
0x393: {  	[tilespmem:v8+s23+$0x0] =	vst.idx.msk $0xffff, v9  }
0x394: {  	v8 =	vld.idx.msk [tilespmem:v10+s7+$0x0], $0xffff  }
0x395: {  	v9 =	vcombine.low v47, v29  }
0x396: {  	v40 =	vld [tilespmem:$0x1FD80];
	v7 =	vadd.s32 v7, v0  }
0x397: {  	v41 =	vld [tilespmem:$0x1FD90];
	v9 =	vor.u32 v9, v63  }
0x398: {  	v37 =	vld [tilespmem:$0x1FD50]  }
0x399: {  	v43 =	vld [tilespmem:$0x1FDA0];
	v8 =	vmul.f32 v8, v23  }
0x39a: {  	v36 =	vld [tilespmem:$0x1FD40]  }
0x39b: {  	v34 =	vld [tilespmem:$0x1FD30];
	[tilespmem:v7+s23+$0x0] =	vst.idx.msk $0xffff, v8  }
0x39c: {  	v7 =	vld.idx.msk [tilespmem:v9+s7+$0x0], $0xffff  }
0x39d: {  	v1 =	vld [tilespmem:$0x1FCE0];
	v8 =	vcombine.low v48, v30  }
0x39e: {  	v5 =	vadd.s32 v5, v0;
	v35 =	vld [tilespmem:$0x1FD20]  }
0x39f: {  	v14 =	vld [tilespmem:$0x1FD00];
	v8 =	vor.u32 v8, v63  }
0x3a0: {  	v13 =	vld [tilespmem:$0x1FCF0]  }
0x3a1: {  	v59 =	vld [tilespmem:$0x1FD10];
	v7 =	vmul.f32 v7, v23  }
0x3a2: {  	v20 =	vor.u32 $0x30, v53;
	v53 =	vld [tilespmem:$0x1FDD0]  }
0x3a3: {  	v51 =	vld [tilespmem:$0x1FDB0];
	[tilespmem:v5+s23+$0x0] =	vst.idx.msk $0xffff, v7  }
0x3a4: {  	v5 =	vld.idx.msk [tilespmem:v8+s7+$0x0], $0xffff  }
0x3a5: {  	v52 =	vld [tilespmem:$0x1FDC0]  }
0x3a6: {  	v6 =	vadd.s32 v6, v0;
	v38 =	vld [tilespmem:$0x1FD70];
	v7 =	vsel vm0, v13, v1;
	v8 =	vsel vm0, v59, v14  }
0x3a7: {  	v39 =	vld [tilespmem:$0x1FD60];
	v9 =	vor.u32 v20, v2;
	v19 =	vcombine.low v8, v7  }
0x3a8: {  	v22 =	vsel vm0, v37, v36;
	v21 =	vsel vm0, v34, v35;
	v10 =	vor.u32 v20, v63  }
0x3a9: {  	v18 =	vcombine.low v22, v21;
	v11 =	vor.u32 v19, v2;
	v5 =	vmul.f32 v5, v23  }
0x3aa: {  	v26 =	vsel vm0, v51, v43;
	v27 =	vsel vm0, v53, v52;
	v48 =	vor.u32 v19, v63  }
0x3ab: {  	v49 =	vor.u32 v18, v2;
	v16 =	vcombine.low v27, v26;
	[tilespmem:v6+s23+$0x0] =	vst.idx.msk $0xffff, v5  }
0x3ac: {  	v24 =	vsel vm0, v41, v40;
	v50 =	vor.u32 v18, v63;
	v23 =	vsel vm0, v38, v39;
	v25 =	vld.idx.msk [tilespmem:v9+s31+$0x0], $0xffff  }
0x3ad: {  	v31 =	vsel vm0, v1, v59;
	v59 =	vor.u32 v16, v2;
	v17 =	vcombine.low v24, v23;
	v28 =	vld.idx.msk [tilespmem:v10+s7+$0x0], $0xffff  }
0x3ae: {  	v34 =	vsel vm0, v36, v34;
	v47 =	vor.u32 v16, v63;
	v30 =	vsel vm0, v14, v13;
	v29 =	vld.idx.msk [tilespmem:v11+s31+$0x0], $0xffff  }
0x3af: {  	v35 =	vsel vm0, v35, v37;
	v15 =	vcombine.low v31, v30;
	v9 =	vor.u32 v17, v2;
	v32 =	vld.idx.msk [tilespmem:v48+s7+$0x0], $0xffff  }
0x3b0: {  	v13 =	vcombine.low v35, v34;
	v10 =	vor.u32 v17, v63;
	v33 =	vld.idx.msk [tilespmem:v49+s31+$0x0], $0xffff  }
0x3b1: {  	v12 =	vcombine.low v7, v8;
	v36 =	vld.idx.msk [tilespmem:v50+s7+$0x0], $0xffff;
	v48 =	vor.u32 v15, v2  }
0x3b2: {  	v38 =	vsel vm0, v40, v38;
	v39 =	vsel vm0, v39, v41;
	v41 =	vld.idx.msk [tilespmem:v59+s31+$0x0], $0xffff;
	v49 =	vor.u32 v13, v63  }
0x3b3: {  	v50 =	vsel vm0, v52, v51;
	v51 =	vsel vm0, v43, v53;
	v43 =	vld.idx.msk [tilespmem:v47+s7+$0x0], $0xffff;
	v59 =	vor.u32 v12, v2  }
0x3b4: {  	v11 =	vcombine.low v39, v38;
	v37 =	vld.idx.msk [tilespmem:v9+s31+$0x0], $0xffff;
	v9 =	vor.u32 v15, v63  }
0x3b5: {  	v14 =	vcombine.low v51, v50;
	v40 =	vld.idx.msk [tilespmem:v10+s7+$0x0], $0xffff;
	v10 =	vor.u32 v13, v2  }
0x3b6: {  	v52 =	vor.u32 v11, v2;
	v44 =	vld.idx.msk [tilespmem:v48+s31+$0x0], $0xffff  }
0x3b7: {  	v46 =	vor.u32 v14, v2;
	v42 =	vld.idx.msk [tilespmem:v49+s7+$0x0], $0xffff  }
0x3b8: {  	v8 =	vcombine.low v26, v27;
	v7 =	vor.u32 v14, v63;
	v26 =	vld.idx.msk [tilespmem:v59+s31+$0x0], $0xffff  }
0x3b9: {  	v5 =	vcombine.low v34, v35;
	v53 =	vor.u32 v11, v63;
	v45 =	vld.idx.msk [tilespmem:v9+s7+$0x0], $0xffff  }
0x3ba: {  	v50 =	vor.u32 v8, v2;
	v47 =	vld.idx.msk [tilespmem:v10+s31+$0x0], $0xffff  }
0x3bb: {  	v6 =	vcombine.low v38, v39;
	v39 =	vor.u32 v5, v63;
	v10 =	vcombine.low v21, v22;
	v21 =	vld.idx.msk [tilespmem:v52+s31+$0x0], $0xffff  }
0x3bc: {  	v52 =	vor.u32 v12, v63;
	v9 =	vcombine.low v23, v24;
	v23 =	vld.idx.msk [tilespmem:v46+s31+$0x0], $0xffff  }
0x3bd: {  	v46 =	vld.idx.msk [tilespmem:v7+s7+$0x0], $0xffff;
	v7 =	vcombine.low v30, v31;
	v31 =	vor.u32 v8, v63  }
0x3be: {  	v22 =	vld.idx.msk [tilespmem:v53+s7+$0x0], $0xffff;
	v53 =	vor.u32 v10, v2  }
0x3bf: {  	v25 =	vmul.f32 v28, v25;
	v38 =	vld.idx.msk [tilespmem:v50+s31+$0x0], $0xffff;
	v49 =	vor.u32 v9, v2  }
0x3c0: {  	v28 =	vmul.f32 v32, v29;
	v32 =	vmul.f32 v36, v33;
	v36 =	vld.idx.msk [tilespmem:v39+s7+$0x0], $0xffff;
	v24 =	vor.u32 v10, v63  }
0x3c1: {  	v59 =	vor.u32 v7, v2;
	v48 =	vld.idx.msk [tilespmem:v52+s7+$0x0], $0xffff  }
0x3c2: {  	v27 =	vor.u32 v9, v63;
	v31 =	vld.idx.msk [tilespmem:v31+s7+$0x0], $0xffff  }
0x3c3: {  	v35 =	vor.u32 v7, v63;
	v30 =	vld.idx.msk [tilespmem:v53+s31+$0x0], $0xffff  }
0x3c4: {  	v34 =	vld.idx.msk [tilespmem:v49+s31+$0x0], $0xffff;
	v49 =	vor.u32 v5, v2  }
0x3c5: {  	v24 =	vld.idx.msk [tilespmem:v24+s7+$0x0], $0xffff;
	v2 =	vor.u32 v6, v2  }
0x3c6: {  	v50 =	vld.idx.msk [tilespmem:v59+s31+$0x0], $0xffff;
	v59 =	vor.u32 v6, v63  }
0x3c7: {  	v27 =	vld.idx.msk [tilespmem:v27+s7+$0x0], $0xffff  }
0x3c8: {  	v35 =	vld.idx.msk [tilespmem:v35+s7+$0x0], $0xffff  }
0x3c9: {  	v29 =	vld.idx.msk [tilespmem:v49+s31+$0x0], $0xffff  }
0x3ca: {  	v33 =	vmul.f32 v40, v37;
	v2 =	vld.idx.msk [tilespmem:v2+s31+$0x0], $0xffff  }
0x3cb: {  	v37 =	vmul.f32 v43, v41;
	v40 =	vmul.f32 v42, v47;
	v47 =	vld.idx.msk [tilespmem:v59+s7+$0x0], $0xffff  }
0x3cc: {  	v39 =	vmul.f32 v45, v44;
	v21 =	vmul.f32 v22, v21  }
0x3cd: {  	v25 =	vadd.f32 v28, v25;
	v23 =	vmul.f32 v46, v23;
	v26 =	vmul.f32 v48, v26  }
0x3ce: {  	v28 =	vadd.f32 v33, v32;
	v24 =	vmul.f32 v24, v30;
	v27 =	vmul.f32 v27, v34  }
0x3cf: {  	v52 =	vadd.f32 v39, v37;
	v30 =	vmul.f32 v31, v38;
	v31 =	vmul.f32 v35, v50  }
0x3d0: {  	v46 =	vld [tilespmem:$0x1F4D0];
	v21 =	vadd.f32 v21, v40;
	v29 =	vmul.f32 v36, v29;
	v2 =	vmul.f32 v47, v2  }
0x3d1: {  	v23 =	vadd.f32 v26, v23;
	v24 =	vadd.f32 v27, v24;
	v47 =	vld [tilespmem:$0x1F510]  }
0x3d2: {  	v26 =	vadd.f32 v31, v30;
	v2 =	vadd.f32 v2, v29  }
0x3d3: {  	v25 =	vadd.f32 v28, v25;
	v21 =	vadd.f32 v21, v52  }
0x3d4: {  	v51 =	vmov v56;
	v56 =	vadd.f32 v24, v23;
	v2 =	vadd.f32 v2, v26  }
0x3d5: {  	v3 =	vmul.f32 v3, v46  }
0x3d6: {  	v21 =	vadd.f32 v21, v25;
	v4 =	vmul.f32 v4, v47;
	v2 =	vadd.f32 v2, v56;
	_ =	sdelay $0x1  }
0x3d7: {  	v3 =	vadd.f32 v4, v3;
	v2 =	vadd.f32 v2, v21;
	_ =	sdelay $0x1  }
0x3d8: {  	v2 =	vadd.f32 v2, v3;
	_ =	sdelay $0x1  }
0x3d9: {  	v2 =	vmul.f32 $1.442695020e+00, v2;
	_ =	sdelay $0x1  }
0x3da: {  	(erf) = vpow2.f32 v2;
	_ =	sdelay $0x2  }
0x3db: {  	v37 =	vld [tilespmem:$0x1FF90]  }
0x3dc: {  	v1 =	vlaneseq.u32;
	v35 =	vld [tilespmem:$0x1FF70]  }
0x3dd: {  	v30 =	vld [tilespmem:$0x1FF60];
	v3 =	vor.u32 $0x70, v1;
	v2 =	vadd.s32 $0x43, v0  }
0x3de: {  	v36 =	vld [tilespmem:$0x1FF80];
	v3 =	vor.u32 v3, v63;
	_ =	sdelay $0x2  }
0x3df: {  	v4 =	vpop (erf)  }
0x3e0: {  	v44 =	vld [tilespmem:$0x1FFD0];
	[tilespmem:v2+s23+$0x0] =	vst.idx.msk $0xffff, v4  }
0x3e1: {  	v21 =	vsel vm0, v37, v36;
	v2 =	vld.idx.msk [tilespmem:v3+s7+$0x0], $0xffff;
	v3 =	vsel vm0, v35, v30  }
0x3e2: {  	v42 =	vld [tilespmem:$0x1FFC0];
	v52 =	vcombine.low v21, v3  }
0x3e3: {  	v20 =	vadd.s32 v20, v0;
	v40 =	vld [tilespmem:$0x1FFB0]  }
0x3e4: {  	v38 =	vld [tilespmem:$0x1FFA0];
	v22 =	vor.u32 v52, v63;
	_ =	sdelay $0x1  }
0x3e5: {  	v2 =	vmul.f32 v4, v2;
	_ =	sdelay $0x1  }
0x3e6: {  	v28 =	vld [tilespmem:$0x1FDF0];
	[tilespmem:v20+s23+$0x0] =	vst.idx.msk $0xffff, v2  }
0x3e7: {  	v20 =	vsel vm0, v40, v38;
	v2 =	vld.idx.msk [tilespmem:v22+s7+$0x0], $0xffff;
	v22 =	vsel vm0, v44, v42  }
0x3e8: {  	v45 =	vld [tilespmem:$0x1FFE0];
	v56 =	vcombine.low v22, v20  }
0x3e9: {  	v19 =	vadd.s32 v19, v0;
	v53 =	vmov v55;
	v55 =	vld [tilespmem:$0x1FFF0]  }
0x3ea: {  	v29 =	vld [tilespmem:$0x1FE00];
	v23 =	vor.u32 v56, v63;
	_ =	sdelay $0x1  }
0x3eb: {  	v2 =	vmul.f32 v4, v2;
	_ =	sdelay $0x1  }
0x3ec: {  	v46 =	vld [tilespmem:$0x1FE30];
	[tilespmem:v19+s23+$0x0] =	vst.idx.msk $0xffff, v2  }
0x3ed: {  	v19 =	vsel vm0, v55, v45;
	v2 =	vld.idx.msk [tilespmem:v23+s7+$0x0], $0xffff;
	v23 =	vsel vm0, v29, v28  }
0x3ee: {  	v47 =	vld [tilespmem:$0x1FE20];
	v24 =	vcombine.low v23, v19  }
0x3ef: {  	v18 =	vadd.s32 v18, v0;
	v52 =	vld [tilespmem:$0x1FE10]  }
0x3f0: {  	v56 =	vld [tilespmem:$0x1FE40];
	v24 =	vor.u32 v24, v63;
	_ =	sdelay $0x1  }
0x3f1: {  	v2 =	vmul.f32 v4, v2;
	_ =	sdelay $0x1  }
0x3f2: {  	[tilespmem:v18+s23+$0x0] =	vst.idx.msk $0xffff, v2  }
0x3f3: {  	v18 =	vsel vm0, v47, v52;
	v2 =	vld.idx.msk [tilespmem:v24+s7+$0x0], $0xffff;
	v24 =	vsel vm0, v56, v46  }
0x3f4: {  	v25 =	vcombine.low v24, v18  }
0x3f5: {  	v17 =	vadd.s32 v17, v0  }
0x3f6: {  	v25 =	vor.u32 v25, v63;
	_ =	sdelay $0x1  }
0x3f7: {  	v2 =	vmul.f32 v2, v4;
	_ =	sdelay $0x1  }
0x3f8: {  	[tilespmem:v17+s23+$0x0] =	vst.idx.msk $0xffff, v2  }
0x3f9: {  	v36 =	vsel vm0, v36, v35;
	v2 =	vld.idx.msk [tilespmem:v25+s7+$0x0], $0xffff;
	v25 =	vsel vm0, v30, v37  }
0x3fa: {  	v26 =	vcombine.low v25, v36  }
0x3fb: {  	v16 =	vadd.s32 v16, v0  }
0x3fc: {  	v26 =	vor.u32 v26, v63;
	_ =	sdelay $0x1  }
0x3fd: {  	v2 =	vmul.f32 v2, v4;
	_ =	sdelay $0x1  }
0x3fe: {  	[tilespmem:v16+s23+$0x0] =	vst.idx.msk $0xffff, v2  }
0x3ff: {  	v42 =	vsel vm0, v42, v40;
	v2 =	vld.idx.msk [tilespmem:v26+s7+$0x0], $0xffff;
	v26 =	vsel vm0, v38, v44  }
0x400: {  	v27 =	vcombine.low v26, v42  }
0x401: {  	v15 =	vadd.s32 v15, v0  }
0x402: {  	v27 =	vor.u32 v27, v63;
	_ =	sdelay $0x1  }
0x403: {  	v2 =	vmul.f32 v2, v4;
	_ =	sdelay $0x1  }
0x404: {  	[tilespmem:v15+s23+$0x0] =	vst.idx.msk $0xffff, v2  }
0x405: {  	v44 =	vsel vm0, v28, v55;
	v2 =	vld.idx.msk [tilespmem:v27+s7+$0x0], $0xffff;
	v27 =	vsel vm0, v45, v29  }
0x406: {  	v28 =	vcombine.low v27, v44  }
0x407: {  	v13 =	vadd.s32 v13, v0  }
0x408: {  	v28 =	vor.u32 v28, v63;
	_ =	sdelay $0x1  }
0x409: {  	v2 =	vmul.f32 v2, v4;
	_ =	sdelay $0x1  }
0x40a: {  	[tilespmem:v13+s23+$0x0] =	vst.idx.msk $0xffff, v2  }
0x40b: {  	v55 =	vsel vm0, v46, v47;
	v2 =	vld.idx.msk [tilespmem:v28+s7+$0x0], $0xffff;
	v28 =	vsel vm0, v52, v56  }
0x40c: {  	v13 =	vcombine.low v28, v55  }
0x40d: {  	v11 =	vadd.s32 v11, v0  }
0x40e: {  	v13 =	vor.u32 v13, v63;
	_ =	sdelay $0x1  }
0x40f: {  	v2 =	vmul.f32 v2, v4;
	_ =	sdelay $0x1  }
0x410: {  	[tilespmem:v11+s23+$0x0] =	vst.idx.msk $0xffff, v2  }
0x411: {  	v2 =	vld.idx.msk [tilespmem:v13+s7+$0x0], $0xffff  }
0x412: {  	v3 =	vcombine.low v3, v21  }
0x413: {  	v11 =	vadd.s32 v14, v0  }
0x414: {  	v3 =	vor.u32 v3, v63;
	_ =	sdelay $0x1  }
0x415: {  	v2 =	vmul.f32 v2, v4;
	_ =	sdelay $0x1  }
0x416: {  	[tilespmem:v11+s23+$0x0] =	vst.idx.msk $0xffff, v2  }
0x417: {  	v2 =	vld.idx.msk [tilespmem:v3+s7+$0x0], $0xffff  }
0x418: {  	v3 =	vcombine.low v20, v22  }
0x419: {  	v11 =	vadd.s32 v12, v0  }
0x41a: {  	v3 =	vor.u32 v3, v63;
	_ =	sdelay $0x1  }
0x41b: {  	v2 =	vmul.f32 v2, v4;
	_ =	sdelay $0x1  }
0x41c: {  	[tilespmem:v11+s23+$0x0] =	vst.idx.msk $0xffff, v2  }
0x41d: {  	v2 =	vld.idx.msk [tilespmem:v3+s7+$0x0], $0xffff  }
0x41e: {  	v3 =	vcombine.low v19, v23  }
0x41f: {  	v10 =	vadd.s32 v10, v0  }
0x420: {  	v3 =	vor.u32 v3, v63;
	_ =	sdelay $0x1  }
0x421: {  	v2 =	vmul.f32 v2, v4;
	_ =	sdelay $0x1  }
0x422: {  	[tilespmem:v10+s23+$0x0] =	vst.idx.msk $0xffff, v2  }
0x423: {  	v2 =	vld.idx.msk [tilespmem:v3+s7+$0x0], $0xffff  }
0x424: {  	v3 =	vcombine.low v18, v24  }
0x425: {  	v9 =	vadd.s32 v9, v0  }
0x426: {  	v3 =	vor.u32 v3, v63;
	_ =	sdelay $0x1  }
0x427: {  	v2 =	vmul.f32 v2, v4;
	_ =	sdelay $0x1  }
0x428: {  	[tilespmem:v9+s23+$0x0] =	vst.idx.msk $0xffff, v2  }
0x429: {  	v2 =	vld.idx.msk [tilespmem:v3+s7+$0x0], $0xffff  }
0x42a: {  	v3 =	vcombine.low v36, v25  }
0x42b: {  	v8 =	vadd.s32 v8, v0  }
0x42c: {  	v3 =	vor.u32 v3, v63;
	_ =	sdelay $0x1  }
0x42d: {  	v2 =	vmul.f32 v2, v4;
	_ =	sdelay $0x1  }
0x42e: {  	[tilespmem:v8+s23+$0x0] =	vst.idx.msk $0xffff, v2  }
0x42f: {  	v2 =	vld.idx.msk [tilespmem:v3+s7+$0x0], $0xffff  }
0x430: {  	v3 =	vcombine.low v42, v26  }
0x431: {  	v7 =	vadd.s32 v7, v0  }
0x432: {  	v3 =	vor.u32 v3, v63;
	_ =	sdelay $0x1  }
0x433: {  	v2 =	vmul.f32 v2, v4;
	_ =	sdelay $0x1  }
0x434: {  	v43 =	vld [tilespmem:$0x1FF20];
	[tilespmem:v7+s23+$0x0] =	vst.idx.msk $0xffff, v2  }
0x435: {  	v2 =	vld.idx.msk [tilespmem:v3+s7+$0x0], $0xffff  }
0x436: {  	v41 =	vld [tilespmem:$0x1FEF0];
	v3 =	vcombine.low v44, v27  }
0x437: {  	v33 =	vld [tilespmem:$0x1FED0];
	v5 =	vadd.s32 v5, v0  }
0x438: {  	v32 =	vld [tilespmem:$0x1FEC0];
	v3 =	vor.u32 v3, v63  }
0x439: {  	v39 =	vld [tilespmem:$0x1FF00]  }
0x43a: {  	v48 =	vld [tilespmem:$0x1FF40];
	v2 =	vmul.f32 v2, v4  }
0x43b: {  	v49 =	vmov v60;
	v60 =	vld [tilespmem:$0x1FF10]  }
0x43c: {  	v59 =	vmov v61;
	v61 =	vmov v62;
	v62 =	vld [tilespmem:$0x1FF50];
	[tilespmem:v5+s23+$0x0] =	vst.idx.msk $0xffff, v2  }
0x43d: {  	v2 =	vld.idx.msk [tilespmem:v3+s7+$0x0], $0xffff  }
0x43e: {  	v34 =	vld [tilespmem:$0x1FEE0]  }
0x43f: {  	p0 =	sne.s32 s16, $0x80;
	v50 =	vld [tilespmem:$0x1FF30];
	v0 =	vadd.s32 v6, v0  }
.Ltmp3:
0x440: {  	v31 =	vld [tilespmem:$0x1FEB0];
	(pc) =	sbr.rel @p0 .LBB2_7-.Ltmp3, $4  }
0x441: {  	v29 =	vld [tilespmem:$0x1FEA0]  }
0x442: {  	v28 =	vld [tilespmem:$0x1FE80];
	v2 =	vmul.f32 v2, v4  }
0x443: {  	v11 =	vld [tilespmem:$0x1FE70]  }
0x444: {  	s15 =	sadd.s32 $0x10, s15;
	s16 =	sadd.s32 $0x20, s16;
	v27 =	vld [tilespmem:$0x1FE90];
	[tilespmem:v0+s23+$0x0] =	vst.idx.msk $0xffff, v2  }
0x445: {  	s10 =	smul.u32 $0x5A00, s10  }
0x446: {  	s14 =	smul.u32 $0x140, s14;
	p0 =	slt.u32 s13, $0xFA  }
.Ltmp4:
0x447: {  	_ = 	snop;
	(pc) =	sbr.rel @p0 .LBB2_2-.Ltmp4, $4  }
0x448: {  	s10 =	sshrl.u32 s10, $0x2  }
0x449: {  	s14 =	sshrl.u32 s14, $0x2;
	s10 =	sadd.s32 $0x7E40, s10  }
0x44a: {  	[spmem:s2] =	stream.indirect.scatter.add.f32 [tilespmem:s10], [sflag:$0x4], $0x48, s14, s29, $0xb8;
	[tilespmem:$0x15F58] =	vst v63  }
0x44b: {  	s14 =	smov.u32 s13  }
0x44c: {  	_ =	swait.ge [sflag:s0], $0x1680  }
0x44d: {  	[sflag:s0] =	ssyncset.done $0x0  }
0x44e: {  	[sflag:s0] =	ssyncadd.s32 $0xFFFFE980  }
0x44f: {  	_ =	swait.ge [sflag:s0], $0x1680  }
0x450: {  	s25 =	sadd.s32 $0x1, s25;
	[sflag:s0] =	ssyncset.done $0x0  }
0x451: {  	p0 =	sne.s32 s25, s19;
	[sflag:s0] =	ssyncadd.s32 $0xFFFFE980  }
.Ltmp5:
0x452: {  	[bflag:$0x0] =	sbarrier.arrive $0xFFFF;
	(pc) =	sbr.rel @p0 .LBB2_1-.Ltmp5, $4  }
0x453: {  	[hbm:s24], [sflag:s12] =	dma.local [spmem:s20], $0x1680  }
0x454: {  	_ =	swait.ge [sflag:s21], $0x1680  }
0x455: {  	[sflag:s21] =	ssyncset.done $0x0  }
0x456: {  	[sflag:s21] =	ssyncadd.s32 $0xFFFFE980  }
0x457: {  	_ =	sfence.sel $0x180000  }
0x458: {  	[bflag:$0x0] =	sbarrier.arrive $0xFFFF  }
0x459: {  	_ =	strace $0x90000047  }
0x45a: {  	s0 =	stileid.u32;
	[bflag:$0x2] =	sbarrier.arrive $0xFFFF  }
0x45b: {  	p0 =	sne.s32 s0, $0x0;
	s0 =	rddreg [dreg:$0x3]  }
0x45c: {  	s0 =	sadd.s32 @!p0 $0x100000, s0  }
0x45d: {  	[sflag:s0] =	ssyncadd.tile.s32 @!p0 $0x1;
	_ =	shalt  }
.Lfunc_end2:
_tile_overlayer_lowered:
.L_overlay_start_2:
0x45e: {  	(tag) =	ssettag $0x2  }
0x45f: {  	s0 =	rddreg [dreg:$0x0];
	s2 =	stileid.u32  }
0x460: {  	s1 =	rddreg [dreg:$0x1];
	p0 =	sne.s32 s2, $0x0  }
0x461: {  	s3 =	rddreg [dreg:$0x2];
	[bflag:$0x3] =	sbarrier.arrive $0xFFFF;
	s2 =	simm.s32 @!p0 $0x1C05  }
0x462: {  	[timem:s3], [sflag:s2] =	dma.local @!p0 [hbm:s0], s1  }
0x463: {  	s0 =	simm.s32 @!p0 $0x5  }
0x464: {  	_ =	swait.ge @!p0 [sflag:s0], s1  }
0x465: {  	s1 =	ssub.s32 @!p0 $0x0, s1;
	[sflag:s0] =	ssyncset.done @!p0 $0x0  }
0x466: {  	[sflag:s0] =	ssyncadd.s32 @!p0 s1  }
0x467: {  	[bflag:$0x3] =	sbarrier.arrive $0xFFFF  }
0x468: {  	_ =	shalt  }

</sc_bundles>
